<compile_context>
chip_gen: v7x
topology: tpu7x:2x2x1
jax: 0.10.2.dev20260603
libtpu: 0.0.44.dev20260713+nightly
codegen_flags: <defaults>
</compile_context>

<pallas_src>
import functools

import jax
import jax.numpy as jnp
from jax import lax
from jax.experimental import pallas as pl
from jax.experimental.pallas import tpu as pltpu
from jax.experimental.pallas import tpu_sc as plsc

_B = 1024
_S = 200
_D = 64
_NTIME = 512
_NACT = 8
_NTOK = 4
_N = _B * _S
_NC = 2
_NS = 16
_NW = _NC * _NS
_NH = 2
_N2 = _N // _NH
_B2 = _B // _NH
_PW = _N2 // _NW
_UPW = _B2 // _NW

_BBLK = 32
_GRID = _B2 // _BBLK
_RB = _BBLK * _S


_C = 800
_NCH = _PW // _C


def _sc_gather_body(item_t, if0h, if1h, comb_t, user_t, uf0t, uf1t, uf2t,
                    tok_id, tok_f0, tok_f1,
                    pos_id, pos_f0, pos_f1,
                    neg_id, neg_f0, neg_f1,
                    comb_i, uid, u0, u1, u2,
                    tok_g, pos_g, neg_g, comb_g, user_g,
                    ia0, ia1, ia2, ib0, ib1, ib2, buf_a, buf_b, uidx,
                    sga, saa, swa, sgb, sab, swb):
  wid = lax.axis_index("s") * _NC + lax.axis_index("c")
  row0 = wid * _PW

  def start_g(tab, idxv, c, buf, sem, add=False):
    pltpu.async_copy(tab.at[idxv.at[c]], buf, sem, add=add)

  def wait_g(tab, idxv, c, buf, sem):
    pltpu.make_async_copy(tab.at[idxv.at[c]], buf, sem).wait()

  def start_w(buf, out, c, sem):
    pltpu.async_copy(buf, out.at[pl.ds(row0 + c * _C, _C)], sem)

  def wait_w(buf, out, c, sem):
    pltpu.make_async_copy(buf, out.at[pl.ds(row0 + c * _C, _C)], sem).wait()

  def phase(ta0, ta1, ta2, oa, tb0, tb1, tb2, ob):
    b_adds = tb1 is not None
    start_g(ta0, ia0, 0, buf_a, sga)
    start_g(tb0, ib0, 0, buf_b, sgb)

    def body(c, carry):
      wait_g(ta0, ia0, c, buf_a, sga)
      start_g(ta1, ia1, c, buf_a, saa, add=True)
      start_g(ta2, ia2, c, buf_a, saa, add=True)
      wait_g(tb0, ib0, c, buf_b, sgb)
      if b_adds:
        start_g(tb1, ib1, c, buf_b, sab, add=True)
        start_g(tb2, ib2, c, buf_b, sab, add=True)
      wait_g(ta1, ia1, c, buf_a, saa)
      wait_g(ta2, ia2, c, buf_a, saa)
      start_w(buf_a, oa, c, swa)
      if b_adds:
        wait_g(tb1, ib1, c, buf_b, sab)
        wait_g(tb2, ib2, c, buf_b, sab)
      start_w(buf_b, ob, c, swb)
      wait_w(buf_a, oa, c, swa)
      wait_w(buf_b, ob, c, swb)

      @pl.when(c + 1 < _NCH)
      def _():
        start_g(ta0, ia0, c + 1, buf_a, sga)
        start_g(tb0, ib0, c + 1, buf_b, sgb)

      return carry

    lax.fori_loop(0, _NCH, body, 0)

  pltpu.sync_copy(tok_id.at[wid], ia0)
  pltpu.sync_copy(tok_f0.at[wid], ia1)
  pltpu.sync_copy(tok_f1.at[wid], ia2)
  pltpu.sync_copy(pos_id.at[wid], ib0)
  pltpu.sync_copy(pos_f0.at[wid], ib1)
  pltpu.sync_copy(pos_f1.at[wid], ib2)
  phase(item_t, if0h, if1h, tok_g, item_t, if0h, if1h, pos_g)

  pltpu.sync_copy(neg_id.at[wid], ia0)
  pltpu.sync_copy(neg_f0.at[wid], ia1)
  pltpu.sync_copy(neg_f1.at[wid], ia2)
  pltpu.sync_copy(comb_i.at[wid], ib0)
  phase(item_t, if0h, if1h, neg_g, comb_t, None, None, comb_g)

  pltpu.sync_copy(uid.at[wid], uidx.at[0])
  pltpu.sync_copy(u0.at[wid], uidx.at[1])
  pltpu.sync_copy(u1.at[wid], uidx.at[2])
  pltpu.sync_copy(u2.at[wid], uidx.at[3])
  urows = buf_a.at[pl.ds(0, _UPW)]
  pltpu.async_copy(user_t.at[uidx.at[0]], urows, sga).wait()
  c1 = pltpu.async_copy(uf0t.at[uidx.at[1]], urows, sga, add=True)
  c2 = pltpu.async_copy(uf1t.at[uidx.at[2]], urows, saa, add=True)
  c3 = pltpu.async_copy(uf2t.at[uidx.at[3]], urows, swa, add=True)
  c1.wait()
  c2.wait()
  c3.wait()
  pltpu.sync_copy(urows, user_g.at[pl.ds(wid * _UPW, _UPW)])


def _sc_gather(item_t, if0h, if1h, comb_t, user_t, uf0t, uf1t, uf2t,
               tok_id, tok_f0, tok_f1, pos_id, pos_f0, pos_f1,
               neg_id, neg_f0, neg_f1, comb_i, uid, u0, u1, u2):
  mesh = plsc.VectorSubcoreMesh(core_axis_name="c", subcore_axis_name="s")
  f32 = jnp.float32
  out_type = (
      jax.ShapeDtypeStruct((_N2, _D), f32),
      jax.ShapeDtypeStruct((_N2, _D), f32),
      jax.ShapeDtypeStruct((_N2, _D), f32),
      jax.ShapeDtypeStruct((_N2, _D), f32),
      jax.ShapeDtypeStruct((_B2, _D), f32),
  )
  scratch = [
      pltpu.VMEM((_NCH, _C), jnp.int32),
      pltpu.VMEM((_NCH, _C), jnp.int32),
      pltpu.VMEM((_NCH, _C), jnp.int32),
      pltpu.VMEM((_NCH, _C), jnp.int32),
      pltpu.VMEM((_NCH, _C), jnp.int32),
      pltpu.VMEM((_NCH, _C), jnp.int32),
      pltpu.VMEM((_C, _D), f32),
      pltpu.VMEM((_C, _D), f32),
      pltpu.VMEM((4, _UPW), jnp.int32),
      pltpu.SemaphoreType.DMA,
      pltpu.SemaphoreType.DMA,
      pltpu.SemaphoreType.DMA,
      pltpu.SemaphoreType.DMA,
      pltpu.SemaphoreType.DMA,
      pltpu.SemaphoreType.DMA,
  ]
  run = pl.kernel(_sc_gather_body, out_type=out_type, mesh=mesh,
                  scratch_types=scratch,
                  compiler_params=pltpu.CompilerParams(
                      use_tc_tiling_on_sc=False))
  return run(item_t, if0h, if1h, comb_t, user_t, uf0t, uf1t, uf2t,
             tok_id, tok_f0, tok_f1, pos_id, pos_f0, pos_f1,
             neg_id, neg_f0, neg_f1, comb_i, uid, u0, u1, u2)


_S2 = _S // 2
_RB2 = _BBLK * _S2


def _tc_body(final, tok_ref, pos_ref, neg_ref, comb_ref, user_ref,
             sel_e_ref, sel_o_ref, m_e_ref, m_o_ref, prev_ref,
             wi_ref, bi_ref, wu_ref, bu_ref, g_ref, be_ref, out_ref, acc):
  i = pl.program_id(0)
  f32 = jnp.float32

  wi = wi_ref[...]
  bi = bi_ref[...]

  def mm_tanh(ref):
    out = jnp.tanh(jnp.dot(ref[...], wi, preferred_element_type=f32) + bi)
    return out.reshape(_BBLK, _S2, 128)

  def halves(v):
    return v[..., :_D], v[..., _D:]

  tok_e, tok_o = halves(mm_tanh(tok_ref))

  user_token = jnp.tanh(
      jnp.dot(user_ref[...], wu_ref[...], preferred_element_type=f32)
      + bu_ref[...])
  usr = jnp.broadcast_to(user_token[:, None, :], (_BBLK, _S2, _D))

  def overwrite(t, sel_ref_):
    sel = jnp.broadcast_to(sel_ref_[...][:, :, None], (_BBLK, _S2, _D))
    return jnp.where(sel > 0, usr, t)

  tok_e = overwrite(tok_e, sel_e_ref)
  tok_o = overwrite(tok_o, sel_o_ref)

  comb_e, comb_o = halves(comb_ref[...].reshape(_BBLK, _S2, 128))

  def layernorm(x):
    mu = jnp.mean(x, axis=2, keepdims=True)
    xc = x - jnp.broadcast_to(mu, (_BBLK, _S2, _D))
    var = jnp.mean(xc * xc, axis=2, keepdims=True)
    return (g_ref[...][None] * xc
            * jnp.broadcast_to(lax.rsqrt(var + 1e-5), (_BBLK, _S2, _D))
            + be_ref[...][None])

  xn_e = layernorm(tok_e + comb_e)
  xn_o = layernorm(tok_o + comb_o)

  pos_e, pos_o = halves(mm_tanh(pos_ref))
  neg_e, neg_o = halves(mm_tanh(neg_ref))

  def softplus(v):
    return jnp.maximum(v, 0.0) + jnp.log1p(jnp.exp(-jnp.abs(v)))

  def stats(xn, pos_t, neg_t, m_ref):
    pos_l = jnp.sum(xn * pos_t, axis=2, keepdims=True)
    neg_l = jnp.sum(xn * neg_t, axis=2, keepdims=True)
    m = m_ref[...][:, :, None].astype(f32)
    return (jnp.sum(m), jnp.sum(pos_l * m), jnp.sum(neg_l * m),
            jnp.sum(neg_l * neg_l * m),
            jnp.sum((softplus(-pos_l) + softplus(neg_l)) * m),
            jnp.max(jnp.where(m > 0, neg_l, -jnp.inf)))

  se = stats(xn_e, pos_e, neg_e, m_e_ref)
  so = stats(xn_o, pos_o, neg_o, m_o_ref)
  blk_m = se[0] + so[0]
  blk_p = se[1] + so[1]
  blk_n = se[2] + so[2]
  blk_n2 = se[3] + so[3]
  blk_l = se[4] + so[4]
  blk_mx = jnp.maximum(se[5], so[5])

  @pl.when(i == 0)
  def _():
    acc[0] = prev_ref[0]
    acc[1] = prev_ref[1]
    acc[2] = prev_ref[2]
    acc[3] = prev_ref[3]
    acc[4] = prev_ref[4]
    acc[5] = prev_ref[5]

  acc[0] = acc[0] + blk_m
  acc[1] = acc[1] + blk_p
  acc[2] = acc[2] + blk_n
  acc[3] = acc[3] + blk_n2
  acc[4] = acc[4] + blk_l
  acc[5] = jnp.maximum(acc[5], blk_mx)

  @pl.when(i == _GRID - 1)
  def _():
    if final:
      denom = acc[0] + 1e-8
      neg_score = acc[2] / denom
      out_ref[0] = acc[4] / denom
      out_ref[1] = acc[1] / denom
      out_ref[2] = neg_score
      out_ref[3] = (acc[3] - 2.0 * neg_score * acc[2]
                    + neg_score * neg_score * acc[0]) / denom
      out_ref[4] = acc[5]
      out_ref[5] = 0.0
    else:
      out_ref[0] = acc[0]
      out_ref[1] = acc[1]
      out_ref[2] = acc[2]
      out_ref[3] = acc[3]
      out_ref[4] = acc[4]
      out_ref[5] = acc[5]
    out_ref[6] = 0.0
    out_ref[7] = 0.0


def _tc_reduce(final, tok_g, pos_g, neg_g, comb_g, user_g,
               sel_e, sel_o, m_e, m_o, prev,
               Wd_item, bd_item, W_user, b_user, ln_g, ln_b):
  f32 = jnp.float32
  val2 = pl.BlockSpec((_RB2, 128), lambda i: (i, 0))
  msk2 = pl.BlockSpec((_BBLK, _S2), lambda i: (i, 0))
  mat = pl.BlockSpec((128, 128), lambda i: (0, 0))
  vec = pl.BlockSpec((1, _D), lambda i: (0, 0))
  return pl.pallas_call(
      functools.partial(_tc_body, final),
      grid=(_GRID,),
      in_specs=[
          val2, val2, val2, val2,
          pl.BlockSpec((_BBLK, _D), lambda i: (i, 0)),
          msk2, msk2, msk2, msk2,
          pl.BlockSpec((8,), lambda i: (0,), memory_space=pltpu.SMEM),
          mat, pl.BlockSpec((1, 128), lambda i: (0, 0)),
          pl.BlockSpec((_D, _D), lambda i: (0, 0)), vec, vec, vec,
      ],
      out_specs=pl.BlockSpec((8,), lambda i: (0,), memory_space=pltpu.SMEM),
      out_shape=jax.ShapeDtypeStruct((8,), f32),
      scratch_shapes=[pltpu.SMEM((8,), f32)],
  )(tok_g, pos_g, neg_g, comb_g, user_g, sel_e, sel_o, m_e, m_o, prev,
    Wd_item, bd_item, W_user, b_user, ln_g, ln_b)


def kernel(user_id, j, user_feat, id_seq, feat_seq, pos_seq, pos_feat,
           neg_seq, neg_feat, inter_time, act_type, token_type,
           user_table, item_table, uf0, uf1, uf2, if0, if1,
           W_user, b_user, W_item, b_item, time_table, act_table, tok_table,
           ln_g, ln_b):
  i32 = jnp.int32
  f32 = jnp.float32

  def shard(a):
    return a.astype(i32).reshape(_NH, _NW, _NCH, _C)

  tok_id = shard(id_seq)
  tok_f0 = shard(feat_seq[..., 0])
  tok_f1 = shard(feat_seq[..., 1])
  pos_id = shard(pos_seq)
  pos_f0 = shard(pos_feat[..., 0])
  pos_f1 = shard(pos_feat[..., 1])
  neg_id = shard(neg_seq)
  neg_f0 = shard(neg_feat[..., 0])
  neg_f1 = shard(neg_feat[..., 1])
  comb_i = shard((inter_time % _NTIME) * (_NACT * _NTOK)
                 + act_type * _NTOK + token_type)
  uid = user_id.astype(i32).reshape(_NH, _NW, _UPW)
  u0 = user_feat[:, 0].astype(i32).reshape(_NH, _NW, _UPW)
  u1 = user_feat[:, 1].astype(i32).reshape(_NH, _NW, _UPW)
  u2 = user_feat[:, 2].astype(i32).reshape(_NH, _NW, _UPW)

  if0h = if0 * 0.5
  if1h = if1 * 0.5
  third = f32(1.0 / 3.0)
  uf0t = uf0 * third
  uf1t = uf1 * third
  uf2t = uf2 * third
  comb_t = (time_table[:, None, None, :] + act_table[None, :, None, :]
            + tok_table[None, None, :, :]).reshape(_NTIME * _NACT * _NTOK, _D)

  gathered = [
      _sc_gather(
          item_table, if0h, if1h, comb_t, user_table, uf0t, uf1t, uf2t,
          tok_id[h], tok_f0[h], tok_f1[h], pos_id[h], pos_f0[h], pos_f1[h],
          neg_id[h], neg_f0[h], neg_f1[h], comb_i[h],
          uid[h], u0[h], u1[h], u2[h])
      for h in range(_NH)
  ]

  jj = jnp.clip(j, 0, _S - 1).astype(i32)
  k = jnp.arange(_S2, dtype=i32)[None, :]
  sel_e = (2 * k == jj[:, None]).astype(i32)
  sel_o = (2 * k + 1 == jj[:, None]).astype(i32)
  tt = token_type.astype(i32)
  m_e = (tt[:, 0::2] == 1).astype(i32)
  m_o = (tt[:, 1::2] == 1).astype(i32)

  Wi = W_item.astype(f32)
  Wd = jnp.zeros((128, 128), f32)
  Wd = lax.dynamic_update_slice(Wd, Wi, (0, 0))
  Wd = lax.dynamic_update_slice(Wd, Wi, (_D, _D))
  bi = b_item.reshape(1, _D).astype(f32)
  bd = jnp.concatenate([bi, bi], axis=1)
  Wu = W_user.astype(f32)
  bu = b_user.reshape(1, _D).astype(f32)
  g2 = ln_g.reshape(1, _D).astype(f32)
  b2 = ln_b.reshape(1, _D).astype(f32)

  carry = jnp.array([0, 0, 0, 0, 0, -jnp.inf, 0, 0], f32)
  for h in range(_NH):
    tok_g, pos_g, neg_g, comb_g, user_g = gathered[h]
    b0, b1 = h * _B2, (h + 1) * _B2
    carry = _tc_reduce(
        h == _NH - 1,
        tok_g.reshape(_N2 // 2, 128), pos_g.reshape(_N2 // 2, 128),
        neg_g.reshape(_N2 // 2, 128), comb_g.reshape(_N2 // 2, 128),
        user_g, sel_e[b0:b1], sel_o[b0:b1], m_e[b0:b1], m_o[b0:b1],
        carry, Wd, bd, Wu, bu, g2, b2)

  return (carry[0], carry[1], carry[2], carry[3], carry[4])

# --- scband reference (transcript-rebuilt; emitter-appended) ---
"""Pipeline reference for scband-sasrec-89154931130568 (READ-ONLY COPY).

The authoritative reference and input builder live on the scoring server;
editing this copy changes nothing except your own understanding.
"""

import jax, jax.numpy as jnp
import numpy as np

B = 1024; S = 200; D = 64
UV = 100000; IV = 100000
UF0, UF1, UF2 = 100, 10, 1000
IF0, IF1 = 1000, 10000
NTIME = 512; NACT = 8; NTOK = 4


def setup_inputs(seed: int = 0) -> dict:
    key = jax.random.key(seed)
    ks = jax.random.split(key, 30)
    inp = {}
    inp["user_id"] = jax.random.randint(ks[0], (B,), 0, UV)
    inp["j"] = jax.random.randint(ks[1], (B,), 0, S)
    inp["user_feat"] = jax.random.randint(ks[2], (B, 3), 0, 10)
    inp["id_seq"] = jax.random.randint(ks[3], (B, S), 0, IV)
    inp["feat_seq"] = jax.random.randint(ks[4], (B, S, 2), 0, 1000)
    inp["pos_seq"] = jax.random.randint(ks[5], (B, S), 0, IV)
    inp["pos_feat"] = jax.random.randint(ks[6], (B, S, 2), 0, 1000)
    inp["neg_seq"] = jax.random.randint(ks[7], (B, S), 0, IV)
    inp["neg_feat"] = jax.random.randint(ks[8], (B, S, 2), 0, 1000)
    inp["inter_time"] = jax.random.randint(ks[9], (B, S), 0, 10000)
    inp["act_type"] = jax.random.randint(ks[10], (B, S), 0, NACT)
    inp["token_type"] = jax.random.randint(ks[11], (B, S), 0, 2)
    sc = 0.02
    inp["user_table"] = jax.random.normal(ks[12], (UV + 1, D), jnp.float32) * sc
    inp["item_table"] = jax.random.normal(ks[13], (IV + 1, D), jnp.float32) * sc
    inp["uf0"] = jax.random.normal(ks[14], (UF0 + 1, D), jnp.float32) * sc
    inp["uf1"] = jax.random.normal(ks[15], (UF1 + 1, D), jnp.float32) * sc
    inp["uf2"] = jax.random.normal(ks[16], (UF2 + 1, D), jnp.float32) * sc
    inp["if0"] = jax.random.normal(ks[17], (IF0 + 1, D), jnp.float32) * sc
    inp["if1"] = jax.random.normal(ks[18], (IF1 + 1, D), jnp.float32) * sc
    inp["W_user"] = jax.random.normal(ks[19], (D, D), jnp.float32) * 0.05
    inp["b_user"] = jnp.zeros((D,), jnp.float32)
    inp["W_item"] = jax.random.normal(ks[20], (D, D), jnp.float32) * 0.05
    inp["b_item"] = jnp.zeros((D,), jnp.float32)
    inp["time_table"] = jax.random.normal(ks[21], (NTIME, D), jnp.float32) * sc
    inp["act_table"] = jax.random.normal(ks[22], (NACT, D), jnp.float32) * sc
    inp["tok_table"] = jax.random.normal(ks[23], (NTOK, D), jnp.float32) * sc
    inp["ln_g"] = jnp.ones((D,), jnp.float32)
    inp["ln_b"] = jnp.zeros((D,), jnp.float32)
    return inp


def _item_tokens(id_seq, feat_seq, item_table, if0, if1, W_item, b_item):
    id_emb = item_table[id_seq]
    feat_emb = jnp.stack([if0[feat_seq[..., 0]], if1[feat_seq[..., 1]]], axis=-2)
    return jnp.tanh((id_emb + feat_emb.mean(axis=-2)) @ W_item + b_item)


def _layernorm(x, g, b):
    mu = x.mean(-1, keepdims=True)
    var = ((x - mu) ** 2).mean(-1, keepdims=True)
    return g * (x - mu) / jnp.sqrt(var + 1e-5) + b


def reference(user_id, j, user_feat, id_seq, feat_seq, pos_seq, pos_feat, neg_seq, neg_feat, inter_time, act_type, token_type, user_table, item_table, uf0, uf1, uf2, if0, if1, W_user, b_user, W_item, b_item, time_table, act_table, tok_table, ln_g, ln_b):
    # feat2emb with user token
    user_emb = user_table[user_id]
    ufe = jnp.stack([uf0[user_feat[:, 0]], uf1[user_feat[:, 1]], uf2[user_feat[:, 2]]], axis=-2)
    user_token = jnp.tanh((user_emb + ufe.mean(axis=-2)) @ W_user + b_user)
    tokens = _item_tokens(id_seq, feat_seq, item_table, if0, if1, W_item, b_item)
    jj = jnp.clip(j, 0, S - 1)
    tokens = tokens.at[jnp.arange(B), jj].set(user_token)
    # LogDecoder: add time/act/token-type embeddings + layernorm
    x = tokens + time_table[inter_time % NTIME] + act_table[act_type] + tok_table[token_type]
    log_embs = _layernorm(x, ln_g, ln_b)
    # pos/neg item embeddings
    pos_embs = _item_tokens(pos_seq, pos_feat, item_table, if0, if1, W_item, b_item)
    neg_embs = _item_tokens(neg_seq, neg_feat, item_table, if0, if1, W_item, b_item)
    # RecommendLoss (BCE over masked positions)
    pos_logits = (log_embs * pos_embs).sum(-1)
    neg_logits = (log_embs * neg_embs).sum(-1)
    mask = (token_type == 1).astype(jnp.float32)
    denom = mask.sum() + 1e-8
    mainloss = ((jax.nn.softplus(-pos_logits) + jax.nn.softplus(neg_logits)) * mask).sum() / denom
    pos_score = (pos_logits * mask).sum() / denom
    neg_score = (neg_logits * mask).sum() / denom
    neg_var = (((neg_logits - neg_score) ** 2) * mask).sum() / denom
    neg_max = jnp.max(jnp.where(mask > 0, neg_logits, -jnp.inf))
    return (mainloss, pos_score, neg_score, neg_var, neg_max)

if __name__ == "__main__":
    import jax
    _d = setup_inputs()
    print(jax.jit(kernel)(*tuple(_d.values())))

</pallas_src>

<mosaic_0001>
#map = affine_map<(d0, d1) -> (0, 0)>
#map1 = affine_map<(d0, d1) -> (0, 0, 0)>
module attributes {stable_mosaic.version = 14 : i64} {
  func.func @_sc_gather_body(%arg0: i32, %arg1: i32, %arg2: memref<100001x64xf32, #tpu.memory_space<hbm>>, %arg3: memref<1001x64xf32, #tpu.memory_space<hbm>>, %arg4: memref<10001x64xf32, #tpu.memory_space<hbm>>, %arg5: memref<16384x64xf32, #tpu.memory_space<hbm>>, %arg6: memref<100001x64xf32, #tpu.memory_space<hbm>>, %arg7: memref<101x64xf32, #tpu.memory_space<hbm>>, %arg8: memref<11x64xf32, #tpu.memory_space<hbm>>, %arg9: memref<1001x64xf32, #tpu.memory_space<hbm>>, %arg10: memref<32x4x800xi32, #tpu.memory_space<hbm>>, %arg11: memref<32x4x800xi32, #tpu.memory_space<hbm>>, %arg12: memref<32x4x800xi32, #tpu.memory_space<hbm>>, %arg13: memref<32x4x800xi32, #tpu.memory_space<hbm>>, %arg14: memref<32x4x800xi32, #tpu.memory_space<hbm>>, %arg15: memref<32x4x800xi32, #tpu.memory_space<hbm>>, %arg16: memref<32x4x800xi32, #tpu.memory_space<hbm>>, %arg17: memref<32x4x800xi32, #tpu.memory_space<hbm>>, %arg18: memref<32x4x800xi32, #tpu.memory_space<hbm>>, %arg19: memref<32x4x800xi32, #tpu.memory_space<hbm>>, %arg20: memref<32x16xi32, #tpu.memory_space<hbm>>, %arg21: memref<32x16xi32, #tpu.memory_space<hbm>>, %arg22: memref<32x16xi32, #tpu.memory_space<hbm>>, %arg23: memref<32x16xi32, #tpu.memory_space<hbm>>, %arg24: memref<102400x64xf32, #tpu.memory_space<hbm>>, %arg25: memref<102400x64xf32, #tpu.memory_space<hbm>>, %arg26: memref<102400x64xf32, #tpu.memory_space<hbm>>, %arg27: memref<102400x64xf32, #tpu.memory_space<hbm>>, %arg28: memref<512x64xf32, #tpu.memory_space<hbm>>, %arg29: memref<4x800xi32, #tpu.memory_space<vmem>>, %arg30: memref<4x800xi32, #tpu.memory_space<vmem>>, %arg31: memref<4x800xi32, #tpu.memory_space<vmem>>, %arg32: memref<4x800xi32, #tpu.memory_space<vmem>>, %arg33: memref<4x800xi32, #tpu.memory_space<vmem>>, %arg34: memref<4x800xi32, #tpu.memory_space<vmem>>, %arg35: memref<800x64xf32, #tpu.memory_space<vmem>>, %arg36: memref<800x64xf32, #tpu.memory_space<vmem>>, %arg37: memref<4x16xi32, #tpu.memory_space<vmem>>, %arg38: memref<!tpu.dma_semaphore, #tpu.memory_space<semaphore_mem>>, %arg39: memref<!tpu.dma_semaphore, #tpu.memory_space<semaphore_mem>>, %arg40: memref<!tpu.dma_semaphore, #tpu.memory_space<semaphore_mem>>, %arg41: memref<!tpu.dma_semaphore, #tpu.memory_space<semaphore_mem>>, %arg42: memref<!tpu.dma_semaphore, #tpu.memory_space<semaphore_mem>>, %arg43: memref<!tpu.dma_semaphore, #tpu.memory_space<semaphore_mem>>) attributes {dimension_semantics = [#tpu.dimension_semantics<core_parallel>, #tpu.dimension_semantics<subcore_parallel>], iteration_bounds = array<i64: 2, 16>, scalar_prefetch = 0 : i64, scratch_operands = 15 : i64, tpu.core_type = #tpu.core_type<sc_vector_subcore>, window_params = [{transform_indices = #map}, {transform_indices = #map}, {transform_indices = #map}, {transform_indices = #map}, {transform_indices = #map}, {transform_indices = #map}, {transform_indices = #map}, {transform_indices = #map}, {transform_indices = #map1}, {transform_indices = #map1}, {transform_indices = #map1}, {transform_indices = #map1}, {transform_indices = #map1}, {transform_indices = #map1}, {transform_indices = #map1}, {transform_indices = #map1}, {transform_indices = #map1}, {transform_indices = #map1}, {transform_indices = #map}, {transform_indices = #map}, {transform_indices = #map}, {transform_indices = #map}, {transform_indices = #map}, {transform_indices = #map}, {transform_indices = #map}, {transform_indices = #map}, {transform_indices = #map}]} {
    %mul3A = arith.constant 2 : i32
    %mul3A_0 = arith.muli %arg1, %mul3A : i32
    %add3A = arith.addi %mul3A_0, %arg0 : i32
    %mul3A_1 = arith.constant 3200 : i32
    %mul3A_2 = arith.muli %add3A, %mul3A_1 : i32
    "tpu.region"() ({
      %run_scoped3A_125 = tpu.sem_alloc : memref<!tpu.dma_semaphore, #tpu.memory_space<semaphore_mem>>
      %dma_start3A_126 = arith.constant 0 : i32
      %dma_start3A_127 = arith.constant 0 : i32
      %dma_start3A_128 = tpu.memref_slice %arg10[%add3A, %dma_start3A_126, %dma_start3A_127] : memref<32x4x800xi32, #tpu.memory_space<hbm>> -> memref<1x4x800xi32, #tpu.memory_space<hbm>>
      %dma_start3A_129 = tpu.memref_squeeze %dma_start3A_128 : memref<1x4x800xi32, #tpu.memory_space<hbm>> -> memref<4x800xi32, #tpu.memory_space<hbm>>
      %dma_start3A_130 = arith.constant 0 : i32
      %dma_start3A_131 = arith.constant 0 : i32
      %dma_start3A_132 = tpu.memref_slice %arg10[%add3A, %dma_start3A_130, %dma_start3A_131] : memref<32x4x800xi32, #tpu.memory_space<hbm>> -> memref<1x4x800xi32, #tpu.memory_space<hbm>>
      %dma_start3A_133 = tpu.memref_squeeze %dma_start3A_132 : memref<1x4x800xi32, #tpu.memory_space<hbm>> -> memref<4x800xi32, #tpu.memory_space<hbm>>
      tpu.enqueue_dma source(%dma_start3A_133 : memref<4x800xi32, #tpu.memory_space<hbm>>) target(%arg29 : memref<4x800xi32, #tpu.memory_space<vmem>>) target_semaphore(%run_scoped3A_125 : memref<!tpu.dma_semaphore, #tpu.memory_space<semaphore_mem>>)
      %dma_wait3A_134 = arith.constant 0 : i32
      %dma_wait3A_135 = arith.constant 0 : i32
      %dma_wait3A_136 = tpu.memref_slice %arg10[%add3A, %dma_wait3A_134, %dma_wait3A_135] : memref<32x4x800xi32, #tpu.memory_space<hbm>> -> memref<1x4x800xi32, #tpu.memory_space<hbm>>
      %dma_wait3A_137 = tpu.memref_squeeze %dma_wait3A_136 : memref<1x4x800xi32, #tpu.memory_space<hbm>> -> memref<4x800xi32, #tpu.memory_space<hbm>>
      %dma_wait3A_138 = arith.constant 0 : i32
      %dma_wait3A_139 = arith.constant 0 : i32
      %dma_wait3A_140 = tpu.memref_slice %arg10[%add3A, %dma_wait3A_138, %dma_wait3A_139] : memref<32x4x800xi32, #tpu.memory_space<hbm>> -> memref<1x4x800xi32, #tpu.memory_space<hbm>>
      %dma_wait3A_141 = tpu.memref_squeeze %dma_wait3A_140 : memref<1x4x800xi32, #tpu.memory_space<hbm>> -> memref<4x800xi32, #tpu.memory_space<hbm>>
      tpu.wait_dma2 semaphore(%run_scoped3A_125 : memref<!tpu.dma_semaphore, #tpu.memory_space<semaphore_mem>>) src(%dma_wait3A_141 : memref<4x800xi32, #tpu.memory_space<hbm>>) dst(%arg29 : memref<4x800xi32, #tpu.memory_space<vmem>>)
      tpu.yield
    }) : () -> ()
    "tpu.region"() ({
      %run_scoped3A_125 = tpu.sem_alloc : memref<!tpu.dma_semaphore, #tpu.memory_space<semaphore_mem>>
      %dma_start3A_126 = arith.constant 0 : i32
      %dma_start3A_127 = arith.constant 0 : i32
      %dma_start3A_128 = tpu.memref_slice %arg11[%add3A, %dma_start3A_126, %dma_start3A_127] : memref<32x4x800xi32, #tpu.memory_space<hbm>> -> memref<1x4x800xi32, #tpu.memory_space<hbm>>
      %dma_start3A_129 = tpu.memref_squeeze %dma_start3A_128 : memref<1x4x800xi32, #tpu.memory_space<hbm>> -> memref<4x800xi32, #tpu.memory_space<hbm>>
      %dma_start3A_130 = arith.constant 0 : i32
      %dma_start3A_131 = arith.constant 0 : i32
      %dma_start3A_132 = tpu.memref_slice %arg11[%add3A, %dma_start3A_130, %dma_start3A_131] : memref<32x4x800xi32, #tpu.memory_space<hbm>> -> memref<1x4x800xi32, #tpu.memory_space<hbm>>
      %dma_start3A_133 = tpu.memref_squeeze %dma_start3A_132 : memref<1x4x800xi32, #tpu.memory_space<hbm>> -> memref<4x800xi32, #tpu.memory_space<hbm>>
      tpu.enqueue_dma source(%dma_start3A_133 : memref<4x800xi32, #tpu.memory_space<hbm>>) target(%arg30 : memref<4x800xi32, #tpu.memory_space<vmem>>) target_semaphore(%run_scoped3A_125 : memref<!tpu.dma_semaphore, #tpu.memory_space<semaphore_mem>>)
      %dma_wait3A_134 = arith.constant 0 : i32
      %dma_wait3A_135 = arith.constant 0 : i32
      %dma_wait3A_136 = tpu.memref_slice %arg11[%add3A, %dma_wait3A_134, %dma_wait3A_135] : memref<32x4x800xi32, #tpu.memory_space<hbm>> -> memref<1x4x800xi32, #tpu.memory_space<hbm>>
      %dma_wait3A_137 = tpu.memref_squeeze %dma_wait3A_136 : memref<1x4x800xi32, #tpu.memory_space<hbm>> -> memref<4x800xi32, #tpu.memory_space<hbm>>
      %dma_wait3A_138 = arith.constant 0 : i32
      %dma_wait3A_139 = arith.constant 0 : i32
      %dma_wait3A_140 = tpu.memref_slice %arg11[%add3A, %dma_wait3A_138, %dma_wait3A_139] : memref<32x4x800xi32, #tpu.memory_space<hbm>> -> memref<1x4x800xi32, #tpu.memory_space<hbm>>
      %dma_wait3A_141 = tpu.memref_squeeze %dma_wait3A_140 : memref<1x4x800xi32, #tpu.memory_space<hbm>> -> memref<4x800xi32, #tpu.memory_space<hbm>>
      tpu.wait_dma2 semaphore(%run_scoped3A_125 : memref<!tpu.dma_semaphore, #tpu.memory_space<semaphore_mem>>) src(%dma_wait3A_141 : memref<4x800xi32, #tpu.memory_space<hbm>>) dst(%arg30 : memref<4x800xi32, #tpu.memory_space<vmem>>)
      tpu.yield
    }) : () -> ()
    "tpu.region"() ({
      %run_scoped3A_125 = tpu.sem_alloc : memref<!tpu.dma_semaphore, #tpu.memory_space<semaphore_mem>>
      %dma_start3A_126 = arith.constant 0 : i32
      %dma_start3A_127 = arith.constant 0 : i32
      %dma_start3A_128 = tpu.memref_slice %arg12[%add3A, %dma_start3A_126, %dma_start3A_127] : memref<32x4x800xi32, #tpu.memory_space<hbm>> -> memref<1x4x800xi32, #tpu.memory_space<hbm>>
      %dma_start3A_129 = tpu.memref_squeeze %dma_start3A_128 : memref<1x4x800xi32, #tpu.memory_space<hbm>> -> memref<4x800xi32, #tpu.memory_space<hbm>>
      %dma_start3A_130 = arith.constant 0 : i32
      %dma_start3A_131 = arith.constant 0 : i32
      %dma_start3A_132 = tpu.memref_slice %arg12[%add3A, %dma_start3A_130, %dma_start3A_131] : memref<32x4x800xi32, #tpu.memory_space<hbm>> -> memref<1x4x800xi32, #tpu.memory_space<hbm>>
      %dma_start3A_133 = tpu.memref_squeeze %dma_start3A_132 : memref<1x4x800xi32, #tpu.memory_space<hbm>> -> memref<4x800xi32, #tpu.memory_space<hbm>>
      tpu.enqueue_dma source(%dma_start3A_133 : memref<4x800xi32, #tpu.memory_space<hbm>>) target(%arg31 : memref<4x800xi32, #tpu.memory_space<vmem>>) target_semaphore(%run_scoped3A_125 : memref<!tpu.dma_semaphore, #tpu.memory_space<semaphore_mem>>)
      %dma_wait3A_134 = arith.constant 0 : i32
      %dma_wait3A_135 = arith.constant 0 : i32
      %dma_wait3A_136 = tpu.memref_slice %arg12[%add3A, %dma_wait3A_134, %dma_wait3A_135] : memref<32x4x800xi32, #tpu.memory_space<hbm>> -> memref<1x4x800xi32, #tpu.memory_space<hbm>>
      %dma_wait3A_137 = tpu.memref_squeeze %dma_wait3A_136 : memref<1x4x800xi32, #tpu.memory_space<hbm>> -> memref<4x800xi32, #tpu.memory_space<hbm>>
      %dma_wait3A_138 = arith.constant 0 : i32
      %dma_wait3A_139 = arith.constant 0 : i32
      %dma_wait3A_140 = tpu.memref_slice %arg12[%add3A, %dma_wait3A_138, %dma_wait3A_139] : memref<32x4x800xi32, #tpu.memory_space<hbm>> -> memref<1x4x800xi32, #tpu.memory_space<hbm>>
      %dma_wait3A_141 = tpu.memref_squeeze %dma_wait3A_140 : memref<1x4x800xi32, #tpu.memory_space<hbm>> -> memref<4x800xi32, #tpu.memory_space<hbm>>
      tpu.wait_dma2 semaphore(%run_scoped3A_125 : memref<!tpu.dma_semaphore, #tpu.memory_space<semaphore_mem>>) src(%dma_wait3A_141 : memref<4x800xi32, #tpu.memory_space<hbm>>) dst(%arg31 : memref<4x800xi32, #tpu.memory_space<vmem>>)
      tpu.yield
    }) : () -> ()
    "tpu.region"() ({
      %run_scoped3A_125 = tpu.sem_alloc : memref<!tpu.dma_semaphore, #tpu.memory_space<semaphore_mem>>
      %dma_start3A_126 = arith.constant 0 : i32
      %dma_start3A_127 = arith.constant 0 : i32
      %dma_start3A_128 = tpu.memref_slice %arg13[%add3A, %dma_start3A_126, %dma_start3A_127] : memref<32x4x800xi32, #tpu.memory_space<hbm>> -> memref<1x4x800xi32, #tpu.memory_space<hbm>>
      %dma_start3A_129 = tpu.memref_squeeze %dma_start3A_128 : memref<1x4x800xi32, #tpu.memory_space<hbm>> -> memref<4x800xi32, #tpu.memory_space<hbm>>
      %dma_start3A_130 = arith.constant 0 : i32
      %dma_start3A_131 = arith.constant 0 : i32
      %dma_start3A_132 = tpu.memref_slice %arg13[%add3A, %dma_start3A_130, %dma_start3A_131] : memref<32x4x800xi32, #tpu.memory_space<hbm>> -> memref<1x4x800xi32, #tpu.memory_space<hbm>>
      %dma_start3A_133 = tpu.memref_squeeze %dma_start3A_132 : memref<1x4x800xi32, #tpu.memory_space<hbm>> -> memref<4x800xi32, #tpu.memory_space<hbm>>
      tpu.enqueue_dma source(%dma_start3A_133 : memref<4x800xi32, #tpu.memory_space<hbm>>) target(%arg32 : memref<4x800xi32, #tpu.memory_space<vmem>>) target_semaphore(%run_scoped3A_125 : memref<!tpu.dma_semaphore, #tpu.memory_space<semaphore_mem>>)
      %dma_wait3A_134 = arith.constant 0 : i32
      %dma_wait3A_135 = arith.constant 0 : i32
      %dma_wait3A_136 = tpu.memref_slice %arg13[%add3A, %dma_wait3A_134, %dma_wait3A_135] : memref<32x4x800xi32, #tpu.memory_space<hbm>> -> memref<1x4x800xi32, #tpu.memory_space<hbm>>
      %dma_wait3A_137 = tpu.memref_squeeze %dma_wait3A_136 : memref<1x4x800xi32, #tpu.memory_space<hbm>> -> memref<4x800xi32, #tpu.memory_space<hbm>>
      %dma_wait3A_138 = arith.constant 0 : i32
      %dma_wait3A_139 = arith.constant 0 : i32
      %dma_wait3A_140 = tpu.memref_slice %arg13[%add3A, %dma_wait3A_138, %dma_wait3A_139] : memref<32x4x800xi32, #tpu.memory_space<hbm>> -> memref<1x4x800xi32, #tpu.memory_space<hbm>>
      %dma_wait3A_141 = tpu.memref_squeeze %dma_wait3A_140 : memref<1x4x800xi32, #tpu.memory_space<hbm>> -> memref<4x800xi32, #tpu.memory_space<hbm>>
      tpu.wait_dma2 semaphore(%run_scoped3A_125 : memref<!tpu.dma_semaphore, #tpu.memory_space<semaphore_mem>>) src(%dma_wait3A_141 : memref<4x800xi32, #tpu.memory_space<hbm>>) dst(%arg32 : memref<4x800xi32, #tpu.memory_space<vmem>>)
      tpu.yield
    }) : () -> ()
    "tpu.region"() ({
      %run_scoped3A_125 = tpu.sem_alloc : memref<!tpu.dma_semaphore, #tpu.memory_space<semaphore_mem>>
      %dma_start3A_126 = arith.constant 0 : i32
      %dma_start3A_127 = arith.constant 0 : i32
      %dma_start3A_128 = tpu.memref_slice %arg14[%add3A, %dma_start3A_126, %dma_start3A_127] : memref<32x4x800xi32, #tpu.memory_space<hbm>> -> memref<1x4x800xi32, #tpu.memory_space<hbm>>
      %dma_start3A_129 = tpu.memref_squeeze %dma_start3A_128 : memref<1x4x800xi32, #tpu.memory_space<hbm>> -> memref<4x800xi32, #tpu.memory_space<hbm>>
      %dma_start3A_130 = arith.constant 0 : i32
      %dma_start3A_131 = arith.constant 0 : i32
      %dma_start3A_132 = tpu.memref_slice %arg14[%add3A, %dma_start3A_130, %dma_start3A_131] : memref<32x4x800xi32, #tpu.memory_space<hbm>> -> memref<1x4x800xi32, #tpu.memory_space<hbm>>
      %dma_start3A_133 = tpu.memref_squeeze %dma_start3A_132 : memref<1x4x800xi32, #tpu.memory_space<hbm>> -> memref<4x800xi32, #tpu.memory_space<hbm>>
      tpu.enqueue_dma source(%dma_start3A_133 : memref<4x800xi32, #tpu.memory_space<hbm>>) target(%arg33 : memref<4x800xi32, #tpu.memory_space<vmem>>) target_semaphore(%run_scoped3A_125 : memref<!tpu.dma_semaphore, #tpu.memory_space<semaphore_mem>>)
      %dma_wait3A_134 = arith.constant 0 : i32
      %dma_wait3A_135 = arith.constant 0 : i32
      %dma_wait3A_136 = tpu.memref_slice %arg14[%add3A, %dma_wait3A_134, %dma_wait3A_135] : memref<32x4x800xi32, #tpu.memory_space<hbm>> -> memref<1x4x800xi32, #tpu.memory_space<hbm>>
      %dma_wait3A_137 = tpu.memref_squeeze %dma_wait3A_136 : memref<1x4x800xi32, #tpu.memory_space<hbm>> -> memref<4x800xi32, #tpu.memory_space<hbm>>
      %dma_wait3A_138 = arith.constant 0 : i32
      %dma_wait3A_139 = arith.constant 0 : i32
      %dma_wait3A_140 = tpu.memref_slice %arg14[%add3A, %dma_wait3A_138, %dma_wait3A_139] : memref<32x4x800xi32, #tpu.memory_space<hbm>> -> memref<1x4x800xi32, #tpu.memory_space<hbm>>
      %dma_wait3A_141 = tpu.memref_squeeze %dma_wait3A_140 : memref<1x4x800xi32, #tpu.memory_space<hbm>> -> memref<4x800xi32, #tpu.memory_space<hbm>>
      tpu.wait_dma2 semaphore(%run_scoped3A_125 : memref<!tpu.dma_semaphore, #tpu.memory_space<semaphore_mem>>) src(%dma_wait3A_141 : memref<4x800xi32, #tpu.memory_space<hbm>>) dst(%arg33 : memref<4x800xi32, #tpu.memory_space<vmem>>)
      tpu.yield
    }) : () -> ()
    "tpu.region"() ({
      %run_scoped3A_125 = tpu.sem_alloc : memref<!tpu.dma_semaphore, #tpu.memory_space<semaphore_mem>>
      %dma_start3A_126 = arith.constant 0 : i32
      %dma_start3A_127 = arith.constant 0 : i32
      %dma_start3A_128 = tpu.memref_slice %arg15[%add3A, %dma_start3A_126, %dma_start3A_127] : memref<32x4x800xi32, #tpu.memory_space<hbm>> -> memref<1x4x800xi32, #tpu.memory_space<hbm>>
      %dma_start3A_129 = tpu.memref_squeeze %dma_start3A_128 : memref<1x4x800xi32, #tpu.memory_space<hbm>> -> memref<4x800xi32, #tpu.memory_space<hbm>>
      %dma_start3A_130 = arith.constant 0 : i32
      %dma_start3A_131 = arith.constant 0 : i32
      %dma_start3A_132 = tpu.memref_slice %arg15[%add3A, %dma_start3A_130, %dma_start3A_131] : memref<32x4x800xi32, #tpu.memory_space<hbm>> -> memref<1x4x800xi32, #tpu.memory_space<hbm>>
      %dma_start3A_133 = tpu.memref_squeeze %dma_start3A_132 : memref<1x4x800xi32, #tpu.memory_space<hbm>> -> memref<4x800xi32, #tpu.memory_space<hbm>>
      tpu.enqueue_dma source(%dma_start3A_133 : memref<4x800xi32, #tpu.memory_space<hbm>>) target(%arg34 : memref<4x800xi32, #tpu.memory_space<vmem>>) target_semaphore(%run_scoped3A_125 : memref<!tpu.dma_semaphore, #tpu.memory_space<semaphore_mem>>)
      %dma_wait3A_134 = arith.constant 0 : i32
      %dma_wait3A_135 = arith.constant 0 : i32
      %dma_wait3A_136 = tpu.memref_slice %arg15[%add3A, %dma_wait3A_134, %dma_wait3A_135] : memref<32x4x800xi32, #tpu.memory_space<hbm>> -> memref<1x4x800xi32, #tpu.memory_space<hbm>>
      %dma_wait3A_137 = tpu.memref_squeeze %dma_wait3A_136 : memref<1x4x800xi32, #tpu.memory_space<hbm>> -> memref<4x800xi32, #tpu.memory_space<hbm>>
      %dma_wait3A_138 = arith.constant 0 : i32
      %dma_wait3A_139 = arith.constant 0 : i32
      %dma_wait3A_140 = tpu.memref_slice %arg15[%add3A, %dma_wait3A_138, %dma_wait3A_139] : memref<32x4x800xi32, #tpu.memory_space<hbm>> -> memref<1x4x800xi32, #tpu.memory_space<hbm>>
      %dma_wait3A_141 = tpu.memref_squeeze %dma_wait3A_140 : memref<1x4x800xi32, #tpu.memory_space<hbm>> -> memref<4x800xi32, #tpu.memory_space<hbm>>
      tpu.wait_dma2 semaphore(%run_scoped3A_125 : memref<!tpu.dma_semaphore, #tpu.memory_space<semaphore_mem>>) src(%dma_wait3A_141 : memref<4x800xi32, #tpu.memory_space<hbm>>) dst(%arg34 : memref<4x800xi32, #tpu.memory_space<vmem>>)
      tpu.yield
    }) : () -> ()
    %dma_start3A = arith.constant 0 : i32
    %dma_start3A_3 = arith.constant 0 : i32
    %dma_start3A_4 = tpu.memref_slice %arg29[%dma_start3A, %dma_start3A_3] : memref<4x800xi32, #tpu.memory_space<vmem>> -> memref<1x800xi32, #tpu.memory_space<vmem>>
    %dma_start3A_5 = tpu.memref_squeeze %dma_start3A_4 : memref<1x800xi32, #tpu.memory_space<vmem>> -> memref<800xi32, #tpu.memory_space<vmem>>
    %dma_start3A_6 = arith.constant 0 : i32
    %dma_start3A_7 = arith.constant 0 : i32
    %dma_start3A_8 = tpu.memref_slice %arg2[%dma_start3A_6, %dma_start3A_7] : memref<100001x64xf32, #tpu.memory_space<hbm>> -> memref<100001x64xf32, #tpu.memory_space<hbm>>
    tpu.enqueue_indirect_dma source(%dma_start3A_8 : memref<100001x64xf32, #tpu.memory_space<hbm>>) target(%arg35 : memref<800x64xf32, #tpu.memory_space<vmem>>) offsets(%dma_start3A_5 : memref<800xi32, #tpu.memory_space<vmem>>) semaphore(%arg38 : memref<!tpu.dma_semaphore, #tpu.memory_space<semaphore_mem>>)
    %dma_start3A_9 = arith.constant 0 : i32
    %dma_start3A_10 = arith.constant 0 : i32
    %dma_start3A_11 = tpu.memref_slice %arg32[%dma_start3A_9, %dma_start3A_10] : memref<4x800xi32, #tpu.memory_space<vmem>> -> memref<1x800xi32, #tpu.memory_space<vmem>>
    %dma_start3A_12 = tpu.memref_squeeze %dma_start3A_11 : memref<1x800xi32, #tpu.memory_space<vmem>> -> memref<800xi32, #tpu.memory_space<vmem>>
    %dma_start3A_13 = arith.constant 0 : i32
    %dma_start3A_14 = arith.constant 0 : i32
    %dma_start3A_15 = tpu.memref_slice %arg2[%dma_start3A_13, %dma_start3A_14] : memref<100001x64xf32, #tpu.memory_space<hbm>> -> memref<100001x64xf32, #tpu.memory_space<hbm>>
    tpu.enqueue_indirect_dma source(%dma_start3A_15 : memref<100001x64xf32, #tpu.memory_space<hbm>>) target(%arg36 : memref<800x64xf32, #tpu.memory_space<vmem>>) offsets(%dma_start3A_12 : memref<800xi32, #tpu.memory_space<vmem>>) semaphore(%arg41 : memref<!tpu.dma_semaphore, #tpu.memory_space<semaphore_mem>>)
    %scan3A = arith.constant 0 : i32
    %scan3A_16 = arith.constant 0 : i32
    %scan3A_17 = arith.constant 4 : i32
    %scan3A_18 = arith.addi %scan3A_16, %scan3A_17 : i32
    %scan3A_19 = arith.constant 1 : i32
    scf.for %scan3A_125 = %scan3A_16 to %scan3A_18 step %scan3A_19  : i32 {
      %dma_wait3A_126 = arith.constant 0 : i32
      %dma_wait3A_127 = tpu.memref_slice %arg29[%scan3A_125, %dma_wait3A_126] : memref<4x800xi32, #tpu.memory_space<vmem>> -> memref<1x800xi32, #tpu.memory_space<vmem>>
      %dma_wait3A_128 = tpu.memref_squeeze %dma_wait3A_127 : memref<1x800xi32, #tpu.memory_space<vmem>> -> memref<800xi32, #tpu.memory_space<vmem>>
      %dma_wait3A_129 = arith.constant 0 : i32
      %dma_wait3A_130 = arith.constant 0 : i32
      %dma_wait3A_131 = tpu.memref_slice %arg2[%dma_wait3A_129, %dma_wait3A_130] : memref<100001x64xf32, #tpu.memory_space<hbm>> -> memref<100001x64xf32, #tpu.memory_space<hbm>>
      tpu.wait_indirect_dma semaphore(%arg38 : memref<!tpu.dma_semaphore, #tpu.memory_space<semaphore_mem>>) src(%dma_wait3A_131 : memref<100001x64xf32, #tpu.memory_space<hbm>>) dst(%arg35 : memref<800x64xf32, #tpu.memory_space<vmem>>)
      %dma_start3A_132 = arith.constant 0 : i32
      %dma_start3A_133 = tpu.memref_slice %arg30[%scan3A_125, %dma_start3A_132] : memref<4x800xi32, #tpu.memory_space<vmem>> -> memref<1x800xi32, #tpu.memory_space<vmem>>
      %dma_start3A_134 = tpu.memref_squeeze %dma_start3A_133 : memref<1x800xi32, #tpu.memory_space<vmem>> -> memref<800xi32, #tpu.memory_space<vmem>>
      %dma_start3A_135 = arith.constant 0 : i32
      %dma_start3A_136 = arith.constant 0 : i32
      %dma_start3A_137 = tpu.memref_slice %arg3[%dma_start3A_135, %dma_start3A_136] : memref<1001x64xf32, #tpu.memory_space<hbm>> -> memref<1001x64xf32, #tpu.memory_space<hbm>>
      tpu.enqueue_indirect_dma source(%dma_start3A_137 : memref<1001x64xf32, #tpu.memory_space<hbm>>) target(%arg35 : memref<800x64xf32, #tpu.memory_space<vmem>>) offsets(%dma_start3A_134 : memref<800xi32, #tpu.memory_space<vmem>>) semaphore(%arg39 : memref<!tpu.dma_semaphore, #tpu.memory_space<semaphore_mem>>) {add = true}
      %dma_start3A_138 = arith.constant 0 : i32
      %dma_start3A_139 = tpu.memref_slice %arg31[%scan3A_125, %dma_start3A_138] : memref<4x800xi32, #tpu.memory_space<vmem>> -> memref<1x800xi32, #tpu.memory_space<vmem>>
      %dma_start3A_140 = tpu.memref_squeeze %dma_start3A_139 : memref<1x800xi32, #tpu.memory_space<vmem>> -> memref<800xi32, #tpu.memory_space<vmem>>
      %dma_start3A_141 = arith.constant 0 : i32
      %dma_start3A_142 = arith.constant 0 : i32
      %dma_start3A_143 = tpu.memref_slice %arg4[%dma_start3A_141, %dma_start3A_142] : memref<10001x64xf32, #tpu.memory_space<hbm>> -> memref<10001x64xf32, #tpu.memory_space<hbm>>
      tpu.enqueue_indirect_dma source(%dma_start3A_143 : memref<10001x64xf32, #tpu.memory_space<hbm>>) target(%arg35 : memref<800x64xf32, #tpu.memory_space<vmem>>) offsets(%dma_start3A_140 : memref<800xi32, #tpu.memory_space<vmem>>) semaphore(%arg39 : memref<!tpu.dma_semaphore, #tpu.memory_space<semaphore_mem>>) {add = true}
      %dma_wait3A_144 = arith.constant 0 : i32
      %dma_wait3A_145 = tpu.memref_slice %arg32[%scan3A_125, %dma_wait3A_144] : memref<4x800xi32, #tpu.memory_space<vmem>> -> memref<1x800xi32, #tpu.memory_space<vmem>>
      %dma_wait3A_146 = tpu.memref_squeeze %dma_wait3A_145 : memref<1x800xi32, #tpu.memory_space<vmem>> -> memref<800xi32, #tpu.memory_space<vmem>>
      %dma_wait3A_147 = arith.constant 0 : i32
      %dma_wait3A_148 = arith.constant 0 : i32
      %dma_wait3A_149 = tpu.memref_slice %arg2[%dma_wait3A_147, %dma_wait3A_148] : memref<100001x64xf32, #tpu.memory_space<hbm>> -> memref<100001x64xf32, #tpu.memory_space<hbm>>
      tpu.wait_indirect_dma semaphore(%arg41 : memref<!tpu.dma_semaphore, #tpu.memory_space<semaphore_mem>>) src(%dma_wait3A_149 : memref<100001x64xf32, #tpu.memory_space<hbm>>) dst(%arg36 : memref<800x64xf32, #tpu.memory_space<vmem>>)
      %dma_start3A_150 = arith.constant 0 : i32
      %dma_start3A_151 = tpu.memref_slice %arg33[%scan3A_125, %dma_start3A_150] : memref<4x800xi32, #tpu.memory_space<vmem>> -> memref<1x800xi32, #tpu.memory_space<vmem>>
      %dma_start3A_152 = tpu.memref_squeeze %dma_start3A_151 : memref<1x800xi32, #tpu.memory_space<vmem>> -> memref<800xi32, #tpu.memory_space<vmem>>
      %dma_start3A_153 = arith.constant 0 : i32
      %dma_start3A_154 = arith.constant 0 : i32
      %dma_start3A_155 = tpu.memref_slice %arg3[%dma_start3A_153, %dma_start3A_154] : memref<1001x64xf32, #tpu.memory_space<hbm>> -> memref<1001x64xf32, #tpu.memory_space<hbm>>
      tpu.enqueue_indirect_dma source(%dma_start3A_155 : memref<1001x64xf32, #tpu.memory_space<hbm>>) target(%arg36 : memref<800x64xf32, #tpu.memory_space<vmem>>) offsets(%dma_start3A_152 : memref<800xi32, #tpu.memory_space<vmem>>) semaphore(%arg42 : memref<!tpu.dma_semaphore, #tpu.memory_space<semaphore_mem>>) {add = true}
      %dma_start3A_156 = arith.constant 0 : i32
      %dma_start3A_157 = tpu.memref_slice %arg34[%scan3A_125, %dma_start3A_156] : memref<4x800xi32, #tpu.memory_space<vmem>> -> memref<1x800xi32, #tpu.memory_space<vmem>>
      %dma_start3A_158 = tpu.memref_squeeze %dma_start3A_157 : memref<1x800xi32, #tpu.memory_space<vmem>> -> memref<800xi32, #tpu.memory_space<vmem>>
      %dma_start3A_159 = arith.constant 0 : i32
      %dma_start3A_160 = arith.constant 0 : i32
      %dma_start3A_161 = tpu.memref_slice %arg4[%dma_start3A_159, %dma_start3A_160] : memref<10001x64xf32, #tpu.memory_space<hbm>> -> memref<10001x64xf32, #tpu.memory_space<hbm>>
      tpu.enqueue_indirect_dma source(%dma_start3A_161 : memref<10001x64xf32, #tpu.memory_space<hbm>>) target(%arg36 : memref<800x64xf32, #tpu.memory_space<vmem>>) offsets(%dma_start3A_158 : memref<800xi32, #tpu.memory_space<vmem>>) semaphore(%arg42 : memref<!tpu.dma_semaphore, #tpu.memory_space<semaphore_mem>>) {add = true}
      %dma_wait3A_162 = arith.constant 0 : i32
      %dma_wait3A_163 = tpu.memref_slice %arg30[%scan3A_125, %dma_wait3A_162] : memref<4x800xi32, #tpu.memory_space<vmem>> -> memref<1x800xi32, #tpu.memory_space<vmem>>
      %dma_wait3A_164 = tpu.memref_squeeze %dma_wait3A_163 : memref<1x800xi32, #tpu.memory_space<vmem>> -> memref<800xi32, #tpu.memory_space<vmem>>
      %dma_wait3A_165 = arith.constant 0 : i32
      %dma_wait3A_166 = arith.constant 0 : i32
      %dma_wait3A_167 = tpu.memref_slice %arg3[%dma_wait3A_165, %dma_wait3A_166] : memref<1001x64xf32, #tpu.memory_space<hbm>> -> memref<1001x64xf32, #tpu.memory_space<hbm>>
      tpu.wait_indirect_dma semaphore(%arg39 : memref<!tpu.dma_semaphore, #tpu.memory_space<semaphore_mem>>) src(%dma_wait3A_167 : memref<1001x64xf32, #tpu.memory_space<hbm>>) dst(%arg35 : memref<800x64xf32, #tpu.memory_space<vmem>>)
      %dma_wait3A_168 = arith.constant 0 : i32
      %dma_wait3A_169 = tpu.memref_slice %arg31[%scan3A_125, %dma_wait3A_168] : memref<4x800xi32, #tpu.memory_space<vmem>> -> memref<1x800xi32, #tpu.memory_space<vmem>>
      %dma_wait3A_170 = tpu.memref_squeeze %dma_wait3A_169 : memref<1x800xi32, #tpu.memory_space<vmem>> -> memref<800xi32, #tpu.memory_space<vmem>>
      %dma_wait3A_171 = arith.constant 0 : i32
      %dma_wait3A_172 = arith.constant 0 : i32
      %dma_wait3A_173 = tpu.memref_slice %arg4[%dma_wait3A_171, %dma_wait3A_172] : memref<10001x64xf32, #tpu.memory_space<hbm>> -> memref<10001x64xf32, #tpu.memory_space<hbm>>
      tpu.wait_indirect_dma semaphore(%arg39 : memref<!tpu.dma_semaphore, #tpu.memory_space<semaphore_mem>>) src(%dma_wait3A_173 : memref<10001x64xf32, #tpu.memory_space<hbm>>) dst(%arg35 : memref<800x64xf32, #tpu.memory_space<vmem>>)
      %mul3A_174 = arith.constant 800 : i32
      %mul3A_175 = arith.muli %scan3A_125, %mul3A_174 : i32
      %add3A_176 = arith.addi %mul3A_2, %mul3A_175 : i32
      %dma_start3A_177 = arith.constant 0 : i32
      %dma_start3A_178 = tpu.memref_slice %arg24[%add3A_176, %dma_start3A_177] : memref<102400x64xf32, #tpu.memory_space<hbm>> -> memref<800x64xf32, #tpu.memory_space<hbm>>
      %dma_start3A_179 = arith.constant 0 : i32
      %dma_start3A_180 = tpu.memref_slice %arg24[%add3A_176, %dma_start3A_179] : memref<102400x64xf32, #tpu.memory_space<hbm>> -> memref<800x64xf32, #tpu.memory_space<hbm>>
      tpu.enqueue_dma source(%arg35 : memref<800x64xf32, #tpu.memory_space<vmem>>) target(%dma_start3A_180 : memref<800x64xf32, #tpu.memory_space<hbm>>) target_semaphore(%arg40 : memref<!tpu.dma_semaphore, #tpu.memory_space<semaphore_mem>>)
      %dma_wait3A_181 = arith.constant 0 : i32
      %dma_wait3A_182 = tpu.memref_slice %arg33[%scan3A_125, %dma_wait3A_181] : memref<4x800xi32, #tpu.memory_space<vmem>> -> memref<1x800xi32, #tpu.memory_space<vmem>>
      %dma_wait3A_183 = tpu.memref_squeeze %dma_wait3A_182 : memref<1x800xi32, #tpu.memory_space<vmem>> -> memref<800xi32, #tpu.memory_space<vmem>>
      %dma_wait3A_184 = arith.constant 0 : i32
      %dma_wait3A_185 = arith.constant 0 : i32
      %dma_wait3A_186 = tpu.memref_slice %arg3[%dma_wait3A_184, %dma_wait3A_185] : memref<1001x64xf32, #tpu.memory_space<hbm>> -> memref<1001x64xf32, #tpu.memory_space<hbm>>
      tpu.wait_indirect_dma semaphore(%arg42 : memref<!tpu.dma_semaphore, #tpu.memory_space<semaphore_mem>>) src(%dma_wait3A_186 : memref<1001x64xf32, #tpu.memory_space<hbm>>) dst(%arg36 : memref<800x64xf32, #tpu.memory_space<vmem>>)
      %dma_wait3A_187 = arith.constant 0 : i32
      %dma_wait3A_188 = tpu.memref_slice %arg34[%scan3A_125, %dma_wait3A_187] : memref<4x800xi32, #tpu.memory_space<vmem>> -> memref<1x800xi32, #tpu.memory_space<vmem>>
      %dma_wait3A_189 = tpu.memref_squeeze %dma_wait3A_188 : memref<1x800xi32, #tpu.memory_space<vmem>> -> memref<800xi32, #tpu.memory_space<vmem>>
      %dma_wait3A_190 = arith.constant 0 : i32
      %dma_wait3A_191 = arith.constant 0 : i32
      %dma_wait3A_192 = tpu.memref_slice %arg4[%dma_wait3A_190, %dma_wait3A_191] : memref<10001x64xf32, #tpu.memory_space<hbm>> -> memref<10001x64xf32, #tpu.memory_space<hbm>>
      tpu.wait_indirect_dma semaphore(%arg42 : memref<!tpu.dma_semaphore, #tpu.memory_space<semaphore_mem>>) src(%dma_wait3A_192 : memref<10001x64xf32, #tpu.memory_space<hbm>>) dst(%arg36 : memref<800x64xf32, #tpu.memory_space<vmem>>)
      %mul3A_193 = arith.constant 800 : i32
      %mul3A_194 = arith.muli %scan3A_125, %mul3A_193 : i32
      %add3A_195 = arith.addi %mul3A_2, %mul3A_194 : i32
      %dma_start3A_196 = arith.constant 0 : i32
      %dma_start3A_197 = tpu.memref_slice %arg25[%add3A_195, %dma_start3A_196] : memref<102400x64xf32, #tpu.memory_space<hbm>> -> memref<800x64xf32, #tpu.memory_space<hbm>>
      %dma_start3A_198 = arith.constant 0 : i32
      %dma_start3A_199 = tpu.memref_slice %arg25[%add3A_195, %dma_start3A_198] : memref<102400x64xf32, #tpu.memory_space<hbm>> -> memref<800x64xf32, #tpu.memory_space<hbm>>
      tpu.enqueue_dma source(%arg36 : memref<800x64xf32, #tpu.memory_space<vmem>>) target(%dma_start3A_199 : memref<800x64xf32, #tpu.memory_space<hbm>>) target_semaphore(%arg43 : memref<!tpu.dma_semaphore, #tpu.memory_space<semaphore_mem>>)
      %mul3A_200 = arith.constant 800 : i32
      %mul3A_201 = arith.muli %scan3A_125, %mul3A_200 : i32
      %add3A_202 = arith.addi %mul3A_2, %mul3A_201 : i32
      %dma_wait3A_203 = arith.constant 0 : i32
      %dma_wait3A_204 = tpu.memref_slice %arg24[%add3A_202, %dma_wait3A_203] : memref<102400x64xf32, #tpu.memory_space<hbm>> -> memref<800x64xf32, #tpu.memory_space<hbm>>
      %dma_wait3A_205 = arith.constant 0 : i32
      %dma_wait3A_206 = tpu.memref_slice %arg24[%add3A_202, %dma_wait3A_205] : memref<102400x64xf32, #tpu.memory_space<hbm>> -> memref<800x64xf32, #tpu.memory_space<hbm>>
      tpu.wait_dma2 semaphore(%arg40 : memref<!tpu.dma_semaphore, #tpu.memory_space<semaphore_mem>>) src(%arg35 : memref<800x64xf32, #tpu.memory_space<vmem>>) dst(%dma_wait3A_206 : memref<800x64xf32, #tpu.memory_space<hbm>>)
      %mul3A_207 = arith.constant 800 : i32
      %mul3A_208 = arith.muli %scan3A_125, %mul3A_207 : i32
      %add3A_209 = arith.addi %mul3A_2, %mul3A_208 : i32
      %dma_wait3A_210 = arith.constant 0 : i32
      %dma_wait3A_211 = tpu.memref_slice %arg25[%add3A_209, %dma_wait3A_210] : memref<102400x64xf32, #tpu.memory_space<hbm>> -> memref<800x64xf32, #tpu.memory_space<hbm>>
      %dma_wait3A_212 = arith.constant 0 : i32
      %dma_wait3A_213 = tpu.memref_slice %arg25[%add3A_209, %dma_wait3A_212] : memref<102400x64xf32, #tpu.memory_space<hbm>> -> memref<800x64xf32, #tpu.memory_space<hbm>>
      tpu.wait_dma2 semaphore(%arg43 : memref<!tpu.dma_semaphore, #tpu.memory_space<semaphore_mem>>) src(%arg36 : memref<800x64xf32, #tpu.memory_space<vmem>>) dst(%dma_wait3A_213 : memref<800x64xf32, #tpu.memory_space<hbm>>)
      %add3A_214 = arith.constant 1 : i32
      %add3A_215 = arith.addi %scan3A_125, %add3A_214 : i32
      %lt3A = arith.constant 4 : i32
      %lt3A_216 = arith.cmpi slt, %add3A_215, %lt3A : i32
      %convert_element_type3A = arith.extui %lt3A_216 : i1 to i32
      %cond3A = arith.constant 0 : i32
      %cond3A_217 = arith.cmpi ne, %convert_element_type3A, %cond3A : i32
      scf.if %cond3A_217 {
        %add3A_218 = arith.constant 1 : i32
        %add3A_219 = arith.addi %scan3A_125, %add3A_218 : i32
        %dma_start3A_220 = arith.constant 0 : i32
        %dma_start3A_221 = tpu.memref_slice %arg29[%add3A_219, %dma_start3A_220] : memref<4x800xi32, #tpu.memory_space<vmem>> -> memref<1x800xi32, #tpu.memory_space<vmem>>
        %dma_start3A_222 = tpu.memref_squeeze %dma_start3A_221 : memref<1x800xi32, #tpu.memory_space<vmem>> -> memref<800xi32, #tpu.memory_space<vmem>>
        %dma_start3A_223 = arith.constant 0 : i32
        %dma_start3A_224 = arith.constant 0 : i32
        %dma_start3A_225 = tpu.memref_slice %arg2[%dma_start3A_223, %dma_start3A_224] : memref<100001x64xf32, #tpu.memory_space<hbm>> -> memref<100001x64xf32, #tpu.memory_space<hbm>>
        tpu.enqueue_indirect_dma source(%dma_start3A_225 : memref<100001x64xf32, #tpu.memory_space<hbm>>) target(%arg35 : memref<800x64xf32, #tpu.memory_space<vmem>>) offsets(%dma_start3A_222 : memref<800xi32, #tpu.memory_space<vmem>>) semaphore(%arg38 : memref<!tpu.dma_semaphore, #tpu.memory_space<semaphore_mem>>)
        %add3A_226 = arith.constant 1 : i32
        %add3A_227 = arith.addi %scan3A_125, %add3A_226 : i32
        %dma_start3A_228 = arith.constant 0 : i32
        %dma_start3A_229 = tpu.memref_slice %arg32[%add3A_227, %dma_start3A_228] : memref<4x800xi32, #tpu.memory_space<vmem>> -> memref<1x800xi32, #tpu.memory_space<vmem>>
        %dma_start3A_230 = tpu.memref_squeeze %dma_start3A_229 : memref<1x800xi32, #tpu.memory_space<vmem>> -> memref<800xi32, #tpu.memory_space<vmem>>
        %dma_start3A_231 = arith.constant 0 : i32
        %dma_start3A_232 = arith.constant 0 : i32
        %dma_start3A_233 = tpu.memref_slice %arg2[%dma_start3A_231, %dma_start3A_232] : memref<100001x64xf32, #tpu.memory_space<hbm>> -> memref<100001x64xf32, #tpu.memory_space<hbm>>
        tpu.enqueue_indirect_dma source(%dma_start3A_233 : memref<100001x64xf32, #tpu.memory_space<hbm>>) target(%arg36 : memref<800x64xf32, #tpu.memory_space<vmem>>) offsets(%dma_start3A_230 : memref<800xi32, #tpu.memory_space<vmem>>) semaphore(%arg41 : memref<!tpu.dma_semaphore, #tpu.memory_space<semaphore_mem>>)
      } else {
      }
    }
    %scan3A_20 = arith.constant 4 : i32
    "tpu.region"() ({
      %run_scoped3A_125 = tpu.sem_alloc : memref<!tpu.dma_semaphore, #tpu.memory_space<semaphore_mem>>
      %dma_start3A_126 = arith.constant 0 : i32
      %dma_start3A_127 = arith.constant 0 : i32
      %dma_start3A_128 = tpu.memref_slice %arg16[%add3A, %dma_start3A_126, %dma_start3A_127] : memref<32x4x800xi32, #tpu.memory_space<hbm>> -> memref<1x4x800xi32, #tpu.memory_space<hbm>>
      %dma_start3A_129 = tpu.memref_squeeze %dma_start3A_128 : memref<1x4x800xi32, #tpu.memory_space<hbm>> -> memref<4x800xi32, #tpu.memory_space<hbm>>
      %dma_start3A_130 = arith.constant 0 : i32
      %dma_start3A_131 = arith.constant 0 : i32
      %dma_start3A_132 = tpu.memref_slice %arg16[%add3A, %dma_start3A_130, %dma_start3A_131] : memref<32x4x800xi32, #tpu.memory_space<hbm>> -> memref<1x4x800xi32, #tpu.memory_space<hbm>>
      %dma_start3A_133 = tpu.memref_squeeze %dma_start3A_132 : memref<1x4x800xi32, #tpu.memory_space<hbm>> -> memref<4x800xi32, #tpu.memory_space<hbm>>
      tpu.enqueue_dma source(%dma_start3A_133 : memref<4x800xi32, #tpu.memory_space<hbm>>) target(%arg29 : memref<4x800xi32, #tpu.memory_space<vmem>>) target_semaphore(%run_scoped3A_125 : memref<!tpu.dma_semaphore, #tpu.memory_space<semaphore_mem>>)
      %dma_wait3A_134 = arith.constant 0 : i32
      %dma_wait3A_135 = arith.constant 0 : i32
      %dma_wait3A_136 = tpu.memref_slice %arg16[%add3A, %dma_wait3A_134, %dma_wait3A_135] : memref<32x4x800xi32, #tpu.memory_space<hbm>> -> memref<1x4x800xi32, #tpu.memory_space<hbm>>
      %dma_wait3A_137 = tpu.memref_squeeze %dma_wait3A_136 : memref<1x4x800xi32, #tpu.memory_space<hbm>> -> memref<4x800xi32, #tpu.memory_space<hbm>>
      %dma_wait3A_138 = arith.constant 0 : i32
      %dma_wait3A_139 = arith.constant 0 : i32
      %dma_wait3A_140 = tpu.memref_slice %arg16[%add3A, %dma_wait3A_138, %dma_wait3A_139] : memref<32x4x800xi32, #tpu.memory_space<hbm>> -> memref<1x4x800xi32, #tpu.memory_space<hbm>>
      %dma_wait3A_141 = tpu.memref_squeeze %dma_wait3A_140 : memref<1x4x800xi32, #tpu.memory_space<hbm>> -> memref<4x800xi32, #tpu.memory_space<hbm>>
      tpu.wait_dma2 semaphore(%run_scoped3A_125 : memref<!tpu.dma_semaphore, #tpu.memory_space<semaphore_mem>>) src(%dma_wait3A_141 : memref<4x800xi32, #tpu.memory_space<hbm>>) dst(%arg29 : memref<4x800xi32, #tpu.memory_space<vmem>>)
      tpu.yield
    }) : () -> ()
    "tpu.region"() ({
      %run_scoped3A_125 = tpu.sem_alloc : memref<!tpu.dma_semaphore, #tpu.memory_space<semaphore_mem>>
      %dma_start3A_126 = arith.constant 0 : i32
      %dma_start3A_127 = arith.constant 0 : i32
      %dma_start3A_128 = tpu.memref_slice %arg17[%add3A, %dma_start3A_126, %dma_start3A_127] : memref<32x4x800xi32, #tpu.memory_space<hbm>> -> memref<1x4x800xi32, #tpu.memory_space<hbm>>
      %dma_start3A_129 = tpu.memref_squeeze %dma_start3A_128 : memref<1x4x800xi32, #tpu.memory_space<hbm>> -> memref<4x800xi32, #tpu.memory_space<hbm>>
      %dma_start3A_130 = arith.constant 0 : i32
      %dma_start3A_131 = arith.constant 0 : i32
      %dma_start3A_132 = tpu.memref_slice %arg17[%add3A, %dma_start3A_130, %dma_start3A_131] : memref<32x4x800xi32, #tpu.memory_space<hbm>> -> memref<1x4x800xi32, #tpu.memory_space<hbm>>
      %dma_start3A_133 = tpu.memref_squeeze %dma_start3A_132 : memref<1x4x800xi32, #tpu.memory_space<hbm>> -> memref<4x800xi32, #tpu.memory_space<hbm>>
      tpu.enqueue_dma source(%dma_start3A_133 : memref<4x800xi32, #tpu.memory_space<hbm>>) target(%arg30 : memref<4x800xi32, #tpu.memory_space<vmem>>) target_semaphore(%run_scoped3A_125 : memref<!tpu.dma_semaphore, #tpu.memory_space<semaphore_mem>>)
      %dma_wait3A_134 = arith.constant 0 : i32
      %dma_wait3A_135 = arith.constant 0 : i32
      %dma_wait3A_136 = tpu.memref_slice %arg17[%add3A, %dma_wait3A_134, %dma_wait3A_135] : memref<32x4x800xi32, #tpu.memory_space<hbm>> -> memref<1x4x800xi32, #tpu.memory_space<hbm>>
      %dma_wait3A_137 = tpu.memref_squeeze %dma_wait3A_136 : memref<1x4x800xi32, #tpu.memory_space<hbm>> -> memref<4x800xi32, #tpu.memory_space<hbm>>
      %dma_wait3A_138 = arith.constant 0 : i32
      %dma_wait3A_139 = arith.constant 0 : i32
      %dma_wait3A_140 = tpu.memref_slice %arg17[%add3A, %dma_wait3A_138, %dma_wait3A_139] : memref<32x4x800xi32, #tpu.memory_space<hbm>> -> memref<1x4x800xi32, #tpu.memory_space<hbm>>
      %dma_wait3A_141 = tpu.memref_squeeze %dma_wait3A_140 : memref<1x4x800xi32, #tpu.memory_space<hbm>> -> memref<4x800xi32, #tpu.memory_space<hbm>>
      tpu.wait_dma2 semaphore(%run_scoped3A_125 : memref<!tpu.dma_semaphore, #tpu.memory_space<semaphore_mem>>) src(%dma_wait3A_141 : memref<4x800xi32, #tpu.memory_space<hbm>>) dst(%arg30 : memref<4x800xi32, #tpu.memory_space<vmem>>)
      tpu.yield
    }) : () -> ()
    "tpu.region"() ({
      %run_scoped3A_125 = tpu.sem_alloc : memref<!tpu.dma_semaphore, #tpu.memory_space<semaphore_mem>>
      %dma_start3A_126 = arith.constant 0 : i32
      %dma_start3A_127 = arith.constant 0 : i32
      %dma_start3A_128 = tpu.memref_slice %arg18[%add3A, %dma_start3A_126, %dma_start3A_127] : memref<32x4x800xi32, #tpu.memory_space<hbm>> -> memref<1x4x800xi32, #tpu.memory_space<hbm>>
      %dma_start3A_129 = tpu.memref_squeeze %dma_start3A_128 : memref<1x4x800xi32, #tpu.memory_space<hbm>> -> memref<4x800xi32, #tpu.memory_space<hbm>>
      %dma_start3A_130 = arith.constant 0 : i32
      %dma_start3A_131 = arith.constant 0 : i32
      %dma_start3A_132 = tpu.memref_slice %arg18[%add3A, %dma_start3A_130, %dma_start3A_131] : memref<32x4x800xi32, #tpu.memory_space<hbm>> -> memref<1x4x800xi32, #tpu.memory_space<hbm>>
      %dma_start3A_133 = tpu.memref_squeeze %dma_start3A_132 : memref<1x4x800xi32, #tpu.memory_space<hbm>> -> memref<4x800xi32, #tpu.memory_space<hbm>>
      tpu.enqueue_dma source(%dma_start3A_133 : memref<4x800xi32, #tpu.memory_space<hbm>>) target(%arg31 : memref<4x800xi32, #tpu.memory_space<vmem>>) target_semaphore(%run_scoped3A_125 : memref<!tpu.dma_semaphore, #tpu.memory_space<semaphore_mem>>)
      %dma_wait3A_134 = arith.constant 0 : i32
      %dma_wait3A_135 = arith.constant 0 : i32
      %dma_wait3A_136 = tpu.memref_slice %arg18[%add3A, %dma_wait3A_134, %dma_wait3A_135] : memref<32x4x800xi32, #tpu.memory_space<hbm>> -> memref<1x4x800xi32, #tpu.memory_space<hbm>>
      %dma_wait3A_137 = tpu.memref_squeeze %dma_wait3A_136 : memref<1x4x800xi32, #tpu.memory_space<hbm>> -> memref<4x800xi32, #tpu.memory_space<hbm>>
      %dma_wait3A_138 = arith.constant 0 : i32
      %dma_wait3A_139 = arith.constant 0 : i32
      %dma_wait3A_140 = tpu.memref_slice %arg18[%add3A, %dma_wait3A_138, %dma_wait3A_139] : memref<32x4x800xi32, #tpu.memory_space<hbm>> -> memref<1x4x800xi32, #tpu.memory_space<hbm>>
      %dma_wait3A_141 = tpu.memref_squeeze %dma_wait3A_140 : memref<1x4x800xi32, #tpu.memory_space<hbm>> -> memref<4x800xi32, #tpu.memory_space<hbm>>
      tpu.wait_dma2 semaphore(%run_scoped3A_125 : memref<!tpu.dma_semaphore, #tpu.memory_space<semaphore_mem>>) src(%dma_wait3A_141 : memref<4x800xi32, #tpu.memory_space<hbm>>) dst(%arg31 : memref<4x800xi32, #tpu.memory_space<vmem>>)
      tpu.yield
    }) : () -> ()
    "tpu.region"() ({
      %run_scoped3A_125 = tpu.sem_alloc : memref<!tpu.dma_semaphore, #tpu.memory_space<semaphore_mem>>
      %dma_start3A_126 = arith.constant 0 : i32
      %dma_start3A_127 = arith.constant 0 : i32
      %dma_start3A_128 = tpu.memref_slice %arg19[%add3A, %dma_start3A_126, %dma_start3A_127] : memref<32x4x800xi32, #tpu.memory_space<hbm>> -> memref<1x4x800xi32, #tpu.memory_space<hbm>>
      %dma_start3A_129 = tpu.memref_squeeze %dma_start3A_128 : memref<1x4x800xi32, #tpu.memory_space<hbm>> -> memref<4x800xi32, #tpu.memory_space<hbm>>
      %dma_start3A_130 = arith.constant 0 : i32
      %dma_start3A_131 = arith.constant 0 : i32
      %dma_start3A_132 = tpu.memref_slice %arg19[%add3A, %dma_start3A_130, %dma_start3A_131] : memref<32x4x800xi32, #tpu.memory_space<hbm>> -> memref<1x4x800xi32, #tpu.memory_space<hbm>>
      %dma_start3A_133 = tpu.memref_squeeze %dma_start3A_132 : memref<1x4x800xi32, #tpu.memory_space<hbm>> -> memref<4x800xi32, #tpu.memory_space<hbm>>
      tpu.enqueue_dma source(%dma_start3A_133 : memref<4x800xi32, #tpu.memory_space<hbm>>) target(%arg32 : memref<4x800xi32, #tpu.memory_space<vmem>>) target_semaphore(%run_scoped3A_125 : memref<!tpu.dma_semaphore, #tpu.memory_space<semaphore_mem>>)
      %dma_wait3A_134 = arith.constant 0 : i32
      %dma_wait3A_135 = arith.constant 0 : i32
      %dma_wait3A_136 = tpu.memref_slice %arg19[%add3A, %dma_wait3A_134, %dma_wait3A_135] : memref<32x4x800xi32, #tpu.memory_space<hbm>> -> memref<1x4x800xi32, #tpu.memory_space<hbm>>
      %dma_wait3A_137 = tpu.memref_squeeze %dma_wait3A_136 : memref<1x4x800xi32, #tpu.memory_space<hbm>> -> memref<4x800xi32, #tpu.memory_space<hbm>>
      %dma_wait3A_138 = arith.constant 0 : i32
      %dma_wait3A_139 = arith.constant 0 : i32
      %dma_wait3A_140 = tpu.memref_slice %arg19[%add3A, %dma_wait3A_138, %dma_wait3A_139] : memref<32x4x800xi32, #tpu.memory_space<hbm>> -> memref<1x4x800xi32, #tpu.memory_space<hbm>>
      %dma_wait3A_141 = tpu.memref_squeeze %dma_wait3A_140 : memref<1x4x800xi32, #tpu.memory_space<hbm>> -> memref<4x800xi32, #tpu.memory_space<hbm>>
      tpu.wait_dma2 semaphore(%run_scoped3A_125 : memref<!tpu.dma_semaphore, #tpu.memory_space<semaphore_mem>>) src(%dma_wait3A_141 : memref<4x800xi32, #tpu.memory_space<hbm>>) dst(%arg32 : memref<4x800xi32, #tpu.memory_space<vmem>>)
      tpu.yield
    }) : () -> ()
    %dma_start3A_21 = arith.constant 0 : i32
    %dma_start3A_22 = arith.constant 0 : i32
    %dma_start3A_23 = tpu.memref_slice %arg29[%dma_start3A_21, %dma_start3A_22] : memref<4x800xi32, #tpu.memory_space<vmem>> -> memref<1x800xi32, #tpu.memory_space<vmem>>
    %dma_start3A_24 = tpu.memref_squeeze %dma_start3A_23 : memref<1x800xi32, #tpu.memory_space<vmem>> -> memref<800xi32, #tpu.memory_space<vmem>>
    %dma_start3A_25 = arith.constant 0 : i32
    %dma_start3A_26 = arith.constant 0 : i32
    %dma_start3A_27 = tpu.memref_slice %arg2[%dma_start3A_25, %dma_start3A_26] : memref<100001x64xf32, #tpu.memory_space<hbm>> -> memref<100001x64xf32, #tpu.memory_space<hbm>>
    tpu.enqueue_indirect_dma source(%dma_start3A_27 : memref<100001x64xf32, #tpu.memory_space<hbm>>) target(%arg35 : memref<800x64xf32, #tpu.memory_space<vmem>>) offsets(%dma_start3A_24 : memref<800xi32, #tpu.memory_space<vmem>>) semaphore(%arg38 : memref<!tpu.dma_semaphore, #tpu.memory_space<semaphore_mem>>)
    %dma_start3A_28 = arith.constant 0 : i32
    %dma_start3A_29 = arith.constant 0 : i32
    %dma_start3A_30 = tpu.memref_slice %arg32[%dma_start3A_28, %dma_start3A_29] : memref<4x800xi32, #tpu.memory_space<vmem>> -> memref<1x800xi32, #tpu.memory_space<vmem>>
    %dma_start3A_31 = tpu.memref_squeeze %dma_start3A_30 : memref<1x800xi32, #tpu.memory_space<vmem>> -> memref<800xi32, #tpu.memory_space<vmem>>
    %dma_start3A_32 = arith.constant 0 : i32
    %dma_start3A_33 = arith.constant 0 : i32
    %dma_start3A_34 = tpu.memref_slice %arg5[%dma_start3A_32, %dma_start3A_33] : memref<16384x64xf32, #tpu.memory_space<hbm>> -> memref<16384x64xf32, #tpu.memory_space<hbm>>
    tpu.enqueue_indirect_dma source(%dma_start3A_34 : memref<16384x64xf32, #tpu.memory_space<hbm>>) target(%arg36 : memref<800x64xf32, #tpu.memory_space<vmem>>) offsets(%dma_start3A_31 : memref<800xi32, #tpu.memory_space<vmem>>) semaphore(%arg41 : memref<!tpu.dma_semaphore, #tpu.memory_space<semaphore_mem>>)
    %scan3A_35 = arith.constant 0 : i32
    %scan3A_36 = arith.constant 0 : i32
    %scan3A_37 = arith.constant 4 : i32
    %scan3A_38 = arith.addi %scan3A_36, %scan3A_37 : i32
    %scan3A_39 = arith.constant 1 : i32
    scf.for %scan3A_125 = %scan3A_36 to %scan3A_38 step %scan3A_39  : i32 {
      %dma_wait3A_126 = arith.constant 0 : i32
      %dma_wait3A_127 = tpu.memref_slice %arg29[%scan3A_125, %dma_wait3A_126] : memref<4x800xi32, #tpu.memory_space<vmem>> -> memref<1x800xi32, #tpu.memory_space<vmem>>
      %dma_wait3A_128 = tpu.memref_squeeze %dma_wait3A_127 : memref<1x800xi32, #tpu.memory_space<vmem>> -> memref<800xi32, #tpu.memory_space<vmem>>
      %dma_wait3A_129 = arith.constant 0 : i32
      %dma_wait3A_130 = arith.constant 0 : i32
      %dma_wait3A_131 = tpu.memref_slice %arg2[%dma_wait3A_129, %dma_wait3A_130] : memref<100001x64xf32, #tpu.memory_space<hbm>> -> memref<100001x64xf32, #tpu.memory_space<hbm>>
      tpu.wait_indirect_dma semaphore(%arg38 : memref<!tpu.dma_semaphore, #tpu.memory_space<semaphore_mem>>) src(%dma_wait3A_131 : memref<100001x64xf32, #tpu.memory_space<hbm>>) dst(%arg35 : memref<800x64xf32, #tpu.memory_space<vmem>>)
      %dma_start3A_132 = arith.constant 0 : i32
      %dma_start3A_133 = tpu.memref_slice %arg30[%scan3A_125, %dma_start3A_132] : memref<4x800xi32, #tpu.memory_space<vmem>> -> memref<1x800xi32, #tpu.memory_space<vmem>>
      %dma_start3A_134 = tpu.memref_squeeze %dma_start3A_133 : memref<1x800xi32, #tpu.memory_space<vmem>> -> memref<800xi32, #tpu.memory_space<vmem>>
      %dma_start3A_135 = arith.constant 0 : i32
      %dma_start3A_136 = arith.constant 0 : i32
      %dma_start3A_137 = tpu.memref_slice %arg3[%dma_start3A_135, %dma_start3A_136] : memref<1001x64xf32, #tpu.memory_space<hbm>> -> memref<1001x64xf32, #tpu.memory_space<hbm>>
      tpu.enqueue_indirect_dma source(%dma_start3A_137 : memref<1001x64xf32, #tpu.memory_space<hbm>>) target(%arg35 : memref<800x64xf32, #tpu.memory_space<vmem>>) offsets(%dma_start3A_134 : memref<800xi32, #tpu.memory_space<vmem>>) semaphore(%arg39 : memref<!tpu.dma_semaphore, #tpu.memory_space<semaphore_mem>>) {add = true}
      %dma_start3A_138 = arith.constant 0 : i32
      %dma_start3A_139 = tpu.memref_slice %arg31[%scan3A_125, %dma_start3A_138] : memref<4x800xi32, #tpu.memory_space<vmem>> -> memref<1x800xi32, #tpu.memory_space<vmem>>
      %dma_start3A_140 = tpu.memref_squeeze %dma_start3A_139 : memref<1x800xi32, #tpu.memory_space<vmem>> -> memref<800xi32, #tpu.memory_space<vmem>>
      %dma_start3A_141 = arith.constant 0 : i32
      %dma_start3A_142 = arith.constant 0 : i32
      %dma_start3A_143 = tpu.memref_slice %arg4[%dma_start3A_141, %dma_start3A_142] : memref<10001x64xf32, #tpu.memory_space<hbm>> -> memref<10001x64xf32, #tpu.memory_space<hbm>>
      tpu.enqueue_indirect_dma source(%dma_start3A_143 : memref<10001x64xf32, #tpu.memory_space<hbm>>) target(%arg35 : memref<800x64xf32, #tpu.memory_space<vmem>>) offsets(%dma_start3A_140 : memref<800xi32, #tpu.memory_space<vmem>>) semaphore(%arg39 : memref<!tpu.dma_semaphore, #tpu.memory_space<semaphore_mem>>) {add = true}
      %dma_wait3A_144 = arith.constant 0 : i32
      %dma_wait3A_145 = tpu.memref_slice %arg32[%scan3A_125, %dma_wait3A_144] : memref<4x800xi32, #tpu.memory_space<vmem>> -> memref<1x800xi32, #tpu.memory_space<vmem>>
      %dma_wait3A_146 = tpu.memref_squeeze %dma_wait3A_145 : memref<1x800xi32, #tpu.memory_space<vmem>> -> memref<800xi32, #tpu.memory_space<vmem>>
      %dma_wait3A_147 = arith.constant 0 : i32
      %dma_wait3A_148 = arith.constant 0 : i32
      %dma_wait3A_149 = tpu.memref_slice %arg5[%dma_wait3A_147, %dma_wait3A_148] : memref<16384x64xf32, #tpu.memory_space<hbm>> -> memref<16384x64xf32, #tpu.memory_space<hbm>>
      tpu.wait_indirect_dma semaphore(%arg41 : memref<!tpu.dma_semaphore, #tpu.memory_space<semaphore_mem>>) src(%dma_wait3A_149 : memref<16384x64xf32, #tpu.memory_space<hbm>>) dst(%arg36 : memref<800x64xf32, #tpu.memory_space<vmem>>)
      %dma_wait3A_150 = arith.constant 0 : i32
      %dma_wait3A_151 = tpu.memref_slice %arg30[%scan3A_125, %dma_wait3A_150] : memref<4x800xi32, #tpu.memory_space<vmem>> -> memref<1x800xi32, #tpu.memory_space<vmem>>
      %dma_wait3A_152 = tpu.memref_squeeze %dma_wait3A_151 : memref<1x800xi32, #tpu.memory_space<vmem>> -> memref<800xi32, #tpu.memory_space<vmem>>
      %dma_wait3A_153 = arith.constant 0 : i32
      %dma_wait3A_154 = arith.constant 0 : i32
      %dma_wait3A_155 = tpu.memref_slice %arg3[%dma_wait3A_153, %dma_wait3A_154] : memref<1001x64xf32, #tpu.memory_space<hbm>> -> memref<1001x64xf32, #tpu.memory_space<hbm>>
      tpu.wait_indirect_dma semaphore(%arg39 : memref<!tpu.dma_semaphore, #tpu.memory_space<semaphore_mem>>) src(%dma_wait3A_155 : memref<1001x64xf32, #tpu.memory_space<hbm>>) dst(%arg35 : memref<800x64xf32, #tpu.memory_space<vmem>>)
      %dma_wait3A_156 = arith.constant 0 : i32
      %dma_wait3A_157 = tpu.memref_slice %arg31[%scan3A_125, %dma_wait3A_156] : memref<4x800xi32, #tpu.memory_space<vmem>> -> memref<1x800xi32, #tpu.memory_space<vmem>>
      %dma_wait3A_158 = tpu.memref_squeeze %dma_wait3A_157 : memref<1x800xi32, #tpu.memory_space<vmem>> -> memref<800xi32, #tpu.memory_space<vmem>>
      %dma_wait3A_159 = arith.constant 0 : i32
      %dma_wait3A_160 = arith.constant 0 : i32
      %dma_wait3A_161 = tpu.memref_slice %arg4[%dma_wait3A_159, %dma_wait3A_160] : memref<10001x64xf32, #tpu.memory_space<hbm>> -> memref<10001x64xf32, #tpu.memory_space<hbm>>
      tpu.wait_indirect_dma semaphore(%arg39 : memref<!tpu.dma_semaphore, #tpu.memory_space<semaphore_mem>>) src(%dma_wait3A_161 : memref<10001x64xf32, #tpu.memory_space<hbm>>) dst(%arg35 : memref<800x64xf32, #tpu.memory_space<vmem>>)
      %mul3A_162 = arith.constant 800 : i32
      %mul3A_163 = arith.muli %scan3A_125, %mul3A_162 : i32
      %add3A_164 = arith.addi %mul3A_2, %mul3A_163 : i32
      %dma_start3A_165 = arith.constant 0 : i32
      %dma_start3A_166 = tpu.memref_slice %arg26[%add3A_164, %dma_start3A_165] : memref<102400x64xf32, #tpu.memory_space<hbm>> -> memref<800x64xf32, #tpu.memory_space<hbm>>
      %dma_start3A_167 = arith.constant 0 : i32
      %dma_start3A_168 = tpu.memref_slice %arg26[%add3A_164, %dma_start3A_167] : memref<102400x64xf32, #tpu.memory_space<hbm>> -> memref<800x64xf32, #tpu.memory_space<hbm>>
      tpu.enqueue_dma source(%arg35 : memref<800x64xf32, #tpu.memory_space<vmem>>) target(%dma_start3A_168 : memref<800x64xf32, #tpu.memory_space<hbm>>) target_semaphore(%arg40 : memref<!tpu.dma_semaphore, #tpu.memory_space<semaphore_mem>>)
      %mul3A_169 = arith.constant 800 : i32
      %mul3A_170 = arith.muli %scan3A_125, %mul3A_169 : i32
      %add3A_171 = arith.addi %mul3A_2, %mul3A_170 : i32
      %dma_start3A_172 = arith.constant 0 : i32
      %dma_start3A_173 = tpu.memref_slice %arg27[%add3A_171, %dma_start3A_172] : memref<102400x64xf32, #tpu.memory_space<hbm>> -> memref<800x64xf32, #tpu.memory_space<hbm>>
      %dma_start3A_174 = arith.constant 0 : i32
      %dma_start3A_175 = tpu.memref_slice %arg27[%add3A_171, %dma_start3A_174] : memref<102400x64xf32, #tpu.memory_space<hbm>> -> memref<800x64xf32, #tpu.memory_space<hbm>>
      tpu.enqueue_dma source(%arg36 : memref<800x64xf32, #tpu.memory_space<vmem>>) target(%dma_start3A_175 : memref<800x64xf32, #tpu.memory_space<hbm>>) target_semaphore(%arg43 : memref<!tpu.dma_semaphore, #tpu.memory_space<semaphore_mem>>)
      %mul3A_176 = arith.constant 800 : i32
      %mul3A_177 = arith.muli %scan3A_125, %mul3A_176 : i32
      %add3A_178 = arith.addi %mul3A_2, %mul3A_177 : i32
      %dma_wait3A_179 = arith.constant 0 : i32
      %dma_wait3A_180 = tpu.memref_slice %arg26[%add3A_178, %dma_wait3A_179] : memref<102400x64xf32, #tpu.memory_space<hbm>> -> memref<800x64xf32, #tpu.memory_space<hbm>>
      %dma_wait3A_181 = arith.constant 0 : i32
      %dma_wait3A_182 = tpu.memref_slice %arg26[%add3A_178, %dma_wait3A_181] : memref<102400x64xf32, #tpu.memory_space<hbm>> -> memref<800x64xf32, #tpu.memory_space<hbm>>
      tpu.wait_dma2 semaphore(%arg40 : memref<!tpu.dma_semaphore, #tpu.memory_space<semaphore_mem>>) src(%arg35 : memref<800x64xf32, #tpu.memory_space<vmem>>) dst(%dma_wait3A_182 : memref<800x64xf32, #tpu.memory_space<hbm>>)
      %mul3A_183 = arith.constant 800 : i32
      %mul3A_184 = arith.muli %scan3A_125, %mul3A_183 : i32
      %add3A_185 = arith.addi %mul3A_2, %mul3A_184 : i32
      %dma_wait3A_186 = arith.constant 0 : i32
      %dma_wait3A_187 = tpu.memref_slice %arg27[%add3A_185, %dma_wait3A_186] : memref<102400x64xf32, #tpu.memory_space<hbm>> -> memref<800x64xf32, #tpu.memory_space<hbm>>
      %dma_wait3A_188 = arith.constant 0 : i32
      %dma_wait3A_189 = tpu.memref_slice %arg27[%add3A_185, %dma_wait3A_188] : memref<102400x64xf32, #tpu.memory_space<hbm>> -> memref<800x64xf32, #tpu.memory_space<hbm>>
      tpu.wait_dma2 semaphore(%arg43 : memref<!tpu.dma_semaphore, #tpu.memory_space<semaphore_mem>>) src(%arg36 : memref<800x64xf32, #tpu.memory_space<vmem>>) dst(%dma_wait3A_189 : memref<800x64xf32, #tpu.memory_space<hbm>>)
      %add3A_190 = arith.constant 1 : i32
      %add3A_191 = arith.addi %scan3A_125, %add3A_190 : i32
      %lt3A = arith.constant 4 : i32
      %lt3A_192 = arith.cmpi slt, %add3A_191, %lt3A : i32
      %convert_element_type3A = arith.extui %lt3A_192 : i1 to i32
      %cond3A = arith.constant 0 : i32
      %cond3A_193 = arith.cmpi ne, %convert_element_type3A, %cond3A : i32
      scf.if %cond3A_193 {
        %add3A_194 = arith.constant 1 : i32
        %add3A_195 = arith.addi %scan3A_125, %add3A_194 : i32
        %dma_start3A_196 = arith.constant 0 : i32
        %dma_start3A_197 = tpu.memref_slice %arg29[%add3A_195, %dma_start3A_196] : memref<4x800xi32, #tpu.memory_space<vmem>> -> memref<1x800xi32, #tpu.memory_space<vmem>>
        %dma_start3A_198 = tpu.memref_squeeze %dma_start3A_197 : memref<1x800xi32, #tpu.memory_space<vmem>> -> memref<800xi32, #tpu.memory_space<vmem>>
        %dma_start3A_199 = arith.constant 0 : i32
        %dma_start3A_200 = arith.constant 0 : i32
        %dma_start3A_201 = tpu.memref_slice %arg2[%dma_start3A_199, %dma_start3A_200] : memref<100001x64xf32, #tpu.memory_space<hbm>> -> memref<100001x64xf32, #tpu.memory_space<hbm>>
        tpu.enqueue_indirect_dma source(%dma_start3A_201 : memref<100001x64xf32, #tpu.memory_space<hbm>>) target(%arg35 : memref<800x64xf32, #tpu.memory_space<vmem>>) offsets(%dma_start3A_198 : memref<800xi32, #tpu.memory_space<vmem>>) semaphore(%arg38 : memref<!tpu.dma_semaphore, #tpu.memory_space<semaphore_mem>>)
        %add3A_202 = arith.constant 1 : i32
        %add3A_203 = arith.addi %scan3A_125, %add3A_202 : i32
        %dma_start3A_204 = arith.constant 0 : i32
        %dma_start3A_205 = tpu.memref_slice %arg32[%add3A_203, %dma_start3A_204] : memref<4x800xi32, #tpu.memory_space<vmem>> -> memref<1x800xi32, #tpu.memory_space<vmem>>
        %dma_start3A_206 = tpu.memref_squeeze %dma_start3A_205 : memref<1x800xi32, #tpu.memory_space<vmem>> -> memref<800xi32, #tpu.memory_space<vmem>>
        %dma_start3A_207 = arith.constant 0 : i32
        %dma_start3A_208 = arith.constant 0 : i32
        %dma_start3A_209 = tpu.memref_slice %arg5[%dma_start3A_207, %dma_start3A_208] : memref<16384x64xf32, #tpu.memory_space<hbm>> -> memref<16384x64xf32, #tpu.memory_space<hbm>>
        tpu.enqueue_indirect_dma source(%dma_start3A_209 : memref<16384x64xf32, #tpu.memory_space<hbm>>) target(%arg36 : memref<800x64xf32, #tpu.memory_space<vmem>>) offsets(%dma_start3A_206 : memref<800xi32, #tpu.memory_space<vmem>>) semaphore(%arg41 : memref<!tpu.dma_semaphore, #tpu.memory_space<semaphore_mem>>)
      } else {
      }
    }
    %scan3A_40 = arith.constant 4 : i32
    %run_scoped3A = arith.constant 0 : i32
    "tpu.region"() ({
      %run_scoped3A_125 = tpu.sem_alloc : memref<!tpu.dma_semaphore, #tpu.memory_space<semaphore_mem>>
      %dma_start3A_126 = arith.constant 0 : i32
      %dma_start3A_127 = tpu.memref_slice %arg37[%run_scoped3A, %dma_start3A_126] : memref<4x16xi32, #tpu.memory_space<vmem>> -> memref<1x16xi32, #tpu.memory_space<vmem>>
      %dma_start3A_128 = tpu.memref_squeeze %dma_start3A_127 : memref<1x16xi32, #tpu.memory_space<vmem>> -> memref<16xi32, #tpu.memory_space<vmem>>
      %dma_start3A_129 = arith.constant 0 : i32
      %dma_start3A_130 = tpu.memref_slice %arg20[%add3A, %dma_start3A_129] : memref<32x16xi32, #tpu.memory_space<hbm>> -> memref<1x16xi32, #tpu.memory_space<hbm>>
      %dma_start3A_131 = tpu.memref_squeeze %dma_start3A_130 : memref<1x16xi32, #tpu.memory_space<hbm>> -> memref<16xi32, #tpu.memory_space<hbm>>
      %dma_start3A_132 = arith.constant 0 : i32
      %dma_start3A_133 = tpu.memref_slice %arg37[%run_scoped3A, %dma_start3A_132] : memref<4x16xi32, #tpu.memory_space<vmem>> -> memref<1x16xi32, #tpu.memory_space<vmem>>
      %dma_start3A_134 = tpu.memref_squeeze %dma_start3A_133 : memref<1x16xi32, #tpu.memory_space<vmem>> -> memref<16xi32, #tpu.memory_space<vmem>>
      %dma_start3A_135 = arith.constant 0 : i32
      %dma_start3A_136 = tpu.memref_slice %arg20[%add3A, %dma_start3A_135] : memref<32x16xi32, #tpu.memory_space<hbm>> -> memref<1x16xi32, #tpu.memory_space<hbm>>
      %dma_start3A_137 = tpu.memref_squeeze %dma_start3A_136 : memref<1x16xi32, #tpu.memory_space<hbm>> -> memref<16xi32, #tpu.memory_space<hbm>>
      tpu.enqueue_dma source(%dma_start3A_137 : memref<16xi32, #tpu.memory_space<hbm>>) target(%dma_start3A_134 : memref<16xi32, #tpu.memory_space<vmem>>) target_semaphore(%run_scoped3A_125 : memref<!tpu.dma_semaphore, #tpu.memory_space<semaphore_mem>>)
      %dma_wait3A_138 = arith.constant 0 : i32
      %dma_wait3A_139 = tpu.memref_slice %arg37[%run_scoped3A, %dma_wait3A_138] : memref<4x16xi32, #tpu.memory_space<vmem>> -> memref<1x16xi32, #tpu.memory_space<vmem>>
      %dma_wait3A_140 = tpu.memref_squeeze %dma_wait3A_139 : memref<1x16xi32, #tpu.memory_space<vmem>> -> memref<16xi32, #tpu.memory_space<vmem>>
      %dma_wait3A_141 = arith.constant 0 : i32
      %dma_wait3A_142 = tpu.memref_slice %arg20[%add3A, %dma_wait3A_141] : memref<32x16xi32, #tpu.memory_space<hbm>> -> memref<1x16xi32, #tpu.memory_space<hbm>>
      %dma_wait3A_143 = tpu.memref_squeeze %dma_wait3A_142 : memref<1x16xi32, #tpu.memory_space<hbm>> -> memref<16xi32, #tpu.memory_space<hbm>>
      %dma_wait3A_144 = arith.constant 0 : i32
      %dma_wait3A_145 = tpu.memref_slice %arg37[%run_scoped3A, %dma_wait3A_144] : memref<4x16xi32, #tpu.memory_space<vmem>> -> memref<1x16xi32, #tpu.memory_space<vmem>>
      %dma_wait3A_146 = tpu.memref_squeeze %dma_wait3A_145 : memref<1x16xi32, #tpu.memory_space<vmem>> -> memref<16xi32, #tpu.memory_space<vmem>>
      %dma_wait3A_147 = arith.constant 0 : i32
      %dma_wait3A_148 = tpu.memref_slice %arg20[%add3A, %dma_wait3A_147] : memref<32x16xi32, #tpu.memory_space<hbm>> -> memref<1x16xi32, #tpu.memory_space<hbm>>
      %dma_wait3A_149 = tpu.memref_squeeze %dma_wait3A_148 : memref<1x16xi32, #tpu.memory_space<hbm>> -> memref<16xi32, #tpu.memory_space<hbm>>
      tpu.wait_dma2 semaphore(%run_scoped3A_125 : memref<!tpu.dma_semaphore, #tpu.memory_space<semaphore_mem>>) src(%dma_wait3A_149 : memref<16xi32, #tpu.memory_space<hbm>>) dst(%dma_wait3A_146 : memref<16xi32, #tpu.memory_space<vmem>>)
      tpu.yield
    }) : () -> ()
    %run_scoped3A_41 = arith.constant 1 : i32
    "tpu.region"() ({
      %run_scoped3A_125 = tpu.sem_alloc : memref<!tpu.dma_semaphore, #tpu.memory_space<semaphore_mem>>
      %dma_start3A_126 = arith.constant 0 : i32
      %dma_start3A_127 = tpu.memref_slice %arg37[%run_scoped3A_41, %dma_start3A_126] : memref<4x16xi32, #tpu.memory_space<vmem>> -> memref<1x16xi32, #tpu.memory_space<vmem>>
      %dma_start3A_128 = tpu.memref_squeeze %dma_start3A_127 : memref<1x16xi32, #tpu.memory_space<vmem>> -> memref<16xi32, #tpu.memory_space<vmem>>
      %dma_start3A_129 = arith.constant 0 : i32
      %dma_start3A_130 = tpu.memref_slice %arg21[%add3A, %dma_start3A_129] : memref<32x16xi32, #tpu.memory_space<hbm>> -> memref<1x16xi32, #tpu.memory_space<hbm>>
      %dma_start3A_131 = tpu.memref_squeeze %dma_start3A_130 : memref<1x16xi32, #tpu.memory_space<hbm>> -> memref<16xi32, #tpu.memory_space<hbm>>
      %dma_start3A_132 = arith.constant 0 : i32
      %dma_start3A_133 = tpu.memref_slice %arg37[%run_scoped3A_41, %dma_start3A_132] : memref<4x16xi32, #tpu.memory_space<vmem>> -> memref<1x16xi32, #tpu.memory_space<vmem>>
      %dma_start3A_134 = tpu.memref_squeeze %dma_start3A_133 : memref<1x16xi32, #tpu.memory_space<vmem>> -> memref<16xi32, #tpu.memory_space<vmem>>
      %dma_start3A_135 = arith.constant 0 : i32
      %dma_start3A_136 = tpu.memref_slice %arg21[%add3A, %dma_start3A_135] : memref<32x16xi32, #tpu.memory_space<hbm>> -> memref<1x16xi32, #tpu.memory_space<hbm>>
      %dma_start3A_137 = tpu.memref_squeeze %dma_start3A_136 : memref<1x16xi32, #tpu.memory_space<hbm>> -> memref<16xi32, #tpu.memory_space<hbm>>
      tpu.enqueue_dma source(%dma_start3A_137 : memref<16xi32, #tpu.memory_space<hbm>>) target(%dma_start3A_134 : memref<16xi32, #tpu.memory_space<vmem>>) target_semaphore(%run_scoped3A_125 : memref<!tpu.dma_semaphore, #tpu.memory_space<semaphore_mem>>)
      %dma_wait3A_138 = arith.constant 0 : i32
      %dma_wait3A_139 = tpu.memref_slice %arg37[%run_scoped3A_41, %dma_wait3A_138] : memref<4x16xi32, #tpu.memory_space<vmem>> -> memref<1x16xi32, #tpu.memory_space<vmem>>
      %dma_wait3A_140 = tpu.memref_squeeze %dma_wait3A_139 : memref<1x16xi32, #tpu.memory_space<vmem>> -> memref<16xi32, #tpu.memory_space<vmem>>
      %dma_wait3A_141 = arith.constant 0 : i32
      %dma_wait3A_142 = tpu.memref_slice %arg21[%add3A, %dma_wait3A_141] : memref<32x16xi32, #tpu.memory_space<hbm>> -> memref<1x16xi32, #tpu.memory_space<hbm>>
      %dma_wait3A_143 = tpu.memref_squeeze %dma_wait3A_142 : memref<1x16xi32, #tpu.memory_space<hbm>> -> memref<16xi32, #tpu.memory_space<hbm>>
      %dma_wait3A_144 = arith.constant 0 : i32
      %dma_wait3A_145 = tpu.memref_slice %arg37[%run_scoped3A_41, %dma_wait3A_144] : memref<4x16xi32, #tpu.memory_space<vmem>> -> memref<1x16xi32, #tpu.memory_space<vmem>>
      %dma_wait3A_146 = tpu.memref_squeeze %dma_wait3A_145 : memref<1x16xi32, #tpu.memory_space<vmem>> -> memref<16xi32, #tpu.memory_space<vmem>>
      %dma_wait3A_147 = arith.constant 0 : i32
      %dma_wait3A_148 = tpu.memref_slice %arg21[%add3A, %dma_wait3A_147] : memref<32x16xi32, #tpu.memory_space<hbm>> -> memref<1x16xi32, #tpu.memory_space<hbm>>
      %dma_wait3A_149 = tpu.memref_squeeze %dma_wait3A_148 : memref<1x16xi32, #tpu.memory_space<hbm>> -> memref<16xi32, #tpu.memory_space<hbm>>
      tpu.wait_dma2 semaphore(%run_scoped3A_125 : memref<!tpu.dma_semaphore, #tpu.memory_space<semaphore_mem>>) src(%dma_wait3A_149 : memref<16xi32, #tpu.memory_space<hbm>>) dst(%dma_wait3A_146 : memref<16xi32, #tpu.memory_space<vmem>>)
      tpu.yield
    }) : () -> ()
    %run_scoped3A_42 = arith.constant 2 : i32
    "tpu.region"() ({
      %run_scoped3A_125 = tpu.sem_alloc : memref<!tpu.dma_semaphore, #tpu.memory_space<semaphore_mem>>
      %dma_start3A_126 = arith.constant 0 : i32
      %dma_start3A_127 = tpu.memref_slice %arg37[%run_scoped3A_42, %dma_start3A_126] : memref<4x16xi32, #tpu.memory_space<vmem>> -> memref<1x16xi32, #tpu.memory_space<vmem>>
      %dma_start3A_128 = tpu.memref_squeeze %dma_start3A_127 : memref<1x16xi32, #tpu.memory_space<vmem>> -> memref<16xi32, #tpu.memory_space<vmem>>
      %dma_start3A_129 = arith.constant 0 : i32
      %dma_start3A_130 = tpu.memref_slice %arg22[%add3A, %dma_start3A_129] : memref<32x16xi32, #tpu.memory_space<hbm>> -> memref<1x16xi32, #tpu.memory_space<hbm>>
      %dma_start3A_131 = tpu.memref_squeeze %dma_start3A_130 : memref<1x16xi32, #tpu.memory_space<hbm>> -> memref<16xi32, #tpu.memory_space<hbm>>
      %dma_start3A_132 = arith.constant 0 : i32
      %dma_start3A_133 = tpu.memref_slice %arg37[%run_scoped3A_42, %dma_start3A_132] : memref<4x16xi32, #tpu.memory_space<vmem>> -> memref<1x16xi32, #tpu.memory_space<vmem>>
      %dma_start3A_134 = tpu.memref_squeeze %dma_start3A_133 : memref<1x16xi32, #tpu.memory_space<vmem>> -> memref<16xi32, #tpu.memory_space<vmem>>
      %dma_start3A_135 = arith.constant 0 : i32
      %dma_start3A_136 = tpu.memref_slice %arg22[%add3A, %dma_start3A_135] : memref<32x16xi32, #tpu.memory_space<hbm>> -> memref<1x16xi32, #tpu.memory_space<hbm>>
      %dma_start3A_137 = tpu.memref_squeeze %dma_start3A_136 : memref<1x16xi32, #tpu.memory_space<hbm>> -> memref<16xi32, #tpu.memory_space<hbm>>
      tpu.enqueue_dma source(%dma_start3A_137 : memref<16xi32, #tpu.memory_space<hbm>>) target(%dma_start3A_134 : memref<16xi32, #tpu.memory_space<vmem>>) target_semaphore(%run_scoped3A_125 : memref<!tpu.dma_semaphore, #tpu.memory_space<semaphore_mem>>)
      %dma_wait3A_138 = arith.constant 0 : i32
      %dma_wait3A_139 = tpu.memref_slice %arg37[%run_scoped3A_42, %dma_wait3A_138] : memref<4x16xi32, #tpu.memory_space<vmem>> -> memref<1x16xi32, #tpu.memory_space<vmem>>
      %dma_wait3A_140 = tpu.memref_squeeze %dma_wait3A_139 : memref<1x16xi32, #tpu.memory_space<vmem>> -> memref<16xi32, #tpu.memory_space<vmem>>
      %dma_wait3A_141 = arith.constant 0 : i32
      %dma_wait3A_142 = tpu.memref_slice %arg22[%add3A, %dma_wait3A_141] : memref<32x16xi32, #tpu.memory_space<hbm>> -> memref<1x16xi32, #tpu.memory_space<hbm>>
      %dma_wait3A_143 = tpu.memref_squeeze %dma_wait3A_142 : memref<1x16xi32, #tpu.memory_space<hbm>> -> memref<16xi32, #tpu.memory_space<hbm>>
      %dma_wait3A_144 = arith.constant 0 : i32
      %dma_wait3A_145 = tpu.memref_slice %arg37[%run_scoped3A_42, %dma_wait3A_144] : memref<4x16xi32, #tpu.memory_space<vmem>> -> memref<1x16xi32, #tpu.memory_space<vmem>>
      %dma_wait3A_146 = tpu.memref_squeeze %dma_wait3A_145 : memref<1x16xi32, #tpu.memory_space<vmem>> -> memref<16xi32, #tpu.memory_space<vmem>>
      %dma_wait3A_147 = arith.constant 0 : i32
      %dma_wait3A_148 = tpu.memref_slice %arg22[%add3A, %dma_wait3A_147] : memref<32x16xi32, #tpu.memory_space<hbm>> -> memref<1x16xi32, #tpu.memory_space<hbm>>
      %dma_wait3A_149 = tpu.memref_squeeze %dma_wait3A_148 : memref<1x16xi32, #tpu.memory_space<hbm>> -> memref<16xi32, #tpu.memory_space<hbm>>
      tpu.wait_dma2 semaphore(%run_scoped3A_125 : memref<!tpu.dma_semaphore, #tpu.memory_space<semaphore_mem>>) src(%dma_wait3A_149 : memref<16xi32, #tpu.memory_space<hbm>>) dst(%dma_wait3A_146 : memref<16xi32, #tpu.memory_space<vmem>>)
      tpu.yield
    }) : () -> ()
    %run_scoped3A_43 = arith.constant 3 : i32
    "tpu.region"() ({
      %run_scoped3A_125 = tpu.sem_alloc : memref<!tpu.dma_semaphore, #tpu.memory_space<semaphore_mem>>
      %dma_start3A_126 = arith.constant 0 : i32
      %dma_start3A_127 = tpu.memref_slice %arg37[%run_scoped3A_43, %dma_start3A_126] : memref<4x16xi32, #tpu.memory_space<vmem>> -> memref<1x16xi32, #tpu.memory_space<vmem>>
      %dma_start3A_128 = tpu.memref_squeeze %dma_start3A_127 : memref<1x16xi32, #tpu.memory_space<vmem>> -> memref<16xi32, #tpu.memory_space<vmem>>
      %dma_start3A_129 = arith.constant 0 : i32
      %dma_start3A_130 = tpu.memref_slice %arg23[%add3A, %dma_start3A_129] : memref<32x16xi32, #tpu.memory_space<hbm>> -> memref<1x16xi32, #tpu.memory_space<hbm>>
      %dma_start3A_131 = tpu.memref_squeeze %dma_start3A_130 : memref<1x16xi32, #tpu.memory_space<hbm>> -> memref<16xi32, #tpu.memory_space<hbm>>
      %dma_start3A_132 = arith.constant 0 : i32
      %dma_start3A_133 = tpu.memref_slice %arg37[%run_scoped3A_43, %dma_start3A_132] : memref<4x16xi32, #tpu.memory_space<vmem>> -> memref<1x16xi32, #tpu.memory_space<vmem>>
      %dma_start3A_134 = tpu.memref_squeeze %dma_start3A_133 : memref<1x16xi32, #tpu.memory_space<vmem>> -> memref<16xi32, #tpu.memory_space<vmem>>
      %dma_start3A_135 = arith.constant 0 : i32
      %dma_start3A_136 = tpu.memref_slice %arg23[%add3A, %dma_start3A_135] : memref<32x16xi32, #tpu.memory_space<hbm>> -> memref<1x16xi32, #tpu.memory_space<hbm>>
      %dma_start3A_137 = tpu.memref_squeeze %dma_start3A_136 : memref<1x16xi32, #tpu.memory_space<hbm>> -> memref<16xi32, #tpu.memory_space<hbm>>
      tpu.enqueue_dma source(%dma_start3A_137 : memref<16xi32, #tpu.memory_space<hbm>>) target(%dma_start3A_134 : memref<16xi32, #tpu.memory_space<vmem>>) target_semaphore(%run_scoped3A_125 : memref<!tpu.dma_semaphore, #tpu.memory_space<semaphore_mem>>)
      %dma_wait3A_138 = arith.constant 0 : i32
      %dma_wait3A_139 = tpu.memref_slice %arg37[%run_scoped3A_43, %dma_wait3A_138] : memref<4x16xi32, #tpu.memory_space<vmem>> -> memref<1x16xi32, #tpu.memory_space<vmem>>
      %dma_wait3A_140 = tpu.memref_squeeze %dma_wait3A_139 : memref<1x16xi32, #tpu.memory_space<vmem>> -> memref<16xi32, #tpu.memory_space<vmem>>
      %dma_wait3A_141 = arith.constant 0 : i32
      %dma_wait3A_142 = tpu.memref_slice %arg23[%add3A, %dma_wait3A_141] : memref<32x16xi32, #tpu.memory_space<hbm>> -> memref<1x16xi32, #tpu.memory_space<hbm>>
      %dma_wait3A_143 = tpu.memref_squeeze %dma_wait3A_142 : memref<1x16xi32, #tpu.memory_space<hbm>> -> memref<16xi32, #tpu.memory_space<hbm>>
      %dma_wait3A_144 = arith.constant 0 : i32
      %dma_wait3A_145 = tpu.memref_slice %arg37[%run_scoped3A_43, %dma_wait3A_144] : memref<4x16xi32, #tpu.memory_space<vmem>> -> memref<1x16xi32, #tpu.memory_space<vmem>>
      %dma_wait3A_146 = tpu.memref_squeeze %dma_wait3A_145 : memref<1x16xi32, #tpu.memory_space<vmem>> -> memref<16xi32, #tpu.memory_space<vmem>>
      %dma_wait3A_147 = arith.constant 0 : i32
      %dma_wait3A_148 = tpu.memref_slice %arg23[%add3A, %dma_wait3A_147] : memref<32x16xi32, #tpu.memory_space<hbm>> -> memref<1x16xi32, #tpu.memory_space<hbm>>
      %dma_wait3A_149 = tpu.memref_squeeze %dma_wait3A_148 : memref<1x16xi32, #tpu.memory_space<hbm>> -> memref<16xi32, #tpu.memory_space<hbm>>
      tpu.wait_dma2 semaphore(%run_scoped3A_125 : memref<!tpu.dma_semaphore, #tpu.memory_space<semaphore_mem>>) src(%dma_wait3A_149 : memref<16xi32, #tpu.memory_space<hbm>>) dst(%dma_wait3A_146 : memref<16xi32, #tpu.memory_space<vmem>>)
      tpu.yield
    }) : () -> ()
    %dma_start3A_44 = arith.constant 0 : i32
    %dma_start3A_45 = arith.constant 0 : i32
    %dma_start3A_46 = arith.constant 0 : i32
    %dma_start3A_47 = tpu.memref_slice %arg35[%dma_start3A_45, %dma_start3A_46] : memref<800x64xf32, #tpu.memory_space<vmem>> -> memref<16x64xf32, #tpu.memory_space<vmem>>
    %dma_start3A_48 = arith.constant 0 : i32
    %dma_start3A_49 = tpu.memref_slice %arg37[%dma_start3A_44, %dma_start3A_48] : memref<4x16xi32, #tpu.memory_space<vmem>> -> memref<1x16xi32, #tpu.memory_space<vmem>>
    %dma_start3A_50 = tpu.memref_squeeze %dma_start3A_49 : memref<1x16xi32, #tpu.memory_space<vmem>> -> memref<16xi32, #tpu.memory_space<vmem>>
    %dma_start3A_51 = arith.constant 0 : i32
    %dma_start3A_52 = arith.constant 0 : i32
    %dma_start3A_53 = tpu.memref_slice %arg6[%dma_start3A_51, %dma_start3A_52] : memref<100001x64xf32, #tpu.memory_space<hbm>> -> memref<100001x64xf32, #tpu.memory_space<hbm>>
    tpu.enqueue_indirect_dma source(%dma_start3A_53 : memref<100001x64xf32, #tpu.memory_space<hbm>>) target(%dma_start3A_47 : memref<16x64xf32, #tpu.memory_space<vmem>>) offsets(%dma_start3A_50 : memref<16xi32, #tpu.memory_space<vmem>>) semaphore(%arg38 : memref<!tpu.dma_semaphore, #tpu.memory_space<semaphore_mem>>)
    %dma_wait3A = arith.constant 0 : i32
    %dma_wait3A_54 = arith.constant 0 : i32
    %dma_wait3A_55 = arith.constant 0 : i32
    %dma_wait3A_56 = tpu.memref_slice %arg35[%dma_wait3A_54, %dma_wait3A_55] : memref<800x64xf32, #tpu.memory_space<vmem>> -> memref<16x64xf32, #tpu.memory_space<vmem>>
    %dma_wait3A_57 = arith.constant 0 : i32
    %dma_wait3A_58 = tpu.memref_slice %arg37[%dma_wait3A, %dma_wait3A_57] : memref<4x16xi32, #tpu.memory_space<vmem>> -> memref<1x16xi32, #tpu.memory_space<vmem>>
    %dma_wait3A_59 = tpu.memref_squeeze %dma_wait3A_58 : memref<1x16xi32, #tpu.memory_space<vmem>> -> memref<16xi32, #tpu.memory_space<vmem>>
    %dma_wait3A_60 = arith.constant 0 : i32
    %dma_wait3A_61 = arith.constant 0 : i32
    %dma_wait3A_62 = tpu.memref_slice %arg6[%dma_wait3A_60, %dma_wait3A_61] : memref<100001x64xf32, #tpu.memory_space<hbm>> -> memref<100001x64xf32, #tpu.memory_space<hbm>>
    tpu.wait_indirect_dma semaphore(%arg38 : memref<!tpu.dma_semaphore, #tpu.memory_space<semaphore_mem>>) src(%dma_wait3A_62 : memref<100001x64xf32, #tpu.memory_space<hbm>>) dst(%dma_wait3A_56 : memref<16x64xf32, #tpu.memory_space<vmem>>)
    %dma_start3A_63 = arith.constant 1 : i32
    %dma_start3A_64 = arith.constant 0 : i32
    %dma_start3A_65 = arith.constant 0 : i32
    %dma_start3A_66 = tpu.memref_slice %arg35[%dma_start3A_64, %dma_start3A_65] : memref<800x64xf32, #tpu.memory_space<vmem>> -> memref<16x64xf32, #tpu.memory_space<vmem>>
    %dma_start3A_67 = arith.constant 0 : i32
    %dma_start3A_68 = tpu.memref_slice %arg37[%dma_start3A_63, %dma_start3A_67] : memref<4x16xi32, #tpu.memory_space<vmem>> -> memref<1x16xi32, #tpu.memory_space<vmem>>
    %dma_start3A_69 = tpu.memref_squeeze %dma_start3A_68 : memref<1x16xi32, #tpu.memory_space<vmem>> -> memref<16xi32, #tpu.memory_space<vmem>>
    %dma_start3A_70 = arith.constant 0 : i32
    %dma_start3A_71 = arith.constant 0 : i32
    %dma_start3A_72 = tpu.memref_slice %arg7[%dma_start3A_70, %dma_start3A_71] : memref<101x64xf32, #tpu.memory_space<hbm>> -> memref<101x64xf32, #tpu.memory_space<hbm>>
    tpu.enqueue_indirect_dma source(%dma_start3A_72 : memref<101x64xf32, #tpu.memory_space<hbm>>) target(%dma_start3A_66 : memref<16x64xf32, #tpu.memory_space<vmem>>) offsets(%dma_start3A_69 : memref<16xi32, #tpu.memory_space<vmem>>) semaphore(%arg38 : memref<!tpu.dma_semaphore, #tpu.memory_space<semaphore_mem>>) {add = true}
    %dma_start3A_73 = arith.constant 2 : i32
    %dma_start3A_74 = arith.constant 0 : i32
    %dma_start3A_75 = arith.constant 0 : i32
    %dma_start3A_76 = tpu.memref_slice %arg35[%dma_start3A_74, %dma_start3A_75] : memref<800x64xf32, #tpu.memory_space<vmem>> -> memref<16x64xf32, #tpu.memory_space<vmem>>
    %dma_start3A_77 = arith.constant 0 : i32
    %dma_start3A_78 = tpu.memref_slice %arg37[%dma_start3A_73, %dma_start3A_77] : memref<4x16xi32, #tpu.memory_space<vmem>> -> memref<1x16xi32, #tpu.memory_space<vmem>>
    %dma_start3A_79 = tpu.memref_squeeze %dma_start3A_78 : memref<1x16xi32, #tpu.memory_space<vmem>> -> memref<16xi32, #tpu.memory_space<vmem>>
    %dma_start3A_80 = arith.constant 0 : i32
    %dma_start3A_81 = arith.constant 0 : i32
    %dma_start3A_82 = tpu.memref_slice %arg8[%dma_start3A_80, %dma_start3A_81] : memref<11x64xf32, #tpu.memory_space<hbm>> -> memref<11x64xf32, #tpu.memory_space<hbm>>
    tpu.enqueue_indirect_dma source(%dma_start3A_82 : memref<11x64xf32, #tpu.memory_space<hbm>>) target(%dma_start3A_76 : memref<16x64xf32, #tpu.memory_space<vmem>>) offsets(%dma_start3A_79 : memref<16xi32, #tpu.memory_space<vmem>>) semaphore(%arg39 : memref<!tpu.dma_semaphore, #tpu.memory_space<semaphore_mem>>) {add = true}
    %dma_start3A_83 = arith.constant 3 : i32
    %dma_start3A_84 = arith.constant 0 : i32
    %dma_start3A_85 = arith.constant 0 : i32
    %dma_start3A_86 = tpu.memref_slice %arg35[%dma_start3A_84, %dma_start3A_85] : memref<800x64xf32, #tpu.memory_space<vmem>> -> memref<16x64xf32, #tpu.memory_space<vmem>>
    %dma_start3A_87 = arith.constant 0 : i32
    %dma_start3A_88 = tpu.memref_slice %arg37[%dma_start3A_83, %dma_start3A_87] : memref<4x16xi32, #tpu.memory_space<vmem>> -> memref<1x16xi32, #tpu.memory_space<vmem>>
    %dma_start3A_89 = tpu.memref_squeeze %dma_start3A_88 : memref<1x16xi32, #tpu.memory_space<vmem>> -> memref<16xi32, #tpu.memory_space<vmem>>
    %dma_start3A_90 = arith.constant 0 : i32
    %dma_start3A_91 = arith.constant 0 : i32
    %dma_start3A_92 = tpu.memref_slice %arg9[%dma_start3A_90, %dma_start3A_91] : memref<1001x64xf32, #tpu.memory_space<hbm>> -> memref<1001x64xf32, #tpu.memory_space<hbm>>
    tpu.enqueue_indirect_dma source(%dma_start3A_92 : memref<1001x64xf32, #tpu.memory_space<hbm>>) target(%dma_start3A_86 : memref<16x64xf32, #tpu.memory_space<vmem>>) offsets(%dma_start3A_89 : memref<16xi32, #tpu.memory_space<vmem>>) semaphore(%arg40 : memref<!tpu.dma_semaphore, #tpu.memory_space<semaphore_mem>>) {add = true}
    %dma_wait3A_93 = arith.constant 1 : i32
    %dma_wait3A_94 = arith.constant 0 : i32
    %dma_wait3A_95 = arith.constant 0 : i32
    %dma_wait3A_96 = tpu.memref_slice %arg35[%dma_wait3A_94, %dma_wait3A_95] : memref<800x64xf32, #tpu.memory_space<vmem>> -> memref<16x64xf32, #tpu.memory_space<vmem>>
    %dma_wait3A_97 = arith.constant 0 : i32
    %dma_wait3A_98 = tpu.memref_slice %arg37[%dma_wait3A_93, %dma_wait3A_97] : memref<4x16xi32, #tpu.memory_space<vmem>> -> memref<1x16xi32, #tpu.memory_space<vmem>>
    %dma_wait3A_99 = tpu.memref_squeeze %dma_wait3A_98 : memref<1x16xi32, #tpu.memory_space<vmem>> -> memref<16xi32, #tpu.memory_space<vmem>>
    %dma_wait3A_100 = arith.constant 0 : i32
    %dma_wait3A_101 = arith.constant 0 : i32
    %dma_wait3A_102 = tpu.memref_slice %arg7[%dma_wait3A_100, %dma_wait3A_101] : memref<101x64xf32, #tpu.memory_space<hbm>> -> memref<101x64xf32, #tpu.memory_space<hbm>>
    tpu.wait_indirect_dma semaphore(%arg38 : memref<!tpu.dma_semaphore, #tpu.memory_space<semaphore_mem>>) src(%dma_wait3A_102 : memref<101x64xf32, #tpu.memory_space<hbm>>) dst(%dma_wait3A_96 : memref<16x64xf32, #tpu.memory_space<vmem>>)
    %dma_wait3A_103 = arith.constant 2 : i32
    %dma_wait3A_104 = arith.constant 0 : i32
    %dma_wait3A_105 = arith.constant 0 : i32
    %dma_wait3A_106 = tpu.memref_slice %arg35[%dma_wait3A_104, %dma_wait3A_105] : memref<800x64xf32, #tpu.memory_space<vmem>> -> memref<16x64xf32, #tpu.memory_space<vmem>>
    %dma_wait3A_107 = arith.constant 0 : i32
    %dma_wait3A_108 = tpu.memref_slice %arg37[%dma_wait3A_103, %dma_wait3A_107] : memref<4x16xi32, #tpu.memory_space<vmem>> -> memref<1x16xi32, #tpu.memory_space<vmem>>
    %dma_wait3A_109 = tpu.memref_squeeze %dma_wait3A_108 : memref<1x16xi32, #tpu.memory_space<vmem>> -> memref<16xi32, #tpu.memory_space<vmem>>
    %dma_wait3A_110 = arith.constant 0 : i32
    %dma_wait3A_111 = arith.constant 0 : i32
    %dma_wait3A_112 = tpu.memref_slice %arg8[%dma_wait3A_110, %dma_wait3A_111] : memref<11x64xf32, #tpu.memory_space<hbm>> -> memref<11x64xf32, #tpu.memory_space<hbm>>
    tpu.wait_indirect_dma semaphore(%arg39 : memref<!tpu.dma_semaphore, #tpu.memory_space<semaphore_mem>>) src(%dma_wait3A_112 : memref<11x64xf32, #tpu.memory_space<hbm>>) dst(%dma_wait3A_106 : memref<16x64xf32, #tpu.memory_space<vmem>>)
    %dma_wait3A_113 = arith.constant 3 : i32
    %dma_wait3A_114 = arith.constant 0 : i32
    %dma_wait3A_115 = arith.constant 0 : i32
    %dma_wait3A_116 = tpu.memref_slice %arg35[%dma_wait3A_114, %dma_wait3A_115] : memref<800x64xf32, #tpu.memory_space<vmem>> -> memref<16x64xf32, #tpu.memory_space<vmem>>
    %dma_wait3A_117 = arith.constant 0 : i32
    %dma_wait3A_118 = tpu.memref_slice %arg37[%dma_wait3A_113, %dma_wait3A_117] : memref<4x16xi32, #tpu.memory_space<vmem>> -> memref<1x16xi32, #tpu.memory_space<vmem>>
    %dma_wait3A_119 = tpu.memref_squeeze %dma_wait3A_118 : memref<1x16xi32, #tpu.memory_space<vmem>> -> memref<16xi32, #tpu.memory_space<vmem>>
    %dma_wait3A_120 = arith.constant 0 : i32
    %dma_wait3A_121 = arith.constant 0 : i32
    %dma_wait3A_122 = tpu.memref_slice %arg9[%dma_wait3A_120, %dma_wait3A_121] : memref<1001x64xf32, #tpu.memory_space<hbm>> -> memref<1001x64xf32, #tpu.memory_space<hbm>>
    tpu.wait_indirect_dma semaphore(%arg40 : memref<!tpu.dma_semaphore, #tpu.memory_space<semaphore_mem>>) src(%dma_wait3A_122 : memref<1001x64xf32, #tpu.memory_space<hbm>>) dst(%dma_wait3A_116 : memref<16x64xf32, #tpu.memory_space<vmem>>)
    %mul3A_123 = arith.constant 16 : i32
    %mul3A_124 = arith.muli %add3A, %mul3A_123 : i32
    "tpu.region"() ({
      %run_scoped3A_125 = tpu.sem_alloc : memref<!tpu.dma_semaphore, #tpu.memory_space<semaphore_mem>>
      %dma_start3A_126 = arith.constant 0 : i32
      %dma_start3A_127 = arith.constant 0 : i32
      %dma_start3A_128 = tpu.memref_slice %arg35[%dma_start3A_126, %dma_start3A_127] : memref<800x64xf32, #tpu.memory_space<vmem>> -> memref<16x64xf32, #tpu.memory_space<vmem>>
      %dma_start3A_129 = arith.constant 0 : i32
      %dma_start3A_130 = tpu.memref_slice %arg28[%mul3A_124, %dma_start3A_129] : memref<512x64xf32, #tpu.memory_space<hbm>> -> memref<16x64xf32, #tpu.memory_space<hbm>>
      %dma_start3A_131 = arith.constant 0 : i32
      %dma_start3A_132 = tpu.memref_slice %arg28[%mul3A_124, %dma_start3A_131] : memref<512x64xf32, #tpu.memory_space<hbm>> -> memref<16x64xf32, #tpu.memory_space<hbm>>
      %dma_start3A_133 = arith.constant 0 : i32
      %dma_start3A_134 = arith.constant 0 : i32
      %dma_start3A_135 = tpu.memref_slice %arg35[%dma_start3A_133, %dma_start3A_134] : memref<800x64xf32, #tpu.memory_space<vmem>> -> memref<16x64xf32, #tpu.memory_space<vmem>>
      tpu.enqueue_dma source(%dma_start3A_135 : memref<16x64xf32, #tpu.memory_space<vmem>>) target(%dma_start3A_132 : memref<16x64xf32, #tpu.memory_space<hbm>>) target_semaphore(%run_scoped3A_125 : memref<!tpu.dma_semaphore, #tpu.memory_space<semaphore_mem>>)
      %dma_wait3A_136 = arith.constant 0 : i32
      %dma_wait3A_137 = arith.constant 0 : i32
      %dma_wait3A_138 = tpu.memref_slice %arg35[%dma_wait3A_136, %dma_wait3A_137] : memref<800x64xf32, #tpu.memory_space<vmem>> -> memref<16x64xf32, #tpu.memory_space<vmem>>
      %dma_wait3A_139 = arith.constant 0 : i32
      %dma_wait3A_140 = tpu.memref_slice %arg28[%mul3A_124, %dma_wait3A_139] : memref<512x64xf32, #tpu.memory_space<hbm>> -> memref<16x64xf32, #tpu.memory_space<hbm>>
      %dma_wait3A_141 = arith.constant 0 : i32
      %dma_wait3A_142 = tpu.memref_slice %arg28[%mul3A_124, %dma_wait3A_141] : memref<512x64xf32, #tpu.memory_space<hbm>> -> memref<16x64xf32, #tpu.memory_space<hbm>>
      %dma_wait3A_143 = arith.constant 0 : i32
      %dma_wait3A_144 = arith.constant 0 : i32
      %dma_wait3A_145 = tpu.memref_slice %arg35[%dma_wait3A_143, %dma_wait3A_144] : memref<800x64xf32, #tpu.memory_space<vmem>> -> memref<16x64xf32, #tpu.memory_space<vmem>>
      tpu.wait_dma2 semaphore(%run_scoped3A_125 : memref<!tpu.dma_semaphore, #tpu.memory_space<semaphore_mem>>) src(%dma_wait3A_145 : memref<16x64xf32, #tpu.memory_space<vmem>>) dst(%dma_wait3A_142 : memref<16x64xf32, #tpu.memory_space<hbm>>)
      tpu.yield
    }) : () -> ()
    return
  }
}

#map = affine_map<(d0, d1) -> (0, 0)>
#map1 = affine_map<(d0, d1) -> (0, 0, 0)>
module attributes {stable_mosaic.version = 14 : i64} {
  func.func @_sc_gather_body(%arg0: i32, %arg1: i32, %arg2: memref<100001x64xf32, #tpu.memory_space<hbm>>, %arg3: memref<1001x64xf32, #tpu.memory_space<hbm>>, %arg4: memref<10001x64xf32, #tpu.memory_space<hbm>>, %arg5: memref<16384x64xf32, #tpu.memory_space<hbm>>, %arg6: memref<100001x64xf32, #tpu.memory_space<hbm>>, %arg7: memref<101x64xf32, #tpu.memory_space<hbm>>, %arg8: memref<11x64xf32, #tpu.memory_space<hbm>>, %arg9: memref<1001x64xf32, #tpu.memory_space<hbm>>, %arg10: memref<32x4x800xi32, #tpu.memory_space<hbm>>, %arg11: memref<32x4x800xi32, #tpu.memory_space<hbm>>, %arg12: memref<32x4x800xi32, #tpu.memory_space<hbm>>, %arg13: memref<32x4x800xi32, #tpu.memory_space<hbm>>, %arg14: memref<32x4x800xi32, #tpu.memory_space<hbm>>, %arg15: memref<32x4x800xi32, #tpu.memory_space<hbm>>, %arg16: memref<32x4x800xi32, #tpu.memory_space<hbm>>, %arg17: memref<32x4x800xi32, #tpu.memory_space<hbm>>, %arg18: memref<32x4x800xi32, #tpu.memory_space<hbm>>, %arg19: memref<32x4x800xi32, #tpu.memory_space<hbm>>, %arg20: memref<32x16xi32, #tpu.memory_space<hbm>>, %arg21: memref<32x16xi32, #tpu.memory_space<hbm>>, %arg22: memref<32x16xi32, #tpu.memory_space<hbm>>, %arg23: memref<32x16xi32, #tpu.memory_space<hbm>>, %arg24: memref<102400x64xf32, #tpu.memory_space<hbm>>, %arg25: memref<102400x64xf32, #tpu.memory_space<hbm>>, %arg26: memref<102400x64xf32, #tpu.memory_space<hbm>>, %arg27: memref<102400x64xf32, #tpu.memory_space<hbm>>, %arg28: memref<512x64xf32, #tpu.memory_space<hbm>>, %arg29: memref<4x800xi32, #tpu.memory_space<vmem>>, %arg30: memref<4x800xi32, #tpu.memory_space<vmem>>, %arg31: memref<4x800xi32, #tpu.memory_space<vmem>>, %arg32: memref<4x800xi32, #tpu.memory_space<vmem>>, %arg33: memref<4x800xi32, #tpu.memory_space<vmem>>, %arg34: memref<4x800xi32, #tpu.memory_space<vmem>>, %arg35: memref<800x64xf32, #tpu.memory_space<vmem>>, %arg36: memref<800x64xf32, #tpu.memory_space<vmem>>, %arg37: memref<4x16xi32, #tpu.memory_space<vmem>>, %arg38: memref<!tpu.dma_semaphore, #tpu.memory_space<semaphore_mem>>, %arg39: memref<!tpu.dma_semaphore, #tpu.memory_space<semaphore_mem>>, %arg40: memref<!tpu.dma_semaphore, #tpu.memory_space<semaphore_mem>>, %arg41: memref<!tpu.dma_semaphore, #tpu.memory_space<semaphore_mem>>, %arg42: memref<!tpu.dma_semaphore, #tpu.memory_space<semaphore_mem>>, %arg43: memref<!tpu.dma_semaphore, #tpu.memory_space<semaphore_mem>>) attributes {dimension_semantics = [#tpu.dimension_semantics<core_parallel>, #tpu.dimension_semantics<subcore_parallel>], iteration_bounds = array<i64: 2, 16>, scalar_prefetch = 0 : i64, scratch_operands = 15 : i64, tpu.core_type = #tpu.core_type<sc_vector_subcore>, window_params = [{transform_indices = #map}, {transform_indices = #map}, {transform_indices = #map}, {transform_indices = #map}, {transform_indices = #map}, {transform_indices = #map}, {transform_indices = #map}, {transform_indices = #map}, {transform_indices = #map1}, {transform_indices = #map1}, {transform_indices = #map1}, {transform_indices = #map1}, {transform_indices = #map1}, {transform_indices = #map1}, {transform_indices = #map1}, {transform_indices = #map1}, {transform_indices = #map1}, {transform_indices = #map1}, {transform_indices = #map}, {transform_indices = #map}, {transform_indices = #map}, {transform_indices = #map}, {transform_indices = #map}, {transform_indices = #map}, {transform_indices = #map}, {transform_indices = #map}, {transform_indices = #map}]} {
    %mul3A = arith.constant 2 : i32
    %mul3A_0 = arith.muli %arg1, %mul3A : i32
    %add3A = arith.addi %mul3A_0, %arg0 : i32
    %mul3A_1 = arith.constant 3200 : i32
    %mul3A_2 = arith.muli %add3A, %mul3A_1 : i32
    "tpu.region"() ({
      %run_scoped3A_125 = tpu.sem_alloc : memref<!tpu.dma_semaphore, #tpu.memory_space<semaphore_mem>>
      %dma_start3A_126 = arith.constant 0 : i32
      %dma_start3A_127 = arith.constant 0 : i32
      %dma_start3A_128 = tpu.memref_slice %arg10[%add3A, %dma_start3A_126, %dma_start3A_127] : memref<32x4x800xi32, #tpu.memory_space<hbm>> -> memref<1x4x800xi32, #tpu.memory_space<hbm>>
      %dma_start3A_129 = tpu.memref_squeeze %dma_start3A_128 : memref<1x4x800xi32, #tpu.memory_space<hbm>> -> memref<4x800xi32, #tpu.memory_space<hbm>>
      %dma_start3A_130 = arith.constant 0 : i32
      %dma_start3A_131 = arith.constant 0 : i32
      %dma_start3A_132 = tpu.memref_slice %arg10[%add3A, %dma_start3A_130, %dma_start3A_131] : memref<32x4x800xi32, #tpu.memory_space<hbm>> -> memref<1x4x800xi32, #tpu.memory_space<hbm>>
      %dma_start3A_133 = tpu.memref_squeeze %dma_start3A_132 : memref<1x4x800xi32, #tpu.memory_space<hbm>> -> memref<4x800xi32, #tpu.memory_space<hbm>>
      tpu.enqueue_dma source(%dma_start3A_133 : memref<4x800xi32, #tpu.memory_space<hbm>>) target(%arg29 : memref<4x800xi32, #tpu.memory_space<vmem>>) target_semaphore(%run_scoped3A_125 : memref<!tpu.dma_semaphore, #tpu.memory_space<semaphore_mem>>)
      %dma_wait3A_134 = arith.constant 0 : i32
      %dma_wait3A_135 = arith.constant 0 : i32
      %dma_wait3A_136 = tpu.memref_slice %arg10[%add3A, %dma_wait3A_134, %dma_wait3A_135] : memref<32x4x800xi32, #tpu.memory_space<hbm>> -> memref<1x4x800xi32, #tpu.memory_space<hbm>>
      %dma_wait3A_137 = tpu.memref_squeeze %dma_wait3A_136 : memref<1x4x800xi32, #tpu.memory_space<hbm>> -> memref<4x800xi32, #tpu.memory_space<hbm>>
      %dma_wait3A_138 = arith.constant 0 : i32
      %dma_wait3A_139 = arith.constant 0 : i32
      %dma_wait3A_140 = tpu.memref_slice %arg10[%add3A, %dma_wait3A_138, %dma_wait3A_139] : memref<32x4x800xi32, #tpu.memory_space<hbm>> -> memref<1x4x800xi32, #tpu.memory_space<hbm>>
      %dma_wait3A_141 = tpu.memref_squeeze %dma_wait3A_140 : memref<1x4x800xi32, #tpu.memory_space<hbm>> -> memref<4x800xi32, #tpu.memory_space<hbm>>
      tpu.wait_dma2 semaphore(%run_scoped3A_125 : memref<!tpu.dma_semaphore, #tpu.memory_space<semaphore_mem>>) src(%dma_wait3A_141 : memref<4x800xi32, #tpu.memory_space<hbm>>) dst(%arg29 : memref<4x800xi32, #tpu.memory_space<vmem>>)
      tpu.yield
    }) : () -> ()
    "tpu.region"() ({
      %run_scoped3A_125 = tpu.sem_alloc : memref<!tpu.dma_semaphore, #tpu.memory_space<semaphore_mem>>
      %dma_start3A_126 = arith.constant 0 : i32
      %dma_start3A_127 = arith.constant 0 : i32
      %dma_start3A_128 = tpu.memref_slice %arg11[%add3A, %dma_start3A_126, %dma_start3A_127] : memref<32x4x800xi32, #tpu.memory_space<hbm>> -> memref<1x4x800xi32, #tpu.memory_space<hbm>>
      %dma_start3A_129 = tpu.memref_squeeze %dma_start3A_128 : memref<1x4x800xi32, #tpu.memory_space<hbm>> -> memref<4x800xi32, #tpu.memory_space<hbm>>
      %dma_start3A_130 = arith.constant 0 : i32
      %dma_start3A_131 = arith.constant 0 : i32
      %dma_start3A_132 = tpu.memref_slice %arg11[%add3A, %dma_start3A_130, %dma_start3A_131] : memref<32x4x800xi32, #tpu.memory_space<hbm>> -> memref<1x4x800xi32, #tpu.memory_space<hbm>>
      %dma_start3A_133 = tpu.memref_squeeze %dma_start3A_132 : memref<1x4x800xi32, #tpu.memory_space<hbm>> -> memref<4x800xi32, #tpu.memory_space<hbm>>
      tpu.enqueue_dma source(%dma_start3A_133 : memref<4x800xi32, #tpu.memory_space<hbm>>) target(%arg30 : memref<4x800xi32, #tpu.memory_space<vmem>>) target_semaphore(%run_scoped3A_125 : memref<!tpu.dma_semaphore, #tpu.memory_space<semaphore_mem>>)
      %dma_wait3A_134 = arith.constant 0 : i32
      %dma_wait3A_135 = arith.constant 0 : i32
      %dma_wait3A_136 = tpu.memref_slice %arg11[%add3A, %dma_wait3A_134, %dma_wait3A_135] : memref<32x4x800xi32, #tpu.memory_space<hbm>> -> memref<1x4x800xi32, #tpu.memory_space<hbm>>
      %dma_wait3A_137 = tpu.memref_squeeze %dma_wait3A_136 : memref<1x4x800xi32, #tpu.memory_space<hbm>> -> memref<4x800xi32, #tpu.memory_space<hbm>>
      %dma_wait3A_138 = arith.constant 0 : i32
      %dma_wait3A_139 = arith.constant 0 : i32
      %dma_wait3A_140 = tpu.memref_slice %arg11[%add3A, %dma_wait3A_138, %dma_wait3A_139] : memref<32x4x800xi32, #tpu.memory_space<hbm>> -> memref<1x4x800xi32, #tpu.memory_space<hbm>>
      %dma_wait3A_141 = tpu.memref_squeeze %dma_wait3A_140 : memref<1x4x800xi32, #tpu.memory_space<hbm>> -> memref<4x800xi32, #tpu.memory_space<hbm>>
      tpu.wait_dma2 semaphore(%run_scoped3A_125 : memref<!tpu.dma_semaphore, #tpu.memory_space<semaphore_mem>>) src(%dma_wait3A_141 : memref<4x800xi32, #tpu.memory_space<hbm>>) dst(%arg30 : memref<4x800xi32, #tpu.memory_space<vmem>>)
      tpu.yield
    }) : () -> ()
    "tpu.region"() ({
      %run_scoped3A_125 = tpu.sem_alloc : memref<!tpu.dma_semaphore, #tpu.memory_space<semaphore_mem>>
      %dma_start3A_126 = arith.constant 0 : i32
      %dma_start3A_127 = arith.constant 0 : i32
      %dma_start3A_128 = tpu.memref_slice %arg12[%add3A, %dma_start3A_126, %dma_start3A_127] : memref<32x4x800xi32, #tpu.memory_space<hbm>> -> memref<1x4x800xi32, #tpu.memory_space<hbm>>
      %dma_start3A_129 = tpu.memref_squeeze %dma_start3A_128 : memref<1x4x800xi32, #tpu.memory_space<hbm>> -> memref<4x800xi32, #tpu.memory_space<hbm>>
      %dma_start3A_130 = arith.constant 0 : i32
      %dma_start3A_131 = arith.constant 0 : i32
      %dma_start3A_132 = tpu.memref_slice %arg12[%add3A, %dma_start3A_130, %dma_start3A_131] : memref<32x4x800xi32, #tpu.memory_space<hbm>> -> memref<1x4x800xi32, #tpu.memory_space<hbm>>
      %dma_start3A_133 = tpu.memref_squeeze %dma_start3A_132 : memref<1x4x800xi32, #tpu.memory_space<hbm>> -> memref<4x800xi32, #tpu.memory_space<hbm>>
      tpu.enqueue_dma source(%dma_start3A_133 : memref<4x800xi32, #tpu.memory_space<hbm>>) target(%arg31 : memref<4x800xi32, #tpu.memory_space<vmem>>) target_semaphore(%run_scoped3A_125 : memref<!tpu.dma_semaphore, #tpu.memory_space<semaphore_mem>>)
      %dma_wait3A_134 = arith.constant 0 : i32
      %dma_wait3A_135 = arith.constant 0 : i32
      %dma_wait3A_136 = tpu.memref_slice %arg12[%add3A, %dma_wait3A_134, %dma_wait3A_135] : memref<32x4x800xi32, #tpu.memory_space<hbm>> -> memref<1x4x800xi32, #tpu.memory_space<hbm>>
      %dma_wait3A_137 = tpu.memref_squeeze %dma_wait3A_136 : memref<1x4x800xi32, #tpu.memory_space<hbm>> -> memref<4x800xi32, #tpu.memory_space<hbm>>
      %dma_wait3A_138 = arith.constant 0 : i32
      %dma_wait3A_139 = arith.constant 0 : i32
      %dma_wait3A_140 = tpu.memref_slice %arg12[%add3A, %dma_wait3A_138, %dma_wait3A_139] : memref<32x4x800xi32, #tpu.memory_space<hbm>> -> memref<1x4x800xi32, #tpu.memory_space<hbm>>
      %dma_wait3A_141 = tpu.memref_squeeze %dma_wait3A_140 : memref<1x4x800xi32, #tpu.memory_space<hbm>> -> memref<4x800xi32, #tpu.memory_space<hbm>>
      tpu.wait_dma2 semaphore(%run_scoped3A_125 : memref<!tpu.dma_semaphore, #tpu.memory_space<semaphore_mem>>) src(%dma_wait3A_141 : memref<4x800xi32, #tpu.memory_space<hbm>>) dst(%arg31 : memref<4x800xi32, #tpu.memory_space<vmem>>)
      tpu.yield
    }) : () -> ()
    "tpu.region"() ({
      %run_scoped3A_125 = tpu.sem_alloc : memref<!tpu.dma_semaphore, #tpu.memory_space<semaphore_mem>>
      %dma_start3A_126 = arith.constant 0 : i32
      %dma_start3A_127 = arith.constant 0 : i32
      %dma_start3A_128 = tpu.memref_slice %arg13[%add3A, %dma_start3A_126, %dma_start3A_127] : memref<32x4x800xi32, #tpu.memory_space<hbm>> -> memref<1x4x800xi32, #tpu.memory_space<hbm>>
      %dma_start3A_129 = tpu.memref_squeeze %dma_start3A_128 : memref<1x4x800xi32, #tpu.memory_space<hbm>> -> memref<4x800xi32, #tpu.memory_space<hbm>>
      %dma_start3A_130 = arith.constant 0 : i32
      %dma_start3A_131 = arith.constant 0 : i32
      %dma_start3A_132 = tpu.memref_slice %arg13[%add3A, %dma_start3A_130, %dma_start3A_131] : memref<32x4x800xi32, #tpu.memory_space<hbm>> -> memref<1x4x800xi32, #tpu.memory_space<hbm>>
      %dma_start3A_133 = tpu.memref_squeeze %dma_start3A_132 : memref<1x4x800xi32, #tpu.memory_space<hbm>> -> memref<4x800xi32, #tpu.memory_space<hbm>>
      tpu.enqueue_dma source(%dma_start3A_133 : memref<4x800xi32, #tpu.memory_space<hbm>>) target(%arg32 : memref<4x800xi32, #tpu.memory_space<vmem>>) target_semaphore(%run_scoped3A_125 : memref<!tpu.dma_semaphore, #tpu.memory_space<semaphore_mem>>)
      %dma_wait3A_134 = arith.constant 0 : i32
      %dma_wait3A_135 = arith.constant 0 : i32
      %dma_wait3A_136 = tpu.memref_slice %arg13[%add3A, %dma_wait3A_134, %dma_wait3A_135] : memref<32x4x800xi32, #tpu.memory_space<hbm>> -> memref<1x4x800xi32, #tpu.memory_space<hbm>>
      %dma_wait3A_137 = tpu.memref_squeeze %dma_wait3A_136 : memref<1x4x800xi32, #tpu.memory_space<hbm>> -> memref<4x800xi32, #tpu.memory_space<hbm>>
      %dma_wait3A_138 = arith.constant 0 : i32
      %dma_wait3A_139 = arith.constant 0 : i32
      %dma_wait3A_140 = tpu.memref_slice %arg13[%add3A, %dma_wait3A_138, %dma_wait3A_139] : memref<32x4x800xi32, #tpu.memory_space<hbm>> -> memref<1x4x800xi32, #tpu.memory_space<hbm>>
      %dma_wait3A_141 = tpu.memref_squeeze %dma_wait3A_140 : memref<1x4x800xi32, #tpu.memory_space<hbm>> -> memref<4x800xi32, #tpu.memory_space<hbm>>
      tpu.wait_dma2 semaphore(%run_scoped3A_125 : memref<!tpu.dma_semaphore, #tpu.memory_space<semaphore_mem>>) src(%dma_wait3A_141 : memref<4x800xi32, #tpu.memory_space<hbm>>) dst(%arg32 : memref<4x800xi32, #tpu.memory_space<vmem>>)
      tpu.yield
    }) : () -> ()
    "tpu.region"() ({
      %run_scoped3A_125 = tpu.sem_alloc : memref<!tpu.dma_semaphore, #tpu.memory_space<semaphore_mem>>
      %dma_start3A_126 = arith.constant 0 : i32
      %dma_start3A_127 = arith.constant 0 : i32
      %dma_start3A_128 = tpu.memref_slice %arg14[%add3A, %dma_start3A_126, %dma_start3A_127] : memref<32x4x800xi32, #tpu.memory_space<hbm>> -> memref<1x4x800xi32, #tpu.memory_space<hbm>>
      %dma_start3A_129 = tpu.memref_squeeze %dma_start3A_128 : memref<1x4x800xi32, #tpu.memory_space<hbm>> -> memref<4x800xi32, #tpu.memory_space<hbm>>
      %dma_start3A_130 = arith.constant 0 : i32
      %dma_start3A_131 = arith.constant 0 : i32
      %dma_start3A_132 = tpu.memref_slice %arg14[%add3A, %dma_start3A_130, %dma_start3A_131] : memref<32x4x800xi32, #tpu.memory_space<hbm>> -> memref<1x4x800xi32, #tpu.memory_space<hbm>>
      %dma_start3A_133 = tpu.memref_squeeze %dma_start3A_132 : memref<1x4x800xi32, #tpu.memory_space<hbm>> -> memref<4x800xi32, #tpu.memory_space<hbm>>
      tpu.enqueue_dma source(%dma_start3A_133 : memref<4x800xi32, #tpu.memory_space<hbm>>) target(%arg33 : memref<4x800xi32, #tpu.memory_space<vmem>>) target_semaphore(%run_scoped3A_125 : memref<!tpu.dma_semaphore, #tpu.memory_space<semaphore_mem>>)
      %dma_wait3A_134 = arith.constant 0 : i32
      %dma_wait3A_135 = arith.constant 0 : i32
      %dma_wait3A_136 = tpu.memref_slice %arg14[%add3A, %dma_wait3A_134, %dma_wait3A_135] : memref<32x4x800xi32, #tpu.memory_space<hbm>> -> memref<1x4x800xi32, #tpu.memory_space<hbm>>
      %dma_wait3A_137 = tpu.memref_squeeze %dma_wait3A_136 : memref<1x4x800xi32, #tpu.memory_space<hbm>> -> memref<4x800xi32, #tpu.memory_space<hbm>>
      %dma_wait3A_138 = arith.constant 0 : i32
      %dma_wait3A_139 = arith.constant 0 : i32
      %dma_wait3A_140 = tpu.memref_slice %arg14[%add3A, %dma_wait3A_138, %dma_wait3A_139] : memref<32x4x800xi32, #tpu.memory_space<hbm>> -> memref<1x4x800xi32, #tpu.memory_space<hbm>>
      %dma_wait3A_141 = tpu.memref_squeeze %dma_wait3A_140 : memref<1x4x800xi32, #tpu.memory_space<hbm>> -> memref<4x800xi32, #tpu.memory_space<hbm>>
      tpu.wait_dma2 semaphore(%run_scoped3A_125 : memref<!tpu.dma_semaphore, #tpu.memory_space<semaphore_mem>>) src(%dma_wait3A_141 : memref<4x800xi32, #tpu.memory_space<hbm>>) dst(%arg33 : memref<4x800xi32, #tpu.memory_space<vmem>>)
      tpu.yield
    }) : () -> ()
    "tpu.region"() ({
      %run_scoped3A_125 = tpu.sem_alloc : memref<!tpu.dma_semaphore, #tpu.memory_space<semaphore_mem>>
      %dma_start3A_126 = arith.constant 0 : i32
      %dma_start3A_127 = arith.constant 0 : i32
      %dma_start3A_128 = tpu.memref_slice %arg15[%add3A, %dma_start3A_126, %dma_start3A_127] : memref<32x4x800xi32, #tpu.memory_space<hbm>> -> memref<1x4x800xi32, #tpu.memory_space<hbm>>
      %dma_start3A_129 = tpu.memref_squeeze %dma_start3A_128 : memref<1x4x800xi32, #tpu.memory_space<hbm>> -> memref<4x800xi32, #tpu.memory_space<hbm>>
      %dma_start3A_130 = arith.constant 0 : i32
      %dma_start3A_131 = arith.constant 0 : i32
      %dma_start3A_132 = tpu.memref_slice %arg15[%add3A, %dma_start3A_130, %dma_start3A_131] : memref<32x4x800xi32, #tpu.memory_space<hbm>> -> memref<1x4x800xi32, #tpu.memory_space<hbm>>
      %dma_start3A_133 = tpu.memref_squeeze %dma_start3A_132 : memref<1x4x800xi32, #tpu.memory_space<hbm>> -> memref<4x800xi32, #tpu.memory_space<hbm>>
      tpu.enqueue_dma source(%dma_start3A_133 : memref<4x800xi32, #tpu.memory_space<hbm>>) target(%arg34 : memref<4x800xi32, #tpu.memory_space<vmem>>) target_semaphore(%run_scoped3A_125 : memref<!tpu.dma_semaphore, #tpu.memory_space<semaphore_mem>>)
      %dma_wait3A_134 = arith.constant 0 : i32
      %dma_wait3A_135 = arith.constant 0 : i32
      %dma_wait3A_136 = tpu.memref_slice %arg15[%add3A, %dma_wait3A_134, %dma_wait3A_135] : memref<32x4x800xi32, #tpu.memory_space<hbm>> -> memref<1x4x800xi32, #tpu.memory_space<hbm>>
      %dma_wait3A_137 = tpu.memref_squeeze %dma_wait3A_136 : memref<1x4x800xi32, #tpu.memory_space<hbm>> -> memref<4x800xi32, #tpu.memory_space<hbm>>
      %dma_wait3A_138 = arith.constant 0 : i32
      %dma_wait3A_139 = arith.constant 0 : i32
      %dma_wait3A_140 = tpu.memref_slice %arg15[%add3A, %dma_wait3A_138, %dma_wait3A_139] : memref<32x4x800xi32, #tpu.memory_space<hbm>> -> memref<1x4x800xi32, #tpu.memory_space<hbm>>
      %dma_wait3A_141 = tpu.memref_squeeze %dma_wait3A_140 : memref<1x4x800xi32, #tpu.memory_space<hbm>> -> memref<4x800xi32, #tpu.memory_space<hbm>>
      tpu.wait_dma2 semaphore(%run_scoped3A_125 : memref<!tpu.dma_semaphore, #tpu.memory_space<semaphore_mem>>) src(%dma_wait3A_141 : memref<4x800xi32, #tpu.memory_space<hbm>>) dst(%arg34 : memref<4x800xi32, #tpu.memory_space<vmem>>)
      tpu.yield
    }) : () -> ()
    %dma_start3A = arith.constant 0 : i32
    %dma_start3A_3 = arith.constant 0 : i32
    %dma_start3A_4 = tpu.memref_slice %arg29[%dma_start3A, %dma_start3A_3] : memref<4x800xi32, #tpu.memory_space<vmem>> -> memref<1x800xi32, #tpu.memory_space<vmem>>
    %dma_start3A_5 = tpu.memref_squeeze %dma_start3A_4 : memref<1x800xi32, #tpu.memory_space<vmem>> -> memref<800xi32, #tpu.memory_space<vmem>>
    %dma_start3A_6 = arith.constant 0 : i32
    %dma_start3A_7 = arith.constant 0 : i32
    %dma_start3A_8 = tpu.memref_slice %arg2[%dma_start3A_6, %dma_start3A_7] : memref<100001x64xf32, #tpu.memory_space<hbm>> -> memref<100001x64xf32, #tpu.memory_space<hbm>>
    tpu.enqueue_indirect_dma source(%dma_start3A_8 : memref<100001x64xf32, #tpu.memory_space<hbm>>) target(%arg35 : memref<800x64xf32, #tpu.memory_space<vmem>>) offsets(%dma_start3A_5 : memref<800xi32, #tpu.memory_space<vmem>>) semaphore(%arg38 : memref<!tpu.dma_semaphore, #tpu.memory_space<semaphore_mem>>)
    %dma_start3A_9 = arith.constant 0 : i32
    %dma_start3A_10 = arith.constant 0 : i32
    %dma_start3A_11 = tpu.memref_slice %arg32[%dma_start3A_9, %dma_start3A_10] : memref<4x800xi32, #tpu.memory_space<vmem>> -> memref<1x800xi32, #tpu.memory_space<vmem>>
    %dma_start3A_12 = tpu.memref_squeeze %dma_start3A_11 : memref<1x800xi32, #tpu.memory_space<vmem>> -> memref<800xi32, #tpu.memory_space<vmem>>
    %dma_start3A_13 = arith.constant 0 : i32
    %dma_start3A_14 = arith.constant 0 : i32
    %dma_start3A_15 = tpu.memref_slice %arg2[%dma_start3A_13, %dma_start3A_14] : memref<100001x64xf32, #tpu.memory_space<hbm>> -> memref<100001x64xf32, #tpu.memory_space<hbm>>
    tpu.enqueue_indirect_dma source(%dma_start3A_15 : memref<100001x64xf32, #tpu.memory_space<hbm>>) target(%arg36 : memref<800x64xf32, #tpu.memory_space<vmem>>) offsets(%dma_start3A_12 : memref<800xi32, #tpu.memory_space<vmem>>) semaphore(%arg41 : memref<!tpu.dma_semaphore, #tpu.memory_space<semaphore_mem>>)
    %scan3A = arith.constant 0 : i32
    %scan3A_16 = arith.constant 0 : i32
    %scan3A_17 = arith.constant 4 : i32
    %scan3A_18 = arith.addi %scan3A_16, %scan3A_17 : i32
    %scan3A_19 = arith.constant 1 : i32
    scf.for %scan3A_125 = %scan3A_16 to %scan3A_18 step %scan3A_19  : i32 {
      %dma_wait3A_126 = arith.constant 0 : i32
      %dma_wait3A_127 = tpu.memref_slice %arg29[%scan3A_125, %dma_wait3A_126] : memref<4x800xi32, #tpu.memory_space<vmem>> -> memref<1x800xi32, #tpu.memory_space<vmem>>
      %dma_wait3A_128 = tpu.memref_squeeze %dma_wait3A_127 : memref<1x800xi32, #tpu.memory_space<vmem>> -> memref<800xi32, #tpu.memory_space<vmem>>
      %dma_wait3A_129 = arith.constant 0 : i32
      %dma_wait3A_130 = arith.constant 0 : i32
      %dma_wait3A_131 = tpu.memref_slice %arg2[%dma_wait3A_129, %dma_wait3A_130] : memref<100001x64xf32, #tpu.memory_space<hbm>> -> memref<100001x64xf32, #tpu.memory_space<hbm>>
      tpu.wait_indirect_dma semaphore(%arg38 : memref<!tpu.dma_semaphore, #tpu.memory_space<semaphore_mem>>) src(%dma_wait3A_131 : memref<100001x64xf32, #tpu.memory_space<hbm>>) dst(%arg35 : memref<800x64xf32, #tpu.memory_space<vmem>>)
      %dma_start3A_132 = arith.constant 0 : i32
      %dma_start3A_133 = tpu.memref_slice %arg30[%scan3A_125, %dma_start3A_132] : memref<4x800xi32, #tpu.memory_space<vmem>> -> memref<1x800xi32, #tpu.memory_space<vmem>>
      %dma_start3A_134 = tpu.memref_squeeze %dma_start3A_133 : memref<1x800xi32, #tpu.memory_space<vmem>> -> memref<800xi32, #tpu.memory_space<vmem>>
      %dma_start3A_135 = arith.constant 0 : i32
      %dma_start3A_136 = arith.constant 0 : i32
      %dma_start3A_137 = tpu.memref_slice %arg3[%dma_start3A_135, %dma_start3A_136] : memref<1001x64xf32, #tpu.memory_space<hbm>> -> memref<1001x64xf32, #tpu.memory_space<hbm>>
      tpu.enqueue_indirect_dma source(%dma_start3A_137 : memref<1001x64xf32, #tpu.memory_space<hbm>>) target(%arg35 : memref<800x64xf32, #tpu.memory_space<vmem>>) offsets(%dma_start3A_134 : memref<800xi32, #tpu.memory_space<vmem>>) semaphore(%arg39 : memref<!tpu.dma_semaphore, #tpu.memory_space<semaphore_mem>>) {add = true}
      %dma_start3A_138 = arith.constant 0 : i32
      %dma_start3A_139 = tpu.memref_slice %arg31[%scan3A_125, %dma_start3A_138] : memref<4x800xi32, #tpu.memory_space<vmem>> -> memref<1x800xi32, #tpu.memory_space<vmem>>
      %dma_start3A_140 = tpu.memref_squeeze %dma_start3A_139 : memref<1x800xi32, #tpu.memory_space<vmem>> -> memref<800xi32, #tpu.memory_space<vmem>>
      %dma_start3A_141 = arith.constant 0 : i32
      %dma_start3A_142 = arith.constant 0 : i32
      %dma_start3A_143 = tpu.memref_slice %arg4[%dma_start3A_141, %dma_start3A_142] : memref<10001x64xf32, #tpu.memory_space<hbm>> -> memref<10001x64xf32, #tpu.memory_space<hbm>>
      tpu.enqueue_indirect_dma source(%dma_start3A_143 : memref<10001x64xf32, #tpu.memory_space<hbm>>) target(%arg35 : memref<800x64xf32, #tpu.memory_space<vmem>>) offsets(%dma_start3A_140 : memref<800xi32, #tpu.memory_space<vmem>>) semaphore(%arg39 : memref<!tpu.dma_semaphore, #tpu.memory_space<semaphore_mem>>) {add = true}
      %dma_wait3A_144 = arith.constant 0 : i32
      %dma_wait3A_145 = tpu.memref_slice %arg32[%scan3A_125, %dma_wait3A_144] : memref<4x800xi32, #tpu.memory_space<vmem>> -> memref<1x800xi32, #tpu.memory_space<vmem>>
      %dma_wait3A_146 = tpu.memref_squeeze %dma_wait3A_145 : memref<1x800xi32, #tpu.memory_space<vmem>> -> memref<800xi32, #tpu.memory_space<vmem>>
      %dma_wait3A_147 = arith.constant 0 : i32
      %dma_wait3A_148 = arith.constant 0 : i32
      %dma_wait3A_149 = tpu.memref_slice %arg2[%dma_wait3A_147, %dma_wait3A_148] : memref<100001x64xf32, #tpu.memory_space<hbm>> -> memref<100001x64xf32, #tpu.memory_space<hbm>>
      tpu.wait_indirect_dma semaphore(%arg41 : memref<!tpu.dma_semaphore, #tpu.memory_space<semaphore_mem>>) src(%dma_wait3A_149 : memref<100001x64xf32, #tpu.memory_space<hbm>>) dst(%arg36 : memref<800x64xf32, #tpu.memory_space<vmem>>)
      %dma_start3A_150 = arith.constant 0 : i32
      %dma_start3A_151 = tpu.memref_slice %arg33[%scan3A_125, %dma_start3A_150] : memref<4x800xi32, #tpu.memory_space<vmem>> -> memref<1x800xi32, #tpu.memory_space<vmem>>
      %dma_start3A_152 = tpu.memref_squeeze %dma_start3A_151 : memref<1x800xi32, #tpu.memory_space<vmem>> -> memref<800xi32, #tpu.memory_space<vmem>>
      %dma_start3A_153 = arith.constant 0 : i32
      %dma_start3A_154 = arith.constant 0 : i32
      %dma_start3A_155 = tpu.memref_slice %arg3[%dma_start3A_153, %dma_start3A_154] : memref<1001x64xf32, #tpu.memory_space<hbm>> -> memref<1001x64xf32, #tpu.memory_space<hbm>>
      tpu.enqueue_indirect_dma source(%dma_start3A_155 : memref<1001x64xf32, #tpu.memory_space<hbm>>) target(%arg36 : memref<800x64xf32, #tpu.memory_space<vmem>>) offsets(%dma_start3A_152 : memref<800xi32, #tpu.memory_space<vmem>>) semaphore(%arg42 : memref<!tpu.dma_semaphore, #tpu.memory_space<semaphore_mem>>) {add = true}
      %dma_start3A_156 = arith.constant 0 : i32
      %dma_start3A_157 = tpu.memref_slice %arg34[%scan3A_125, %dma_start3A_156] : memref<4x800xi32, #tpu.memory_space<vmem>> -> memref<1x800xi32, #tpu.memory_space<vmem>>
      %dma_start3A_158 = tpu.memref_squeeze %dma_start3A_157 : memref<1x800xi32, #tpu.memory_space<vmem>> -> memref<800xi32, #tpu.memory_space<vmem>>
      %dma_start3A_159 = arith.constant 0 : i32
      %dma_start3A_160 = arith.constant 0 : i32
      %dma_start3A_161 = tpu.memref_slice %arg4[%dma_start3A_159, %dma_start3A_160] : memref<10001x64xf32, #tpu.memory_space<hbm>> -> memref<10001x64xf32, #tpu.memory_space<hbm>>
      tpu.enqueue_indirect_dma source(%dma_start3A_161 : memref<10001x64xf32, #tpu.memory_space<hbm>>) target(%arg36 : memref<800x64xf32, #tpu.memory_space<vmem>>) offsets(%dma_start3A_158 : memref<800xi32, #tpu.memory_space<vmem>>) semaphore(%arg42 : memref<!tpu.dma_semaphore, #tpu.memory_space<semaphore_mem>>) {add = true}
      %dma_wait3A_162 = arith.constant 0 : i32
      %dma_wait3A_163 = tpu.memref_slice %arg30[%scan3A_125, %dma_wait3A_162] : memref<4x800xi32, #tpu.memory_space<vmem>> -> memref<1x800xi32, #tpu.memory_space<vmem>>
      %dma_wait3A_164 = tpu.memref_squeeze %dma_wait3A_163 : memref<1x800xi32, #tpu.memory_space<vmem>> -> memref<800xi32, #tpu.memory_space<vmem>>
      %dma_wait3A_165 = arith.constant 0 : i32
      %dma_wait3A_166 = arith.constant 0 : i32
      %dma_wait3A_167 = tpu.memref_slice %arg3[%dma_wait3A_165, %dma_wait3A_166] : memref<1001x64xf32, #tpu.memory_space<hbm>> -> memref<1001x64xf32, #tpu.memory_space<hbm>>
      tpu.wait_indirect_dma semaphore(%arg39 : memref<!tpu.dma_semaphore, #tpu.memory_space<semaphore_mem>>) src(%dma_wait3A_167 : memref<1001x64xf32, #tpu.memory_space<hbm>>) dst(%arg35 : memref<800x64xf32, #tpu.memory_space<vmem>>)
      %dma_wait3A_168 = arith.constant 0 : i32
      %dma_wait3A_169 = tpu.memref_slice %arg31[%scan3A_125, %dma_wait3A_168] : memref<4x800xi32, #tpu.memory_space<vmem>> -> memref<1x800xi32, #tpu.memory_space<vmem>>
      %dma_wait3A_170 = tpu.memref_squeeze %dma_wait3A_169 : memref<1x800xi32, #tpu.memory_space<vmem>> -> memref<800xi32, #tpu.memory_space<vmem>>
      %dma_wait3A_171 = arith.constant 0 : i32
      %dma_wait3A_172 = arith.constant 0 : i32
      %dma_wait3A_173 = tpu.memref_slice %arg4[%dma_wait3A_171, %dma_wait3A_172] : memref<10001x64xf32, #tpu.memory_space<hbm>> -> memref<10001x64xf32, #tpu.memory_space<hbm>>
      tpu.wait_indirect_dma semaphore(%arg39 : memref<!tpu.dma_semaphore, #tpu.memory_space<semaphore_mem>>) src(%dma_wait3A_173 : memref<10001x64xf32, #tpu.memory_space<hbm>>) dst(%arg35 : memref<800x64xf32, #tpu.memory_space<vmem>>)
      %mul3A_174 = arith.constant 800 : i32
      %mul3A_175 = arith.muli %scan3A_125, %mul3A_174 : i32
      %add3A_176 = arith.addi %mul3A_2, %mul3A_175 : i32
      %dma_start3A_177 = arith.constant 0 : i32
      %dma_start3A_178 = tpu.memref_slice %arg24[%add3A_176, %dma_start3A_177] : memref<102400x64xf32, #tpu.memory_space<hbm>> -> memref<800x64xf32, #tpu.memory_space<hbm>>
      %dma_start3A_179 = arith.constant 0 : i32
      %dma_start3A_180 = tpu.memref_slice %arg24[%add3A_176, %dma_start3A_179] : memref<102400x64xf32, #tpu.memory_space<hbm>> -> memref<800x64xf32, #tpu.memory_space<hbm>>
      tpu.enqueue_dma source(%arg35 : memref<800x64xf32, #tpu.memory_space<vmem>>) target(%dma_start3A_180 : memref<800x64xf32, #tpu.memory_space<hbm>>) target_semaphore(%arg40 : memref<!tpu.dma_semaphore, #tpu.memory_space<semaphore_mem>>)
      %dma_wait3A_181 = arith.constant 0 : i32
      %dma_wait3A_182 = tpu.memref_slice %arg33[%scan3A_125, %dma_wait3A_181] : memref<4x800xi32, #tpu.memory_space<vmem>> -> memref<1x800xi32, #tpu.memory_space<vmem>>
      %dma_wait3A_183 = tpu.memref_squeeze %dma_wait3A_182 : memref<1x800xi32, #tpu.memory_space<vmem>> -> memref<800xi32, #tpu.memory_space<vmem>>
      %dma_wait3A_184 = arith.constant 0 : i32
      %dma_wait3A_185 = arith.constant 0 : i32
      %dma_wait3A_186 = tpu.memref_slice %arg3[%dma_wait3A_184, %dma_wait3A_185] : memref<1001x64xf32, #tpu.memory_space<hbm>> -> memref<1001x64xf32, #tpu.memory_space<hbm>>
      tpu.wait_indirect_dma semaphore(%arg42 : memref<!tpu.dma_semaphore, #tpu.memory_space<semaphore_mem>>) src(%dma_wait3A_186 : memref<1001x64xf32, #tpu.memory_space<hbm>>) dst(%arg36 : memref<800x64xf32, #tpu.memory_space<vmem>>)
      %dma_wait3A_187 = arith.constant 0 : i32
      %dma_wait3A_188 = tpu.memref_slice %arg34[%scan3A_125, %dma_wait3A_187] : memref<4x800xi32, #tpu.memory_space<vmem>> -> memref<1x800xi32, #tpu.memory_space<vmem>>
      %dma_wait3A_189 = tpu.memref_squeeze %dma_wait3A_188 : memref<1x800xi32, #tpu.memory_space<vmem>> -> memref<800xi32, #tpu.memory_space<vmem>>
      %dma_wait3A_190 = arith.constant 0 : i32
      %dma_wait3A_191 = arith.constant 0 : i32
      %dma_wait3A_192 = tpu.memref_slice %arg4[%dma_wait3A_190, %dma_wait3A_191] : memref<10001x64xf32, #tpu.memory_space<hbm>> -> memref<10001x64xf32, #tpu.memory_space<hbm>>
      tpu.wait_indirect_dma semaphore(%arg42 : memref<!tpu.dma_semaphore, #tpu.memory_space<semaphore_mem>>) src(%dma_wait3A_192 : memref<10001x64xf32, #tpu.memory_space<hbm>>) dst(%arg36 : memref<800x64xf32, #tpu.memory_space<vmem>>)
      %mul3A_193 = arith.constant 800 : i32
      %mul3A_194 = arith.muli %scan3A_125, %mul3A_193 : i32
      %add3A_195 = arith.addi %mul3A_2, %mul3A_194 : i32
      %dma_start3A_196 = arith.constant 0 : i32
      %dma_start3A_197 = tpu.memref_slice %arg25[%add3A_195, %dma_start3A_196] : memref<102400x64xf32, #tpu.memory_space<hbm>> -> memref<800x64xf32, #tpu.memory_space<hbm>>
      %dma_start3A_198 = arith.constant 0 : i32
      %dma_start3A_199 = tpu.memref_slice %arg25[%add3A_195, %dma_start3A_198] : memref<102400x64xf32, #tpu.memory_space<hbm>> -> memref<800x64xf32, #tpu.memory_space<hbm>>
      tpu.enqueue_dma source(%arg36 : memref<800x64xf32, #tpu.memory_space<vmem>>) target(%dma_start3A_199 : memref<800x64xf32, #tpu.memory_space<hbm>>) target_semaphore(%arg43 : memref<!tpu.dma_semaphore, #tpu.memory_space<semaphore_mem>>)
      %mul3A_200 = arith.constant 800 : i32
      %mul3A_201 = arith.muli %scan3A_125, %mul3A_200 : i32
      %add3A_202 = arith.addi %mul3A_2, %mul3A_201 : i32
      %dma_wait3A_203 = arith.constant 0 : i32
      %dma_wait3A_204 = tpu.memref_slice %arg24[%add3A_202, %dma_wait3A_203] : memref<102400x64xf32, #tpu.memory_space<hbm>> -> memref<800x64xf32, #tpu.memory_space<hbm>>
      %dma_wait3A_205 = arith.constant 0 : i32
      %dma_wait3A_206 = tpu.memref_slice %arg24[%add3A_202, %dma_wait3A_205] : memref<102400x64xf32, #tpu.memory_space<hbm>> -> memref<800x64xf32, #tpu.memory_space<hbm>>
      tpu.wait_dma2 semaphore(%arg40 : memref<!tpu.dma_semaphore, #tpu.memory_space<semaphore_mem>>) src(%arg35 : memref<800x64xf32, #tpu.memory_space<vmem>>) dst(%dma_wait3A_206 : memref<800x64xf32, #tpu.memory_space<hbm>>)
      %mul3A_207 = arith.constant 800 : i32
      %mul3A_208 = arith.muli %scan3A_125, %mul3A_207 : i32
      %add3A_209 = arith.addi %mul3A_2, %mul3A_208 : i32
      %dma_wait3A_210 = arith.constant 0 : i32
      %dma_wait3A_211 = tpu.memref_slice %arg25[%add3A_209, %dma_wait3A_210] : memref<102400x64xf32, #tpu.memory_space<hbm>> -> memref<800x64xf32, #tpu.memory_space<hbm>>
      %dma_wait3A_212 = arith.constant 0 : i32
      %dma_wait3A_213 = tpu.memref_slice %arg25[%add3A_209, %dma_wait3A_212] : memref<102400x64xf32, #tpu.memory_space<hbm>> -> memref<800x64xf32, #tpu.memory_space<hbm>>
      tpu.wait_dma2 semaphore(%arg43 : memref<!tpu.dma_semaphore, #tpu.memory_space<semaphore_mem>>) src(%arg36 : memref<800x64xf32, #tpu.memory_space<vmem>>) dst(%dma_wait3A_213 : memref<800x64xf32, #tpu.memory_space<hbm>>)
      %add3A_214 = arith.constant 1 : i32
      %add3A_215 = arith.addi %scan3A_125, %add3A_214 : i32
      %lt3A = arith.constant 4 : i32
      %lt3A_216 = arith.cmpi slt, %add3A_215, %lt3A : i32
      %convert_element_type3A = arith.extui %lt3A_216 : i1 to i32
      %cond3A = arith.constant 0 : i32
      %cond3A_217 = arith.cmpi ne, %convert_element_type3A, %cond3A : i32
      scf.if %cond3A_217 {
        %add3A_218 = arith.constant 1 : i32
        %add3A_219 = arith.addi %scan3A_125, %add3A_218 : i32
        %dma_start3A_220 = arith.constant 0 : i32
        %dma_start3A_221 = tpu.memref_slice %arg29[%add3A_219, %dma_start3A_220] : memref<4x800xi32, #tpu.memory_space<vmem>> -> memref<1x800xi32, #tpu.memory_space<vmem>>
        %dma_start3A_222 = tpu.memref_squeeze %dma_start3A_221 : memref<1x800xi32, #tpu.memory_space<vmem>> -> memref<800xi32, #tpu.memory_space<vmem>>
        %dma_start3A_223 = arith.constant 0 : i32
        %dma_start3A_224 = arith.constant 0 : i32
        %dma_start3A_225 = tpu.memref_slice %arg2[%dma_start3A_223, %dma_start3A_224] : memref<100001x64xf32, #tpu.memory_space<hbm>> -> memref<100001x64xf32, #tpu.memory_space<hbm>>
        tpu.enqueue_indirect_dma source(%dma_start3A_225 : memref<100001x64xf32, #tpu.memory_space<hbm>>) target(%arg35 : memref<800x64xf32, #tpu.memory_space<vmem>>) offsets(%dma_start3A_222 : memref<800xi32, #tpu.memory_space<vmem>>) semaphore(%arg38 : memref<!tpu.dma_semaphore, #tpu.memory_space<semaphore_mem>>)
        %add3A_226 = arith.constant 1 : i32
        %add3A_227 = arith.addi %scan3A_125, %add3A_226 : i32
        %dma_start3A_228 = arith.constant 0 : i32
        %dma_start3A_229 = tpu.memref_slice %arg32[%add3A_227, %dma_start3A_228] : memref<4x800xi32, #tpu.memory_space<vmem>> -> memref<1x800xi32, #tpu.memory_space<vmem>>
        %dma_start3A_230 = tpu.memref_squeeze %dma_start3A_229 : memref<1x800xi32, #tpu.memory_space<vmem>> -> memref<800xi32, #tpu.memory_space<vmem>>
        %dma_start3A_231 = arith.constant 0 : i32
        %dma_start3A_232 = arith.constant 0 : i32
        %dma_start3A_233 = tpu.memref_slice %arg2[%dma_start3A_231, %dma_start3A_232] : memref<100001x64xf32, #tpu.memory_space<hbm>> -> memref<100001x64xf32, #tpu.memory_space<hbm>>
        tpu.enqueue_indirect_dma source(%dma_start3A_233 : memref<100001x64xf32, #tpu.memory_space<hbm>>) target(%arg36 : memref<800x64xf32, #tpu.memory_space<vmem>>) offsets(%dma_start3A_230 : memref<800xi32, #tpu.memory_space<vmem>>) semaphore(%arg41 : memref<!tpu.dma_semaphore, #tpu.memory_space<semaphore_mem>>)
      } else {
      }
    }
    %scan3A_20 = arith.constant 4 : i32
    "tpu.region"() ({
      %run_scoped3A_125 = tpu.sem_alloc : memref<!tpu.dma_semaphore, #tpu.memory_space<semaphore_mem>>
      %dma_start3A_126 = arith.constant 0 : i32
      %dma_start3A_127 = arith.constant 0 : i32
      %dma_start3A_128 = tpu.memref_slice %arg16[%add3A, %dma_start3A_126, %dma_start3A_127] : memref<32x4x800xi32, #tpu.memory_space<hbm>> -> memref<1x4x800xi32, #tpu.memory_space<hbm>>
      %dma_start3A_129 = tpu.memref_squeeze %dma_start3A_128 : memref<1x4x800xi32, #tpu.memory_space<hbm>> -> memref<4x800xi32, #tpu.memory_space<hbm>>
      %dma_start3A_130 = arith.constant 0 : i32
      %dma_start3A_131 = arith.constant 0 : i32
      %dma_start3A_132 = tpu.memref_slice %arg16[%add3A, %dma_start3A_130, %dma_start3A_131] : memref<32x4x800xi32, #tpu.memory_space<hbm>> -> memref<1x4x800xi32, #tpu.memory_space<hbm>>
      %dma_start3A_133 = tpu.memref_squeeze %dma_start3A_132 : memref<1x4x800xi32, #tpu.memory_space<hbm>> -> memref<4x800xi32, #tpu.memory_space<hbm>>
      tpu.enqueue_dma source(%dma_start3A_133 : memref<4x800xi32, #tpu.memory_space<hbm>>) target(%arg29 : memref<4x800xi32, #tpu.memory_space<vmem>>) target_semaphore(%run_scoped3A_125 : memref<!tpu.dma_semaphore, #tpu.memory_space<semaphore_mem>>)
      %dma_wait3A_134 = arith.constant 0 : i32
      %dma_wait3A_135 = arith.constant 0 : i32
      %dma_wait3A_136 = tpu.memref_slice %arg16[%add3A, %dma_wait3A_134, %dma_wait3A_135] : memref<32x4x800xi32, #tpu.memory_space<hbm>> -> memref<1x4x800xi32, #tpu.memory_space<hbm>>
      %dma_wait3A_137 = tpu.memref_squeeze %dma_wait3A_136 : memref<1x4x800xi32, #tpu.memory_space<hbm>> -> memref<4x800xi32, #tpu.memory_space<hbm>>
      %dma_wait3A_138 = arith.constant 0 : i32
      %dma_wait3A_139 = arith.constant 0 : i32
      %dma_wait3A_140 = tpu.memref_slice %arg16[%add3A, %dma_wait3A_138, %dma_wait3A_139] : memref<32x4x800xi32, #tpu.memory_space<hbm>> -> memref<1x4x800xi32, #tpu.memory_space<hbm>>
      %dma_wait3A_141 = tpu.memref_squeeze %dma_wait3A_140 : memref<1x4x800xi32, #tpu.memory_space<hbm>> -> memref<4x800xi32, #tpu.memory_space<hbm>>
      tpu.wait_dma2 semaphore(%run_scoped3A_125 : memref<!tpu.dma_semaphore, #tpu.memory_space<semaphore_mem>>) src(%dma_wait3A_141 : memref<4x800xi32, #tpu.memory_space<hbm>>) dst(%arg29 : memref<4x800xi32, #tpu.memory_space<vmem>>)
      tpu.yield
    }) : () -> ()
    "tpu.region"() ({
      %run_scoped3A_125 = tpu.sem_alloc : memref<!tpu.dma_semaphore, #tpu.memory_space<semaphore_mem>>
      %dma_start3A_126 = arith.constant 0 : i32
      %dma_start3A_127 = arith.constant 0 : i32
      %dma_start3A_128 = tpu.memref_slice %arg17[%add3A, %dma_start3A_126, %dma_start3A_127] : memref<32x4x800xi32, #tpu.memory_space<hbm>> -> memref<1x4x800xi32, #tpu.memory_space<hbm>>
      %dma_start3A_129 = tpu.memref_squeeze %dma_start3A_128 : memref<1x4x800xi32, #tpu.memory_space<hbm>> -> memref<4x800xi32, #tpu.memory_space<hbm>>
      %dma_start3A_130 = arith.constant 0 : i32
      %dma_start3A_131 = arith.constant 0 : i32
      %dma_start3A_132 = tpu.memref_slice %arg17[%add3A, %dma_start3A_130, %dma_start3A_131] : memref<32x4x800xi32, #tpu.memory_space<hbm>> -> memref<1x4x800xi32, #tpu.memory_space<hbm>>
      %dma_start3A_133 = tpu.memref_squeeze %dma_start3A_132 : memref<1x4x800xi32, #tpu.memory_space<hbm>> -> memref<4x800xi32, #tpu.memory_space<hbm>>
      tpu.enqueue_dma source(%dma_start3A_133 : memref<4x800xi32, #tpu.memory_space<hbm>>) target(%arg30 : memref<4x800xi32, #tpu.memory_space<vmem>>) target_semaphore(%run_scoped3A_125 : memref<!tpu.dma_semaphore, #tpu.memory_space<semaphore_mem>>)
      %dma_wait3A_134 = arith.constant 0 : i32
      %dma_wait3A_135 = arith.constant 0 : i32
      %dma_wait3A_136 = tpu.memref_slice %arg17[%add3A, %dma_wait3A_134, %dma_wait3A_135] : memref<32x4x800xi32, #tpu.memory_space<hbm>> -> memref<1x4x800xi32, #tpu.memory_space<hbm>>
      %dma_wait3A_137 = tpu.memref_squeeze %dma_wait3A_136 : memref<1x4x800xi32, #tpu.memory_space<hbm>> -> memref<4x800xi32, #tpu.memory_space<hbm>>
      %dma_wait3A_138 = arith.constant 0 : i32
      %dma_wait3A_139 = arith.constant 0 : i32
      %dma_wait3A_140 = tpu.memref_slice %arg17[%add3A, %dma_wait3A_138, %dma_wait3A_139] : memref<32x4x800xi32, #tpu.memory_space<hbm>> -> memref<1x4x800xi32, #tpu.memory_space<hbm>>
      %dma_wait3A_141 = tpu.memref_squeeze %dma_wait3A_140 : memref<1x4x800xi32, #tpu.memory_space<hbm>> -> memref<4x800xi32, #tpu.memory_space<hbm>>
      tpu.wait_dma2 semaphore(%run_scoped3A_125 : memref<!tpu.dma_semaphore, #tpu.memory_space<semaphore_mem>>) src(%dma_wait3A_141 : memref<4x800xi32, #tpu.memory_space<hbm>>) dst(%arg30 : memref<4x800xi32, #tpu.memory_space<vmem>>)
      tpu.yield
    }) : () -> ()
    "tpu.region"() ({
      %run_scoped3A_125 = tpu.sem_alloc : memref<!tpu.dma_semaphore, #tpu.memory_space<semaphore_mem>>
      %dma_start3A_126 = arith.constant 0 : i32
      %dma_start3A_127 = arith.constant 0 : i32
      %dma_start3A_128 = tpu.memref_slice %arg18[%add3A, %dma_start3A_126, %dma_start3A_127] : memref<32x4x800xi32, #tpu.memory_space<hbm>> -> memref<1x4x800xi32, #tpu.memory_space<hbm>>
      %dma_start3A_129 = tpu.memref_squeeze %dma_start3A_128 : memref<1x4x800xi32, #tpu.memory_space<hbm>> -> memref<4x800xi32, #tpu.memory_space<hbm>>
      %dma_start3A_130 = arith.constant 0 : i32
      %dma_start3A_131 = arith.constant 0 : i32
      %dma_start3A_132 = tpu.memref_slice %arg18[%add3A, %dma_start3A_130, %dma_start3A_131] : memref<32x4x800xi32, #tpu.memory_space<hbm>> -> memref<1x4x800xi32, #tpu.memory_space<hbm>>
      %dma_start3A_133 = tpu.memref_squeeze %dma_start3A_132 : memref<1x4x800xi32, #tpu.memory_space<hbm>> -> memref<4x800xi32, #tpu.memory_space<hbm>>
      tpu.enqueue_dma source(%dma_start3A_133 : memref<4x800xi32, #tpu.memory_space<hbm>>) target(%arg31 : memref<4x800xi32, #tpu.memory_space<vmem>>) target_semaphore(%run_scoped3A_125 : memref<!tpu.dma_semaphore, #tpu.memory_space<semaphore_mem>>)
      %dma_wait3A_134 = arith.constant 0 : i32
      %dma_wait3A_135 = arith.constant 0 : i32
      %dma_wait3A_136 = tpu.memref_slice %arg18[%add3A, %dma_wait3A_134, %dma_wait3A_135] : memref<32x4x800xi32, #tpu.memory_space<hbm>> -> memref<1x4x800xi32, #tpu.memory_space<hbm>>
      %dma_wait3A_137 = tpu.memref_squeeze %dma_wait3A_136 : memref<1x4x800xi32, #tpu.memory_space<hbm>> -> memref<4x800xi32, #tpu.memory_space<hbm>>
      %dma_wait3A_138 = arith.constant 0 : i32
      %dma_wait3A_139 = arith.constant 0 : i32
      %dma_wait3A_140 = tpu.memref_slice %arg18[%add3A, %dma_wait3A_138, %dma_wait3A_139] : memref<32x4x800xi32, #tpu.memory_space<hbm>> -> memref<1x4x800xi32, #tpu.memory_space<hbm>>
      %dma_wait3A_141 = tpu.memref_squeeze %dma_wait3A_140 : memref<1x4x800xi32, #tpu.memory_space<hbm>> -> memref<4x800xi32, #tpu.memory_space<hbm>>
      tpu.wait_dma2 semaphore(%run_scoped3A_125 : memref<!tpu.dma_semaphore, #tpu.memory_space<semaphore_mem>>) src(%dma_wait3A_141 : memref<4x800xi32, #tpu.memory_space<hbm>>) dst(%arg31 : memref<4x800xi32, #tpu.memory_space<vmem>>)
      tpu.yield
    }) : () -> ()
    "tpu.region"() ({
      %run_scoped3A_125 = tpu.sem_alloc : memref<!tpu.dma_semaphore, #tpu.memory_space<semaphore_mem>>
      %dma_start3A_126 = arith.constant 0 : i32
      %dma_start3A_127 = arith.constant 0 : i32
      %dma_start3A_128 = tpu.memref_slice %arg19[%add3A, %dma_start3A_126, %dma_start3A_127] : memref<32x4x800xi32, #tpu.memory_space<hbm>> -> memref<1x4x800xi32, #tpu.memory_space<hbm>>
      %dma_start3A_129 = tpu.memref_squeeze %dma_start3A_128 : memref<1x4x800xi32, #tpu.memory_space<hbm>> -> memref<4x800xi32, #tpu.memory_space<hbm>>
      %dma_start3A_130 = arith.constant 0 : i32
      %dma_start3A_131 = arith.constant 0 : i32
      %dma_start3A_132 = tpu.memref_slice %arg19[%add3A, %dma_start3A_130, %dma_start3A_131] : memref<32x4x800xi32, #tpu.memory_space<hbm>> -> memref<1x4x800xi32, #tpu.memory_space<hbm>>
      %dma_start3A_133 = tpu.memref_squeeze %dma_start3A_132 : memref<1x4x800xi32, #tpu.memory_space<hbm>> -> memref<4x800xi32, #tpu.memory_space<hbm>>
      tpu.enqueue_dma source(%dma_start3A_133 : memref<4x800xi32, #tpu.memory_space<hbm>>) target(%arg32 : memref<4x800xi32, #tpu.memory_space<vmem>>) target_semaphore(%run_scoped3A_125 : memref<!tpu.dma_semaphore, #tpu.memory_space<semaphore_mem>>)
      %dma_wait3A_134 = arith.constant 0 : i32
      %dma_wait3A_135 = arith.constant 0 : i32
      %dma_wait3A_136 = tpu.memref_slice %arg19[%add3A, %dma_wait3A_134, %dma_wait3A_135] : memref<32x4x800xi32, #tpu.memory_space<hbm>> -> memref<1x4x800xi32, #tpu.memory_space<hbm>>
      %dma_wait3A_137 = tpu.memref_squeeze %dma_wait3A_136 : memref<1x4x800xi32, #tpu.memory_space<hbm>> -> memref<4x800xi32, #tpu.memory_space<hbm>>
      %dma_wait3A_138 = arith.constant 0 : i32
      %dma_wait3A_139 = arith.constant 0 : i32
      %dma_wait3A_140 = tpu.memref_slice %arg19[%add3A, %dma_wait3A_138, %dma_wait3A_139] : memref<32x4x800xi32, #tpu.memory_space<hbm>> -> memref<1x4x800xi32, #tpu.memory_space<hbm>>
      %dma_wait3A_141 = tpu.memref_squeeze %dma_wait3A_140 : memref<1x4x800xi32, #tpu.memory_space<hbm>> -> memref<4x800xi32, #tpu.memory_space<hbm>>
      tpu.wait_dma2 semaphore(%run_scoped3A_125 : memref<!tpu.dma_semaphore, #tpu.memory_space<semaphore_mem>>) src(%dma_wait3A_141 : memref<4x800xi32, #tpu.memory_space<hbm>>) dst(%arg32 : memref<4x800xi32, #tpu.memory_space<vmem>>)
      tpu.yield
    }) : () -> ()
    %dma_start3A_21 = arith.constant 0 : i32
    %dma_start3A_22 = arith.constant 0 : i32
    %dma_start3A_23 = tpu.memref_slice %arg29[%dma_start3A_21, %dma_start3A_22] : memref<4x800xi32, #tpu.memory_space<vmem>> -> memref<1x800xi32, #tpu.memory_space<vmem>>
    %dma_start3A_24 = tpu.memref_squeeze %dma_start3A_23 : memref<1x800xi32, #tpu.memory_space<vmem>> -> memref<800xi32, #tpu.memory_space<vmem>>
    %dma_start3A_25 = arith.constant 0 : i32
    %dma_start3A_26 = arith.constant 0 : i32
    %dma_start3A_27 = tpu.memref_slice %arg2[%dma_start3A_25, %dma_start3A_26] : memref<100001x64xf32, #tpu.memory_space<hbm>> -> memref<100001x64xf32, #tpu.memory_space<hbm>>
    tpu.enqueue_indirect_dma source(%dma_start3A_27 : memref<100001x64xf32, #tpu.memory_space<hbm>>) target(%arg35 : memref<800x64xf32, #tpu.memory_space<vmem>>) offsets(%dma_start3A_24 : memref<800xi32, #tpu.memory_space<vmem>>) semaphore(%arg38 : memref<!tpu.dma_semaphore, #tpu.memory_space<semaphore_mem>>)
    %dma_start3A_28 = arith.constant 0 : i32
    %dma_start3A_29 = arith.constant 0 : i32
    %dma_start3A_30 = tpu.memref_slice %arg32[%dma_start3A_28, %dma_start3A_29] : memref<4x800xi32, #tpu.memory_space<vmem>> -> memref<1x800xi32, #tpu.memory_space<vmem>>
    %dma_start3A_31 = tpu.memref_squeeze %dma_start3A_30 : memref<1x800xi32, #tpu.memory_space<vmem>> -> memref<800xi32, #tpu.memory_space<vmem>>
    %dma_start3A_32 = arith.constant 0 : i32
    %dma_start3A_33 = arith.constant 0 : i32
    %dma_start3A_34 = tpu.memref_slice %arg5[%dma_start3A_32, %dma_start3A_33] : memref<16384x64xf32, #tpu.memory_space<hbm>> -> memref<16384x64xf32, #tpu.memory_space<hbm>>
    tpu.enqueue_indirect_dma source(%dma_start3A_34 : memref<16384x64xf32, #tpu.memory_space<hbm>>) target(%arg36 : memref<800x64xf32, #tpu.memory_space<vmem>>) offsets(%dma_start3A_31 : memref<800xi32, #tpu.memory_space<vmem>>) semaphore(%arg41 : memref<!tpu.dma_semaphore, #tpu.memory_space<semaphore_mem>>)
    %scan3A_35 = arith.constant 0 : i32
    %scan3A_36 = arith.constant 0 : i32
    %scan3A_37 = arith.constant 4 : i32
    %scan3A_38 = arith.addi %scan3A_36, %scan3A_37 : i32
    %scan3A_39 = arith.constant 1 : i32
    scf.for %scan3A_125 = %scan3A_36 to %scan3A_38 step %scan3A_39  : i32 {
      %dma_wait3A_126 = arith.constant 0 : i32
      %dma_wait3A_127 = tpu.memref_slice %arg29[%scan3A_125, %dma_wait3A_126] : memref<4x800xi32, #tpu.memory_space<vmem>> -> memref<1x800xi32, #tpu.memory_space<vmem>>
      %dma_wait3A_128 = tpu.memref_squeeze %dma_wait3A_127 : memref<1x800xi32, #tpu.memory_space<vmem>> -> memref<800xi32, #tpu.memory_space<vmem>>
      %dma_wait3A_129 = arith.constant 0 : i32
      %dma_wait3A_130 = arith.constant 0 : i32
      %dma_wait3A_131 = tpu.memref_slice %arg2[%dma_wait3A_129, %dma_wait3A_130] : memref<100001x64xf32, #tpu.memory_space<hbm>> -> memref<100001x64xf32, #tpu.memory_space<hbm>>
      tpu.wait_indirect_dma semaphore(%arg38 : memref<!tpu.dma_semaphore, #tpu.memory_space<semaphore_mem>>) src(%dma_wait3A_131 : memref<100001x64xf32, #tpu.memory_space<hbm>>) dst(%arg35 : memref<800x64xf32, #tpu.memory_space<vmem>>)
      %dma_start3A_132 = arith.constant 0 : i32
      %dma_start3A_133 = tpu.memref_slice %arg30[%scan3A_125, %dma_start3A_132] : memref<4x800xi32, #tpu.memory_space<vmem>> -> memref<1x800xi32, #tpu.memory_space<vmem>>
      %dma_start3A_134 = tpu.memref_squeeze %dma_start3A_133 : memref<1x800xi32, #tpu.memory_space<vmem>> -> memref<800xi32, #tpu.memory_space<vmem>>
      %dma_start3A_135 = arith.constant 0 : i32
      %dma_start3A_136 = arith.constant 0 : i32
      %dma_start3A_137 = tpu.memref_slice %arg3[%dma_start3A_135, %dma_start3A_136] : memref<1001x64xf32, #tpu.memory_space<hbm>> -> memref<1001x64xf32, #tpu.memory_space<hbm>>
      tpu.enqueue_indirect_dma source(%dma_start3A_137 : memref<1001x64xf32, #tpu.memory_space<hbm>>) target(%arg35 : memref<800x64xf32, #tpu.memory_space<vmem>>) offsets(%dma_start3A_134 : memref<800xi32, #tpu.memory_space<vmem>>) semaphore(%arg39 : memref<!tpu.dma_semaphore, #tpu.memory_space<semaphore_mem>>) {add = true}
      %dma_start3A_138 = arith.constant 0 : i32
      %dma_start3A_139 = tpu.memref_slice %arg31[%scan3A_125, %dma_start3A_138] : memref<4x800xi32, #tpu.memory_space<vmem>> -> memref<1x800xi32, #tpu.memory_space<vmem>>
      %dma_start3A_140 = tpu.memref_squeeze %dma_start3A_139 : memref<1x800xi32, #tpu.memory_space<vmem>> -> memref<800xi32, #tpu.memory_space<vmem>>
      %dma_start3A_141 = arith.constant 0 : i32
      %dma_start3A_142 = arith.constant 0 : i32
      %dma_start3A_143 = tpu.memref_slice %arg4[%dma_start3A_141, %dma_start3A_142] : memref<10001x64xf32, #tpu.memory_space<hbm>> -> memref<10001x64xf32, #tpu.memory_space<hbm>>
      tpu.enqueue_indirect_dma source(%dma_start3A_143 : memref<10001x64xf32, #tpu.memory_space<hbm>>) target(%arg35 : memref<800x64xf32, #tpu.memory_space<vmem>>) offsets(%dma_start3A_140 : memref<800xi32, #tpu.memory_space<vmem>>) semaphore(%arg39 : memref<!tpu.dma_semaphore, #tpu.memory_space<semaphore_mem>>) {add = true}
      %dma_wait3A_144 = arith.constant 0 : i32
      %dma_wait3A_145 = tpu.memref_slice %arg32[%scan3A_125, %dma_wait3A_144] : memref<4x800xi32, #tpu.memory_space<vmem>> -> memref<1x800xi32, #tpu.memory_space<vmem>>
      %dma_wait3A_146 = tpu.memref_squeeze %dma_wait3A_145 : memref<1x800xi32, #tpu.memory_space<vmem>> -> memref<800xi32, #tpu.memory_space<vmem>>
      %dma_wait3A_147 = arith.constant 0 : i32
      %dma_wait3A_148 = arith.constant 0 : i32
      %dma_wait3A_149 = tpu.memref_slice %arg5[%dma_wait3A_147, %dma_wait3A_148] : memref<16384x64xf32, #tpu.memory_space<hbm>> -> memref<16384x64xf32, #tpu.memory_space<hbm>>
      tpu.wait_indirect_dma semaphore(%arg41 : memref<!tpu.dma_semaphore, #tpu.memory_space<semaphore_mem>>) src(%dma_wait3A_149 : memref<16384x64xf32, #tpu.memory_space<hbm>>) dst(%arg36 : memref<800x64xf32, #tpu.memory_space<vmem>>)
      %dma_wait3A_150 = arith.constant 0 : i32
      %dma_wait3A_151 = tpu.memref_slice %arg30[%scan3A_125, %dma_wait3A_150] : memref<4x800xi32, #tpu.memory_space<vmem>> -> memref<1x800xi32, #tpu.memory_space<vmem>>
      %dma_wait3A_152 = tpu.memref_squeeze %dma_wait3A_151 : memref<1x800xi32, #tpu.memory_space<vmem>> -> memref<800xi32, #tpu.memory_space<vmem>>
      %dma_wait3A_153 = arith.constant 0 : i32
      %dma_wait3A_154 = arith.constant 0 : i32
      %dma_wait3A_155 = tpu.memref_slice %arg3[%dma_wait3A_153, %dma_wait3A_154] : memref<1001x64xf32, #tpu.memory_space<hbm>> -> memref<1001x64xf32, #tpu.memory_space<hbm>>
      tpu.wait_indirect_dma semaphore(%arg39 : memref<!tpu.dma_semaphore, #tpu.memory_space<semaphore_mem>>) src(%dma_wait3A_155 : memref<1001x64xf32, #tpu.memory_space<hbm>>) dst(%arg35 : memref<800x64xf32, #tpu.memory_space<vmem>>)
      %dma_wait3A_156 = arith.constant 0 : i32
      %dma_wait3A_157 = tpu.memref_slice %arg31[%scan3A_125, %dma_wait3A_156] : memref<4x800xi32, #tpu.memory_space<vmem>> -> memref<1x800xi32, #tpu.memory_space<vmem>>
      %dma_wait3A_158 = tpu.memref_squeeze %dma_wait3A_157 : memref<1x800xi32, #tpu.memory_space<vmem>> -> memref<800xi32, #tpu.memory_space<vmem>>
      %dma_wait3A_159 = arith.constant 0 : i32
      %dma_wait3A_160 = arith.constant 0 : i32
      %dma_wait3A_161 = tpu.memref_slice %arg4[%dma_wait3A_159, %dma_wait3A_160] : memref<10001x64xf32, #tpu.memory_space<hbm>> -> memref<10001x64xf32, #tpu.memory_space<hbm>>
      tpu.wait_indirect_dma semaphore(%arg39 : memref<!tpu.dma_semaphore, #tpu.memory_space<semaphore_mem>>) src(%dma_wait3A_161 : memref<10001x64xf32, #tpu.memory_space<hbm>>) dst(%arg35 : memref<800x64xf32, #tpu.memory_space<vmem>>)
      %mul3A_162 = arith.constant 800 : i32
      %mul3A_163 = arith.muli %scan3A_125, %mul3A_162 : i32
      %add3A_164 = arith.addi %mul3A_2, %mul3A_163 : i32
      %dma_start3A_165 = arith.constant 0 : i32
      %dma_start3A_166 = tpu.memref_slice %arg26[%add3A_164, %dma_start3A_165] : memref<102400x64xf32, #tpu.memory_space<hbm>> -> memref<800x64xf32, #tpu.memory_space<hbm>>
      %dma_start3A_167 = arith.constant 0 : i32
      %dma_start3A_168 = tpu.memref_slice %arg26[%add3A_164, %dma_start3A_167] : memref<102400x64xf32, #tpu.memory_space<hbm>> -> memref<800x64xf32, #tpu.memory_space<hbm>>
      tpu.enqueue_dma source(%arg35 : memref<800x64xf32, #tpu.memory_space<vmem>>) target(%dma_start3A_168 : memref<800x64xf32, #tpu.memory_space<hbm>>) target_semaphore(%arg40 : memref<!tpu.dma_semaphore, #tpu.memory_space<semaphore_mem>>)
      %mul3A_169 = arith.constant 800 : i32
      %mul3A_170 = arith.muli %scan3A_125, %mul3A_169 : i32
      %add3A_171 = arith.addi %mul3A_2, %mul3A_170 : i32
      %dma_start3A_172 = arith.constant 0 : i32
      %dma_start3A_173 = tpu.memref_slice %arg27[%add3A_171, %dma_start3A_172] : memref<102400x64xf32, #tpu.memory_space<hbm>> -> memref<800x64xf32, #tpu.memory_space<hbm>>
      %dma_start3A_174 = arith.constant 0 : i32
      %dma_start3A_175 = tpu.memref_slice %arg27[%add3A_171, %dma_start3A_174] : memref<102400x64xf32, #tpu.memory_space<hbm>> -> memref<800x64xf32, #tpu.memory_space<hbm>>
      tpu.enqueue_dma source(%arg36 : memref<800x64xf32, #tpu.memory_space<vmem>>) target(%dma_start3A_175 : memref<800x64xf32, #tpu.memory_space<hbm>>) target_semaphore(%arg43 : memref<!tpu.dma_semaphore, #tpu.memory_space<semaphore_mem>>)
      %mul3A_176 = arith.constant 800 : i32
      %mul3A_177 = arith.muli %scan3A_125, %mul3A_176 : i32
      %add3A_178 = arith.addi %mul3A_2, %mul3A_177 : i32
      %dma_wait3A_179 = arith.constant 0 : i32
      %dma_wait3A_180 = tpu.memref_slice %arg26[%add3A_178, %dma_wait3A_179] : memref<102400x64xf32, #tpu.memory_space<hbm>> -> memref<800x64xf32, #tpu.memory_space<hbm>>
      %dma_wait3A_181 = arith.constant 0 : i32
      %dma_wait3A_182 = tpu.memref_slice %arg26[%add3A_178, %dma_wait3A_181] : memref<102400x64xf32, #tpu.memory_space<hbm>> -> memref<800x64xf32, #tpu.memory_space<hbm>>
      tpu.wait_dma2 semaphore(%arg40 : memref<!tpu.dma_semaphore, #tpu.memory_space<semaphore_mem>>) src(%arg35 : memref<800x64xf32, #tpu.memory_space<vmem>>) dst(%dma_wait3A_182 : memref<800x64xf32, #tpu.memory_space<hbm>>)
      %mul3A_183 = arith.constant 800 : i32
      %mul3A_184 = arith.muli %scan3A_125, %mul3A_183 : i32
      %add3A_185 = arith.addi %mul3A_2, %mul3A_184 : i32
      %dma_wait3A_186 = arith.constant 0 : i32
      %dma_wait3A_187 = tpu.memref_slice %arg27[%add3A_185, %dma_wait3A_186] : memref<102400x64xf32, #tpu.memory_space<hbm>> -> memref<800x64xf32, #tpu.memory_space<hbm>>
      %dma_wait3A_188 = arith.constant 0 : i32
      %dma_wait3A_189 = tpu.memref_slice %arg27[%add3A_185, %dma_wait3A_188] : memref<102400x64xf32, #tpu.memory_space<hbm>> -> memref<800x64xf32, #tpu.memory_space<hbm>>
      tpu.wait_dma2 semaphore(%arg43 : memref<!tpu.dma_semaphore, #tpu.memory_space<semaphore_mem>>) src(%arg36 : memref<800x64xf32, #tpu.memory_space<vmem>>) dst(%dma_wait3A_189 : memref<800x64xf32, #tpu.memory_space<hbm>>)
      %add3A_190 = arith.constant 1 : i32
      %add3A_191 = arith.addi %scan3A_125, %add3A_190 : i32
      %lt3A = arith.constant 4 : i32
      %lt3A_192 = arith.cmpi slt, %add3A_191, %lt3A : i32
      %convert_element_type3A = arith.extui %lt3A_192 : i1 to i32
      %cond3A = arith.constant 0 : i32
      %cond3A_193 = arith.cmpi ne, %convert_element_type3A, %cond3A : i32
      scf.if %cond3A_193 {
        %add3A_194 = arith.constant 1 : i32
        %add3A_195 = arith.addi %scan3A_125, %add3A_194 : i32
        %dma_start3A_196 = arith.constant 0 : i32
        %dma_start3A_197 = tpu.memref_slice %arg29[%add3A_195, %dma_start3A_196] : memref<4x800xi32, #tpu.memory_space<vmem>> -> memref<1x800xi32, #tpu.memory_space<vmem>>
        %dma_start3A_198 = tpu.memref_squeeze %dma_start3A_197 : memref<1x800xi32, #tpu.memory_space<vmem>> -> memref<800xi32, #tpu.memory_space<vmem>>
        %dma_start3A_199 = arith.constant 0 : i32
        %dma_start3A_200 = arith.constant 0 : i32
        %dma_start3A_201 = tpu.memref_slice %arg2[%dma_start3A_199, %dma_start3A_200] : memref<100001x64xf32, #tpu.memory_space<hbm>> -> memref<100001x64xf32, #tpu.memory_space<hbm>>
        tpu.enqueue_indirect_dma source(%dma_start3A_201 : memref<100001x64xf32, #tpu.memory_space<hbm>>) target(%arg35 : memref<800x64xf32, #tpu.memory_space<vmem>>) offsets(%dma_start3A_198 : memref<800xi32, #tpu.memory_space<vmem>>) semaphore(%arg38 : memref<!tpu.dma_semaphore, #tpu.memory_space<semaphore_mem>>)
        %add3A_202 = arith.constant 1 : i32
        %add3A_203 = arith.addi %scan3A_125, %add3A_202 : i32
        %dma_start3A_204 = arith.constant 0 : i32
        %dma_start3A_205 = tpu.memref_slice %arg32[%add3A_203, %dma_start3A_204] : memref<4x800xi32, #tpu.memory_space<vmem>> -> memref<1x800xi32, #tpu.memory_space<vmem>>
        %dma_start3A_206 = tpu.memref_squeeze %dma_start3A_205 : memref<1x800xi32, #tpu.memory_space<vmem>> -> memref<800xi32, #tpu.memory_space<vmem>>
        %dma_start3A_207 = arith.constant 0 : i32
        %dma_start3A_208 = arith.constant 0 : i32
        %dma_start3A_209 = tpu.memref_slice %arg5[%dma_start3A_207, %dma_start3A_208] : memref<16384x64xf32, #tpu.memory_space<hbm>> -> memref<16384x64xf32, #tpu.memory_space<hbm>>
        tpu.enqueue_indirect_dma source(%dma_start3A_209 : memref<16384x64xf32, #tpu.memory_space<hbm>>) target(%arg36 : memref<800x64xf32, #tpu.memory_space<vmem>>) offsets(%dma_start3A_206 : memref<800xi32, #tpu.memory_space<vmem>>) semaphore(%arg41 : memref<!tpu.dma_semaphore, #tpu.memory_space<semaphore_mem>>)
      } else {
      }
    }
    %scan3A_40 = arith.constant 4 : i32
    %run_scoped3A = arith.constant 0 : i32
    "tpu.region"() ({
      %run_scoped3A_125 = tpu.sem_alloc : memref<!tpu.dma_semaphore, #tpu.memory_space<semaphore_mem>>
      %dma_start3A_126 = arith.constant 0 : i32
      %dma_start3A_127 = tpu.memref_slice %arg37[%run_scoped3A, %dma_start3A_126] : memref<4x16xi32, #tpu.memory_space<vmem>> -> memref<1x16xi32, #tpu.memory_space<vmem>>
      %dma_start3A_128 = tpu.memref_squeeze %dma_start3A_127 : memref<1x16xi32, #tpu.memory_space<vmem>> -> memref<16xi32, #tpu.memory_space<vmem>>
      %dma_start3A_129 = arith.constant 0 : i32
      %dma_start3A_130 = tpu.memref_slice %arg20[%add3A, %dma_start3A_129] : memref<32x16xi32, #tpu.memory_space<hbm>> -> memref<1x16xi32, #tpu.memory_space<hbm>>
      %dma_start3A_131 = tpu.memref_squeeze %dma_start3A_130 : memref<1x16xi32, #tpu.memory_space<hbm>> -> memref<16xi32, #tpu.memory_space<hbm>>
      %dma_start3A_132 = arith.constant 0 : i32
      %dma_start3A_133 = tpu.memref_slice %arg37[%run_scoped3A, %dma_start3A_132] : memref<4x16xi32, #tpu.memory_space<vmem>> -> memref<1x16xi32, #tpu.memory_space<vmem>>
      %dma_start3A_134 = tpu.memref_squeeze %dma_start3A_133 : memref<1x16xi32, #tpu.memory_space<vmem>> -> memref<16xi32, #tpu.memory_space<vmem>>
      %dma_start3A_135 = arith.constant 0 : i32
      %dma_start3A_136 = tpu.memref_slice %arg20[%add3A, %dma_start3A_135] : memref<32x16xi32, #tpu.memory_space<hbm>> -> memref<1x16xi32, #tpu.memory_space<hbm>>
      %dma_start3A_137 = tpu.memref_squeeze %dma_start3A_136 : memref<1x16xi32, #tpu.memory_space<hbm>> -> memref<16xi32, #tpu.memory_space<hbm>>
      tpu.enqueue_dma source(%dma_start3A_137 : memref<16xi32, #tpu.memory_space<hbm>>) target(%dma_start3A_134 : memref<16xi32, #tpu.memory_space<vmem>>) target_semaphore(%run_scoped3A_125 : memref<!tpu.dma_semaphore, #tpu.memory_space<semaphore_mem>>)
      %dma_wait3A_138 = arith.constant 0 : i32
      %dma_wait3A_139 = tpu.memref_slice %arg37[%run_scoped3A, %dma_wait3A_138] : memref<4x16xi32, #tpu.memory_space<vmem>> -> memref<1x16xi32, #tpu.memory_space<vmem>>
      %dma_wait3A_140 = tpu.memref_squeeze %dma_wait3A_139 : memref<1x16xi32, #tpu.memory_space<vmem>> -> memref<16xi32, #tpu.memory_space<vmem>>
      %dma_wait3A_141 = arith.constant 0 : i32
      %dma_wait3A_142 = tpu.memref_slice %arg20[%add3A, %dma_wait3A_141] : memref<32x16xi32, #tpu.memory_space<hbm>> -> memref<1x16xi32, #tpu.memory_space<hbm>>
      %dma_wait3A_143 = tpu.memref_squeeze %dma_wait3A_142 : memref<1x16xi32, #tpu.memory_space<hbm>> -> memref<16xi32, #tpu.memory_space<hbm>>
      %dma_wait3A_144 = arith.constant 0 : i32
      %dma_wait3A_145 = tpu.memref_slice %arg37[%run_scoped3A, %dma_wait3A_144] : memref<4x16xi32, #tpu.memory_space<vmem>> -> memref<1x16xi32, #tpu.memory_space<vmem>>
      %dma_wait3A_146 = tpu.memref_squeeze %dma_wait3A_145 : memref<1x16xi32, #tpu.memory_space<vmem>> -> memref<16xi32, #tpu.memory_space<vmem>>
      %dma_wait3A_147 = arith.constant 0 : i32
      %dma_wait3A_148 = tpu.memref_slice %arg20[%add3A, %dma_wait3A_147] : memref<32x16xi32, #tpu.memory_space<hbm>> -> memref<1x16xi32, #tpu.memory_space<hbm>>
      %dma_wait3A_149 = tpu.memref_squeeze %dma_wait3A_148 : memref<1x16xi32, #tpu.memory_space<hbm>> -> memref<16xi32, #tpu.memory_space<hbm>>
      tpu.wait_dma2 semaphore(%run_scoped3A_125 : memref<!tpu.dma_semaphore, #tpu.memory_space<semaphore_mem>>) src(%dma_wait3A_149 : memref<16xi32, #tpu.memory_space<hbm>>) dst(%dma_wait3A_146 : memref<16xi32, #tpu.memory_space<vmem>>)
      tpu.yield
    }) : () -> ()
    %run_scoped3A_41 = arith.constant 1 : i32
    "tpu.region"() ({
      %run_scoped3A_125 = tpu.sem_alloc : memref<!tpu.dma_semaphore, #tpu.memory_space<semaphore_mem>>
      %dma_start3A_126 = arith.constant 0 : i32
      %dma_start3A_127 = tpu.memref_slice %arg37[%run_scoped3A_41, %dma_start3A_126] : memref<4x16xi32, #tpu.memory_space<vmem>> -> memref<1x16xi32, #tpu.memory_space<vmem>>
      %dma_start3A_128 = tpu.memref_squeeze %dma_start3A_127 : memref<1x16xi32, #tpu.memory_space<vmem>> -> memref<16xi32, #tpu.memory_space<vmem>>
      %dma_start3A_129 = arith.constant 0 : i32
      %dma_start3A_130 = tpu.memref_slice %arg21[%add3A, %dma_start3A_129] : memref<32x16xi32, #tpu.memory_space<hbm>> -> memref<1x16xi32, #tpu.memory_space<hbm>>
      %dma_start3A_131 = tpu.memref_squeeze %dma_start3A_130 : memref<1x16xi32, #tpu.memory_space<hbm>> -> memref<16xi32, #tpu.memory_space<hbm>>
      %dma_start3A_132 = arith.constant 0 : i32
      %dma_start3A_133 = tpu.memref_slice %arg37[%run_scoped3A_41, %dma_start3A_132] : memref<4x16xi32, #tpu.memory_space<vmem>> -> memref<1x16xi32, #tpu.memory_space<vmem>>
      %dma_start3A_134 = tpu.memref_squeeze %dma_start3A_133 : memref<1x16xi32, #tpu.memory_space<vmem>> -> memref<16xi32, #tpu.memory_space<vmem>>
      %dma_start3A_135 = arith.constant 0 : i32
      %dma_start3A_136 = tpu.memref_slice %arg21[%add3A, %dma_start3A_135] : memref<32x16xi32, #tpu.memory_space<hbm>> -> memref<1x16xi32, #tpu.memory_space<hbm>>
      %dma_start3A_137 = tpu.memref_squeeze %dma_start3A_136 : memref<1x16xi32, #tpu.memory_space<hbm>> -> memref<16xi32, #tpu.memory_space<hbm>>
      tpu.enqueue_dma source(%dma_start3A_137 : memref<16xi32, #tpu.memory_space<hbm>>) target(%dma_start3A_134 : memref<16xi32, #tpu.memory_space<vmem>>) target_semaphore(%run_scoped3A_125 : memref<!tpu.dma_semaphore, #tpu.memory_space<semaphore_mem>>)
      %dma_wait3A_138 = arith.constant 0 : i32
      %dma_wait3A_139 = tpu.memref_slice %arg37[%run_scoped3A_41, %dma_wait3A_138] : memref<4x16xi32, #tpu.memory_space<vmem>> -> memref<1x16xi32, #tpu.memory_space<vmem>>
      %dma_wait3A_140 = tpu.memref_squeeze %dma_wait3A_139 : memref<1x16xi32, #tpu.memory_space<vmem>> -> memref<16xi32, #tpu.memory_space<vmem>>
      %dma_wait3A_141 = arith.constant 0 : i32
      %dma_wait3A_142 = tpu.memref_slice %arg21[%add3A, %dma_wait3A_141] : memref<32x16xi32, #tpu.memory_space<hbm>> -> memref<1x16xi32, #tpu.memory_space<hbm>>
      %dma_wait3A_143 = tpu.memref_squeeze %dma_wait3A_142 : memref<1x16xi32, #tpu.memory_space<hbm>> -> memref<16xi32, #tpu.memory_space<hbm>>
      %dma_wait3A_144 = arith.constant 0 : i32
      %dma_wait3A_145 = tpu.memref_slice %arg37[%run_scoped3A_41, %dma_wait3A_144] : memref<4x16xi32, #tpu.memory_space<vmem>> -> memref<1x16xi32, #tpu.memory_space<vmem>>
      %dma_wait3A_146 = tpu.memref_squeeze %dma_wait3A_145 : memref<1x16xi32, #tpu.memory_space<vmem>> -> memref<16xi32, #tpu.memory_space<vmem>>
      %dma_wait3A_147 = arith.constant 0 : i32
      %dma_wait3A_148 = tpu.memref_slice %arg21[%add3A, %dma_wait3A_147] : memref<32x16xi32, #tpu.memory_space<hbm>> -> memref<1x16xi32, #tpu.memory_space<hbm>>
      %dma_wait3A_149 = tpu.memref_squeeze %dma_wait3A_148 : memref<1x16xi32, #tpu.memory_space<hbm>> -> memref<16xi32, #tpu.memory_space<hbm>>
      tpu.wait_dma2 semaphore(%run_scoped3A_125 : memref<!tpu.dma_semaphore, #tpu.memory_space<semaphore_mem>>) src(%dma_wait3A_149 : memref<16xi32, #tpu.memory_space<hbm>>) dst(%dma_wait3A_146 : memref<16xi32, #tpu.memory_space<vmem>>)
      tpu.yield
    }) : () -> ()
    %run_scoped3A_42 = arith.constant 2 : i32
    "tpu.region"() ({
      %run_scoped3A_125 = tpu.sem_alloc : memref<!tpu.dma_semaphore, #tpu.memory_space<semaphore_mem>>
      %dma_start3A_126 = arith.constant 0 : i32
      %dma_start3A_127 = tpu.memref_slice %arg37[%run_scoped3A_42, %dma_start3A_126] : memref<4x16xi32, #tpu.memory_space<vmem>> -> memref<1x16xi32, #tpu.memory_space<vmem>>
      %dma_start3A_128 = tpu.memref_squeeze %dma_start3A_127 : memref<1x16xi32, #tpu.memory_space<vmem>> -> memref<16xi32, #tpu.memory_space<vmem>>
      %dma_start3A_129 = arith.constant 0 : i32
      %dma_start3A_130 = tpu.memref_slice %arg22[%add3A, %dma_start3A_129] : memref<32x16xi32, #tpu.memory_space<hbm>> -> memref<1x16xi32, #tpu.memory_space<hbm>>
      %dma_start3A_131 = tpu.memref_squeeze %dma_start3A_130 : memref<1x16xi32, #tpu.memory_space<hbm>> -> memref<16xi32, #tpu.memory_space<hbm>>
      %dma_start3A_132 = arith.constant 0 : i32
      %dma_start3A_133 = tpu.memref_slice %arg37[%run_scoped3A_42, %dma_start3A_132] : memref<4x16xi32, #tpu.memory_space<vmem>> -> memref<1x16xi32, #tpu.memory_space<vmem>>
      %dma_start3A_134 = tpu.memref_squeeze %dma_start3A_133 : memref<1x16xi32, #tpu.memory_space<vmem>> -> memref<16xi32, #tpu.memory_space<vmem>>
      %dma_start3A_135 = arith.constant 0 : i32
      %dma_start3A_136 = tpu.memref_slice %arg22[%add3A, %dma_start3A_135] : memref<32x16xi32, #tpu.memory_space<hbm>> -> memref<1x16xi32, #tpu.memory_space<hbm>>
      %dma_start3A_137 = tpu.memref_squeeze %dma_start3A_136 : memref<1x16xi32, #tpu.memory_space<hbm>> -> memref<16xi32, #tpu.memory_space<hbm>>
      tpu.enqueue_dma source(%dma_start3A_137 : memref<16xi32, #tpu.memory_space<hbm>>) target(%dma_start3A_134 : memref<16xi32, #tpu.memory_space<vmem>>) target_semaphore(%run_scoped3A_125 : memref<!tpu.dma_semaphore, #tpu.memory_space<semaphore_mem>>)
      %dma_wait3A_138 = arith.constant 0 : i32
      %dma_wait3A_139 = tpu.memref_slice %arg37[%run_scoped3A_42, %dma_wait3A_138] : memref<4x16xi32, #tpu.memory_space<vmem>> -> memref<1x16xi32, #tpu.memory_space<vmem>>
      %dma_wait3A_140 = tpu.memref_squeeze %dma_wait3A_139 : memref<1x16xi32, #tpu.memory_space<vmem>> -> memref<16xi32, #tpu.memory_space<vmem>>
      %dma_wait3A_141 = arith.constant 0 : i32
      %dma_wait3A_142 = tpu.memref_slice %arg22[%add3A, %dma_wait3A_141] : memref<32x16xi32, #tpu.memory_space<hbm>> -> memref<1x16xi32, #tpu.memory_space<hbm>>
      %dma_wait3A_143 = tpu.memref_squeeze %dma_wait3A_142 : memref<1x16xi32, #tpu.memory_space<hbm>> -> memref<16xi32, #tpu.memory_space<hbm>>
      %dma_wait3A_144 = arith.constant 0 : i32
      %dma_wait3A_145 = tpu.memref_slice %arg37[%run_scoped3A_42, %dma_wait3A_144] : memref<4x16xi32, #tpu.memory_space<vmem>> -> memref<1x16xi32, #tpu.memory_space<vmem>>
      %dma_wait3A_146 = tpu.memref_squeeze %dma_wait3A_145 : memref<1x16xi32, #tpu.memory_space<vmem>> -> memref<16xi32, #tpu.memory_space<vmem>>
      %dma_wait3A_147 = arith.constant 0 : i32
      %dma_wait3A_148 = tpu.memref_slice %arg22[%add3A, %dma_wait3A_147] : memref<32x16xi32, #tpu.memory_space<hbm>> -> memref<1x16xi32, #tpu.memory_space<hbm>>
      %dma_wait3A_149 = tpu.memref_squeeze %dma_wait3A_148 : memref<1x16xi32, #tpu.memory_space<hbm>> -> memref<16xi32, #tpu.memory_space<hbm>>
      tpu.wait_dma2 semaphore(%run_scoped3A_125 : memref<!tpu.dma_semaphore, #tpu.memory_space<semaphore_mem>>) src(%dma_wait3A_149 : memref<16xi32, #tpu.memory_space<hbm>>) dst(%dma_wait3A_146 : memref<16xi32, #tpu.memory_space<vmem>>)
      tpu.yield
    }) : () -> ()
    %run_scoped3A_43 = arith.constant 3 : i32
    "tpu.region"() ({
      %run_scoped3A_125 = tpu.sem_alloc : memref<!tpu.dma_semaphore, #tpu.memory_space<semaphore_mem>>
      %dma_start3A_126 = arith.constant 0 : i32
      %dma_start3A_127 = tpu.memref_slice %arg37[%run_scoped3A_43, %dma_start3A_126] : memref<4x16xi32, #tpu.memory_space<vmem>> -> memref<1x16xi32, #tpu.memory_space<vmem>>
      %dma_start3A_128 = tpu.memref_squeeze %dma_start3A_127 : memref<1x16xi32, #tpu.memory_space<vmem>> -> memref<16xi32, #tpu.memory_space<vmem>>
      %dma_start3A_129 = arith.constant 0 : i32
      %dma_start3A_130 = tpu.memref_slice %arg23[%add3A, %dma_start3A_129] : memref<32x16xi32, #tpu.memory_space<hbm>> -> memref<1x16xi32, #tpu.memory_space<hbm>>
      %dma_start3A_131 = tpu.memref_squeeze %dma_start3A_130 : memref<1x16xi32, #tpu.memory_space<hbm>> -> memref<16xi32, #tpu.memory_space<hbm>>
      %dma_start3A_132 = arith.constant 0 : i32
      %dma_start3A_133 = tpu.memref_slice %arg37[%run_scoped3A_43, %dma_start3A_132] : memref<4x16xi32, #tpu.memory_space<vmem>> -> memref<1x16xi32, #tpu.memory_space<vmem>>
      %dma_start3A_134 = tpu.memref_squeeze %dma_start3A_133 : memref<1x16xi32, #tpu.memory_space<vmem>> -> memref<16xi32, #tpu.memory_space<vmem>>
      %dma_start3A_135 = arith.constant 0 : i32
      %dma_start3A_136 = tpu.memref_slice %arg23[%add3A, %dma_start3A_135] : memref<32x16xi32, #tpu.memory_space<hbm>> -> memref<1x16xi32, #tpu.memory_space<hbm>>
      %dma_start3A_137 = tpu.memref_squeeze %dma_start3A_136 : memref<1x16xi32, #tpu.memory_space<hbm>> -> memref<16xi32, #tpu.memory_space<hbm>>
      tpu.enqueue_dma source(%dma_start3A_137 : memref<16xi32, #tpu.memory_space<hbm>>) target(%dma_start3A_134 : memref<16xi32, #tpu.memory_space<vmem>>) target_semaphore(%run_scoped3A_125 : memref<!tpu.dma_semaphore, #tpu.memory_space<semaphore_mem>>)
      %dma_wait3A_138 = arith.constant 0 : i32
      %dma_wait3A_139 = tpu.memref_slice %arg37[%run_scoped3A_43, %dma_wait3A_138] : memref<4x16xi32, #tpu.memory_space<vmem>> -> memref<1x16xi32, #tpu.memory_space<vmem>>
      %dma_wait3A_140 = tpu.memref_squeeze %dma_wait3A_139 : memref<1x16xi32, #tpu.memory_space<vmem>> -> memref<16xi32, #tpu.memory_space<vmem>>
      %dma_wait3A_141 = arith.constant 0 : i32
      %dma_wait3A_142 = tpu.memref_slice %arg23[%add3A, %dma_wait3A_141] : memref<32x16xi32, #tpu.memory_space<hbm>> -> memref<1x16xi32, #tpu.memory_space<hbm>>
      %dma_wait3A_143 = tpu.memref_squeeze %dma_wait3A_142 : memref<1x16xi32, #tpu.memory_space<hbm>> -> memref<16xi32, #tpu.memory_space<hbm>>
      %dma_wait3A_144 = arith.constant 0 : i32
      %dma_wait3A_145 = tpu.memref_slice %arg37[%run_scoped3A_43, %dma_wait3A_144] : memref<4x16xi32, #tpu.memory_space<vmem>> -> memref<1x16xi32, #tpu.memory_space<vmem>>
      %dma_wait3A_146 = tpu.memref_squeeze %dma_wait3A_145 : memref<1x16xi32, #tpu.memory_space<vmem>> -> memref<16xi32, #tpu.memory_space<vmem>>
      %dma_wait3A_147 = arith.constant 0 : i32
      %dma_wait3A_148 = tpu.memref_slice %arg23[%add3A, %dma_wait3A_147] : memref<32x16xi32, #tpu.memory_space<hbm>> -> memref<1x16xi32, #tpu.memory_space<hbm>>
      %dma_wait3A_149 = tpu.memref_squeeze %dma_wait3A_148 : memref<1x16xi32, #tpu.memory_space<hbm>> -> memref<16xi32, #tpu.memory_space<hbm>>
      tpu.wait_dma2 semaphore(%run_scoped3A_125 : memref<!tpu.dma_semaphore, #tpu.memory_space<semaphore_mem>>) src(%dma_wait3A_149 : memref<16xi32, #tpu.memory_space<hbm>>) dst(%dma_wait3A_146 : memref<16xi32, #tpu.memory_space<vmem>>)
      tpu.yield
    }) : () -> ()
    %dma_start3A_44 = arith.constant 0 : i32
    %dma_start3A_45 = arith.constant 0 : i32
    %dma_start3A_46 = arith.constant 0 : i32
    %dma_start3A_47 = tpu.memref_slice %arg35[%dma_start3A_45, %dma_start3A_46] : memref<800x64xf32, #tpu.memory_space<vmem>> -> memref<16x64xf32, #tpu.memory_space<vmem>>
    %dma_start3A_48 = arith.constant 0 : i32
    %dma_start3A_49 = tpu.memref_slice %arg37[%dma_start3A_44, %dma_start3A_48] : memref<4x16xi32, #tpu.memory_space<vmem>> -> memref<1x16xi32, #tpu.memory_space<vmem>>
    %dma_start3A_50 = tpu.memref_squeeze %dma_start3A_49 : memref<1x16xi32, #tpu.memory_space<vmem>> -> memref<16xi32, #tpu.memory_space<vmem>>
    %dma_start3A_51 = arith.constant 0 : i32
    %dma_start3A_52 = arith.constant 0 : i32
    %dma_start3A_53 = tpu.memref_slice %arg6[%dma_start3A_51, %dma_start3A_52] : memref<100001x64xf32, #tpu.memory_space<hbm>> -> memref<100001x64xf32, #tpu.memory_space<hbm>>
    tpu.enqueue_indirect_dma source(%dma_start3A_53 : memref<100001x64xf32, #tpu.memory_space<hbm>>) target(%dma_start3A_47 : memref<16x64xf32, #tpu.memory_space<vmem>>) offsets(%dma_start3A_50 : memref<16xi32, #tpu.memory_space<vmem>>) semaphore(%arg38 : memref<!tpu.dma_semaphore, #tpu.memory_space<semaphore_mem>>)
    %dma_wait3A = arith.constant 0 : i32
    %dma_wait3A_54 = arith.constant 0 : i32
    %dma_wait3A_55 = arith.constant 0 : i32
    %dma_wait3A_56 = tpu.memref_slice %arg35[%dma_wait3A_54, %dma_wait3A_55] : memref<800x64xf32, #tpu.memory_space<vmem>> -> memref<16x64xf32, #tpu.memory_space<vmem>>
    %dma_wait3A_57 = arith.constant 0 : i32
    %dma_wait3A_58 = tpu.memref_slice %arg37[%dma_wait3A, %dma_wait3A_57] : memref<4x16xi32, #tpu.memory_space<vmem>> -> memref<1x16xi32, #tpu.memory_space<vmem>>
    %dma_wait3A_59 = tpu.memref_squeeze %dma_wait3A_58 : memref<1x16xi32, #tpu.memory_space<vmem>> -> memref<16xi32, #tpu.memory_space<vmem>>
    %dma_wait3A_60 = arith.constant 0 : i32
    %dma_wait3A_61 = arith.constant 0 : i32
    %dma_wait3A_62 = tpu.memref_slice %arg6[%dma_wait3A_60, %dma_wait3A_61] : memref<100001x64xf32, #tpu.memory_space<hbm>> -> memref<100001x64xf32, #tpu.memory_space<hbm>>
    tpu.wait_indirect_dma semaphore(%arg38 : memref<!tpu.dma_semaphore, #tpu.memory_space<semaphore_mem>>) src(%dma_wait3A_62 : memref<100001x64xf32, #tpu.memory_space<hbm>>) dst(%dma_wait3A_56 : memref<16x64xf32, #tpu.memory_space<vmem>>)
    %dma_start3A_63 = arith.constant 1 : i32
    %dma_start3A_64 = arith.constant 0 : i32
    %dma_start3A_65 = arith.constant 0 : i32
    %dma_start3A_66 = tpu.memref_slice %arg35[%dma_start3A_64, %dma_start3A_65] : memref<800x64xf32, #tpu.memory_space<vmem>> -> memref<16x64xf32, #tpu.memory_space<vmem>>
    %dma_start3A_67 = arith.constant 0 : i32
    %dma_start3A_68 = tpu.memref_slice %arg37[%dma_start3A_63, %dma_start3A_67] : memref<4x16xi32, #tpu.memory_space<vmem>> -> memref<1x16xi32, #tpu.memory_space<vmem>>
    %dma_start3A_69 = tpu.memref_squeeze %dma_start3A_68 : memref<1x16xi32, #tpu.memory_space<vmem>> -> memref<16xi32, #tpu.memory_space<vmem>>
    %dma_start3A_70 = arith.constant 0 : i32
    %dma_start3A_71 = arith.constant 0 : i32
    %dma_start3A_72 = tpu.memref_slice %arg7[%dma_start3A_70, %dma_start3A_71] : memref<101x64xf32, #tpu.memory_space<hbm>> -> memref<101x64xf32, #tpu.memory_space<hbm>>
    tpu.enqueue_indirect_dma source(%dma_start3A_72 : memref<101x64xf32, #tpu.memory_space<hbm>>) target(%dma_start3A_66 : memref<16x64xf32, #tpu.memory_space<vmem>>) offsets(%dma_start3A_69 : memref<16xi32, #tpu.memory_space<vmem>>) semaphore(%arg38 : memref<!tpu.dma_semaphore, #tpu.memory_space<semaphore_mem>>) {add = true}
    %dma_start3A_73 = arith.constant 2 : i32
    %dma_start3A_74 = arith.constant 0 : i32
    %dma_start3A_75 = arith.constant 0 : i32
    %dma_start3A_76 = tpu.memref_slice %arg35[%dma_start3A_74, %dma_start3A_75] : memref<800x64xf32, #tpu.memory_space<vmem>> -> memref<16x64xf32, #tpu.memory_space<vmem>>
    %dma_start3A_77 = arith.constant 0 : i32
    %dma_start3A_78 = tpu.memref_slice %arg37[%dma_start3A_73, %dma_start3A_77] : memref<4x16xi32, #tpu.memory_space<vmem>> -> memref<1x16xi32, #tpu.memory_space<vmem>>
    %dma_start3A_79 = tpu.memref_squeeze %dma_start3A_78 : memref<1x16xi32, #tpu.memory_space<vmem>> -> memref<16xi32, #tpu.memory_space<vmem>>
    %dma_start3A_80 = arith.constant 0 : i32
    %dma_start3A_81 = arith.constant 0 : i32
    %dma_start3A_82 = tpu.memref_slice %arg8[%dma_start3A_80, %dma_start3A_81] : memref<11x64xf32, #tpu.memory_space<hbm>> -> memref<11x64xf32, #tpu.memory_space<hbm>>
    tpu.enqueue_indirect_dma source(%dma_start3A_82 : memref<11x64xf32, #tpu.memory_space<hbm>>) target(%dma_start3A_76 : memref<16x64xf32, #tpu.memory_space<vmem>>) offsets(%dma_start3A_79 : memref<16xi32, #tpu.memory_space<vmem>>) semaphore(%arg39 : memref<!tpu.dma_semaphore, #tpu.memory_space<semaphore_mem>>) {add = true}
    %dma_start3A_83 = arith.constant 3 : i32
    %dma_start3A_84 = arith.constant 0 : i32
    %dma_start3A_85 = arith.constant 0 : i32
    %dma_start3A_86 = tpu.memref_slice %arg35[%dma_start3A_84, %dma_start3A_85] : memref<800x64xf32, #tpu.memory_space<vmem>> -> memref<16x64xf32, #tpu.memory_space<vmem>>
    %dma_start3A_87 = arith.constant 0 : i32
    %dma_start3A_88 = tpu.memref_slice %arg37[%dma_start3A_83, %dma_start3A_87] : memref<4x16xi32, #tpu.memory_space<vmem>> -> memref<1x16xi32, #tpu.memory_space<vmem>>
    %dma_start3A_89 = tpu.memref_squeeze %dma_start3A_88 : memref<1x16xi32, #tpu.memory_space<vmem>> -> memref<16xi32, #tpu.memory_space<vmem>>
    %dma_start3A_90 = arith.constant 0 : i32
    %dma_start3A_91 = arith.constant 0 : i32
    %dma_start3A_92 = tpu.memref_slice %arg9[%dma_start3A_90, %dma_start3A_91] : memref<1001x64xf32, #tpu.memory_space<hbm>> -> memref<1001x64xf32, #tpu.memory_space<hbm>>
    tpu.enqueue_indirect_dma source(%dma_start3A_92 : memref<1001x64xf32, #tpu.memory_space<hbm>>) target(%dma_start3A_86 : memref<16x64xf32, #tpu.memory_space<vmem>>) offsets(%dma_start3A_89 : memref<16xi32, #tpu.memory_space<vmem>>) semaphore(%arg40 : memref<!tpu.dma_semaphore, #tpu.memory_space<semaphore_mem>>) {add = true}
    %dma_wait3A_93 = arith.constant 1 : i32
    %dma_wait3A_94 = arith.constant 0 : i32
    %dma_wait3A_95 = arith.constant 0 : i32
    %dma_wait3A_96 = tpu.memref_slice %arg35[%dma_wait3A_94, %dma_wait3A_95] : memref<800x64xf32, #tpu.memory_space<vmem>> -> memref<16x64xf32, #tpu.memory_space<vmem>>
    %dma_wait3A_97 = arith.constant 0 : i32
    %dma_wait3A_98 = tpu.memref_slice %arg37[%dma_wait3A_93, %dma_wait3A_97] : memref<4x16xi32, #tpu.memory_space<vmem>> -> memref<1x16xi32, #tpu.memory_space<vmem>>
    %dma_wait3A_99 = tpu.memref_squeeze %dma_wait3A_98 : memref<1x16xi32, #tpu.memory_space<vmem>> -> memref<16xi32, #tpu.memory_space<vmem>>
    %dma_wait3A_100 = arith.constant 0 : i32
    %dma_wait3A_101 = arith.constant 0 : i32
    %dma_wait3A_102 = tpu.memref_slice %arg7[%dma_wait3A_100, %dma_wait3A_101] : memref<101x64xf32, #tpu.memory_space<hbm>> -> memref<101x64xf32, #tpu.memory_space<hbm>>
    tpu.wait_indirect_dma semaphore(%arg38 : memref<!tpu.dma_semaphore, #tpu.memory_space<semaphore_mem>>) src(%dma_wait3A_102 : memref<101x64xf32, #tpu.memory_space<hbm>>) dst(%dma_wait3A_96 : memref<16x64xf32, #tpu.memory_space<vmem>>)
    %dma_wait3A_103 = arith.constant 2 : i32
    %dma_wait3A_104 = arith.constant 0 : i32
    %dma_wait3A_105 = arith.constant 0 : i32
    %dma_wait3A_106 = tpu.memref_slice %arg35[%dma_wait3A_104, %dma_wait3A_105] : memref<800x64xf32, #tpu.memory_space<vmem>> -> memref<16x64xf32, #tpu.memory_space<vmem>>
    %dma_wait3A_107 = arith.constant 0 : i32
    %dma_wait3A_108 = tpu.memref_slice %arg37[%dma_wait3A_103, %dma_wait3A_107] : memref<4x16xi32, #tpu.memory_space<vmem>> -> memref<1x16xi32, #tpu.memory_space<vmem>>
    %dma_wait3A_109 = tpu.memref_squeeze %dma_wait3A_108 : memref<1x16xi32, #tpu.memory_space<vmem>> -> memref<16xi32, #tpu.memory_space<vmem>>
    %dma_wait3A_110 = arith.constant 0 : i32
    %dma_wait3A_111 = arith.constant 0 : i32
    %dma_wait3A_112 = tpu.memref_slice %arg8[%dma_wait3A_110, %dma_wait3A_111] : memref<11x64xf32, #tpu.memory_space<hbm>> -> memref<11x64xf32, #tpu.memory_space<hbm>>
    tpu.wait_indirect_dma semaphore(%arg39 : memref<!tpu.dma_semaphore, #tpu.memory_space<semaphore_mem>>) src(%dma_wait3A_112 : memref<11x64xf32, #tpu.memory_space<hbm>>) dst(%dma_wait3A_106 : memref<16x64xf32, #tpu.memory_space<vmem>>)
    %dma_wait3A_113 = arith.constant 3 : i32
    %dma_wait3A_114 = arith.constant 0 : i32
    %dma_wait3A_115 = arith.constant 0 : i32
    %dma_wait3A_116 = tpu.memref_slice %arg35[%dma_wait3A_114, %dma_wait3A_115] : memref<800x64xf32, #tpu.memory_space<vmem>> -> memref<16x64xf32, #tpu.memory_space<vmem>>
    %dma_wait3A_117 = arith.constant 0 : i32
    %dma_wait3A_118 = tpu.memref_slice %arg37[%dma_wait3A_113, %dma_wait3A_117] : memref<4x16xi32, #tpu.memory_space<vmem>> -> memref<1x16xi32, #tpu.memory_space<vmem>>
    %dma_wait3A_119 = tpu.memref_squeeze %dma_wait3A_118 : memref<1x16xi32, #tpu.memory_space<vmem>> -> memref<16xi32, #tpu.memory_space<vmem>>
    %dma_wait3A_120 = arith.constant 0 : i32
    %dma_wait3A_121 = arith.constant 0 : i32
    %dma_wait3A_122 = tpu.memref_slice %arg9[%dma_wait3A_120, %dma_wait3A_121] : memref<1001x64xf32, #tpu.memory_space<hbm>> -> memref<1001x64xf32, #tpu.memory_space<hbm>>
    tpu.wait_indirect_dma semaphore(%arg40 : memref<!tpu.dma_semaphore, #tpu.memory_space<semaphore_mem>>) src(%dma_wait3A_122 : memref<1001x64xf32, #tpu.memory_space<hbm>>) dst(%dma_wait3A_116 : memref<16x64xf32, #tpu.memory_space<vmem>>)
    %mul3A_123 = arith.constant 16 : i32
    %mul3A_124 = arith.muli %add3A, %mul3A_123 : i32
    "tpu.region"() ({
      %run_scoped3A_125 = tpu.sem_alloc : memref<!tpu.dma_semaphore, #tpu.memory_space<semaphore_mem>>
      %dma_start3A_126 = arith.constant 0 : i32
      %dma_start3A_127 = arith.constant 0 : i32
      %dma_start3A_128 = tpu.memref_slice %arg35[%dma_start3A_126, %dma_start3A_127] : memref<800x64xf32, #tpu.memory_space<vmem>> -> memref<16x64xf32, #tpu.memory_space<vmem>>
      %dma_start3A_129 = arith.constant 0 : i32
      %dma_start3A_130 = tpu.memref_slice %arg28[%mul3A_124, %dma_start3A_129] : memref<512x64xf32, #tpu.memory_space<hbm>> -> memref<16x64xf32, #tpu.memory_space<hbm>>
      %dma_start3A_131 = arith.constant 0 : i32
      %dma_start3A_132 = tpu.memref_slice %arg28[%mul3A_124, %dma_start3A_131] : memref<512x64xf32, #tpu.memory_space<hbm>> -> memref<16x64xf32, #tpu.memory_space<hbm>>
      %dma_start3A_133 = arith.constant 0 : i32
      %dma_start3A_134 = arith.constant 0 : i32
      %dma_start3A_135 = tpu.memref_slice %arg35[%dma_start3A_133, %dma_start3A_134] : memref<800x64xf32, #tpu.memory_space<vmem>> -> memref<16x64xf32, #tpu.memory_space<vmem>>
      tpu.enqueue_dma source(%dma_start3A_135 : memref<16x64xf32, #tpu.memory_space<vmem>>) target(%dma_start3A_132 : memref<16x64xf32, #tpu.memory_space<hbm>>) target_semaphore(%run_scoped3A_125 : memref<!tpu.dma_semaphore, #tpu.memory_space<semaphore_mem>>)
      %dma_wait3A_136 = arith.constant 0 : i32
      %dma_wait3A_137 = arith.constant 0 : i32
      %dma_wait3A_138 = tpu.memref_slice %arg35[%dma_wait3A_136, %dma_wait3A_137] : memref<800x64xf32, #tpu.memory_space<vmem>> -> memref<16x64xf32, #tpu.memory_space<vmem>>
      %dma_wait3A_139 = arith.constant 0 : i32
      %dma_wait3A_140 = tpu.memref_slice %arg28[%mul3A_124, %dma_wait3A_139] : memref<512x64xf32, #tpu.memory_space<hbm>> -> memref<16x64xf32, #tpu.memory_space<hbm>>
      %dma_wait3A_141 = arith.constant 0 : i32
      %dma_wait3A_142 = tpu.memref_slice %arg28[%mul3A_124, %dma_wait3A_141] : memref<512x64xf32, #tpu.memory_space<hbm>> -> memref<16x64xf32, #tpu.memory_space<hbm>>
      %dma_wait3A_143 = arith.constant 0 : i32
      %dma_wait3A_144 = arith.constant 0 : i32
      %dma_wait3A_145 = tpu.memref_slice %arg35[%dma_wait3A_143, %dma_wait3A_144] : memref<800x64xf32, #tpu.memory_space<vmem>> -> memref<16x64xf32, #tpu.memory_space<vmem>>
      tpu.wait_dma2 semaphore(%run_scoped3A_125 : memref<!tpu.dma_semaphore, #tpu.memory_space<semaphore_mem>>) src(%dma_wait3A_145 : memref<16x64xf32, #tpu.memory_space<vmem>>) dst(%dma_wait3A_142 : memref<16x64xf32, #tpu.memory_space<hbm>>)
      tpu.yield
    }) : () -> ()
    return
  }
}

module attributes {stable_mosaic.version = 14 : i64} {
  func.func @_tc_body(%arg0: i32, %arg1: memref<3200x128xf32, #tpu.memory_space<vmem>>, %arg2: memref<3200x128xf32, #tpu.memory_space<vmem>>, %arg3: memref<3200x128xf32, #tpu.memory_space<vmem>>, %arg4: memref<3200x128xf32, #tpu.memory_space<vmem>>, %arg5: memref<32x64xf32, #tpu.memory_space<vmem>>, %arg6: memref<32x100xi32, #tpu.memory_space<vmem>>, %arg7: memref<32x100xi32, #tpu.memory_space<vmem>>, %arg8: memref<32x100xi32, #tpu.memory_space<vmem>>, %arg9: memref<32x100xi32, #tpu.memory_space<vmem>>, %arg10: memref<8xf32, #tpu.memory_space<smem>>, %arg11: memref<128x128xf32, #tpu.memory_space<vmem>>, %arg12: memref<1x128xf32, #tpu.memory_space<vmem>>, %arg13: memref<64x64xf32, #tpu.memory_space<vmem>>, %arg14: memref<1x64xf32, #tpu.memory_space<vmem>>, %arg15: memref<1x64xf32, #tpu.memory_space<vmem>>, %arg16: memref<1x64xf32, #tpu.memory_space<vmem>>, %arg17: memref<8xf32, #tpu.memory_space<smem>>, %arg18: memref<8xf32, #tpu.memory_space<smem>>) attributes {dimension_semantics = [#tpu.dimension_semantics<arbitrary>], iteration_bounds = array<i64: 16>, scalar_prefetch = 0 : i64, scratch_operands = 1 : i64, tpu.core_type = #tpu.core_type<tc>, window_params = [{transform_indices = @transform_0, window_bounds = array<i64: 3200, 128>}, {transform_indices = @transform_1, window_bounds = array<i64: 3200, 128>}, {transform_indices = @transform_2, window_bounds = array<i64: 3200, 128>}, {transform_indices = @transform_3, window_bounds = array<i64: 3200, 128>}, {transform_indices = @transform_4, window_bounds = array<i64: 32, 64>}, {transform_indices = @transform_5, window_bounds = array<i64: 32, 100>}, {transform_indices = @transform_6, window_bounds = array<i64: 32, 100>}, {transform_indices = @transform_7, window_bounds = array<i64: 32, 100>}, {transform_indices = @transform_8, window_bounds = array<i64: 32, 100>}, {transform_indices = @transform_9, window_bounds = array<i64: 8>}, {pipeline_mode = #tpu.pipeline_mode<synchronous>, transform_indices = @transform_10, window_bounds = array<i64: 128, 128>}, {pipeline_mode = #tpu.pipeline_mode<synchronous>, transform_indices = @transform_11, window_bounds = array<i64: 1, 128>}, {pipeline_mode = #tpu.pipeline_mode<synchronous>, transform_indices = @transform_12, window_bounds = array<i64: 64, 64>}, {pipeline_mode = #tpu.pipeline_mode<synchronous>, transform_indices = @transform_13, window_bounds = array<i64: 1, 64>}, {pipeline_mode = #tpu.pipeline_mode<synchronous>, transform_indices = @transform_14, window_bounds = array<i64: 1, 64>}, {pipeline_mode = #tpu.pipeline_mode<synchronous>, transform_indices = @transform_15, window_bounds = array<i64: 1, 64>}, {transform_indices = @transform_16, window_bounds = array<i64: 8>}]} {
    %get3A = arith.constant 0 : index
    %get3A_0 = arith.constant 0 : index
    %get3A_1 = vector.load %arg11[%get3A, %get3A_0] : memref<128x128xf32, #tpu.memory_space<vmem>>, vector<128x128xf32>
    %get3A_2 = arith.constant 0 : index
    %get3A_3 = arith.constant 0 : index
    %get3A_4 = vector.load %arg12[%get3A_2, %get3A_3] : memref<1x128xf32, #tpu.memory_space<vmem>>, vector<1x128xf32>
    %get3A_5 = arith.constant 0 : index
    %get3A_6 = arith.constant 0 : index
    %get3A_7 = vector.load %arg1[%get3A_5, %get3A_6] : memref<3200x128xf32, #tpu.memory_space<vmem>>, vector<3200x128xf32>
    %dot_general3A = arith.constant dense<0.000000e+00> : vector<3200x128xf32>
    %dot_general3A_8 = tpu.matmul %get3A_7, %get3A_1, %dot_general3A {dimension_numbers = #tpu.dot_dimension_numbers<[1], [0], [0], [1], [0, 0, 1, 1], [], []>, transpose_lhs_hint = false} : vector<3200x128xf32>, vector<128x128xf32>, vector<3200x128xf32> -> vector<3200x128xf32>
    %add3A = vector.broadcast %get3A_4 : vector<1x128xf32> to vector<3200x128xf32>
    %add3A_9 = arith.addf %dot_general3A_8, %add3A : vector<3200x128xf32>
    %tanh3A = math.tanh %add3A_9 : vector<3200x128xf32>
    %reshape3A = vector.shape_cast %tanh3A : vector<3200x128xf32> to vector<32x100x128xf32>
    %slice3A = vector.extract_strided_slice %reshape3A {offsets = [0, 0, 0], sizes = [32, 100, 64], strides = [1, 1, 1]} : vector<32x100x128xf32> to vector<32x100x64xf32>
    %slice3A_10 = vector.extract_strided_slice %reshape3A {offsets = [0, 0, 64], sizes = [32, 100, 64], strides = [1, 1, 1]} : vector<32x100x128xf32> to vector<32x100x64xf32>
    %get3A_11 = arith.constant 0 : index
    %get3A_12 = arith.constant 0 : index
    %get3A_13 = vector.load %arg5[%get3A_11, %get3A_12] : memref<32x64xf32, #tpu.memory_space<vmem>>, vector<32x64xf32>
    %get3A_14 = arith.constant 0 : index
    %get3A_15 = arith.constant 0 : index
    %get3A_16 = vector.load %arg13[%get3A_14, %get3A_15] : memref<64x64xf32, #tpu.memory_space<vmem>>, vector<64x64xf32>
    %dot_general3A_17 = arith.constant dense<0.000000e+00> : vector<32x64xf32>
    %dot_general3A_18 = tpu.matmul %get3A_13, %get3A_16, %dot_general3A_17 {dimension_numbers = #tpu.dot_dimension_numbers<[1], [0], [0], [1], [0, 0, 1, 1], [], []>, transpose_lhs_hint = false} : vector<32x64xf32>, vector<64x64xf32>, vector<32x64xf32> -> vector<32x64xf32>
    %get3A_19 = arith.constant 0 : index
    %get3A_20 = arith.constant 0 : index
    %get3A_21 = vector.load %arg14[%get3A_19, %get3A_20] : memref<1x64xf32, #tpu.memory_space<vmem>>, vector<1x64xf32>
    %add3A_22 = vector.broadcast %get3A_21 : vector<1x64xf32> to vector<32x64xf32>
    %add3A_23 = arith.addf %dot_general3A_18, %add3A_22 : vector<32x64xf32>
    %tanh3A_24 = math.tanh %add3A_23 : vector<32x64xf32>
    %broadcast_in_dim3A = vector.shape_cast %tanh3A_24 : vector<32x64xf32> to vector<32x1x64xf32>
    %broadcast_in_dim3A_25 = vector.shape_cast %broadcast_in_dim3A : vector<32x1x64xf32> to vector<32x1x64xf32>
    %broadcast_in_dim3A_26 = vector.broadcast %broadcast_in_dim3A_25 : vector<32x1x64xf32> to vector<32x100x64xf32>
    %get3A_27 = arith.constant 0 : index
    %get3A_28 = arith.constant 0 : index
    %get3A_29 = vector.load %arg6[%get3A_27, %get3A_28] : memref<32x100xi32, #tpu.memory_space<vmem>>, vector<32x100xi32>
    %broadcast_in_dim3A_30 = vector.shape_cast %get3A_29 : vector<32x100xi32> to vector<32x100x1xi32>
    %broadcast_in_dim3A_31 = vector.shape_cast %broadcast_in_dim3A_30 : vector<32x100x1xi32> to vector<32x100x1xi32>
    %broadcast_in_dim3A_32 = vector.broadcast %broadcast_in_dim3A_31 : vector<32x100x1xi32> to vector<32x100x64xi32>
    %gt3A = arith.constant 0 : i32
    %gt3A_33 = vector.broadcast %gt3A : i32 to vector<32x100x64xi32>
    %gt3A_34 = arith.cmpi sgt, %broadcast_in_dim3A_32, %gt3A_33 : vector<32x100x64xi32>
    %select_n3A = arith.select %gt3A_34, %broadcast_in_dim3A_26, %slice3A : vector<32x100x64xi1>, vector<32x100x64xf32>
    %get3A_35 = arith.constant 0 : index
    %get3A_36 = arith.constant 0 : index
    %get3A_37 = vector.load %arg7[%get3A_35, %get3A_36] : memref<32x100xi32, #tpu.memory_space<vmem>>, vector<32x100xi32>
    %broadcast_in_dim3A_38 = vector.shape_cast %get3A_37 : vector<32x100xi32> to vector<32x100x1xi32>
    %broadcast_in_dim3A_39 = vector.shape_cast %broadcast_in_dim3A_38 : vector<32x100x1xi32> to vector<32x100x1xi32>
    %broadcast_in_dim3A_40 = vector.broadcast %broadcast_in_dim3A_39 : vector<32x100x1xi32> to vector<32x100x64xi32>
    %gt3A_41 = arith.constant 0 : i32
    %gt3A_42 = vector.broadcast %gt3A_41 : i32 to vector<32x100x64xi32>
    %gt3A_43 = arith.cmpi sgt, %broadcast_in_dim3A_40, %gt3A_42 : vector<32x100x64xi32>
    %select_n3A_44 = arith.select %gt3A_43, %broadcast_in_dim3A_26, %slice3A_10 : vector<32x100x64xi1>, vector<32x100x64xf32>
    %get3A_45 = arith.constant 0 : index
    %get3A_46 = arith.constant 0 : index
    %get3A_47 = vector.load %arg4[%get3A_45, %get3A_46] : memref<3200x128xf32, #tpu.memory_space<vmem>>, vector<3200x128xf32>
    %reshape3A_48 = vector.shape_cast %get3A_47 : vector<3200x128xf32> to vector<32x100x128xf32>
    %slice3A_49 = vector.extract_strided_slice %reshape3A_48 {offsets = [0, 0, 0], sizes = [32, 100, 64], strides = [1, 1, 1]} : vector<32x100x128xf32> to vector<32x100x64xf32>
    %slice3A_50 = vector.extract_strided_slice %reshape3A_48 {offsets = [0, 0, 64], sizes = [32, 100, 64], strides = [1, 1, 1]} : vector<32x100x128xf32> to vector<32x100x64xf32>
    %add3A_51 = arith.addf %select_n3A, %slice3A_49 : vector<32x100x64xf32>
    %reduce_sum3A = arith.constant dense<0.000000e+00> : vector<32x100xf32>
    %reduce_sum3A_52 = vector.multi_reduction <add>, %add3A_51, %reduce_sum3A [2] : vector<32x100x64xf32> to vector<32x100xf32>
    %broadcast_in_dim3A_53 = vector.shape_cast %reduce_sum3A_52 : vector<32x100xf32> to vector<32x100x1xf32>
    %div3A = arith.constant 6.400000e+01 : f32
    %div3A_54 = vector.broadcast %div3A : f32 to vector<32x100x1xf32>
    %div3A_55 = arith.divf %broadcast_in_dim3A_53, %div3A_54 : vector<32x100x1xf32>
    %broadcast_in_dim3A_56 = vector.shape_cast %div3A_55 : vector<32x100x1xf32> to vector<32x100x1xf32>
    %broadcast_in_dim3A_57 = vector.broadcast %broadcast_in_dim3A_56 : vector<32x100x1xf32> to vector<32x100x64xf32>
    %sub3A = arith.subf %add3A_51, %broadcast_in_dim3A_57 : vector<32x100x64xf32>
    %mul3A = arith.mulf %sub3A, %sub3A : vector<32x100x64xf32>
    %reduce_sum3A_58 = arith.constant dense<0.000000e+00> : vector<32x100xf32>
    %reduce_sum3A_59 = vector.multi_reduction <add>, %mul3A, %reduce_sum3A_58 [2] : vector<32x100x64xf32> to vector<32x100xf32>
    %broadcast_in_dim3A_60 = vector.shape_cast %reduce_sum3A_59 : vector<32x100xf32> to vector<32x100x1xf32>
    %div3A_61 = arith.constant 6.400000e+01 : f32
    %div3A_62 = vector.broadcast %div3A_61 : f32 to vector<32x100x1xf32>
    %div3A_63 = arith.divf %broadcast_in_dim3A_60, %div3A_62 : vector<32x100x1xf32>
    %get3A_64 = arith.constant 0 : index
    %get3A_65 = arith.constant 0 : index
    %get3A_66 = vector.load %arg15[%get3A_64, %get3A_65] : memref<1x64xf32, #tpu.memory_space<vmem>>, vector<1x64xf32>
    %broadcast_in_dim3A_67 = vector.shape_cast %get3A_66 : vector<1x64xf32> to vector<1x1x64xf32>
    %mul3A_68 = vector.broadcast %broadcast_in_dim3A_67 : vector<1x1x64xf32> to vector<32x100x64xf32>
    %mul3A_69 = arith.mulf %mul3A_68, %sub3A : vector<32x100x64xf32>
    %add3A_70 = arith.constant 9.99999974E-6 : f32
    %add3A_71 = vector.broadcast %add3A_70 : f32 to vector<32x100x1xf32>
    %add3A_72 = arith.addf %div3A_63, %add3A_71 : vector<32x100x1xf32>
    %rsqrt3A = math.rsqrt %add3A_72 : vector<32x100x1xf32>
    %broadcast_in_dim3A_73 = vector.shape_cast %rsqrt3A : vector<32x100x1xf32> to vector<32x100x1xf32>
    %broadcast_in_dim3A_74 = vector.broadcast %broadcast_in_dim3A_73 : vector<32x100x1xf32> to vector<32x100x64xf32>
    %mul3A_75 = arith.mulf %mul3A_69, %broadcast_in_dim3A_74 : vector<32x100x64xf32>
    %get3A_76 = arith.constant 0 : index
    %get3A_77 = arith.constant 0 : index
    %get3A_78 = vector.load %arg16[%get3A_76, %get3A_77] : memref<1x64xf32, #tpu.memory_space<vmem>>, vector<1x64xf32>
    %broadcast_in_dim3A_79 = vector.shape_cast %get3A_78 : vector<1x64xf32> to vector<1x1x64xf32>
    %add3A_80 = vector.broadcast %broadcast_in_dim3A_79 : vector<1x1x64xf32> to vector<32x100x64xf32>
    %add3A_81 = arith.addf %mul3A_75, %add3A_80 : vector<32x100x64xf32>
    %add3A_82 = arith.addf %select_n3A_44, %slice3A_50 : vector<32x100x64xf32>
    %reduce_sum3A_83 = arith.constant dense<0.000000e+00> : vector<32x100xf32>
    %reduce_sum3A_84 = vector.multi_reduction <add>, %add3A_82, %reduce_sum3A_83 [2] : vector<32x100x64xf32> to vector<32x100xf32>
    %broadcast_in_dim3A_85 = vector.shape_cast %reduce_sum3A_84 : vector<32x100xf32> to vector<32x100x1xf32>
    %div3A_86 = arith.constant 6.400000e+01 : f32
    %div3A_87 = vector.broadcast %div3A_86 : f32 to vector<32x100x1xf32>
    %div3A_88 = arith.divf %broadcast_in_dim3A_85, %div3A_87 : vector<32x100x1xf32>
    %broadcast_in_dim3A_89 = vector.shape_cast %div3A_88 : vector<32x100x1xf32> to vector<32x100x1xf32>
    %broadcast_in_dim3A_90 = vector.broadcast %broadcast_in_dim3A_89 : vector<32x100x1xf32> to vector<32x100x64xf32>
    %sub3A_91 = arith.subf %add3A_82, %broadcast_in_dim3A_90 : vector<32x100x64xf32>
    %mul3A_92 = arith.mulf %sub3A_91, %sub3A_91 : vector<32x100x64xf32>
    %reduce_sum3A_93 = arith.constant dense<0.000000e+00> : vector<32x100xf32>
    %reduce_sum3A_94 = vector.multi_reduction <add>, %mul3A_92, %reduce_sum3A_93 [2] : vector<32x100x64xf32> to vector<32x100xf32>
    %broadcast_in_dim3A_95 = vector.shape_cast %reduce_sum3A_94 : vector<32x100xf32> to vector<32x100x1xf32>
    %div3A_96 = arith.constant 6.400000e+01 : f32
    %div3A_97 = vector.broadcast %div3A_96 : f32 to vector<32x100x1xf32>
    %div3A_98 = arith.divf %broadcast_in_dim3A_95, %div3A_97 : vector<32x100x1xf32>
    %get3A_99 = arith.constant 0 : index
    %get3A_100 = arith.constant 0 : index
    %get3A_101 = vector.load %arg15[%get3A_99, %get3A_100] : memref<1x64xf32, #tpu.memory_space<vmem>>, vector<1x64xf32>
    %broadcast_in_dim3A_102 = vector.shape_cast %get3A_101 : vector<1x64xf32> to vector<1x1x64xf32>
    %mul3A_103 = vector.broadcast %broadcast_in_dim3A_102 : vector<1x1x64xf32> to vector<32x100x64xf32>
    %mul3A_104 = arith.mulf %mul3A_103, %sub3A_91 : vector<32x100x64xf32>
    %add3A_105 = arith.constant 9.99999974E-6 : f32
    %add3A_106 = vector.broadcast %add3A_105 : f32 to vector<32x100x1xf32>
    %add3A_107 = arith.addf %div3A_98, %add3A_106 : vector<32x100x1xf32>
    %rsqrt3A_108 = math.rsqrt %add3A_107 : vector<32x100x1xf32>
    %broadcast_in_dim3A_109 = vector.shape_cast %rsqrt3A_108 : vector<32x100x1xf32> to vector<32x100x1xf32>
    %broadcast_in_dim3A_110 = vector.broadcast %broadcast_in_dim3A_109 : vector<32x100x1xf32> to vector<32x100x64xf32>
    %mul3A_111 = arith.mulf %mul3A_104, %broadcast_in_dim3A_110 : vector<32x100x64xf32>
    %get3A_112 = arith.constant 0 : index
    %get3A_113 = arith.constant 0 : index
    %get3A_114 = vector.load %arg16[%get3A_112, %get3A_113] : memref<1x64xf32, #tpu.memory_space<vmem>>, vector<1x64xf32>
    %broadcast_in_dim3A_115 = vector.shape_cast %get3A_114 : vector<1x64xf32> to vector<1x1x64xf32>
    %add3A_116 = vector.broadcast %broadcast_in_dim3A_115 : vector<1x1x64xf32> to vector<32x100x64xf32>
    %add3A_117 = arith.addf %mul3A_111, %add3A_116 : vector<32x100x64xf32>
    %get3A_118 = arith.constant 0 : index
    %get3A_119 = arith.constant 0 : index
    %get3A_120 = vector.load %arg2[%get3A_118, %get3A_119] : memref<3200x128xf32, #tpu.memory_space<vmem>>, vector<3200x128xf32>
    %dot_general3A_121 = arith.constant dense<0.000000e+00> : vector<3200x128xf32>
    %dot_general3A_122 = tpu.matmul %get3A_120, %get3A_1, %dot_general3A_121 {dimension_numbers = #tpu.dot_dimension_numbers<[1], [0], [0], [1], [0, 0, 1, 1], [], []>, transpose_lhs_hint = false} : vector<3200x128xf32>, vector<128x128xf32>, vector<3200x128xf32> -> vector<3200x128xf32>
    %add3A_123 = vector.broadcast %get3A_4 : vector<1x128xf32> to vector<3200x128xf32>
    %add3A_124 = arith.addf %dot_general3A_122, %add3A_123 : vector<3200x128xf32>
    %tanh3A_125 = math.tanh %add3A_124 : vector<3200x128xf32>
    %reshape3A_126 = vector.shape_cast %tanh3A_125 : vector<3200x128xf32> to vector<32x100x128xf32>
    %slice3A_127 = vector.extract_strided_slice %reshape3A_126 {offsets = [0, 0, 0], sizes = [32, 100, 64], strides = [1, 1, 1]} : vector<32x100x128xf32> to vector<32x100x64xf32>
    %slice3A_128 = vector.extract_strided_slice %reshape3A_126 {offsets = [0, 0, 64], sizes = [32, 100, 64], strides = [1, 1, 1]} : vector<32x100x128xf32> to vector<32x100x64xf32>
    %get3A_129 = arith.constant 0 : index
    %get3A_130 = arith.constant 0 : index
    %get3A_131 = vector.load %arg3[%get3A_129, %get3A_130] : memref<3200x128xf32, #tpu.memory_space<vmem>>, vector<3200x128xf32>
    %dot_general3A_132 = arith.constant dense<0.000000e+00> : vector<3200x128xf32>
    %dot_general3A_133 = tpu.matmul %get3A_131, %get3A_1, %dot_general3A_132 {dimension_numbers = #tpu.dot_dimension_numbers<[1], [0], [0], [1], [0, 0, 1, 1], [], []>, transpose_lhs_hint = false} : vector<3200x128xf32>, vector<128x128xf32>, vector<3200x128xf32> -> vector<3200x128xf32>
    %add3A_134 = vector.broadcast %get3A_4 : vector<1x128xf32> to vector<3200x128xf32>
    %add3A_135 = arith.addf %dot_general3A_133, %add3A_134 : vector<3200x128xf32>
    %tanh3A_136 = math.tanh %add3A_135 : vector<3200x128xf32>
    %reshape3A_137 = vector.shape_cast %tanh3A_136 : vector<3200x128xf32> to vector<32x100x128xf32>
    %slice3A_138 = vector.extract_strided_slice %reshape3A_137 {offsets = [0, 0, 0], sizes = [32, 100, 64], strides = [1, 1, 1]} : vector<32x100x128xf32> to vector<32x100x64xf32>
    %slice3A_139 = vector.extract_strided_slice %reshape3A_137 {offsets = [0, 0, 64], sizes = [32, 100, 64], strides = [1, 1, 1]} : vector<32x100x128xf32> to vector<32x100x64xf32>
    %mul3A_140 = arith.mulf %add3A_81, %slice3A_127 : vector<32x100x64xf32>
    %reduce_sum3A_141 = arith.constant dense<0.000000e+00> : vector<32x100xf32>
    %reduce_sum3A_142 = vector.multi_reduction <add>, %mul3A_140, %reduce_sum3A_141 [2] : vector<32x100x64xf32> to vector<32x100xf32>
    %broadcast_in_dim3A_143 = vector.shape_cast %reduce_sum3A_142 : vector<32x100xf32> to vector<32x100x1xf32>
    %mul3A_144 = arith.mulf %add3A_81, %slice3A_138 : vector<32x100x64xf32>
    %reduce_sum3A_145 = arith.constant dense<0.000000e+00> : vector<32x100xf32>
    %reduce_sum3A_146 = vector.multi_reduction <add>, %mul3A_144, %reduce_sum3A_145 [2] : vector<32x100x64xf32> to vector<32x100xf32>
    %broadcast_in_dim3A_147 = vector.shape_cast %reduce_sum3A_146 : vector<32x100xf32> to vector<32x100x1xf32>
    %get3A_148 = arith.constant 0 : index
    %get3A_149 = arith.constant 0 : index
    %get3A_150 = vector.load %arg8[%get3A_148, %get3A_149] : memref<32x100xi32, #tpu.memory_space<vmem>>, vector<32x100xi32>
    %broadcast_in_dim3A_151 = vector.shape_cast %get3A_150 : vector<32x100xi32> to vector<32x100x1xi32>
    %convert_element_type3A = arith.sitofp %broadcast_in_dim3A_151 : vector<32x100x1xi32> to vector<32x100x1xf32>
    %reduce_sum3A_152 = vector.shape_cast %convert_element_type3A : vector<32x100x1xf32> to vector<1x32x100x1xf32>
    %reduce_sum3A_153 = arith.constant dense<0.000000e+00> : vector<1xf32>
    %reduce_sum3A_154 = vector.multi_reduction <add>, %reduce_sum3A_152, %reduce_sum3A_153 [1, 2, 3] : vector<1x32x100x1xf32> to vector<1xf32>
    %reduce_sum3A_155 = vector.shape_cast %reduce_sum3A_154 : vector<1xf32> to vector<1x1x1x1xf32>
    %reduce_sum3A_156 = vector.extract %reduce_sum3A_155[0, 0, 0, 0] : f32 from vector<1x1x1x1xf32>
    %mul3A_157 = arith.mulf %broadcast_in_dim3A_143, %convert_element_type3A : vector<32x100x1xf32>
    %reduce_sum3A_158 = vector.shape_cast %mul3A_157 : vector<32x100x1xf32> to vector<1x32x100x1xf32>
    %reduce_sum3A_159 = arith.constant dense<0.000000e+00> : vector<1xf32>
    %reduce_sum3A_160 = vector.multi_reduction <add>, %reduce_sum3A_158, %reduce_sum3A_159 [1, 2, 3] : vector<1x32x100x1xf32> to vector<1xf32>
    %reduce_sum3A_161 = vector.shape_cast %reduce_sum3A_160 : vector<1xf32> to vector<1x1x1x1xf32>
    %reduce_sum3A_162 = vector.extract %reduce_sum3A_161[0, 0, 0, 0] : f32 from vector<1x1x1x1xf32>
    %mul3A_163 = arith.mulf %broadcast_in_dim3A_147, %convert_element_type3A : vector<32x100x1xf32>
    %reduce_sum3A_164 = vector.shape_cast %mul3A_163 : vector<32x100x1xf32> to vector<1x32x100x1xf32>
    %reduce_sum3A_165 = arith.constant dense<0.000000e+00> : vector<1xf32>
    %reduce_sum3A_166 = vector.multi_reduction <add>, %reduce_sum3A_164, %reduce_sum3A_165 [1, 2, 3] : vector<1x32x100x1xf32> to vector<1xf32>
    %reduce_sum3A_167 = vector.shape_cast %reduce_sum3A_166 : vector<1xf32> to vector<1x1x1x1xf32>
    %reduce_sum3A_168 = vector.extract %reduce_sum3A_167[0, 0, 0, 0] : f32 from vector<1x1x1x1xf32>
    %mul3A_169 = arith.mulf %broadcast_in_dim3A_147, %broadcast_in_dim3A_147 : vector<32x100x1xf32>
    %mul3A_170 = arith.mulf %mul3A_169, %convert_element_type3A : vector<32x100x1xf32>
    %reduce_sum3A_171 = vector.shape_cast %mul3A_170 : vector<32x100x1xf32> to vector<1x32x100x1xf32>
    %reduce_sum3A_172 = arith.constant dense<0.000000e+00> : vector<1xf32>
    %reduce_sum3A_173 = vector.multi_reduction <add>, %reduce_sum3A_171, %reduce_sum3A_172 [1, 2, 3] : vector<1x32x100x1xf32> to vector<1xf32>
    %reduce_sum3A_174 = vector.shape_cast %reduce_sum3A_173 : vector<1xf32> to vector<1x1x1x1xf32>
    %reduce_sum3A_175 = vector.extract %reduce_sum3A_174[0, 0, 0, 0] : f32 from vector<1x1x1x1xf32>
    %neg3A = arith.constant 0.000000e+00 : f32
    %neg3A_176 = vector.broadcast %neg3A : f32 to vector<32x100x1xf32>
    %neg3A_177 = arith.subf %neg3A_176, %broadcast_in_dim3A_143 : vector<32x100x1xf32>
    %max3A = arith.constant 0.000000e+00 : f32
    %max3A_178 = vector.broadcast %max3A : f32 to vector<32x100x1xf32>
    %max3A_179 = arith.maximumf %neg3A_177, %max3A_178 : vector<32x100x1xf32>
    %abs3A = math.absf %neg3A_177 : vector<32x100x1xf32>
    %neg3A_180 = arith.constant 0.000000e+00 : f32
    %neg3A_181 = vector.broadcast %neg3A_180 : f32 to vector<32x100x1xf32>
    %neg3A_182 = arith.subf %neg3A_181, %abs3A : vector<32x100x1xf32>
    %exp3A = math.exp %neg3A_182 : vector<32x100x1xf32>
    %log1p3A = math.log1p %exp3A : vector<32x100x1xf32>
    %add3A_183 = arith.addf %max3A_179, %log1p3A : vector<32x100x1xf32>
    %max3A_184 = arith.constant 0.000000e+00 : f32
    %max3A_185 = vector.broadcast %max3A_184 : f32 to vector<32x100x1xf32>
    %max3A_186 = arith.maximumf %broadcast_in_dim3A_147, %max3A_185 : vector<32x100x1xf32>
    %abs3A_187 = math.absf %broadcast_in_dim3A_147 : vector<32x100x1xf32>
    %neg3A_188 = arith.constant 0.000000e+00 : f32
    %neg3A_189 = vector.broadcast %neg3A_188 : f32 to vector<32x100x1xf32>
    %neg3A_190 = arith.subf %neg3A_189, %abs3A_187 : vector<32x100x1xf32>
    %exp3A_191 = math.exp %neg3A_190 : vector<32x100x1xf32>
    %log1p3A_192 = math.log1p %exp3A_191 : vector<32x100x1xf32>
    %add3A_193 = arith.addf %max3A_186, %log1p3A_192 : vector<32x100x1xf32>
    %add3A_194 = arith.addf %add3A_183, %add3A_193 : vector<32x100x1xf32>
    %mul3A_195 = arith.mulf %add3A_194, %convert_element_type3A : vector<32x100x1xf32>
    %reduce_sum3A_196 = vector.shape_cast %mul3A_195 : vector<32x100x1xf32> to vector<1x32x100x1xf32>
    %reduce_sum3A_197 = arith.constant dense<0.000000e+00> : vector<1xf32>
    %reduce_sum3A_198 = vector.multi_reduction <add>, %reduce_sum3A_196, %reduce_sum3A_197 [1, 2, 3] : vector<1x32x100x1xf32> to vector<1xf32>
    %reduce_sum3A_199 = vector.shape_cast %reduce_sum3A_198 : vector<1xf32> to vector<1x1x1x1xf32>
    %reduce_sum3A_200 = vector.extract %reduce_sum3A_199[0, 0, 0, 0] : f32 from vector<1x1x1x1xf32>
    %gt3A_201 = arith.constant 0.000000e+00 : f32
    %gt3A_202 = vector.broadcast %gt3A_201 : f32 to vector<32x100x1xf32>
    %gt3A_203 = arith.cmpf ogt, %convert_element_type3A, %gt3A_202 : vector<32x100x1xf32>
    %jit3A = arith.constant 0xFF800000 : f32
    %broadcast_in_dim3A_204 = vector.broadcast %jit3A : f32 to vector<32x100x1xf32>
    %select_n3A_205 = arith.select %gt3A_203, %broadcast_in_dim3A_147, %broadcast_in_dim3A_204 : vector<32x100x1xi1>, vector<32x100x1xf32>
    %reduce_max3A = vector.shape_cast %select_n3A_205 : vector<32x100x1xf32> to vector<1x32x100x1xf32>
    %reduce_max3A_206 = arith.constant dense<0xFF800000> : vector<1xf32>
    %reduce_max3A_207 = vector.multi_reduction <maximumf>, %reduce_max3A, %reduce_max3A_206 [1, 2, 3] : vector<1x32x100x1xf32> to vector<1xf32>
    %reduce_max3A_208 = vector.shape_cast %reduce_max3A_207 : vector<1xf32> to vector<1x1x1x1xf32>
    %reduce_max3A_209 = vector.extract %reduce_max3A_208[0, 0, 0, 0] : f32 from vector<1x1x1x1xf32>
    %mul3A_210 = arith.mulf %add3A_117, %slice3A_128 : vector<32x100x64xf32>
    %reduce_sum3A_211 = arith.constant dense<0.000000e+00> : vector<32x100xf32>
    %reduce_sum3A_212 = vector.multi_reduction <add>, %mul3A_210, %reduce_sum3A_211 [2] : vector<32x100x64xf32> to vector<32x100xf32>
    %broadcast_in_dim3A_213 = vector.shape_cast %reduce_sum3A_212 : vector<32x100xf32> to vector<32x100x1xf32>
    %mul3A_214 = arith.mulf %add3A_117, %slice3A_139 : vector<32x100x64xf32>
    %reduce_sum3A_215 = arith.constant dense<0.000000e+00> : vector<32x100xf32>
    %reduce_sum3A_216 = vector.multi_reduction <add>, %mul3A_214, %reduce_sum3A_215 [2] : vector<32x100x64xf32> to vector<32x100xf32>
    %broadcast_in_dim3A_217 = vector.shape_cast %reduce_sum3A_216 : vector<32x100xf32> to vector<32x100x1xf32>
    %get3A_218 = arith.constant 0 : index
    %get3A_219 = arith.constant 0 : index
    %get3A_220 = vector.load %arg9[%get3A_218, %get3A_219] : memref<32x100xi32, #tpu.memory_space<vmem>>, vector<32x100xi32>
    %broadcast_in_dim3A_221 = vector.shape_cast %get3A_220 : vector<32x100xi32> to vector<32x100x1xi32>
    %convert_element_type3A_222 = arith.sitofp %broadcast_in_dim3A_221 : vector<32x100x1xi32> to vector<32x100x1xf32>
    %reduce_sum3A_223 = vector.shape_cast %convert_element_type3A_222 : vector<32x100x1xf32> to vector<1x32x100x1xf32>
    %reduce_sum3A_224 = arith.constant dense<0.000000e+00> : vector<1xf32>
    %reduce_sum3A_225 = vector.multi_reduction <add>, %reduce_sum3A_223, %reduce_sum3A_224 [1, 2, 3] : vector<1x32x100x1xf32> to vector<1xf32>
    %reduce_sum3A_226 = vector.shape_cast %reduce_sum3A_225 : vector<1xf32> to vector<1x1x1x1xf32>
    %reduce_sum3A_227 = vector.extract %reduce_sum3A_226[0, 0, 0, 0] : f32 from vector<1x1x1x1xf32>
    %mul3A_228 = arith.mulf %broadcast_in_dim3A_213, %convert_element_type3A_222 : vector<32x100x1xf32>
    %reduce_sum3A_229 = vector.shape_cast %mul3A_228 : vector<32x100x1xf32> to vector<1x32x100x1xf32>
    %reduce_sum3A_230 = arith.constant dense<0.000000e+00> : vector<1xf32>
    %reduce_sum3A_231 = vector.multi_reduction <add>, %reduce_sum3A_229, %reduce_sum3A_230 [1, 2, 3] : vector<1x32x100x1xf32> to vector<1xf32>
    %reduce_sum3A_232 = vector.shape_cast %reduce_sum3A_231 : vector<1xf32> to vector<1x1x1x1xf32>
    %reduce_sum3A_233 = vector.extract %reduce_sum3A_232[0, 0, 0, 0] : f32 from vector<1x1x1x1xf32>
    %mul3A_234 = arith.mulf %broadcast_in_dim3A_217, %convert_element_type3A_222 : vector<32x100x1xf32>
    %reduce_sum3A_235 = vector.shape_cast %mul3A_234 : vector<32x100x1xf32> to vector<1x32x100x1xf32>
    %reduce_sum3A_236 = arith.constant dense<0.000000e+00> : vector<1xf32>
    %reduce_sum3A_237 = vector.multi_reduction <add>, %reduce_sum3A_235, %reduce_sum3A_236 [1, 2, 3] : vector<1x32x100x1xf32> to vector<1xf32>
    %reduce_sum3A_238 = vector.shape_cast %reduce_sum3A_237 : vector<1xf32> to vector<1x1x1x1xf32>
    %reduce_sum3A_239 = vector.extract %reduce_sum3A_238[0, 0, 0, 0] : f32 from vector<1x1x1x1xf32>
    %mul3A_240 = arith.mulf %broadcast_in_dim3A_217, %broadcast_in_dim3A_217 : vector<32x100x1xf32>
    %mul3A_241 = arith.mulf %mul3A_240, %convert_element_type3A_222 : vector<32x100x1xf32>
    %reduce_sum3A_242 = vector.shape_cast %mul3A_241 : vector<32x100x1xf32> to vector<1x32x100x1xf32>
    %reduce_sum3A_243 = arith.constant dense<0.000000e+00> : vector<1xf32>
    %reduce_sum3A_244 = vector.multi_reduction <add>, %reduce_sum3A_242, %reduce_sum3A_243 [1, 2, 3] : vector<1x32x100x1xf32> to vector<1xf32>
    %reduce_sum3A_245 = vector.shape_cast %reduce_sum3A_244 : vector<1xf32> to vector<1x1x1x1xf32>
    %reduce_sum3A_246 = vector.extract %reduce_sum3A_245[0, 0, 0, 0] : f32 from vector<1x1x1x1xf32>
    %neg3A_247 = arith.constant 0.000000e+00 : f32
    %neg3A_248 = vector.broadcast %neg3A_247 : f32 to vector<32x100x1xf32>
    %neg3A_249 = arith.subf %neg3A_248, %broadcast_in_dim3A_213 : vector<32x100x1xf32>
    %max3A_250 = arith.constant 0.000000e+00 : f32
    %max3A_251 = vector.broadcast %max3A_250 : f32 to vector<32x100x1xf32>
    %max3A_252 = arith.maximumf %neg3A_249, %max3A_251 : vector<32x100x1xf32>
    %abs3A_253 = math.absf %neg3A_249 : vector<32x100x1xf32>
    %neg3A_254 = arith.constant 0.000000e+00 : f32
    %neg3A_255 = vector.broadcast %neg3A_254 : f32 to vector<32x100x1xf32>
    %neg3A_256 = arith.subf %neg3A_255, %abs3A_253 : vector<32x100x1xf32>
    %exp3A_257 = math.exp %neg3A_256 : vector<32x100x1xf32>
    %log1p3A_258 = math.log1p %exp3A_257 : vector<32x100x1xf32>
    %add3A_259 = arith.addf %max3A_252, %log1p3A_258 : vector<32x100x1xf32>
    %max3A_260 = arith.constant 0.000000e+00 : f32
    %max3A_261 = vector.broadcast %max3A_260 : f32 to vector<32x100x1xf32>
    %max3A_262 = arith.maximumf %broadcast_in_dim3A_217, %max3A_261 : vector<32x100x1xf32>
    %abs3A_263 = math.absf %broadcast_in_dim3A_217 : vector<32x100x1xf32>
    %neg3A_264 = arith.constant 0.000000e+00 : f32
    %neg3A_265 = vector.broadcast %neg3A_264 : f32 to vector<32x100x1xf32>
    %neg3A_266 = arith.subf %neg3A_265, %abs3A_263 : vector<32x100x1xf32>
    %exp3A_267 = math.exp %neg3A_266 : vector<32x100x1xf32>
    %log1p3A_268 = math.log1p %exp3A_267 : vector<32x100x1xf32>
    %add3A_269 = arith.addf %max3A_262, %log1p3A_268 : vector<32x100x1xf32>
    %add3A_270 = arith.addf %add3A_259, %add3A_269 : vector<32x100x1xf32>
    %mul3A_271 = arith.mulf %add3A_270, %convert_element_type3A_222 : vector<32x100x1xf32>
    %reduce_sum3A_272 = vector.shape_cast %mul3A_271 : vector<32x100x1xf32> to vector<1x32x100x1xf32>
    %reduce_sum3A_273 = arith.constant dense<0.000000e+00> : vector<1xf32>
    %reduce_sum3A_274 = vector.multi_reduction <add>, %reduce_sum3A_272, %reduce_sum3A_273 [1, 2, 3] : vector<1x32x100x1xf32> to vector<1xf32>
    %reduce_sum3A_275 = vector.shape_cast %reduce_sum3A_274 : vector<1xf32> to vector<1x1x1x1xf32>
    %reduce_sum3A_276 = vector.extract %reduce_sum3A_275[0, 0, 0, 0] : f32 from vector<1x1x1x1xf32>
    %gt3A_277 = arith.constant 0.000000e+00 : f32
    %gt3A_278 = vector.broadcast %gt3A_277 : f32 to vector<32x100x1xf32>
    %gt3A_279 = arith.cmpf ogt, %convert_element_type3A_222, %gt3A_278 : vector<32x100x1xf32>
    %jit3A_280 = arith.constant 0xFF800000 : f32
    %broadcast_in_dim3A_281 = vector.broadcast %jit3A_280 : f32 to vector<32x100x1xf32>
    %select_n3A_282 = arith.select %gt3A_279, %broadcast_in_dim3A_217, %broadcast_in_dim3A_281 : vector<32x100x1xi1>, vector<32x100x1xf32>
    %reduce_max3A_283 = vector.shape_cast %select_n3A_282 : vector<32x100x1xf32> to vector<1x32x100x1xf32>
    %reduce_max3A_284 = arith.constant dense<0xFF800000> : vector<1xf32>
    %reduce_max3A_285 = vector.multi_reduction <maximumf>, %reduce_max3A_283, %reduce_max3A_284 [1, 2, 3] : vector<1x32x100x1xf32> to vector<1xf32>
    %reduce_max3A_286 = vector.shape_cast %reduce_max3A_285 : vector<1xf32> to vector<1x1x1x1xf32>
    %reduce_max3A_287 = vector.extract %reduce_max3A_286[0, 0, 0, 0] : f32 from vector<1x1x1x1xf32>
    %add3A_288 = arith.addf %reduce_sum3A_156, %reduce_sum3A_227 : f32
    %add3A_289 = arith.addf %reduce_sum3A_162, %reduce_sum3A_233 : f32
    %add3A_290 = arith.addf %reduce_sum3A_168, %reduce_sum3A_239 : f32
    %add3A_291 = arith.addf %reduce_sum3A_175, %reduce_sum3A_246 : f32
    %add3A_292 = arith.addf %reduce_sum3A_200, %reduce_sum3A_276 : f32
    %max3A_293 = arith.maximumf %reduce_max3A_209, %reduce_max3A_287 : f32
    %eq3A = arith.constant 0 : i32
    %eq3A_294 = arith.cmpi eq, %arg0, %eq3A : i32
    %convert_element_type3A_295 = arith.extui %eq3A_294 : i1 to i32
    %cond3A = arith.constant 0 : i32
    %cond3A_296 = arith.cmpi ne, %convert_element_type3A_295, %cond3A : i32
    scf.if %cond3A_296 {
      %get3A_331 = arith.constant 0 : index
      %get3A_332 = memref.load %arg10[%get3A_331] : memref<8xf32, #tpu.memory_space<smem>>
      %swap3A_333 = arith.constant 0 : index
      %swap3A_334 = memref.load %arg18[%swap3A_333] : memref<8xf32, #tpu.memory_space<smem>>
      memref.store %get3A_332, %arg18[%swap3A_333] : memref<8xf32, #tpu.memory_space<smem>>
      %get3A_335 = arith.constant 1 : index
      %get3A_336 = memref.load %arg10[%get3A_335] : memref<8xf32, #tpu.memory_space<smem>>
      %swap3A_337 = arith.constant 1 : index
      %swap3A_338 = memref.load %arg18[%swap3A_337] : memref<8xf32, #tpu.memory_space<smem>>
      memref.store %get3A_336, %arg18[%swap3A_337] : memref<8xf32, #tpu.memory_space<smem>>
      %get3A_339 = arith.constant 2 : index
      %get3A_340 = memref.load %arg10[%get3A_339] : memref<8xf32, #tpu.memory_space<smem>>
      %swap3A_341 = arith.constant 2 : index
      %swap3A_342 = memref.load %arg18[%swap3A_341] : memref<8xf32, #tpu.memory_space<smem>>
      memref.store %get3A_340, %arg18[%swap3A_341] : memref<8xf32, #tpu.memory_space<smem>>
      %get3A_343 = arith.constant 3 : index
      %get3A_344 = memref.load %arg10[%get3A_343] : memref<8xf32, #tpu.memory_space<smem>>
      %swap3A_345 = arith.constant 3 : index
      %swap3A_346 = memref.load %arg18[%swap3A_345] : memref<8xf32, #tpu.memory_space<smem>>
      memref.store %get3A_344, %arg18[%swap3A_345] : memref<8xf32, #tpu.memory_space<smem>>
      %get3A_347 = arith.constant 4 : index
      %get3A_348 = memref.load %arg10[%get3A_347] : memref<8xf32, #tpu.memory_space<smem>>
      %swap3A_349 = arith.constant 4 : index
      %swap3A_350 = memref.load %arg18[%swap3A_349] : memref<8xf32, #tpu.memory_space<smem>>
      memref.store %get3A_348, %arg18[%swap3A_349] : memref<8xf32, #tpu.memory_space<smem>>
      %get3A_351 = arith.constant 5 : index
      %get3A_352 = memref.load %arg10[%get3A_351] : memref<8xf32, #tpu.memory_space<smem>>
      %swap3A_353 = arith.constant 5 : index
      %swap3A_354 = memref.load %arg18[%swap3A_353] : memref<8xf32, #tpu.memory_space<smem>>
      memref.store %get3A_352, %arg18[%swap3A_353] : memref<8xf32, #tpu.memory_space<smem>>
    } else {
    }
    %get3A_297 = arith.constant 0 : index
    %get3A_298 = memref.load %arg18[%get3A_297] : memref<8xf32, #tpu.memory_space<smem>>
    %add3A_299 = arith.addf %get3A_298, %add3A_288 : f32
    %swap3A = arith.constant 0 : index
    %swap3A_300 = memref.load %arg18[%swap3A] : memref<8xf32, #tpu.memory_space<smem>>
    memref.store %add3A_299, %arg18[%swap3A] : memref<8xf32, #tpu.memory_space<smem>>
    %get3A_301 = arith.constant 1 : index
    %get3A_302 = memref.load %arg18[%get3A_301] : memref<8xf32, #tpu.memory_space<smem>>
    %add3A_303 = arith.addf %get3A_302, %add3A_289 : f32
    %swap3A_304 = arith.constant 1 : index
    %swap3A_305 = memref.load %arg18[%swap3A_304] : memref<8xf32, #tpu.memory_space<smem>>
    memref.store %add3A_303, %arg18[%swap3A_304] : memref<8xf32, #tpu.memory_space<smem>>
    %get3A_306 = arith.constant 2 : index
    %get3A_307 = memref.load %arg18[%get3A_306] : memref<8xf32, #tpu.memory_space<smem>>
    %add3A_308 = arith.addf %get3A_307, %add3A_290 : f32
    %swap3A_309 = arith.constant 2 : index
    %swap3A_310 = memref.load %arg18[%swap3A_309] : memref<8xf32, #tpu.memory_space<smem>>
    memref.store %add3A_308, %arg18[%swap3A_309] : memref<8xf32, #tpu.memory_space<smem>>
    %get3A_311 = arith.constant 3 : index
    %get3A_312 = memref.load %arg18[%get3A_311] : memref<8xf32, #tpu.memory_space<smem>>
    %add3A_313 = arith.addf %get3A_312, %add3A_291 : f32
    %swap3A_314 = arith.constant 3 : index
    %swap3A_315 = memref.load %arg18[%swap3A_314] : memref<8xf32, #tpu.memory_space<smem>>
    memref.store %add3A_313, %arg18[%swap3A_314] : memref<8xf32, #tpu.memory_space<smem>>
    %get3A_316 = arith.constant 4 : index
    %get3A_317 = memref.load %arg18[%get3A_316] : memref<8xf32, #tpu.memory_space<smem>>
    %add3A_318 = arith.addf %get3A_317, %add3A_292 : f32
    %swap3A_319 = arith.constant 4 : index
    %swap3A_320 = memref.load %arg18[%swap3A_319] : memref<8xf32, #tpu.memory_space<smem>>
    memref.store %add3A_318, %arg18[%swap3A_319] : memref<8xf32, #tpu.memory_space<smem>>
    %get3A_321 = arith.constant 5 : index
    %get3A_322 = memref.load %arg18[%get3A_321] : memref<8xf32, #tpu.memory_space<smem>>
    %max3A_323 = arith.maximumf %get3A_322, %max3A_293 : f32
    %swap3A_324 = arith.constant 5 : index
    %swap3A_325 = memref.load %arg18[%swap3A_324] : memref<8xf32, #tpu.memory_space<smem>>
    memref.store %max3A_323, %arg18[%swap3A_324] : memref<8xf32, #tpu.memory_space<smem>>
    %eq3A_326 = arith.constant 15 : i32
    %eq3A_327 = arith.cmpi eq, %arg0, %eq3A_326 : i32
    %convert_element_type3A_328 = arith.extui %eq3A_327 : i1 to i32
    %cond3A_329 = arith.constant 0 : i32
    %cond3A_330 = arith.cmpi ne, %convert_element_type3A_328, %cond3A_329 : i32
    scf.if %cond3A_330 {
      %get3A_331 = arith.constant 0 : index
      %get3A_332 = memref.load %arg18[%get3A_331] : memref<8xf32, #tpu.memory_space<smem>>
      %swap3A_333 = arith.constant 0 : index
      %swap3A_334 = memref.load %arg17[%swap3A_333] : memref<8xf32, #tpu.memory_space<smem>>
      memref.store %get3A_332, %arg17[%swap3A_333] : memref<8xf32, #tpu.memory_space<smem>>
      %get3A_335 = arith.constant 1 : index
      %get3A_336 = memref.load %arg18[%get3A_335] : memref<8xf32, #tpu.memory_space<smem>>
      %swap3A_337 = arith.constant 1 : index
      %swap3A_338 = memref.load %arg17[%swap3A_337] : memref<8xf32, #tpu.memory_space<smem>>
      memref.store %get3A_336, %arg17[%swap3A_337] : memref<8xf32, #tpu.memory_space<smem>>
      %get3A_339 = arith.constant 2 : index
      %get3A_340 = memref.load %arg18[%get3A_339] : memref<8xf32, #tpu.memory_space<smem>>
      %swap3A_341 = arith.constant 2 : index
      %swap3A_342 = memref.load %arg17[%swap3A_341] : memref<8xf32, #tpu.memory_space<smem>>
      memref.store %get3A_340, %arg17[%swap3A_341] : memref<8xf32, #tpu.memory_space<smem>>
      %get3A_343 = arith.constant 3 : index
      %get3A_344 = memref.load %arg18[%get3A_343] : memref<8xf32, #tpu.memory_space<smem>>
      %swap3A_345 = arith.constant 3 : index
      %swap3A_346 = memref.load %arg17[%swap3A_345] : memref<8xf32, #tpu.memory_space<smem>>
      memref.store %get3A_344, %arg17[%swap3A_345] : memref<8xf32, #tpu.memory_space<smem>>
      %get3A_347 = arith.constant 4 : index
      %get3A_348 = memref.load %arg18[%get3A_347] : memref<8xf32, #tpu.memory_space<smem>>
      %swap3A_349 = arith.constant 4 : index
      %swap3A_350 = memref.load %arg17[%swap3A_349] : memref<8xf32, #tpu.memory_space<smem>>
      memref.store %get3A_348, %arg17[%swap3A_349] : memref<8xf32, #tpu.memory_space<smem>>
      %get3A_351 = arith.constant 5 : index
      %get3A_352 = memref.load %arg18[%get3A_351] : memref<8xf32, #tpu.memory_space<smem>>
      %swap3A_353 = arith.constant 5 : index
      %swap3A_354 = memref.load %arg17[%swap3A_353] : memref<8xf32, #tpu.memory_space<smem>>
      memref.store %get3A_352, %arg17[%swap3A_353] : memref<8xf32, #tpu.memory_space<smem>>
      %swap3A_355 = arith.constant 0.000000e+00 : f32
      %swap3A_356 = arith.constant 6 : index
      %swap3A_357 = memref.load %arg17[%swap3A_356] : memref<8xf32, #tpu.memory_space<smem>>
      memref.store %swap3A_355, %arg17[%swap3A_356] : memref<8xf32, #tpu.memory_space<smem>>
      %swap3A_358 = arith.constant 0.000000e+00 : f32
      %swap3A_359 = arith.constant 7 : index
      %swap3A_360 = memref.load %arg17[%swap3A_359] : memref<8xf32, #tpu.memory_space<smem>>
      memref.store %swap3A_358, %arg17[%swap3A_359] : memref<8xf32, #tpu.memory_space<smem>>
    } else {
    }
    return
  }
  func.func @transform_0(%arg0: i32) -> (i32, i32) {
    %c0_i32 = arith.constant 0 : i32
    %c0_i32_0 = arith.constant 0 : i32
    return %arg0, %c0_i32 : i32, i32
  }
  func.func @transform_1(%arg0: i32) -> (i32, i32) {
    %c0_i32 = arith.constant 0 : i32
    %c0_i32_0 = arith.constant 0 : i32
    return %arg0, %c0_i32 : i32, i32
  }
  func.func @transform_2(%arg0: i32) -> (i32, i32) {
    %c0_i32 = arith.constant 0 : i32
    %c0_i32_0 = arith.constant 0 : i32
    return %arg0, %c0_i32 : i32, i32
  }
  func.func @transform_3(%arg0: i32) -> (i32, i32) {
    %c0_i32 = arith.constant 0 : i32
    %c0_i32_0 = arith.constant 0 : i32
    return %arg0, %c0_i32 : i32, i32
  }
  func.func @transform_4(%arg0: i32) -> (i32, i32) {
    %c0_i32 = arith.constant 0 : i32
    %c0_i32_0 = arith.constant 0 : i32
    return %arg0, %c0_i32 : i32, i32
  }
  func.func @transform_5(%arg0: i32) -> (i32, i32) {
    %c0_i32 = arith.constant 0 : i32
    %c0_i32_0 = arith.constant 0 : i32
    return %arg0, %c0_i32 : i32, i32
  }
  func.func @transform_6(%arg0: i32) -> (i32, i32) {
    %c0_i32 = arith.constant 0 : i32
    %c0_i32_0 = arith.constant 0 : i32
    return %arg0, %c0_i32 : i32, i32
  }
  func.func @transform_7(%arg0: i32) -> (i32, i32) {
    %c0_i32 = arith.constant 0 : i32
    %c0_i32_0 = arith.constant 0 : i32
    return %arg0, %c0_i32 : i32, i32
  }
  func.func @transform_8(%arg0: i32) -> (i32, i32) {
    %c0_i32 = arith.constant 0 : i32
    %c0_i32_0 = arith.constant 0 : i32
    return %arg0, %c0_i32 : i32, i32
  }
  func.func @transform_9(%arg0: i32) -> i32 {
    %c0_i32 = arith.constant 0 : i32
    %c0_i32_0 = arith.constant 0 : i32
    return %c0_i32 : i32
  }
  func.func @transform_10(%arg0: i32) -> (i32, i32) {
    %c0_i32 = arith.constant 0 : i32
    %c0_i32_0 = arith.constant 0 : i32
    %c0_i32_1 = arith.constant 0 : i32
    return %c0_i32, %c0_i32_0 : i32, i32
  }
  func.func @transform_11(%arg0: i32) -> (i32, i32) {
    %c0_i32 = arith.constant 0 : i32
    %c0_i32_0 = arith.constant 0 : i32
    %c0_i32_1 = arith.constant 0 : i32
    return %c0_i32, %c0_i32_0 : i32, i32
  }
  func.func @transform_12(%arg0: i32) -> (i32, i32) {
    %c0_i32 = arith.constant 0 : i32
    %c0_i32_0 = arith.constant 0 : i32
    %c0_i32_1 = arith.constant 0 : i32
    return %c0_i32, %c0_i32_0 : i32, i32
  }
  func.func @transform_13(%arg0: i32) -> (i32, i32) {
    %c0_i32 = arith.constant 0 : i32
    %c0_i32_0 = arith.constant 0 : i32
    %c0_i32_1 = arith.constant 0 : i32
    return %c0_i32, %c0_i32_0 : i32, i32
  }
  func.func @transform_14(%arg0: i32) -> (i32, i32) {
    %c0_i32 = arith.constant 0 : i32
    %c0_i32_0 = arith.constant 0 : i32
    %c0_i32_1 = arith.constant 0 : i32
    return %c0_i32, %c0_i32_0 : i32, i32
  }
  func.func @transform_15(%arg0: i32) -> (i32, i32) {
    %c0_i32 = arith.constant 0 : i32
    %c0_i32_0 = arith.constant 0 : i32
    %c0_i32_1 = arith.constant 0 : i32
    return %c0_i32, %c0_i32_0 : i32, i32
  }
  func.func @transform_16(%arg0: i32) -> i32 {
    %c0_i32 = arith.constant 0 : i32
    %c0_i32_0 = arith.constant 0 : i32
    return %c0_i32 : i32
  }
}

module attributes {stable_mosaic.version = 14 : i64} {
  func.func @_tc_body(%arg0: i32, %arg1: memref<3200x128xf32, #tpu.memory_space<vmem>>, %arg2: memref<3200x128xf32, #tpu.memory_space<vmem>>, %arg3: memref<3200x128xf32, #tpu.memory_space<vmem>>, %arg4: memref<3200x128xf32, #tpu.memory_space<vmem>>, %arg5: memref<32x64xf32, #tpu.memory_space<vmem>>, %arg6: memref<32x100xi32, #tpu.memory_space<vmem>>, %arg7: memref<32x100xi32, #tpu.memory_space<vmem>>, %arg8: memref<32x100xi32, #tpu.memory_space<vmem>>, %arg9: memref<32x100xi32, #tpu.memory_space<vmem>>, %arg10: memref<8xf32, #tpu.memory_space<smem>>, %arg11: memref<128x128xf32, #tpu.memory_space<vmem>>, %arg12: memref<1x128xf32, #tpu.memory_space<vmem>>, %arg13: memref<64x64xf32, #tpu.memory_space<vmem>>, %arg14: memref<1x64xf32, #tpu.memory_space<vmem>>, %arg15: memref<1x64xf32, #tpu.memory_space<vmem>>, %arg16: memref<1x64xf32, #tpu.memory_space<vmem>>, %arg17: memref<8xf32, #tpu.memory_space<smem>>, %arg18: memref<8xf32, #tpu.memory_space<smem>>) attributes {dimension_semantics = [#tpu.dimension_semantics<arbitrary>], iteration_bounds = array<i64: 16>, scalar_prefetch = 0 : i64, scratch_operands = 1 : i64, tpu.core_type = #tpu.core_type<tc>, window_params = [{transform_indices = @transform_0, window_bounds = array<i64: 3200, 128>}, {transform_indices = @transform_1, window_bounds = array<i64: 3200, 128>}, {transform_indices = @transform_2, window_bounds = array<i64: 3200, 128>}, {transform_indices = @transform_3, window_bounds = array<i64: 3200, 128>}, {transform_indices = @transform_4, window_bounds = array<i64: 32, 64>}, {transform_indices = @transform_5, window_bounds = array<i64: 32, 100>}, {transform_indices = @transform_6, window_bounds = array<i64: 32, 100>}, {transform_indices = @transform_7, window_bounds = array<i64: 32, 100>}, {transform_indices = @transform_8, window_bounds = array<i64: 32, 100>}, {transform_indices = @transform_9, window_bounds = array<i64: 8>}, {pipeline_mode = #tpu.pipeline_mode<synchronous>, transform_indices = @transform_10, window_bounds = array<i64: 128, 128>}, {pipeline_mode = #tpu.pipeline_mode<synchronous>, transform_indices = @transform_11, window_bounds = array<i64: 1, 128>}, {pipeline_mode = #tpu.pipeline_mode<synchronous>, transform_indices = @transform_12, window_bounds = array<i64: 64, 64>}, {pipeline_mode = #tpu.pipeline_mode<synchronous>, transform_indices = @transform_13, window_bounds = array<i64: 1, 64>}, {pipeline_mode = #tpu.pipeline_mode<synchronous>, transform_indices = @transform_14, window_bounds = array<i64: 1, 64>}, {pipeline_mode = #tpu.pipeline_mode<synchronous>, transform_indices = @transform_15, window_bounds = array<i64: 1, 64>}, {transform_indices = @transform_16, window_bounds = array<i64: 8>}]} {
    %get3A = arith.constant 0 : index
    %get3A_0 = arith.constant 0 : index
    %get3A_1 = vector.load %arg11[%get3A, %get3A_0] : memref<128x128xf32, #tpu.memory_space<vmem>>, vector<128x128xf32>
    %get3A_2 = arith.constant 0 : index
    %get3A_3 = arith.constant 0 : index
    %get3A_4 = vector.load %arg12[%get3A_2, %get3A_3] : memref<1x128xf32, #tpu.memory_space<vmem>>, vector<1x128xf32>
    %get3A_5 = arith.constant 0 : index
    %get3A_6 = arith.constant 0 : index
    %get3A_7 = vector.load %arg1[%get3A_5, %get3A_6] : memref<3200x128xf32, #tpu.memory_space<vmem>>, vector<3200x128xf32>
    %dot_general3A = arith.constant dense<0.000000e+00> : vector<3200x128xf32>
    %dot_general3A_8 = tpu.matmul %get3A_7, %get3A_1, %dot_general3A {dimension_numbers = #tpu.dot_dimension_numbers<[1], [0], [0], [1], [0, 0, 1, 1], [], []>, transpose_lhs_hint = false} : vector<3200x128xf32>, vector<128x128xf32>, vector<3200x128xf32> -> vector<3200x128xf32>
    %add3A = vector.broadcast %get3A_4 : vector<1x128xf32> to vector<3200x128xf32>
    %add3A_9 = arith.addf %dot_general3A_8, %add3A : vector<3200x128xf32>
    %tanh3A = math.tanh %add3A_9 : vector<3200x128xf32>
    %reshape3A = vector.shape_cast %tanh3A : vector<3200x128xf32> to vector<32x100x128xf32>
    %slice3A = vector.extract_strided_slice %reshape3A {offsets = [0, 0, 0], sizes = [32, 100, 64], strides = [1, 1, 1]} : vector<32x100x128xf32> to vector<32x100x64xf32>
    %slice3A_10 = vector.extract_strided_slice %reshape3A {offsets = [0, 0, 64], sizes = [32, 100, 64], strides = [1, 1, 1]} : vector<32x100x128xf32> to vector<32x100x64xf32>
    %get3A_11 = arith.constant 0 : index
    %get3A_12 = arith.constant 0 : index
    %get3A_13 = vector.load %arg5[%get3A_11, %get3A_12] : memref<32x64xf32, #tpu.memory_space<vmem>>, vector<32x64xf32>
    %get3A_14 = arith.constant 0 : index
    %get3A_15 = arith.constant 0 : index
    %get3A_16 = vector.load %arg13[%get3A_14, %get3A_15] : memref<64x64xf32, #tpu.memory_space<vmem>>, vector<64x64xf32>
    %dot_general3A_17 = arith.constant dense<0.000000e+00> : vector<32x64xf32>
    %dot_general3A_18 = tpu.matmul %get3A_13, %get3A_16, %dot_general3A_17 {dimension_numbers = #tpu.dot_dimension_numbers<[1], [0], [0], [1], [0, 0, 1, 1], [], []>, transpose_lhs_hint = false} : vector<32x64xf32>, vector<64x64xf32>, vector<32x64xf32> -> vector<32x64xf32>
    %get3A_19 = arith.constant 0 : index
    %get3A_20 = arith.constant 0 : index
    %get3A_21 = vector.load %arg14[%get3A_19, %get3A_20] : memref<1x64xf32, #tpu.memory_space<vmem>>, vector<1x64xf32>
    %add3A_22 = vector.broadcast %get3A_21 : vector<1x64xf32> to vector<32x64xf32>
    %add3A_23 = arith.addf %dot_general3A_18, %add3A_22 : vector<32x64xf32>
    %tanh3A_24 = math.tanh %add3A_23 : vector<32x64xf32>
    %broadcast_in_dim3A = vector.shape_cast %tanh3A_24 : vector<32x64xf32> to vector<32x1x64xf32>
    %broadcast_in_dim3A_25 = vector.shape_cast %broadcast_in_dim3A : vector<32x1x64xf32> to vector<32x1x64xf32>
    %broadcast_in_dim3A_26 = vector.broadcast %broadcast_in_dim3A_25 : vector<32x1x64xf32> to vector<32x100x64xf32>
    %get3A_27 = arith.constant 0 : index
    %get3A_28 = arith.constant 0 : index
    %get3A_29 = vector.load %arg6[%get3A_27, %get3A_28] : memref<32x100xi32, #tpu.memory_space<vmem>>, vector<32x100xi32>
    %broadcast_in_dim3A_30 = vector.shape_cast %get3A_29 : vector<32x100xi32> to vector<32x100x1xi32>
    %broadcast_in_dim3A_31 = vector.shape_cast %broadcast_in_dim3A_30 : vector<32x100x1xi32> to vector<32x100x1xi32>
    %broadcast_in_dim3A_32 = vector.broadcast %broadcast_in_dim3A_31 : vector<32x100x1xi32> to vector<32x100x64xi32>
    %gt3A = arith.constant 0 : i32
    %gt3A_33 = vector.broadcast %gt3A : i32 to vector<32x100x64xi32>
    %gt3A_34 = arith.cmpi sgt, %broadcast_in_dim3A_32, %gt3A_33 : vector<32x100x64xi32>
    %select_n3A = arith.select %gt3A_34, %broadcast_in_dim3A_26, %slice3A : vector<32x100x64xi1>, vector<32x100x64xf32>
    %get3A_35 = arith.constant 0 : index
    %get3A_36 = arith.constant 0 : index
    %get3A_37 = vector.load %arg7[%get3A_35, %get3A_36] : memref<32x100xi32, #tpu.memory_space<vmem>>, vector<32x100xi32>
    %broadcast_in_dim3A_38 = vector.shape_cast %get3A_37 : vector<32x100xi32> to vector<32x100x1xi32>
    %broadcast_in_dim3A_39 = vector.shape_cast %broadcast_in_dim3A_38 : vector<32x100x1xi32> to vector<32x100x1xi32>
    %broadcast_in_dim3A_40 = vector.broadcast %broadcast_in_dim3A_39 : vector<32x100x1xi32> to vector<32x100x64xi32>
    %gt3A_41 = arith.constant 0 : i32
    %gt3A_42 = vector.broadcast %gt3A_41 : i32 to vector<32x100x64xi32>
    %gt3A_43 = arith.cmpi sgt, %broadcast_in_dim3A_40, %gt3A_42 : vector<32x100x64xi32>
    %select_n3A_44 = arith.select %gt3A_43, %broadcast_in_dim3A_26, %slice3A_10 : vector<32x100x64xi1>, vector<32x100x64xf32>
    %get3A_45 = arith.constant 0 : index
    %get3A_46 = arith.constant 0 : index
    %get3A_47 = vector.load %arg4[%get3A_45, %get3A_46] : memref<3200x128xf32, #tpu.memory_space<vmem>>, vector<3200x128xf32>
    %reshape3A_48 = vector.shape_cast %get3A_47 : vector<3200x128xf32> to vector<32x100x128xf32>
    %slice3A_49 = vector.extract_strided_slice %reshape3A_48 {offsets = [0, 0, 0], sizes = [32, 100, 64], strides = [1, 1, 1]} : vector<32x100x128xf32> to vector<32x100x64xf32>
    %slice3A_50 = vector.extract_strided_slice %reshape3A_48 {offsets = [0, 0, 64], sizes = [32, 100, 64], strides = [1, 1, 1]} : vector<32x100x128xf32> to vector<32x100x64xf32>
    %add3A_51 = arith.addf %select_n3A, %slice3A_49 : vector<32x100x64xf32>
    %reduce_sum3A = arith.constant dense<0.000000e+00> : vector<32x100xf32>
    %reduce_sum3A_52 = vector.multi_reduction <add>, %add3A_51, %reduce_sum3A [2] : vector<32x100x64xf32> to vector<32x100xf32>
    %broadcast_in_dim3A_53 = vector.shape_cast %reduce_sum3A_52 : vector<32x100xf32> to vector<32x100x1xf32>
    %div3A = arith.constant 6.400000e+01 : f32
    %div3A_54 = vector.broadcast %div3A : f32 to vector<32x100x1xf32>
    %div3A_55 = arith.divf %broadcast_in_dim3A_53, %div3A_54 : vector<32x100x1xf32>
    %broadcast_in_dim3A_56 = vector.shape_cast %div3A_55 : vector<32x100x1xf32> to vector<32x100x1xf32>
    %broadcast_in_dim3A_57 = vector.broadcast %broadcast_in_dim3A_56 : vector<32x100x1xf32> to vector<32x100x64xf32>
    %sub3A = arith.subf %add3A_51, %broadcast_in_dim3A_57 : vector<32x100x64xf32>
    %mul3A = arith.mulf %sub3A, %sub3A : vector<32x100x64xf32>
    %reduce_sum3A_58 = arith.constant dense<0.000000e+00> : vector<32x100xf32>
    %reduce_sum3A_59 = vector.multi_reduction <add>, %mul3A, %reduce_sum3A_58 [2] : vector<32x100x64xf32> to vector<32x100xf32>
    %broadcast_in_dim3A_60 = vector.shape_cast %reduce_sum3A_59 : vector<32x100xf32> to vector<32x100x1xf32>
    %div3A_61 = arith.constant 6.400000e+01 : f32
    %div3A_62 = vector.broadcast %div3A_61 : f32 to vector<32x100x1xf32>
    %div3A_63 = arith.divf %broadcast_in_dim3A_60, %div3A_62 : vector<32x100x1xf32>
    %get3A_64 = arith.constant 0 : index
    %get3A_65 = arith.constant 0 : index
    %get3A_66 = vector.load %arg15[%get3A_64, %get3A_65] : memref<1x64xf32, #tpu.memory_space<vmem>>, vector<1x64xf32>
    %broadcast_in_dim3A_67 = vector.shape_cast %get3A_66 : vector<1x64xf32> to vector<1x1x64xf32>
    %mul3A_68 = vector.broadcast %broadcast_in_dim3A_67 : vector<1x1x64xf32> to vector<32x100x64xf32>
    %mul3A_69 = arith.mulf %mul3A_68, %sub3A : vector<32x100x64xf32>
    %add3A_70 = arith.constant 9.99999974E-6 : f32
    %add3A_71 = vector.broadcast %add3A_70 : f32 to vector<32x100x1xf32>
    %add3A_72 = arith.addf %div3A_63, %add3A_71 : vector<32x100x1xf32>
    %rsqrt3A = math.rsqrt %add3A_72 : vector<32x100x1xf32>
    %broadcast_in_dim3A_73 = vector.shape_cast %rsqrt3A : vector<32x100x1xf32> to vector<32x100x1xf32>
    %broadcast_in_dim3A_74 = vector.broadcast %broadcast_in_dim3A_73 : vector<32x100x1xf32> to vector<32x100x64xf32>
    %mul3A_75 = arith.mulf %mul3A_69, %broadcast_in_dim3A_74 : vector<32x100x64xf32>
    %get3A_76 = arith.constant 0 : index
    %get3A_77 = arith.constant 0 : index
    %get3A_78 = vector.load %arg16[%get3A_76, %get3A_77] : memref<1x64xf32, #tpu.memory_space<vmem>>, vector<1x64xf32>
    %broadcast_in_dim3A_79 = vector.shape_cast %get3A_78 : vector<1x64xf32> to vector<1x1x64xf32>
    %add3A_80 = vector.broadcast %broadcast_in_dim3A_79 : vector<1x1x64xf32> to vector<32x100x64xf32>
    %add3A_81 = arith.addf %mul3A_75, %add3A_80 : vector<32x100x64xf32>
    %add3A_82 = arith.addf %select_n3A_44, %slice3A_50 : vector<32x100x64xf32>
    %reduce_sum3A_83 = arith.constant dense<0.000000e+00> : vector<32x100xf32>
    %reduce_sum3A_84 = vector.multi_reduction <add>, %add3A_82, %reduce_sum3A_83 [2] : vector<32x100x64xf32> to vector<32x100xf32>
    %broadcast_in_dim3A_85 = vector.shape_cast %reduce_sum3A_84 : vector<32x100xf32> to vector<32x100x1xf32>
    %div3A_86 = arith.constant 6.400000e+01 : f32
    %div3A_87 = vector.broadcast %div3A_86 : f32 to vector<32x100x1xf32>
    %div3A_88 = arith.divf %broadcast_in_dim3A_85, %div3A_87 : vector<32x100x1xf32>
    %broadcast_in_dim3A_89 = vector.shape_cast %div3A_88 : vector<32x100x1xf32> to vector<32x100x1xf32>
    %broadcast_in_dim3A_90 = vector.broadcast %broadcast_in_dim3A_89 : vector<32x100x1xf32> to vector<32x100x64xf32>
    %sub3A_91 = arith.subf %add3A_82, %broadcast_in_dim3A_90 : vector<32x100x64xf32>
    %mul3A_92 = arith.mulf %sub3A_91, %sub3A_91 : vector<32x100x64xf32>
    %reduce_sum3A_93 = arith.constant dense<0.000000e+00> : vector<32x100xf32>
    %reduce_sum3A_94 = vector.multi_reduction <add>, %mul3A_92, %reduce_sum3A_93 [2] : vector<32x100x64xf32> to vector<32x100xf32>
    %broadcast_in_dim3A_95 = vector.shape_cast %reduce_sum3A_94 : vector<32x100xf32> to vector<32x100x1xf32>
    %div3A_96 = arith.constant 6.400000e+01 : f32
    %div3A_97 = vector.broadcast %div3A_96 : f32 to vector<32x100x1xf32>
    %div3A_98 = arith.divf %broadcast_in_dim3A_95, %div3A_97 : vector<32x100x1xf32>
    %get3A_99 = arith.constant 0 : index
    %get3A_100 = arith.constant 0 : index
    %get3A_101 = vector.load %arg15[%get3A_99, %get3A_100] : memref<1x64xf32, #tpu.memory_space<vmem>>, vector<1x64xf32>
    %broadcast_in_dim3A_102 = vector.shape_cast %get3A_101 : vector<1x64xf32> to vector<1x1x64xf32>
    %mul3A_103 = vector.broadcast %broadcast_in_dim3A_102 : vector<1x1x64xf32> to vector<32x100x64xf32>
    %mul3A_104 = arith.mulf %mul3A_103, %sub3A_91 : vector<32x100x64xf32>
    %add3A_105 = arith.constant 9.99999974E-6 : f32
    %add3A_106 = vector.broadcast %add3A_105 : f32 to vector<32x100x1xf32>
    %add3A_107 = arith.addf %div3A_98, %add3A_106 : vector<32x100x1xf32>
    %rsqrt3A_108 = math.rsqrt %add3A_107 : vector<32x100x1xf32>
    %broadcast_in_dim3A_109 = vector.shape_cast %rsqrt3A_108 : vector<32x100x1xf32> to vector<32x100x1xf32>
    %broadcast_in_dim3A_110 = vector.broadcast %broadcast_in_dim3A_109 : vector<32x100x1xf32> to vector<32x100x64xf32>
    %mul3A_111 = arith.mulf %mul3A_104, %broadcast_in_dim3A_110 : vector<32x100x64xf32>
    %get3A_112 = arith.constant 0 : index
    %get3A_113 = arith.constant 0 : index
    %get3A_114 = vector.load %arg16[%get3A_112, %get3A_113] : memref<1x64xf32, #tpu.memory_space<vmem>>, vector<1x64xf32>
    %broadcast_in_dim3A_115 = vector.shape_cast %get3A_114 : vector<1x64xf32> to vector<1x1x64xf32>
    %add3A_116 = vector.broadcast %broadcast_in_dim3A_115 : vector<1x1x64xf32> to vector<32x100x64xf32>
    %add3A_117 = arith.addf %mul3A_111, %add3A_116 : vector<32x100x64xf32>
    %get3A_118 = arith.constant 0 : index
    %get3A_119 = arith.constant 0 : index
    %get3A_120 = vector.load %arg2[%get3A_118, %get3A_119] : memref<3200x128xf32, #tpu.memory_space<vmem>>, vector<3200x128xf32>
    %dot_general3A_121 = arith.constant dense<0.000000e+00> : vector<3200x128xf32>
    %dot_general3A_122 = tpu.matmul %get3A_120, %get3A_1, %dot_general3A_121 {dimension_numbers = #tpu.dot_dimension_numbers<[1], [0], [0], [1], [0, 0, 1, 1], [], []>, transpose_lhs_hint = false} : vector<3200x128xf32>, vector<128x128xf32>, vector<3200x128xf32> -> vector<3200x128xf32>
    %add3A_123 = vector.broadcast %get3A_4 : vector<1x128xf32> to vector<3200x128xf32>
    %add3A_124 = arith.addf %dot_general3A_122, %add3A_123 : vector<3200x128xf32>
    %tanh3A_125 = math.tanh %add3A_124 : vector<3200x128xf32>
    %reshape3A_126 = vector.shape_cast %tanh3A_125 : vector<3200x128xf32> to vector<32x100x128xf32>
    %slice3A_127 = vector.extract_strided_slice %reshape3A_126 {offsets = [0, 0, 0], sizes = [32, 100, 64], strides = [1, 1, 1]} : vector<32x100x128xf32> to vector<32x100x64xf32>
    %slice3A_128 = vector.extract_strided_slice %reshape3A_126 {offsets = [0, 0, 64], sizes = [32, 100, 64], strides = [1, 1, 1]} : vector<32x100x128xf32> to vector<32x100x64xf32>
    %get3A_129 = arith.constant 0 : index
    %get3A_130 = arith.constant 0 : index
    %get3A_131 = vector.load %arg3[%get3A_129, %get3A_130] : memref<3200x128xf32, #tpu.memory_space<vmem>>, vector<3200x128xf32>
    %dot_general3A_132 = arith.constant dense<0.000000e+00> : vector<3200x128xf32>
    %dot_general3A_133 = tpu.matmul %get3A_131, %get3A_1, %dot_general3A_132 {dimension_numbers = #tpu.dot_dimension_numbers<[1], [0], [0], [1], [0, 0, 1, 1], [], []>, transpose_lhs_hint = false} : vector<3200x128xf32>, vector<128x128xf32>, vector<3200x128xf32> -> vector<3200x128xf32>
    %add3A_134 = vector.broadcast %get3A_4 : vector<1x128xf32> to vector<3200x128xf32>
    %add3A_135 = arith.addf %dot_general3A_133, %add3A_134 : vector<3200x128xf32>
    %tanh3A_136 = math.tanh %add3A_135 : vector<3200x128xf32>
    %reshape3A_137 = vector.shape_cast %tanh3A_136 : vector<3200x128xf32> to vector<32x100x128xf32>
    %slice3A_138 = vector.extract_strided_slice %reshape3A_137 {offsets = [0, 0, 0], sizes = [32, 100, 64], strides = [1, 1, 1]} : vector<32x100x128xf32> to vector<32x100x64xf32>
    %slice3A_139 = vector.extract_strided_slice %reshape3A_137 {offsets = [0, 0, 64], sizes = [32, 100, 64], strides = [1, 1, 1]} : vector<32x100x128xf32> to vector<32x100x64xf32>
    %mul3A_140 = arith.mulf %add3A_81, %slice3A_127 : vector<32x100x64xf32>
    %reduce_sum3A_141 = arith.constant dense<0.000000e+00> : vector<32x100xf32>
    %reduce_sum3A_142 = vector.multi_reduction <add>, %mul3A_140, %reduce_sum3A_141 [2] : vector<32x100x64xf32> to vector<32x100xf32>
    %broadcast_in_dim3A_143 = vector.shape_cast %reduce_sum3A_142 : vector<32x100xf32> to vector<32x100x1xf32>
    %mul3A_144 = arith.mulf %add3A_81, %slice3A_138 : vector<32x100x64xf32>
    %reduce_sum3A_145 = arith.constant dense<0.000000e+00> : vector<32x100xf32>
    %reduce_sum3A_146 = vector.multi_reduction <add>, %mul3A_144, %reduce_sum3A_145 [2] : vector<32x100x64xf32> to vector<32x100xf32>
    %broadcast_in_dim3A_147 = vector.shape_cast %reduce_sum3A_146 : vector<32x100xf32> to vector<32x100x1xf32>
    %get3A_148 = arith.constant 0 : index
    %get3A_149 = arith.constant 0 : index
    %get3A_150 = vector.load %arg8[%get3A_148, %get3A_149] : memref<32x100xi32, #tpu.memory_space<vmem>>, vector<32x100xi32>
    %broadcast_in_dim3A_151 = vector.shape_cast %get3A_150 : vector<32x100xi32> to vector<32x100x1xi32>
    %convert_element_type3A = arith.sitofp %broadcast_in_dim3A_151 : vector<32x100x1xi32> to vector<32x100x1xf32>
    %reduce_sum3A_152 = vector.shape_cast %convert_element_type3A : vector<32x100x1xf32> to vector<1x32x100x1xf32>
    %reduce_sum3A_153 = arith.constant dense<0.000000e+00> : vector<1xf32>
    %reduce_sum3A_154 = vector.multi_reduction <add>, %reduce_sum3A_152, %reduce_sum3A_153 [1, 2, 3] : vector<1x32x100x1xf32> to vector<1xf32>
    %reduce_sum3A_155 = vector.shape_cast %reduce_sum3A_154 : vector<1xf32> to vector<1x1x1x1xf32>
    %reduce_sum3A_156 = vector.extract %reduce_sum3A_155[0, 0, 0, 0] : f32 from vector<1x1x1x1xf32>
    %mul3A_157 = arith.mulf %broadcast_in_dim3A_143, %convert_element_type3A : vector<32x100x1xf32>
    %reduce_sum3A_158 = vector.shape_cast %mul3A_157 : vector<32x100x1xf32> to vector<1x32x100x1xf32>
    %reduce_sum3A_159 = arith.constant dense<0.000000e+00> : vector<1xf32>
    %reduce_sum3A_160 = vector.multi_reduction <add>, %reduce_sum3A_158, %reduce_sum3A_159 [1, 2, 3] : vector<1x32x100x1xf32> to vector<1xf32>
    %reduce_sum3A_161 = vector.shape_cast %reduce_sum3A_160 : vector<1xf32> to vector<1x1x1x1xf32>
    %reduce_sum3A_162 = vector.extract %reduce_sum3A_161[0, 0, 0, 0] : f32 from vector<1x1x1x1xf32>
    %mul3A_163 = arith.mulf %broadcast_in_dim3A_147, %convert_element_type3A : vector<32x100x1xf32>
    %reduce_sum3A_164 = vector.shape_cast %mul3A_163 : vector<32x100x1xf32> to vector<1x32x100x1xf32>
    %reduce_sum3A_165 = arith.constant dense<0.000000e+00> : vector<1xf32>
    %reduce_sum3A_166 = vector.multi_reduction <add>, %reduce_sum3A_164, %reduce_sum3A_165 [1, 2, 3] : vector<1x32x100x1xf32> to vector<1xf32>
    %reduce_sum3A_167 = vector.shape_cast %reduce_sum3A_166 : vector<1xf32> to vector<1x1x1x1xf32>
    %reduce_sum3A_168 = vector.extract %reduce_sum3A_167[0, 0, 0, 0] : f32 from vector<1x1x1x1xf32>
    %mul3A_169 = arith.mulf %broadcast_in_dim3A_147, %broadcast_in_dim3A_147 : vector<32x100x1xf32>
    %mul3A_170 = arith.mulf %mul3A_169, %convert_element_type3A : vector<32x100x1xf32>
    %reduce_sum3A_171 = vector.shape_cast %mul3A_170 : vector<32x100x1xf32> to vector<1x32x100x1xf32>
    %reduce_sum3A_172 = arith.constant dense<0.000000e+00> : vector<1xf32>
    %reduce_sum3A_173 = vector.multi_reduction <add>, %reduce_sum3A_171, %reduce_sum3A_172 [1, 2, 3] : vector<1x32x100x1xf32> to vector<1xf32>
    %reduce_sum3A_174 = vector.shape_cast %reduce_sum3A_173 : vector<1xf32> to vector<1x1x1x1xf32>
    %reduce_sum3A_175 = vector.extract %reduce_sum3A_174[0, 0, 0, 0] : f32 from vector<1x1x1x1xf32>
    %neg3A = arith.constant 0.000000e+00 : f32
    %neg3A_176 = vector.broadcast %neg3A : f32 to vector<32x100x1xf32>
    %neg3A_177 = arith.subf %neg3A_176, %broadcast_in_dim3A_143 : vector<32x100x1xf32>
    %max3A = arith.constant 0.000000e+00 : f32
    %max3A_178 = vector.broadcast %max3A : f32 to vector<32x100x1xf32>
    %max3A_179 = arith.maximumf %neg3A_177, %max3A_178 : vector<32x100x1xf32>
    %abs3A = math.absf %neg3A_177 : vector<32x100x1xf32>
    %neg3A_180 = arith.constant 0.000000e+00 : f32
    %neg3A_181 = vector.broadcast %neg3A_180 : f32 to vector<32x100x1xf32>
    %neg3A_182 = arith.subf %neg3A_181, %abs3A : vector<32x100x1xf32>
    %exp3A = math.exp %neg3A_182 : vector<32x100x1xf32>
    %log1p3A = math.log1p %exp3A : vector<32x100x1xf32>
    %add3A_183 = arith.addf %max3A_179, %log1p3A : vector<32x100x1xf32>
    %max3A_184 = arith.constant 0.000000e+00 : f32
    %max3A_185 = vector.broadcast %max3A_184 : f32 to vector<32x100x1xf32>
    %max3A_186 = arith.maximumf %broadcast_in_dim3A_147, %max3A_185 : vector<32x100x1xf32>
    %abs3A_187 = math.absf %broadcast_in_dim3A_147 : vector<32x100x1xf32>
    %neg3A_188 = arith.constant 0.000000e+00 : f32
    %neg3A_189 = vector.broadcast %neg3A_188 : f32 to vector<32x100x1xf32>
    %neg3A_190 = arith.subf %neg3A_189, %abs3A_187 : vector<32x100x1xf32>
    %exp3A_191 = math.exp %neg3A_190 : vector<32x100x1xf32>
    %log1p3A_192 = math.log1p %exp3A_191 : vector<32x100x1xf32>
    %add3A_193 = arith.addf %max3A_186, %log1p3A_192 : vector<32x100x1xf32>
    %add3A_194 = arith.addf %add3A_183, %add3A_193 : vector<32x100x1xf32>
    %mul3A_195 = arith.mulf %add3A_194, %convert_element_type3A : vector<32x100x1xf32>
    %reduce_sum3A_196 = vector.shape_cast %mul3A_195 : vector<32x100x1xf32> to vector<1x32x100x1xf32>
    %reduce_sum3A_197 = arith.constant dense<0.000000e+00> : vector<1xf32>
    %reduce_sum3A_198 = vector.multi_reduction <add>, %reduce_sum3A_196, %reduce_sum3A_197 [1, 2, 3] : vector<1x32x100x1xf32> to vector<1xf32>
    %reduce_sum3A_199 = vector.shape_cast %reduce_sum3A_198 : vector<1xf32> to vector<1x1x1x1xf32>
    %reduce_sum3A_200 = vector.extract %reduce_sum3A_199[0, 0, 0, 0] : f32 from vector<1x1x1x1xf32>
    %gt3A_201 = arith.constant 0.000000e+00 : f32
    %gt3A_202 = vector.broadcast %gt3A_201 : f32 to vector<32x100x1xf32>
    %gt3A_203 = arith.cmpf ogt, %convert_element_type3A, %gt3A_202 : vector<32x100x1xf32>
    %jit3A = arith.constant 0xFF800000 : f32
    %broadcast_in_dim3A_204 = vector.broadcast %jit3A : f32 to vector<32x100x1xf32>
    %select_n3A_205 = arith.select %gt3A_203, %broadcast_in_dim3A_147, %broadcast_in_dim3A_204 : vector<32x100x1xi1>, vector<32x100x1xf32>
    %reduce_max3A = vector.shape_cast %select_n3A_205 : vector<32x100x1xf32> to vector<1x32x100x1xf32>
    %reduce_max3A_206 = arith.constant dense<0xFF800000> : vector<1xf32>
    %reduce_max3A_207 = vector.multi_reduction <maximumf>, %reduce_max3A, %reduce_max3A_206 [1, 2, 3] : vector<1x32x100x1xf32> to vector<1xf32>
    %reduce_max3A_208 = vector.shape_cast %reduce_max3A_207 : vector<1xf32> to vector<1x1x1x1xf32>
    %reduce_max3A_209 = vector.extract %reduce_max3A_208[0, 0, 0, 0] : f32 from vector<1x1x1x1xf32>
    %mul3A_210 = arith.mulf %add3A_117, %slice3A_128 : vector<32x100x64xf32>
    %reduce_sum3A_211 = arith.constant dense<0.000000e+00> : vector<32x100xf32>
    %reduce_sum3A_212 = vector.multi_reduction <add>, %mul3A_210, %reduce_sum3A_211 [2] : vector<32x100x64xf32> to vector<32x100xf32>
    %broadcast_in_dim3A_213 = vector.shape_cast %reduce_sum3A_212 : vector<32x100xf32> to vector<32x100x1xf32>
    %mul3A_214 = arith.mulf %add3A_117, %slice3A_139 : vector<32x100x64xf32>
    %reduce_sum3A_215 = arith.constant dense<0.000000e+00> : vector<32x100xf32>
    %reduce_sum3A_216 = vector.multi_reduction <add>, %mul3A_214, %reduce_sum3A_215 [2] : vector<32x100x64xf32> to vector<32x100xf32>
    %broadcast_in_dim3A_217 = vector.shape_cast %reduce_sum3A_216 : vector<32x100xf32> to vector<32x100x1xf32>
    %get3A_218 = arith.constant 0 : index
    %get3A_219 = arith.constant 0 : index
    %get3A_220 = vector.load %arg9[%get3A_218, %get3A_219] : memref<32x100xi32, #tpu.memory_space<vmem>>, vector<32x100xi32>
    %broadcast_in_dim3A_221 = vector.shape_cast %get3A_220 : vector<32x100xi32> to vector<32x100x1xi32>
    %convert_element_type3A_222 = arith.sitofp %broadcast_in_dim3A_221 : vector<32x100x1xi32> to vector<32x100x1xf32>
    %reduce_sum3A_223 = vector.shape_cast %convert_element_type3A_222 : vector<32x100x1xf32> to vector<1x32x100x1xf32>
    %reduce_sum3A_224 = arith.constant dense<0.000000e+00> : vector<1xf32>
    %reduce_sum3A_225 = vector.multi_reduction <add>, %reduce_sum3A_223, %reduce_sum3A_224 [1, 2, 3] : vector<1x32x100x1xf32> to vector<1xf32>
    %reduce_sum3A_226 = vector.shape_cast %reduce_sum3A_225 : vector<1xf32> to vector<1x1x1x1xf32>
    %reduce_sum3A_227 = vector.extract %reduce_sum3A_226[0, 0, 0, 0] : f32 from vector<1x1x1x1xf32>
    %mul3A_228 = arith.mulf %broadcast_in_dim3A_213, %convert_element_type3A_222 : vector<32x100x1xf32>
    %reduce_sum3A_229 = vector.shape_cast %mul3A_228 : vector<32x100x1xf32> to vector<1x32x100x1xf32>
    %reduce_sum3A_230 = arith.constant dense<0.000000e+00> : vector<1xf32>
    %reduce_sum3A_231 = vector.multi_reduction <add>, %reduce_sum3A_229, %reduce_sum3A_230 [1, 2, 3] : vector<1x32x100x1xf32> to vector<1xf32>
    %reduce_sum3A_232 = vector.shape_cast %reduce_sum3A_231 : vector<1xf32> to vector<1x1x1x1xf32>
    %reduce_sum3A_233 = vector.extract %reduce_sum3A_232[0, 0, 0, 0] : f32 from vector<1x1x1x1xf32>
    %mul3A_234 = arith.mulf %broadcast_in_dim3A_217, %convert_element_type3A_222 : vector<32x100x1xf32>
    %reduce_sum3A_235 = vector.shape_cast %mul3A_234 : vector<32x100x1xf32> to vector<1x32x100x1xf32>
    %reduce_sum3A_236 = arith.constant dense<0.000000e+00> : vector<1xf32>
    %reduce_sum3A_237 = vector.multi_reduction <add>, %reduce_sum3A_235, %reduce_sum3A_236 [1, 2, 3] : vector<1x32x100x1xf32> to vector<1xf32>
    %reduce_sum3A_238 = vector.shape_cast %reduce_sum3A_237 : vector<1xf32> to vector<1x1x1x1xf32>
    %reduce_sum3A_239 = vector.extract %reduce_sum3A_238[0, 0, 0, 0] : f32 from vector<1x1x1x1xf32>
    %mul3A_240 = arith.mulf %broadcast_in_dim3A_217, %broadcast_in_dim3A_217 : vector<32x100x1xf32>
    %mul3A_241 = arith.mulf %mul3A_240, %convert_element_type3A_222 : vector<32x100x1xf32>
    %reduce_sum3A_242 = vector.shape_cast %mul3A_241 : vector<32x100x1xf32> to vector<1x32x100x1xf32>
    %reduce_sum3A_243 = arith.constant dense<0.000000e+00> : vector<1xf32>
    %reduce_sum3A_244 = vector.multi_reduction <add>, %reduce_sum3A_242, %reduce_sum3A_243 [1, 2, 3] : vector<1x32x100x1xf32> to vector<1xf32>
    %reduce_sum3A_245 = vector.shape_cast %reduce_sum3A_244 : vector<1xf32> to vector<1x1x1x1xf32>
    %reduce_sum3A_246 = vector.extract %reduce_sum3A_245[0, 0, 0, 0] : f32 from vector<1x1x1x1xf32>
    %neg3A_247 = arith.constant 0.000000e+00 : f32
    %neg3A_248 = vector.broadcast %neg3A_247 : f32 to vector<32x100x1xf32>
    %neg3A_249 = arith.subf %neg3A_248, %broadcast_in_dim3A_213 : vector<32x100x1xf32>
    %max3A_250 = arith.constant 0.000000e+00 : f32
    %max3A_251 = vector.broadcast %max3A_250 : f32 to vector<32x100x1xf32>
    %max3A_252 = arith.maximumf %neg3A_249, %max3A_251 : vector<32x100x1xf32>
    %abs3A_253 = math.absf %neg3A_249 : vector<32x100x1xf32>
    %neg3A_254 = arith.constant 0.000000e+00 : f32
    %neg3A_255 = vector.broadcast %neg3A_254 : f32 to vector<32x100x1xf32>
    %neg3A_256 = arith.subf %neg3A_255, %abs3A_253 : vector<32x100x1xf32>
    %exp3A_257 = math.exp %neg3A_256 : vector<32x100x1xf32>
    %log1p3A_258 = math.log1p %exp3A_257 : vector<32x100x1xf32>
    %add3A_259 = arith.addf %max3A_252, %log1p3A_258 : vector<32x100x1xf32>
    %max3A_260 = arith.constant 0.000000e+00 : f32
    %max3A_261 = vector.broadcast %max3A_260 : f32 to vector<32x100x1xf32>
    %max3A_262 = arith.maximumf %broadcast_in_dim3A_217, %max3A_261 : vector<32x100x1xf32>
    %abs3A_263 = math.absf %broadcast_in_dim3A_217 : vector<32x100x1xf32>
    %neg3A_264 = arith.constant 0.000000e+00 : f32
    %neg3A_265 = vector.broadcast %neg3A_264 : f32 to vector<32x100x1xf32>
    %neg3A_266 = arith.subf %neg3A_265, %abs3A_263 : vector<32x100x1xf32>
    %exp3A_267 = math.exp %neg3A_266 : vector<32x100x1xf32>
    %log1p3A_268 = math.log1p %exp3A_267 : vector<32x100x1xf32>
    %add3A_269 = arith.addf %max3A_262, %log1p3A_268 : vector<32x100x1xf32>
    %add3A_270 = arith.addf %add3A_259, %add3A_269 : vector<32x100x1xf32>
    %mul3A_271 = arith.mulf %add3A_270, %convert_element_type3A_222 : vector<32x100x1xf32>
    %reduce_sum3A_272 = vector.shape_cast %mul3A_271 : vector<32x100x1xf32> to vector<1x32x100x1xf32>
    %reduce_sum3A_273 = arith.constant dense<0.000000e+00> : vector<1xf32>
    %reduce_sum3A_274 = vector.multi_reduction <add>, %reduce_sum3A_272, %reduce_sum3A_273 [1, 2, 3] : vector<1x32x100x1xf32> to vector<1xf32>
    %reduce_sum3A_275 = vector.shape_cast %reduce_sum3A_274 : vector<1xf32> to vector<1x1x1x1xf32>
    %reduce_sum3A_276 = vector.extract %reduce_sum3A_275[0, 0, 0, 0] : f32 from vector<1x1x1x1xf32>
    %gt3A_277 = arith.constant 0.000000e+00 : f32
    %gt3A_278 = vector.broadcast %gt3A_277 : f32 to vector<32x100x1xf32>
    %gt3A_279 = arith.cmpf ogt, %convert_element_type3A_222, %gt3A_278 : vector<32x100x1xf32>
    %jit3A_280 = arith.constant 0xFF800000 : f32
    %broadcast_in_dim3A_281 = vector.broadcast %jit3A_280 : f32 to vector<32x100x1xf32>
    %select_n3A_282 = arith.select %gt3A_279, %broadcast_in_dim3A_217, %broadcast_in_dim3A_281 : vector<32x100x1xi1>, vector<32x100x1xf32>
    %reduce_max3A_283 = vector.shape_cast %select_n3A_282 : vector<32x100x1xf32> to vector<1x32x100x1xf32>
    %reduce_max3A_284 = arith.constant dense<0xFF800000> : vector<1xf32>
    %reduce_max3A_285 = vector.multi_reduction <maximumf>, %reduce_max3A_283, %reduce_max3A_284 [1, 2, 3] : vector<1x32x100x1xf32> to vector<1xf32>
    %reduce_max3A_286 = vector.shape_cast %reduce_max3A_285 : vector<1xf32> to vector<1x1x1x1xf32>
    %reduce_max3A_287 = vector.extract %reduce_max3A_286[0, 0, 0, 0] : f32 from vector<1x1x1x1xf32>
    %add3A_288 = arith.addf %reduce_sum3A_156, %reduce_sum3A_227 : f32
    %add3A_289 = arith.addf %reduce_sum3A_162, %reduce_sum3A_233 : f32
    %add3A_290 = arith.addf %reduce_sum3A_168, %reduce_sum3A_239 : f32
    %add3A_291 = arith.addf %reduce_sum3A_175, %reduce_sum3A_246 : f32
    %add3A_292 = arith.addf %reduce_sum3A_200, %reduce_sum3A_276 : f32
    %max3A_293 = arith.maximumf %reduce_max3A_209, %reduce_max3A_287 : f32
    %eq3A = arith.constant 0 : i32
    %eq3A_294 = arith.cmpi eq, %arg0, %eq3A : i32
    %convert_element_type3A_295 = arith.extui %eq3A_294 : i1 to i32
    %cond3A = arith.constant 0 : i32
    %cond3A_296 = arith.cmpi ne, %convert_element_type3A_295, %cond3A : i32
    scf.if %cond3A_296 {
      %get3A_331 = arith.constant 0 : index
      %get3A_332 = memref.load %arg10[%get3A_331] : memref<8xf32, #tpu.memory_space<smem>>
      %swap3A_333 = arith.constant 0 : index
      %swap3A_334 = memref.load %arg18[%swap3A_333] : memref<8xf32, #tpu.memory_space<smem>>
      memref.store %get3A_332, %arg18[%swap3A_333] : memref<8xf32, #tpu.memory_space<smem>>
      %get3A_335 = arith.constant 1 : index
      %get3A_336 = memref.load %arg10[%get3A_335] : memref<8xf32, #tpu.memory_space<smem>>
      %swap3A_337 = arith.constant 1 : index
      %swap3A_338 = memref.load %arg18[%swap3A_337] : memref<8xf32, #tpu.memory_space<smem>>
      memref.store %get3A_336, %arg18[%swap3A_337] : memref<8xf32, #tpu.memory_space<smem>>
      %get3A_339 = arith.constant 2 : index
      %get3A_340 = memref.load %arg10[%get3A_339] : memref<8xf32, #tpu.memory_space<smem>>
      %swap3A_341 = arith.constant 2 : index
      %swap3A_342 = memref.load %arg18[%swap3A_341] : memref<8xf32, #tpu.memory_space<smem>>
      memref.store %get3A_340, %arg18[%swap3A_341] : memref<8xf32, #tpu.memory_space<smem>>
      %get3A_343 = arith.constant 3 : index
      %get3A_344 = memref.load %arg10[%get3A_343] : memref<8xf32, #tpu.memory_space<smem>>
      %swap3A_345 = arith.constant 3 : index
      %swap3A_346 = memref.load %arg18[%swap3A_345] : memref<8xf32, #tpu.memory_space<smem>>
      memref.store %get3A_344, %arg18[%swap3A_345] : memref<8xf32, #tpu.memory_space<smem>>
      %get3A_347 = arith.constant 4 : index
      %get3A_348 = memref.load %arg10[%get3A_347] : memref<8xf32, #tpu.memory_space<smem>>
      %swap3A_349 = arith.constant 4 : index
      %swap3A_350 = memref.load %arg18[%swap3A_349] : memref<8xf32, #tpu.memory_space<smem>>
      memref.store %get3A_348, %arg18[%swap3A_349] : memref<8xf32, #tpu.memory_space<smem>>
      %get3A_351 = arith.constant 5 : index
      %get3A_352 = memref.load %arg10[%get3A_351] : memref<8xf32, #tpu.memory_space<smem>>
      %swap3A_353 = arith.constant 5 : index
      %swap3A_354 = memref.load %arg18[%swap3A_353] : memref<8xf32, #tpu.memory_space<smem>>
      memref.store %get3A_352, %arg18[%swap3A_353] : memref<8xf32, #tpu.memory_space<smem>>
    } else {
    }
    %get3A_297 = arith.constant 0 : index
    %get3A_298 = memref.load %arg18[%get3A_297] : memref<8xf32, #tpu.memory_space<smem>>
    %add3A_299 = arith.addf %get3A_298, %add3A_288 : f32
    %swap3A = arith.constant 0 : index
    %swap3A_300 = memref.load %arg18[%swap3A] : memref<8xf32, #tpu.memory_space<smem>>
    memref.store %add3A_299, %arg18[%swap3A] : memref<8xf32, #tpu.memory_space<smem>>
    %get3A_301 = arith.constant 1 : index
    %get3A_302 = memref.load %arg18[%get3A_301] : memref<8xf32, #tpu.memory_space<smem>>
    %add3A_303 = arith.addf %get3A_302, %add3A_289 : f32
    %swap3A_304 = arith.constant 1 : index
    %swap3A_305 = memref.load %arg18[%swap3A_304] : memref<8xf32, #tpu.memory_space<smem>>
    memref.store %add3A_303, %arg18[%swap3A_304] : memref<8xf32, #tpu.memory_space<smem>>
    %get3A_306 = arith.constant 2 : index
    %get3A_307 = memref.load %arg18[%get3A_306] : memref<8xf32, #tpu.memory_space<smem>>
    %add3A_308 = arith.addf %get3A_307, %add3A_290 : f32
    %swap3A_309 = arith.constant 2 : index
    %swap3A_310 = memref.load %arg18[%swap3A_309] : memref<8xf32, #tpu.memory_space<smem>>
    memref.store %add3A_308, %arg18[%swap3A_309] : memref<8xf32, #tpu.memory_space<smem>>
    %get3A_311 = arith.constant 3 : index
    %get3A_312 = memref.load %arg18[%get3A_311] : memref<8xf32, #tpu.memory_space<smem>>
    %add3A_313 = arith.addf %get3A_312, %add3A_291 : f32
    %swap3A_314 = arith.constant 3 : index
    %swap3A_315 = memref.load %arg18[%swap3A_314] : memref<8xf32, #tpu.memory_space<smem>>
    memref.store %add3A_313, %arg18[%swap3A_314] : memref<8xf32, #tpu.memory_space<smem>>
    %get3A_316 = arith.constant 4 : index
    %get3A_317 = memref.load %arg18[%get3A_316] : memref<8xf32, #tpu.memory_space<smem>>
    %add3A_318 = arith.addf %get3A_317, %add3A_292 : f32
    %swap3A_319 = arith.constant 4 : index
    %swap3A_320 = memref.load %arg18[%swap3A_319] : memref<8xf32, #tpu.memory_space<smem>>
    memref.store %add3A_318, %arg18[%swap3A_319] : memref<8xf32, #tpu.memory_space<smem>>
    %get3A_321 = arith.constant 5 : index
    %get3A_322 = memref.load %arg18[%get3A_321] : memref<8xf32, #tpu.memory_space<smem>>
    %max3A_323 = arith.maximumf %get3A_322, %max3A_293 : f32
    %swap3A_324 = arith.constant 5 : index
    %swap3A_325 = memref.load %arg18[%swap3A_324] : memref<8xf32, #tpu.memory_space<smem>>
    memref.store %max3A_323, %arg18[%swap3A_324] : memref<8xf32, #tpu.memory_space<smem>>
    %eq3A_326 = arith.constant 15 : i32
    %eq3A_327 = arith.cmpi eq, %arg0, %eq3A_326 : i32
    %convert_element_type3A_328 = arith.extui %eq3A_327 : i1 to i32
    %cond3A_329 = arith.constant 0 : i32
    %cond3A_330 = arith.cmpi ne, %convert_element_type3A_328, %cond3A_329 : i32
    scf.if %cond3A_330 {
      %get3A_331 = arith.constant 0 : index
      %get3A_332 = memref.load %arg18[%get3A_331] : memref<8xf32, #tpu.memory_space<smem>>
      %add3A_333 = arith.constant 9.99999993E-9 : f32
      %add3A_334 = arith.addf %get3A_332, %add3A_333 : f32
      %get3A_335 = arith.constant 2 : index
      %get3A_336 = memref.load %arg18[%get3A_335] : memref<8xf32, #tpu.memory_space<smem>>
      %div3A_337 = arith.divf %get3A_336, %add3A_334 : f32
      %get3A_338 = arith.constant 4 : index
      %get3A_339 = memref.load %arg18[%get3A_338] : memref<8xf32, #tpu.memory_space<smem>>
      %div3A_340 = arith.divf %get3A_339, %add3A_334 : f32
      %swap3A_341 = arith.constant 0 : index
      %swap3A_342 = memref.load %arg17[%swap3A_341] : memref<8xf32, #tpu.memory_space<smem>>
      memref.store %div3A_340, %arg17[%swap3A_341] : memref<8xf32, #tpu.memory_space<smem>>
      %get3A_343 = arith.constant 1 : index
      %get3A_344 = memref.load %arg18[%get3A_343] : memref<8xf32, #tpu.memory_space<smem>>
      %div3A_345 = arith.divf %get3A_344, %add3A_334 : f32
      %swap3A_346 = arith.constant 1 : index
      %swap3A_347 = memref.load %arg17[%swap3A_346] : memref<8xf32, #tpu.memory_space<smem>>
      memref.store %div3A_345, %arg17[%swap3A_346] : memref<8xf32, #tpu.memory_space<smem>>
      %swap3A_348 = arith.constant 2 : index
      %swap3A_349 = memref.load %arg17[%swap3A_348] : memref<8xf32, #tpu.memory_space<smem>>
      memref.store %div3A_337, %arg17[%swap3A_348] : memref<8xf32, #tpu.memory_space<smem>>
      %get3A_350 = arith.constant 3 : index
      %get3A_351 = memref.load %arg18[%get3A_350] : memref<8xf32, #tpu.memory_space<smem>>
      %mul3A_352 = arith.constant 2.000000e+00 : f32
      %mul3A_353 = arith.mulf %mul3A_352, %div3A_337 : f32
      %get3A_354 = arith.constant 2 : index
      %get3A_355 = memref.load %arg18[%get3A_354] : memref<8xf32, #tpu.memory_space<smem>>
      %mul3A_356 = arith.mulf %mul3A_353, %get3A_355 : f32
      %sub3A_357 = arith.subf %get3A_351, %mul3A_356 : f32
      %mul3A_358 = arith.mulf %div3A_337, %div3A_337 : f32
      %get3A_359 = arith.constant 0 : index
      %get3A_360 = memref.load %arg18[%get3A_359] : memref<8xf32, #tpu.memory_space<smem>>
      %mul3A_361 = arith.mulf %mul3A_358, %get3A_360 : f32
      %add3A_362 = arith.addf %sub3A_357, %mul3A_361 : f32
      %div3A_363 = arith.divf %add3A_362, %add3A_334 : f32
      %swap3A_364 = arith.constant 3 : index
      %swap3A_365 = memref.load %arg17[%swap3A_364] : memref<8xf32, #tpu.memory_space<smem>>
      memref.store %div3A_363, %arg17[%swap3A_364] : memref<8xf32, #tpu.memory_space<smem>>
      %get3A_366 = arith.constant 5 : index
      %get3A_367 = memref.load %arg18[%get3A_366] : memref<8xf32, #tpu.memory_space<smem>>
      %swap3A_368 = arith.constant 4 : index
      %swap3A_369 = memref.load %arg17[%swap3A_368] : memref<8xf32, #tpu.memory_space<smem>>
      memref.store %get3A_367, %arg17[%swap3A_368] : memref<8xf32, #tpu.memory_space<smem>>
      %swap3A_370 = arith.constant 0.000000e+00 : f32
      %swap3A_371 = arith.constant 5 : index
      %swap3A_372 = memref.load %arg17[%swap3A_371] : memref<8xf32, #tpu.memory_space<smem>>
      memref.store %swap3A_370, %arg17[%swap3A_371] : memref<8xf32, #tpu.memory_space<smem>>
      %swap3A_373 = arith.constant 0.000000e+00 : f32
      %swap3A_374 = arith.constant 6 : index
      %swap3A_375 = memref.load %arg17[%swap3A_374] : memref<8xf32, #tpu.memory_space<smem>>
      memref.store %swap3A_373, %arg17[%swap3A_374] : memref<8xf32, #tpu.memory_space<smem>>
      %swap3A_376 = arith.constant 0.000000e+00 : f32
      %swap3A_377 = arith.constant 7 : index
      %swap3A_378 = memref.load %arg17[%swap3A_377] : memref<8xf32, #tpu.memory_space<smem>>
      memref.store %swap3A_376, %arg17[%swap3A_377] : memref<8xf32, #tpu.memory_space<smem>>
    } else {
    }
    return
  }
  func.func @transform_0(%arg0: i32) -> (i32, i32) {
    %c0_i32 = arith.constant 0 : i32
    %c0_i32_0 = arith.constant 0 : i32
    return %arg0, %c0_i32 : i32, i32
  }
  func.func @transform_1(%arg0: i32) -> (i32, i32) {
    %c0_i32 = arith.constant 0 : i32
    %c0_i32_0 = arith.constant 0 : i32
    return %arg0, %c0_i32 : i32, i32
  }
  func.func @transform_2(%arg0: i32) -> (i32, i32) {
    %c0_i32 = arith.constant 0 : i32
    %c0_i32_0 = arith.constant 0 : i32
    return %arg0, %c0_i32 : i32, i32
  }
  func.func @transform_3(%arg0: i32) -> (i32, i32) {
    %c0_i32 = arith.constant 0 : i32
    %c0_i32_0 = arith.constant 0 : i32
    return %arg0, %c0_i32 : i32, i32
  }
  func.func @transform_4(%arg0: i32) -> (i32, i32) {
    %c0_i32 = arith.constant 0 : i32
    %c0_i32_0 = arith.constant 0 : i32
    return %arg0, %c0_i32 : i32, i32
  }
  func.func @transform_5(%arg0: i32) -> (i32, i32) {
    %c0_i32 = arith.constant 0 : i32
    %c0_i32_0 = arith.constant 0 : i32
    return %arg0, %c0_i32 : i32, i32
  }
  func.func @transform_6(%arg0: i32) -> (i32, i32) {
    %c0_i32 = arith.constant 0 : i32
    %c0_i32_0 = arith.constant 0 : i32
    return %arg0, %c0_i32 : i32, i32
  }
  func.func @transform_7(%arg0: i32) -> (i32, i32) {
    %c0_i32 = arith.constant 0 : i32
    %c0_i32_0 = arith.constant 0 : i32
    return %arg0, %c0_i32 : i32, i32
  }
  func.func @transform_8(%arg0: i32) -> (i32, i32) {
    %c0_i32 = arith.constant 0 : i32
    %c0_i32_0 = arith.constant 0 : i32
    return %arg0, %c0_i32 : i32, i32
  }
  func.func @transform_9(%arg0: i32) -> i32 {
    %c0_i32 = arith.constant 0 : i32
    %c0_i32_0 = arith.constant 0 : i32
    return %c0_i32 : i32
  }
  func.func @transform_10(%arg0: i32) -> (i32, i32) {
    %c0_i32 = arith.constant 0 : i32
    %c0_i32_0 = arith.constant 0 : i32
    %c0_i32_1 = arith.constant 0 : i32
    return %c0_i32, %c0_i32_0 : i32, i32
  }
  func.func @transform_11(%arg0: i32) -> (i32, i32) {
    %c0_i32 = arith.constant 0 : i32
    %c0_i32_0 = arith.constant 0 : i32
    %c0_i32_1 = arith.constant 0 : i32
    return %c0_i32, %c0_i32_0 : i32, i32
  }
  func.func @transform_12(%arg0: i32) -> (i32, i32) {
    %c0_i32 = arith.constant 0 : i32
    %c0_i32_0 = arith.constant 0 : i32
    %c0_i32_1 = arith.constant 0 : i32
    return %c0_i32, %c0_i32_0 : i32, i32
  }
  func.func @transform_13(%arg0: i32) -> (i32, i32) {
    %c0_i32 = arith.constant 0 : i32
    %c0_i32_0 = arith.constant 0 : i32
    %c0_i32_1 = arith.constant 0 : i32
    return %c0_i32, %c0_i32_0 : i32, i32
  }
  func.func @transform_14(%arg0: i32) -> (i32, i32) {
    %c0_i32 = arith.constant 0 : i32
    %c0_i32_0 = arith.constant 0 : i32
    %c0_i32_1 = arith.constant 0 : i32
    return %c0_i32, %c0_i32_0 : i32, i32
  }
  func.func @transform_15(%arg0: i32) -> (i32, i32) {
    %c0_i32 = arith.constant 0 : i32
    %c0_i32_0 = arith.constant 0 : i32
    %c0_i32_1 = arith.constant 0 : i32
    return %c0_i32, %c0_i32_0 : i32, i32
  }
  func.func @transform_16(%arg0: i32) -> i32 {
    %c0_i32 = arith.constant 0 : i32
    %c0_i32_0 = arith.constant 0 : i32
    return %c0_i32 : i32
  }
}

</mosaic_0001>

<sc_bundles>
// kernel: kernel.6.cloned.1.call-start
scs
__scs_entry_jumppad:
0x0: {  	(pc) =	sbr.rel $0x88, $3  }
0x1: {  	(tag) =	ssettag $0x0;
	lr =	simm.s32 $0x1  }
0x2: {  	[smem:$0x3F85] =	sst lr;
	_ =	strace $0xD0000000  }
0x3: {  	_ = 	snop  }
0x4: {  	_ = 	snop  }
0x5: {  	_ = 	snop  }
0x6: {  	_ = 	snop  }
0x7: {  	_ = 	snop  }
__scs_overlays_trampoline_lowered:
0x8: {  	[smem:$0x3F94] =	sst s0  }
0x9: {  	[smem:$0x3F95] =	sst s1  }
0xa: {  	[smem:$0x3F96] =	sst s2  }
0xb: {  	[smem:$0x3F97] =	sst s3  }
0xc: {  	[smem:$0x3F98] =	sst s4  }
0xd: {  	[smem:$0x3F99] =	sst s5  }
0xe: {  	[smem:$0x3F9A] =	sst s6  }
0xf: {  	[smem:$0x3F9B] =	sst s7  }
0x10: {  	[smem:$0x3F9C] =	sst s8  }
0x11: {  	[smem:$0x3F9D] =	sst s9;
	s0 =	simm.s32 @!p0 $0x0  }
0x12: {  	s1 =	sld [smem:$0x3F83];
	s0 =	simm.s32 @p0 $0x1  }
0x13: {  	[smem:$0x3F9E] =	sst s0;
	s0 =	simm.s32 @!p1 $0x0  }
0x14: {  	s2 =	sld [smem:$0x3F82];
	s0 =	simm.s32 @p1 $0x1  }
0x15: {  	[smem:$0x3F9F] =	sst s0;
	s0 =	simm.s32 @!p2 $0x0  }
0x16: {  	s3 =	sld [smem:$0x3FDB];
	s0 =	simm.s32 @p2 $0x1  }
0x17: {  	s4 =	simm.s32 $0x1BF5;
	[smem:$0x3FA1] =	sst s0  }
0x18: {  	s0 =	sld [smem:$0x3F84];
	_ =	swait.ge [sflag:s4], $0x0  }
0x19: {  	s7 =	sld [smem:$0x3F85]  }
0x1a: {  	s8 =	sadd.s32 $0xFFFFE003, lr  }
0x1b: {  	s9 =	sadd.s32 $0xFFFFFEF7, lr;
	s5 =	simm.s32 $0xFFFFFFFF;
	p2 =	slt.u32 s8, $0xFFFFF086  }
0x1c: {  	p1 =	slt.u32 s9, $0xF7A;
	s5 =	simm.s32 @!p2 $0x0  }
0x1d: {  	s5 =	simm.s32 @p1 $0x1;
	p0 =	seq.s32 s7, s2  }
0x1e: {  	s7 =	smul.u32 @!p0 $0xF7A, s2;
	p2 =	seq.s32 @!p0 s5, $0x0  }
0x1f: {  	s9 =	smul.u32 $0xF7A, s1;
	s8 =	simm.s32 @!p0 $0x1BF5;
	p2 =	por !p2, p0  }
0x20: {  	[sflag:s8] =	ssyncset.s32 @!p0 $0xFFFFF086;
	s6 =	sadd.s32 @!p0 s3, s7;
	s7 =	simm.s32 @!p0 $0x108  }
0x21: {  	s3 =	sadd.s32 s3, s9;
	s6 =	sadd.s32 @!p0 $0x88, s6;
	s7 =	simm.s32 @p2 $0x1082  }
0x22: {  	[simem:s7], [sflag:s8] =	dma.local @!p0 [hbm:s6], $0xF7A  }
0x23: {  	s9 =	sor.u32 $0xD0000000, s2;
	s6 =	simm.s32 $0x108;
	_ =	swait.ge @!p0 [sflag:s8], $0x0  }
0x24: {  	s3 =	sadd.s32 $0x88, s3;
	s6 =	simm.s32 @!p1 $0x1082;
	[sflag:s4] =	ssyncset.s32 $0xFFFFF086  }
0x25: {  	[simem:s6], [sflag:s4] =	dma.local [hbm:s3], $0xF7A  }
0x26: {  	[smem:$0x3F85] =	sst s1;
	(tag) =	ssettag s2;
	_ =	strace s9  }
0x27: {  	s1 =	sld [smem:$0x3F95]  }
0x28: {  	s2 =	sld [smem:$0x3F96]  }
0x29: {  	s4 =	sld [smem:$0x3F98]  }
0x2a: {  	p0 =	seq.s32 s5, $0x0;
	s5 =	sld [smem:$0x3F99]  }
0x2b: {  	s6 =	sld [smem:$0x3F9A]  }
0x2c: {  	s7 =	sld [smem:$0x3F9B]  }
0x2d: {  	s3 =	simm.s32 $0x108;
	s8 =	sld [smem:$0x3F9C]  }
0x2e: {  	s3 =	simm.s32 @!p0 $0x1082;
	s9 =	sld [smem:$0x3F9D]  }
0x2f: {  	lr =	sadd.s32 s0, s3;
	s0 =	sld [smem:$0x3F94]  }
0x30: {  	s3 =	sld [smem:$0x3F97]  }
0x31: {  	[smem:$0x3FA0] =	sst s10  }
0x32: {  	s10 =	sld [smem:$0x3F9E];
	_ =	sdelay $0x3  }
0x33: {  	p0 =	seq.s32 s10, $0x1;
	s10 =	sld [smem:$0x3FA0];
	_ =	sdelay $0x3  }
0x34: {  	[smem:$0x3FA0] =	sst s10  }
0x35: {  	s10 =	sld [smem:$0x3F9F];
	_ =	sdelay $0x3  }
0x36: {  	p1 =	seq.s32 s10, $0x1;
	s10 =	sld [smem:$0x3FA0];
	_ =	sdelay $0x3  }
0x37: {  	[smem:$0x3FA0] =	sst s10  }
0x38: {  	s10 =	sld [smem:$0x3FA1]  }
0x39: {  	_ = 	snop;
	(pc) =	sbr.ind lr, $3  }
0x3a: {  	_ = 	snop  }
0x3b: {  	_ = 	snop  }
0x3c: {  	p2 =	seq.s32 s10, $0x1;
	s10 =	sld [smem:$0x3FA0]  }
0x3d: {  	_ =	shalt  }
0x3e: {  	_ =	shalt  }
0x3f: {  	_ =	shalt  }
0x40: {  	_ =	shalt  }
0x41: {  	_ =	shalt  }
0x42: {  	_ =	shalt  }
0x43: {  	_ =	shalt  }
0x44: {  	_ =	shalt  }
0x45: {  	_ =	shalt  }
0x46: {  	_ =	shalt  }
0x47: {  	_ =	shalt  }
0x48: {  	_ =	shalt  }
0x49: {  	_ =	shalt  }
0x4a: {  	_ =	shalt  }
0x4b: {  	_ =	shalt  }
0x4c: {  	_ =	shalt  }
0x4d: {  	_ =	shalt  }
0x4e: {  	_ =	shalt  }
0x4f: {  	_ =	shalt  }
0x50: {  	_ =	shalt  }
0x51: {  	_ =	shalt  }
0x52: {  	_ =	shalt  }
0x53: {  	_ =	shalt  }
0x54: {  	_ =	shalt  }
0x55: {  	_ =	shalt  }
0x56: {  	_ =	shalt  }
0x57: {  	_ =	shalt  }
0x58: {  	_ =	shalt  }
0x59: {  	_ =	shalt  }
0x5a: {  	_ =	shalt  }
0x5b: {  	_ =	shalt  }
0x5c: {  	_ =	shalt  }
0x5d: {  	_ =	shalt  }
0x5e: {  	_ =	shalt  }
0x5f: {  	_ =	shalt  }
0x60: {  	_ =	shalt  }
0x61: {  	_ =	shalt  }
0x62: {  	_ =	shalt  }
0x63: {  	_ =	shalt  }
0x64: {  	_ =	shalt  }
0x65: {  	_ =	shalt  }
0x66: {  	_ =	shalt  }
0x67: {  	_ =	shalt  }
0x68: {  	_ =	shalt  }
0x69: {  	_ =	shalt  }
0x6a: {  	_ =	shalt  }
0x6b: {  	_ =	shalt  }
0x6c: {  	_ =	shalt  }
0x6d: {  	_ =	shalt  }
0x6e: {  	_ =	shalt  }
0x6f: {  	_ =	shalt  }
0x70: {  	_ =	shalt  }
0x71: {  	_ =	shalt  }
0x72: {  	_ =	shalt  }
0x73: {  	_ =	shalt  }
0x74: {  	_ =	shalt  }
0x75: {  	_ =	shalt  }
0x76: {  	_ =	shalt  }
0x77: {  	_ =	shalt  }
0x78: {  	_ =	shalt  }
0x79: {  	_ =	shalt  }
0x7a: {  	_ =	shalt  }
0x7b: {  	_ =	shalt  }
0x7c: {  	_ =	shalt  }
0x7d: {  	_ =	shalt  }
0x7e: {  	_ =	shalt  }
0x7f: {  	_ =	shalt  }
0x80: {  	_ =	shalt  }
0x81: {  	_ =	shalt  }
0x82: {  	_ =	shalt  }
0x83: {  	_ =	shalt  }
0x84: {  	_ =	shalt  }
0x85: {  	_ =	shalt  }
0x86: {  	_ =	shalt  }
0x87: {  	_ =	shalt  }
.Lfunc_end0:
.L_simem_size_0:
called_computation_lowered:
.L_overlay_start_0:
0x88: {  	s2 =	sld [smem:$0x3FD9]  }
0x89: {  	s3 =	sld [smem:$0x3FFE];
	_ =	sdelay $0x1  }
0x8a: {  	s1 =	srdreg.scid  }
0x8b: {  	s0 =	sand.u32 $0x1, s1  }
0x8c: {  	s16 =	sshll.u32 s0, $0xA;
	s2 =	sadd.s32 s3, s2  }
0x8d: {  	s2 =	sadd.s32 s2, s16  }
0x8e: {  	[smem:$0x3FAC] =	sst s2  }
0x8f: {  	_ = 	snop  }
0x90: {  	(tm) =	ssettm $0x1  }
0x91: {  	s17 =	sld [smem:$0x3FFB];
	_ =	sdelay $0x3  }
0x92: {  	_ =	strace s17  }
0x93: {  	s2 =	sld [smem:$0x3FFC];
	_ =	sdelay $0x3  }
0x94: {  	_ =	strace s2  }
0x95: {  	s2 =	sld [smem:$0x3FFD];
	_ =	sdelay $0x3  }
0x96: {  	_ =	strace s2  }
0x97: {  	_ =	strace $0x8FFFFFFF  }
0x98: {  	s18 =	sld [smem:$0x3FDB];
	_ =	sdelay $0x1  }
0x99: {  	s19 =	simm.s32 $_scs_section_size  }
0x9a: {  	s4 =	simm.s32 $_size__tile_overlayer_lowered;
	s5 =	simm.s32 $_tile_overlayer_lowered  }
0x9b: {  	s22 =	simm.s32 $0x1BFF;
	s21 =	sshll.u32 s5, $0x1;
	s2 =	sadd.s32 s19, s18  }
0x9c: {  	s6 =	simm.s32 $0x0;
	s20 =	sshll.u32 s4, $0x1;
	s4 =	sadd.s32 s21, s2  }
0x9d: {  	[timem:s6], [sflag:s22] =	dma.local [hbm:s4], s20  }
0x9e: {  	_ =	swait.ge [sflag:s22], s20  }
0x9f: {  	s3 =	ssub.s32 $0x0, s20;
	[sflag:s22] =	ssyncset.done $0x0  }
0xa0: {  	[sflag:s22] =	ssyncadd.s32 s3;
	_ =	sdelay $0x1  }
0xa1: {  	s23 =	simm.s32 $0x1B8B  }
0xa2: {  	_ =	swait.ge [sflag:s23], $0x1  }
0xa3: {  	[sflag:s23] =	ssyncset.done $0x0  }
0xa4: {  	s25 =	simm.s32 $0x1B8E;
	s24 =	sld [smem:$0x3FFE];
	[sflag:s23] =	ssyncadd.s32 $0xFFFFFFFF  }
0xa5: {  	s26 =	simm.s32 $execute0_lowered;
	[smem:$0x3FD2] =	sst s25  }
0xa6: {  	s4 =	sshll.u32 s26, $0x1;
	_ =	strace $0x80000046;
	[dreg:$0x1] =	wrdreg $0xFFFFFFFF  }
0xa7: {  	s28 =	simm.s32 $_size_execute0_lowered;
	s2 =	sadd.s32 s2, s4;
	[dreg:$0x0] =	wrdreg $0x0  }
0xa8: {  	s4 =	sshll.u32 s28, $0x1;
	[dreg:$0x2] =	wrdreg s2  }
0xa9: {  	[dreg:$0x3] =	wrdreg s4  }
0xaa: {  	[dreg:$0x4] =	wrdreg $0xC0  }
0xab: {  	_ =	task [dreg:s6], $0x5FFFF  }
0xac: {  	[dreg:$0x1] =	wrdreg $0xFFFFFFFF  }
0xad: {  	[dreg:$0x0] =	wrdreg $0x60  }
0xae: {  	[dreg:$0x2] =	wrdreg s24  }
0xaf: {  	[dreg:$0x3] =	wrdreg $0x9  }
0xb0: {  	_ =	task.clear_ibuf [dreg:s6], $0x4FFFF;
	_ =	strace $0x90000046  }
0xb1: {  	s29 =	simm.s32 $0x9;
	_ =	strace $0x80000048  }
0xb2: {  	_ =	swait.ge [sflag:s29], $0x1  }
0xb3: {  	[sflag:s29] =	ssyncadd.s32 $0xFFFFFFFF  }
0xb4: {  	_ =	strace $0x90000048  }
0xb5: {  	_ =	sfence  }
0xb6: {  	s30 =	sld [smem:$0x0];
	_ =	sdelay $0x2  }
0xb7: {  	s31 =	sshll.u32 s1, $0xD;
	s1 =	sshrl.u32 s1, $0x2  }
0xb8: {  	s3 =	sand.u32 $0x4000, s31;
	s1 =	sadd.s32 s1, s30  }
0xb9: {  	s0 =	sor.u32 s3, s0;
	s1 =	sshll.u32 s1, $0x11  }
0xba: {  	s0 =	sor.u32 s1, s0  }
0xbb: {  	s0 =	sadd.s32 $0x8F2B, s0  }
0xbc: {  	[sflag:s0] =	ssyncadd.remote.s32 $0x1  }
0xbd: {  	_ =	sfence.sel $0xFFFF  }
0xbe: {  	[dreg:$0x0] =	wrdreg $0xFFFFFFFF;
	(pc) =	sbr.abs _section_cstart, $3  }
0xbf: {  	[dreg:$0x1] =	wrdreg $0xFFFFFFFF  }
0xc0: {  	_ =	task.clear_ibuf [dreg:s6], $0x2FFFF;
	_ =	strace $0x9FFFFFFF  }
0xc1: {  	(tm) =	ssettm $0x7FFFFFFF  }
tec
execute0_lowered:
.L_overlay_start_1:
0x0: {  	(tag) =	ssettag $0x1  }
0x1: {  	s0 =	rddreg [dreg:$0x0]  }
0x2: {  	s2 =	simm.s32 $0x0;
	s1 =	srdreg.scid;
	s3 =	stileid.u32  }
0x3: {  	[smem:$0x7FF] =	sst s2;
	s1 =	sand.u32 $0x1, s1;
	s3 =	sshll.u32 s3, $0x1  }
0x4: {  	s4 =	sadd.s32 $0x18E800, s0;
	s19 =	sadd.s32 $0x55400, s0;
	s3 =	sor.u32 s1, s3  }
0x5: {  	_ =	strace $0x80000047;
	[dreg:$0x2] =	wrdreg s4;
	s5 =	smul.u32 $0x190, s3  }
0x6: {  	s20 =	sadd.s32 $0x55800, s0;
	[dreg:$0x3] =	wrdreg s19  }
0x7: {  	s21 =	sadd.s32 $0x51400, s0;
	[dreg:$0x4] =	wrdreg s20;
	s5 =	sadd.s32 s5, s0  }
0x8: {  	[dreg:$0x5] =	wrdreg s21;
	s22 =	sadd.s32 $0x5BE00, s5  }
0x9: {  	s30 =	simm.s32 $0xC80;
	s23 =	sadd.s32 $0x4E200, s5;
	[dreg:$0x6] =	wrdreg s22  }
0xa: {  	s31 =	simm.s32 $0x1900;
	s24 =	sadd.s32 $0x4B000, s5;
	[dreg:$0x7] =	wrdreg s23  }
0xb: {  	s29 =	simm.s32 $0x3E80;
	s25 =	sadd.s32 $0x58C00, s5;
	[dreg:$0x8] =	wrdreg s24  }
0xc: {  	p0 =	por $0x0, $0x0;
	s26 =	sadd.s32 $0x47E00, s5;
	[dreg:$0x9] =	wrdreg s25  }
0xd: {  	s15 =	sadd.s32 $0x60200, s0;
	s28 =	sadd.s32 $0x44C00, s5;
	[dreg:$0xa] =	wrdreg s26  }
0xe: {  	s17 =	sadd.s32 $0x315400, s0;
	s6 =	sadd.s32 $0x55A00, s5;
	[dreg:$0xb] =	wrdreg s28  }
0xf: {  	s1 =	ssub.s32 $0x2, s1;
	s7 =	sadd.s32 $0x41A00, s5;
	[dreg:$0xc] =	wrdreg s6  }
0x10: {  	s4 =	simm.s32 $0x4B00;
	s8 =	sadd.s32 $0x3E800, s5;
	[dreg:$0xd] =	wrdreg s7  }
0x11: {  	s11 =	sshll.u32 s3, $0x7;
	s9 =	sadd.s32 $0x3B600, s5;
	[dreg:$0xe] =	wrdreg s8  }
0x12: {  	s5 =	sadd.s32 s11, s0;
	s6 =	sshll.u32 s3, $0x1;
	[dreg:$0xf] =	wrdreg s9  }
0x13: {  	s3 =	smul.u32 $0x6400, s3;
	s16 =	sadd.s32 $0x5F200, s5;
	s6 =	sadd.s32 s6, s0  }
0x14: {  	s8 =	sadd.s32 $0x251E00, s0;
	[dreg:$0x14] =	wrdreg s16;
	s10 =	sadd.s32 $0x5F000, s6  }
0x15: {  	s25 =	sadd.s32 $0x3DD400, s0;
	s12 =	sadd.s32 $0x7800, s6;
	[dreg:$0x10] =	wrdreg s10  }
0x16: {  	s28 =	sadd.s32 $0x4A5400, s0;
	s13 =	sadd.s32 $0x7A00, s6;
	[dreg:$0x11] =	wrdreg s12  }
0x17: {  	s9 =	sadd.s32 $0x53400, s0;
	s14 =	sadd.s32 $0x7600, s6;
	[dreg:$0x12] =	wrdreg s13  }
0x18: {  	s5 =	simm.s32 $0x1;
	s18 =	sadd.s32 s15, s3;
	[dreg:$0x13] =	wrdreg s14  }
0x19: {  	s19 =	sadd.s32 s17, s3;
	s7 =	sadd.s32 $0x1900, s3;
	[dreg:$0x15] =	wrdreg s18  }
0x1a: {  	s11 =	sadd.s32 s25, s3;
	s6 =	simm.s32 $0x2;
	[dreg:$0x16] =	wrdreg s19  }
0x1b: {  	s20 =	sadd.s32 s15, s7;
	s21 =	sadd.s32 s17, s7;
	[dreg:$0x1d] =	wrdreg s11  }
0x1c: {  	s12 =	sadd.s32 $0x3200, s3;
	s13 =	sadd.s32 $0x4B00, s3;
	[dreg:$0x17] =	wrdreg s20  }
0x1d: {  	s3 =	sadd.s32 s28, s3;
	s10 =	sadd.s32 $0x27C00, s0;
	[dreg:$0x18] =	wrdreg s21  }
0x1e: {  	s14 =	sadd.s32 s25, s7;
	s11 =	sadd.s32 $0x7C00, s0;
	[dreg:$0x1e] =	wrdreg s3  }
0x1f: {  	s22 =	sadd.s32 s15, s12;
	s23 =	sadd.s32 s17, s12;
	[dreg:$0x1f] =	wrdreg s14  }
0x20: {  	s24 =	sadd.s32 s15, s13;
	s26 =	sadd.s32 s17, s13;
	[dreg:$0x19] =	wrdreg s22  }
0x21: {  	s15 =	sadd.s32 s28, s7;
	s16 =	sadd.s32 s25, s12;
	[dreg:$0x1a] =	wrdreg s23  }
0x22: {  	s17 =	sshrl.u32 s1, $0x1;
	s18 =	sadd.s32 s28, s12;
	[dreg:$0x1b] =	wrdreg s24  }
0x23: {  	s19 =	sadd.s32 s25, s13;
	s20 =	sadd.s32 s28, s13;
	[dreg:$0x1c] =	wrdreg s26  }
0x24: {  	s3 =	simm.s32 $0x7;
	s13 =	simm.s32 $0x2580;
	[smem:$0x7F3] =	sst s15  }
0x25: {  	s25 =	simm.s32 $0x3200;
	s14 =	simm.s32 $0x11300;
	[smem:$0x7F4] =	sst s16  }
0x26: {  	s21 =	simm.s32 $0x3520;
	s7 =	simm.s32 $0x3;
	[smem:$0x7F5] =	sst s18  }
0x27: {  	s28 =	simm.s32 $0x47E0;
	s1 =	ssub.s32 s1, s17;
	[smem:$0x7F6] =	sst s19  }
0x28: {  	[smem:$0x7F7] =	sst s20;
	s19 =	simm.s32 $0x320;
	s20 =	simm.s32 $0x4  }
0x29: {  	[smem:$0x7F8] =	sst s21;
	s22 =	simm.s32 $0x41A0;
	s16 =	smax.u32 s1, $0x1  }
0x2a: {  	s23 =	simm.s32 $0x3840;
	[smem:$0x7FD] =	sst s28;
	p1 =	sne.s32 s16, $0x1  }
.Ltmp0:
0x2b: {  	s15 =	simm.s32 $0x5;
	[smem:$0x7F9] =	sst s22;
	(pc) =	sbr.rel @!p1 .LBB2_5-.Ltmp0, $4  }
0x2c: {  	s24 =	simm.s32 $0x44C0;
	s26 =	simm.s32 $0x3B60;
	[smem:$0x7FA] =	sst s23  }
0x2d: {  	s18 =	simm.s32 $0x6;
	s21 =	simm.s32 $0xFA0;
	[smem:$0x7FB] =	sst s24  }
0x2e: {  	[smem:$0x7FC] =	sst s26;
	s24 =	simm.s32 $0x28A0;
	s22 =	simm.s32 $0x1C20  }
0x2f: {  	s23 =	rddreg [dreg:$0x6];
	s1 =	sadd.s32 $0xFFFFFFFF, s16;
	s16 =	simm.s32 $0x10  }
0x30: {  	[tilespmem:s2], [sflag:$0x7] =	stream.linear.gather [hbm4b:s23+s2], $0xC80, $0x38;
	[tilespmem:$0x1DB40] =	vst v63  }
0x31: {  	_ =	swait.ge [sflag:s3], $0xC80  }
0x32: {  	[sflag:s3] =	ssyncset.done $0x0  }
0x33: {  	s12 =	rddreg [dreg:$0x7];
	[sflag:s3] =	ssyncadd.s32 $0xFFFFF380  }
0x34: {  	[tilespmem:s30], [sflag:$0x7] =	stream.linear.gather [hbm4b:s12+s2], $0xC80, $0x38;
	[tilespmem:$0x1DB40] =	vst v63  }
0x35: {  	_ =	swait.ge [sflag:s3], $0xC80  }
0x36: {  	[sflag:s3] =	ssyncset.done $0x0  }
0x37: {  	s16 =	rddreg [dreg:$0x8];
	[sflag:s3] =	ssyncadd.s32 $0xFFFFF380  }
0x38: {  	[tilespmem:s31], [sflag:$0x7] =	stream.linear.gather [hbm4b:s16+s2], $0xC80, $0x38;
	[tilespmem:$0x1DB40] =	vst v63  }
0x39: {  	_ =	swait.ge [sflag:s3], $0xC80  }
0x3a: {  	[sflag:s3] =	ssyncset.done $0x0  }
0x3b: {  	s17 =	rddreg [dreg:$0x9];
	[sflag:s3] =	ssyncadd.s32 $0xFFFFF380  }
0x3c: {  	[tilespmem:s13], [sflag:$0x7] =	stream.linear.gather [hbm4b:s17+s2], $0xC80, $0x38;
	[tilespmem:$0x1DB40] =	vst v63  }
0x3d: {  	_ =	swait.ge [sflag:s3], $0xC80  }
0x3e: {  	[sflag:s3] =	ssyncset.done $0x0  }
0x3f: {  	s26 =	rddreg [dreg:$0xa];
	[sflag:s3] =	ssyncadd.s32 $0xFFFFF380  }
0x40: {  	[tilespmem:s25], [sflag:$0x7] =	stream.linear.gather [hbm4b:s26+s2], $0xC80, $0x38;
	[tilespmem:$0x1DB40] =	vst v63  }
0x41: {  	_ =	swait.ge [sflag:s3], $0xC80  }
0x42: {  	[sflag:s3] =	ssyncset.done $0x0  }
0x43: {  	s28 =	rddreg [dreg:$0xb];
	[sflag:s3] =	ssyncadd.s32 $0xFFFFF380  }
0x44: {  	[tilespmem:s29], [sflag:$0x7] =	stream.linear.gather [hbm4b:s28+s2], $0xC80, $0x38;
	[tilespmem:$0x1DB40] =	vst v63  }
0x45: {  	_ =	swait.ge [sflag:s3], $0xC80  }
0x46: {  	[sflag:s3] =	ssyncset.done $0x0  }
0x47: {  	[sflag:s3] =	ssyncadd.s32 $0xFFFFF380  }
0x48: {  	[tilespmem:s4], [sflag:$0x1] =	stream.indirect.gather [hbm4b:s8+s19], $0x40, s2, s19, $0xb8;
	[tilespmem:$0x1DB40] =	vst v63  }
0x49: {  	_ = 	snop  }
0x4a: {  	[tilespmem:s14], [sflag:$0x4] =	stream.indirect.gather [hbm4b:s8+s19], $0x40, s13, s19, $0xb8;
	[tilespmem:$0x1DB40] =	vst v63  }
0x4b: {  	_ =	swait.ge [sflag:s5], $0xC800  }
0x4c: {  	[sflag:s5] =	ssyncset.done $0x0  }
0x4d: {  	[sflag:s5] =	ssyncadd.s32 $0xFFFF3800  }
0x4e: {  	[tilespmem:s4], [sflag:$0x2] =	stream.indirect.gather.add.f32 [hbm:s9], $0x40, s30, s19, $0xb8;
	[tilespmem:$0x1DB40] =	vst v63  }
0x4f: {  	_ = 	snop  }
0x50: {  	[tilespmem:s4], [sflag:$0x2] =	stream.indirect.gather.add.f32 [hbm:s10], $0x40, s31, s19, $0xb8;
	[tilespmem:$0x1DB40] =	vst v63  }
0x51: {  	_ =	swait.ge [sflag:s20], $0xC800  }
0x52: {  	[sflag:s20] =	ssyncset.done $0x0  }
0x53: {  	[sflag:s20] =	ssyncadd.s32 $0xFFFF3800  }
0x54: {  	[tilespmem:s14], [sflag:$0x5] =	stream.indirect.gather.add.f32 [hbm:s9], $0x40, s25, s19, $0xb8;
	[tilespmem:$0x1DB40] =	vst v63  }
0x55: {  	_ = 	snop  }
0x56: {  	[tilespmem:s14], [sflag:$0x5] =	stream.indirect.gather.add.f32 [hbm:s10], $0x40, s29, s19, $0xb8;
	[tilespmem:$0x1DB40] =	vst v63  }
0x57: {  	_ =	swait.ge [sflag:s6], $0xC800  }
0x58: {  	[sflag:s6] =	ssyncset.done $0x0  }
0x59: {  	[sflag:s6] =	ssyncadd.s32 $0xFFFF3800  }
0x5a: {  	_ =	swait.ge [sflag:s6], $0xC800  }
0x5b: {  	[sflag:s6] =	ssyncset.done $0x0  }
0x5c: {  	s29 =	rddreg [dreg:$0x15];
	[sflag:s6] =	ssyncadd.s32 $0xFFFF3800  }
0x5d: {  	[hbm4b:s29+s2] =	stream.linear.scatter [tilespmem:s4], [sflag:$0x3], $0xC800, $0x38;
	[tilespmem:$0x1DB40] =	vst v63  }
0x5e: {  	_ =	swait.ge [sflag:s15], $0xC800  }
0x5f: {  	[sflag:s15] =	ssyncset.done $0x0  }
0x60: {  	[sflag:s15] =	ssyncadd.s32 $0xFFFF3800  }
0x61: {  	_ =	swait.ge [sflag:s15], $0xC800  }
0x62: {  	[sflag:s15] =	ssyncset.done $0x0  }
0x63: {  	s0 =	rddreg [dreg:$0x16];
	[sflag:s15] =	ssyncadd.s32 $0xFFFF3800  }
0x64: {  	[hbm4b:s0+s2] =	stream.linear.scatter [tilespmem:s14], [sflag:$0x6], $0xC800, $0x38;
	[tilespmem:$0x1DB40] =	vst v63  }
0x65: {  	_ =	swait.ge [sflag:s7], $0xC800  }
0x66: {  	[sflag:s7] =	ssyncset.done $0x0  }
0x67: {  	[sflag:s7] =	ssyncadd.s32 $0xFFFF3800  }
0x68: {  	_ =	swait.ge [sflag:s18], $0xC800  }
0x69: {  	[sflag:s18] =	ssyncset.done $0x0  }
0x6a: {  	[sflag:s18] =	ssyncadd.s32 $0xFFFF3800  }
0x6b: {  	[tilespmem:s4], [sflag:$0x1] =	stream.indirect.gather [hbm4b:s8+s19], $0x40, s19, s19, $0xb8;
	[tilespmem:$0x1DB40] =	vst v63  }
0x6c: {  	_ = 	snop  }
0x6d: {  	[tilespmem:s14], [sflag:$0x4] =	stream.indirect.gather [hbm4b:s8+s19], $0x40, s24, s19, $0xb8;
	[tilespmem:$0x1DB40] =	vst v63  }
0x6e: {  	_ =	swait.ge [sflag:s5], $0xC800  }
0x6f: {  	[sflag:s5] =	ssyncset.done $0x0  }
0x70: {  	[sflag:s5] =	ssyncadd.s32 $0xFFFF3800  }
0x71: {  	[tilespmem:s4], [sflag:$0x2] =	stream.indirect.gather.add.f32 [hbm:s9], $0x40, s21, s19, $0xb8;
	[tilespmem:$0x1DB40] =	vst v63  }
0x72: {  	_ = 	snop  }
0x73: {  	[tilespmem:s4], [sflag:$0x2] =	stream.indirect.gather.add.f32 [hbm:s10], $0x40, s22, s19, $0xb8;
	[tilespmem:$0x1DB40] =	vst v63  }
0x74: {  	_ =	swait.ge [sflag:s20], $0xC800  }
0x75: {  	s12 =	sld [smem:$0x7F8]  }
0x76: {  	[sflag:s20] =	ssyncset.done $0x0  }
0x77: {  	s17 =	sld [smem:$0x7F9];
	[sflag:s20] =	ssyncadd.s32 $0xFFFF3800  }
0x78: {  	[tilespmem:s14], [sflag:$0x5] =	stream.indirect.gather.add.f32 [hbm:s9], $0x40, s12, s19, $0xb8;
	[tilespmem:$0x1DB40] =	vst v63  }
0x79: {  	_ = 	snop  }
0x7a: {  	[tilespmem:s14], [sflag:$0x5] =	stream.indirect.gather.add.f32 [hbm:s10], $0x40, s17, s19, $0xb8;
	[tilespmem:$0x1DB40] =	vst v63  }
0x7b: {  	_ =	swait.ge [sflag:s6], $0xC800  }
0x7c: {  	[sflag:s6] =	ssyncset.done $0x0  }
0x7d: {  	[sflag:s6] =	ssyncadd.s32 $0xFFFF3800  }
0x7e: {  	_ =	swait.ge [sflag:s6], $0xC800  }
0x7f: {  	[sflag:s6] =	ssyncset.done $0x0  }
0x80: {  	s21 =	rddreg [dreg:$0x17];
	[sflag:s6] =	ssyncadd.s32 $0xFFFF3800  }
0x81: {  	[hbm4b:s21+s2] =	stream.linear.scatter [tilespmem:s4], [sflag:$0x3], $0xC800, $0x38;
	[tilespmem:$0x1DB40] =	vst v63  }
0x82: {  	_ =	swait.ge [sflag:s15], $0xC800  }
0x83: {  	[sflag:s15] =	ssyncset.done $0x0  }
0x84: {  	[sflag:s15] =	ssyncadd.s32 $0xFFFF3800  }
0x85: {  	_ =	swait.ge [sflag:s15], $0xC800  }
0x86: {  	[sflag:s15] =	ssyncset.done $0x0  }
0x87: {  	s23 =	rddreg [dreg:$0x18];
	[sflag:s15] =	ssyncadd.s32 $0xFFFF3800  }
0x88: {  	[hbm4b:s23+s2] =	stream.linear.scatter [tilespmem:s14], [sflag:$0x6], $0xC800, $0x38;
	[tilespmem:$0x1DB40] =	vst v63  }
0x89: {  	_ =	swait.ge [sflag:s7], $0xC800  }
0x8a: {  	[sflag:s7] =	ssyncset.done $0x0  }
0x8b: {  	[sflag:s7] =	ssyncadd.s32 $0xFFFF3800  }
0x8c: {  	_ =	swait.ge [sflag:s18], $0xC800  }
0x8d: {  	[sflag:s18] =	ssyncset.done $0x0  }
0x8e: {  	s12 =	simm.s32 $0x640;
	[sflag:s18] =	ssyncadd.s32 $0xFFFF3800  }
0x8f: {  	[tilespmem:s4], [sflag:$0x1] =	stream.indirect.gather [hbm4b:s8+s19], $0x40, s12, s19, $0xb8;
	[tilespmem:$0x1DB40] =	vst v63  }
0x90: {  	s17 =	simm.s32 $0x2BC0  }
0x91: {  	[tilespmem:s14], [sflag:$0x4] =	stream.indirect.gather [hbm4b:s8+s19], $0x40, s17, s19, $0xb8;
	[tilespmem:$0x1DB40] =	vst v63  }
0x92: {  	_ =	swait.ge [sflag:s5], $0xC800  }
0x93: {  	[sflag:s5] =	ssyncset.done $0x0  }
0x94: {  	s21 =	simm.s32 $0x12C0;
	[sflag:s5] =	ssyncadd.s32 $0xFFFF3800  }
0x95: {  	[tilespmem:s4], [sflag:$0x2] =	stream.indirect.gather.add.f32 [hbm:s9], $0x40, s21, s19, $0xb8;
	[tilespmem:$0x1DB40] =	vst v63  }
0x96: {  	s28 =	simm.s32 $0x1F40  }
0x97: {  	[tilespmem:s4], [sflag:$0x2] =	stream.indirect.gather.add.f32 [hbm:s10], $0x40, s28, s19, $0xb8;
	[tilespmem:$0x1DB40] =	vst v63  }
0x98: {  	_ =	swait.ge [sflag:s20], $0xC800  }
0x99: {  	s24 =	sld [smem:$0x7FA]  }
0x9a: {  	[sflag:s20] =	ssyncset.done $0x0  }
0x9b: {  	s25 =	sld [smem:$0x7FB];
	[sflag:s20] =	ssyncadd.s32 $0xFFFF3800  }
0x9c: {  	[tilespmem:s14], [sflag:$0x5] =	stream.indirect.gather.add.f32 [hbm:s9], $0x40, s24, s19, $0xb8;
	[tilespmem:$0x1DB40] =	vst v63  }
0x9d: {  	_ = 	snop  }
0x9e: {  	[tilespmem:s14], [sflag:$0x5] =	stream.indirect.gather.add.f32 [hbm:s10], $0x40, s25, s19, $0xb8;
	[tilespmem:$0x1DB40] =	vst v63  }
0x9f: {  	_ =	swait.ge [sflag:s6], $0xC800  }
0xa0: {  	[sflag:s6] =	ssyncset.done $0x0  }
0xa1: {  	[sflag:s6] =	ssyncadd.s32 $0xFFFF3800  }
0xa2: {  	_ =	swait.ge [sflag:s6], $0xC800  }
0xa3: {  	[sflag:s6] =	ssyncset.done $0x0  }
0xa4: {  	s26 =	rddreg [dreg:$0x19];
	[sflag:s6] =	ssyncadd.s32 $0xFFFF3800  }
0xa5: {  	[hbm4b:s26+s2] =	stream.linear.scatter [tilespmem:s4], [sflag:$0x3], $0xC800, $0x38;
	[tilespmem:$0x1DB40] =	vst v63  }
0xa6: {  	_ =	swait.ge [sflag:s15], $0xC800  }
0xa7: {  	[sflag:s15] =	ssyncset.done $0x0  }
0xa8: {  	[sflag:s15] =	ssyncadd.s32 $0xFFFF3800  }
0xa9: {  	_ =	swait.ge [sflag:s15], $0xC800  }
0xaa: {  	[sflag:s15] =	ssyncset.done $0x0  }
0xab: {  	s0 =	rddreg [dreg:$0x1a];
	[sflag:s15] =	ssyncadd.s32 $0xFFFF3800  }
0xac: {  	[hbm4b:s0+s2] =	stream.linear.scatter [tilespmem:s14], [sflag:$0x6], $0xC800, $0x38;
	[tilespmem:$0x1DB40] =	vst v63  }
0xad: {  	_ =	swait.ge [sflag:s7], $0xC800  }
0xae: {  	[sflag:s7] =	ssyncset.done $0x0  }
0xaf: {  	[sflag:s7] =	ssyncadd.s32 $0xFFFF3800  }
0xb0: {  	_ =	swait.ge [sflag:s18], $0xC800  }
0xb1: {  	[sflag:s18] =	ssyncset.done $0x0  }
0xb2: {  	s26 =	simm.s32 $0x960;
	[sflag:s18] =	ssyncadd.s32 $0xFFFF3800  }
0xb3: {  	[tilespmem:s4], [sflag:$0x1] =	stream.indirect.gather [hbm4b:s8+s19], $0x40, s26, s19, $0xb8;
	[tilespmem:$0x1DB40] =	vst v63  }
0xb4: {  	s25 =	simm.s32 $0x2EE0  }
0xb5: {  	[tilespmem:s14], [sflag:$0x4] =	stream.indirect.gather [hbm4b:s8+s19], $0x40, s25, s19, $0xb8;
	[tilespmem:$0x1DB40] =	vst v63  }
0xb6: {  	_ =	swait.ge [sflag:s5], $0xC800  }
0xb7: {  	[sflag:s5] =	ssyncset.done $0x0  }
0xb8: {  	s24 =	simm.s32 $0x15E0;
	[sflag:s5] =	ssyncadd.s32 $0xFFFF3800  }
0xb9: {  	[tilespmem:s4], [sflag:$0x2] =	stream.indirect.gather.add.f32 [hbm:s9], $0x40, s24, s19, $0xb8;
	[tilespmem:$0x1DB40] =	vst v63  }
0xba: {  	s0 =	simm.s32 $0x2260  }
0xbb: {  	[tilespmem:s4], [sflag:$0x2] =	stream.indirect.gather.add.f32 [hbm:s10], $0x40, s0, s19, $0xb8;
	[tilespmem:$0x1DB40] =	vst v63  }
0xbc: {  	_ =	swait.ge [sflag:s20], $0xC800  }
0xbd: {  	s22 =	sld [smem:$0x7FC]  }
0xbe: {  	[sflag:s20] =	ssyncset.done $0x0  }
0xbf: {  	s23 =	sld [smem:$0x7FD];
	[sflag:s20] =	ssyncadd.s32 $0xFFFF3800  }
0xc0: {  	[tilespmem:s14], [sflag:$0x5] =	stream.indirect.gather.add.f32 [hbm:s9], $0x40, s22, s19, $0xb8;
	[tilespmem:$0x1DB40] =	vst v63  }
0xc1: {  	_ = 	snop  }
0xc2: {  	[tilespmem:s14], [sflag:$0x5] =	stream.indirect.gather.add.f32 [hbm:s10], $0x40, s23, s19, $0xb8;
	[tilespmem:$0x1DB40] =	vst v63  }
0xc3: {  	_ =	swait.ge [sflag:s6], $0xC800  }
0xc4: {  	[sflag:s6] =	ssyncset.done $0x0  }
0xc5: {  	[sflag:s6] =	ssyncadd.s32 $0xFFFF3800  }
0xc6: {  	_ =	swait.ge [sflag:s6], $0xC800  }
0xc7: {  	[sflag:s6] =	ssyncset.done $0x0  }
0xc8: {  	s23 =	rddreg [dreg:$0x1b];
	[sflag:s6] =	ssyncadd.s32 $0xFFFF3800  }
0xc9: {  	[hbm4b:s23+s2] =	stream.linear.scatter [tilespmem:s4], [sflag:$0x3], $0xC800, $0x38;
	[tilespmem:$0x1DB40] =	vst v63  }
0xca: {  	_ =	swait.ge [sflag:s15], $0xC800  }
0xcb: {  	[sflag:s15] =	ssyncset.done $0x0  }
0xcc: {  	[sflag:s15] =	ssyncadd.s32 $0xFFFF3800  }
0xcd: {  	_ =	swait.ge [sflag:s15], $0xC800  }
0xce: {  	[sflag:s15] =	ssyncset.done $0x0  }
0xcf: {  	s23 =	rddreg [dreg:$0x1c];
	[sflag:s15] =	ssyncadd.s32 $0xFFFF3800  }
0xd0: {  	[hbm4b:s23+s2] =	stream.linear.scatter [tilespmem:s14], [sflag:$0x6], $0xC800, $0x38;
	[tilespmem:$0x1DB40] =	vst v63  }
0xd1: {  	_ =	swait.ge [sflag:s7], $0xC800  }
0xd2: {  	[sflag:s7] =	ssyncset.done $0x0  }
0xd3: {  	[sflag:s7] =	ssyncadd.s32 $0xFFFF3800  }
0xd4: {  	_ =	swait.ge [sflag:s18], $0xC800  }
0xd5: {  	[sflag:s18] =	ssyncset.done $0x0  }
0xd6: {  	s23 =	rddreg [dreg:$0xc];
	[sflag:s18] =	ssyncadd.s32 $0xFFFF3800  }
0xd7: {  	[tilespmem:s2], [sflag:$0x7] =	stream.linear.gather [hbm4b:s23+s2], $0xC80, $0x38;
	[tilespmem:$0x1DB40] =	vst v63  }
0xd8: {  	_ =	swait.ge [sflag:s3], $0xC80  }
0xd9: {  	[sflag:s3] =	ssyncset.done $0x0  }
0xda: {  	s23 =	rddreg [dreg:$0xd];
	[sflag:s3] =	ssyncadd.s32 $0xFFFFF380  }
0xdb: {  	[tilespmem:s30], [sflag:$0x7] =	stream.linear.gather [hbm4b:s23+s2], $0xC80, $0x38;
	[tilespmem:$0x1DB40] =	vst v63  }
0xdc: {  	_ =	swait.ge [sflag:s3], $0xC80  }
0xdd: {  	[sflag:s3] =	ssyncset.done $0x0  }
0xde: {  	s23 =	rddreg [dreg:$0xe];
	[sflag:s3] =	ssyncadd.s32 $0xFFFFF380  }
0xdf: {  	[tilespmem:s31], [sflag:$0x7] =	stream.linear.gather [hbm4b:s23+s2], $0xC80, $0x38;
	[tilespmem:$0x1DB40] =	vst v63  }
0xe0: {  	_ =	swait.ge [sflag:s3], $0xC80  }
0xe1: {  	[sflag:s3] =	ssyncset.done $0x0  }
0xe2: {  	s23 =	rddreg [dreg:$0xf];
	[sflag:s3] =	ssyncadd.s32 $0xFFFFF380  }
0xe3: {  	[tilespmem:s13], [sflag:$0x7] =	stream.linear.gather [hbm4b:s23+s2], $0xC80, $0x38;
	[tilespmem:$0x1DB40] =	vst v63  }
0xe4: {  	_ =	swait.ge [sflag:s3], $0xC80  }
0xe5: {  	[sflag:s3] =	ssyncset.done $0x0  }
0xe6: {  	[sflag:s3] =	ssyncadd.s32 $0xFFFFF380  }
0xe7: {  	[tilespmem:s4], [sflag:$0x1] =	stream.indirect.gather [hbm4b:s8+s19], $0x40, s2, s19, $0xb8;
	[tilespmem:$0x1DB40] =	vst v63  }
0xe8: {  	_ = 	snop  }
0xe9: {  	[tilespmem:s14], [sflag:$0x4] =	stream.indirect.gather [hbm4b:s11+s19], $0x40, s13, s19, $0xb8;
	[tilespmem:$0x1DB40] =	vst v63  }
0xea: {  	_ =	swait.ge [sflag:s5], $0xC800  }
0xeb: {  	[sflag:s5] =	ssyncset.done $0x0  }
0xec: {  	[sflag:s5] =	ssyncadd.s32 $0xFFFF3800  }
0xed: {  	[tilespmem:s4], [sflag:$0x2] =	stream.indirect.gather.add.f32 [hbm:s9], $0x40, s30, s19, $0xb8;
	[tilespmem:$0x1DB40] =	vst v63  }
0xee: {  	_ = 	snop  }
0xef: {  	[tilespmem:s4], [sflag:$0x2] =	stream.indirect.gather.add.f32 [hbm:s10], $0x40, s31, s19, $0xb8;
	[tilespmem:$0x1DB40] =	vst v63  }
0xf0: {  	_ =	swait.ge [sflag:s20], $0xC800  }
0xf1: {  	[sflag:s20] =	ssyncset.done $0x0  }
0xf2: {  	[sflag:s20] =	ssyncadd.s32 $0xFFFF3800  }
0xf3: {  	_ =	swait.ge [sflag:s6], $0xC800  }
0xf4: {  	[sflag:s6] =	ssyncset.done $0x0  }
0xf5: {  	[sflag:s6] =	ssyncadd.s32 $0xFFFF3800  }
0xf6: {  	_ =	swait.ge [sflag:s6], $0xC800  }
0xf7: {  	[sflag:s6] =	ssyncset.done $0x0  }
0xf8: {  	s22 =	rddreg [dreg:$0x1d];
	[sflag:s6] =	ssyncadd.s32 $0xFFFF3800  }
0xf9: {  	[hbm4b:s22+s2] =	stream.linear.scatter [tilespmem:s4], [sflag:$0x3], $0xC800, $0x38;
	[tilespmem:$0x1DB40] =	vst v63  }
0xfa: {  	s23 =	rddreg [dreg:$0x1e]  }
0xfb: {  	[hbm4b:s23+s2] =	stream.linear.scatter [tilespmem:s14], [sflag:$0x6], $0xC800, $0x38;
	[tilespmem:$0x1DB40] =	vst v63  }
0xfc: {  	_ =	swait.ge [sflag:s7], $0xC800  }
0xfd: {  	[sflag:s7] =	ssyncset.done $0x0  }
0xfe: {  	[sflag:s7] =	ssyncadd.s32 $0xFFFF3800  }
0xff: {  	_ =	swait.ge [sflag:s18], $0xC800  }
0x100: {  	[sflag:s18] =	ssyncset.done $0x0  }
0x101: {  	[sflag:s18] =	ssyncadd.s32 $0xFFFF3800  }
0x102: {  	[tilespmem:s4], [sflag:$0x1] =	stream.indirect.gather [hbm4b:s8+s19], $0x40, s19, s19, $0xb8;
	[tilespmem:$0x1DB40] =	vst v63  }
0x103: {  	s16 =	simm.s32 $0x28A0  }
0x104: {  	[tilespmem:s14], [sflag:$0x4] =	stream.indirect.gather [hbm4b:s11+s19], $0x40, s16, s19, $0xb8;
	[tilespmem:$0x1DB40] =	vst v63  }
0x105: {  	_ =	swait.ge [sflag:s5], $0xC800  }
0x106: {  	[sflag:s5] =	ssyncset.done $0x0  }
0x107: {  	s23 =	simm.s32 $0xFA0;
	[sflag:s5] =	ssyncadd.s32 $0xFFFF3800  }
0x108: {  	[tilespmem:s4], [sflag:$0x2] =	stream.indirect.gather.add.f32 [hbm:s9], $0x40, s23, s19, $0xb8;
	[tilespmem:$0x1DB40] =	vst v63  }
0x109: {  	s29 =	simm.s32 $0x1C20  }
0x10a: {  	[tilespmem:s4], [sflag:$0x2] =	stream.indirect.gather.add.f32 [hbm:s10], $0x40, s29, s19, $0xb8;
	[tilespmem:$0x1DB40] =	vst v63  }
0x10b: {  	_ =	swait.ge [sflag:s20], $0xC800  }
0x10c: {  	[sflag:s20] =	ssyncset.done $0x0  }
0x10d: {  	[sflag:s20] =	ssyncadd.s32 $0xFFFF3800  }
0x10e: {  	_ =	swait.ge [sflag:s6], $0xC800  }
0x10f: {  	[sflag:s6] =	ssyncset.done $0x0  }
0x110: {  	[sflag:s6] =	ssyncadd.s32 $0xFFFF3800  }
0x111: {  	_ =	swait.ge [sflag:s6], $0xC800  }
0x112: {  	s23 =	rddreg [dreg:$0x1f];
	[sflag:s6] =	ssyncset.done $0x0  }
0x113: {  	s29 =	sld [smem:$0x7F3];
	[sflag:s6] =	ssyncadd.s32 $0xFFFF3800  }
0x114: {  	[hbm4b:s23+s2] =	stream.linear.scatter [tilespmem:s4], [sflag:$0x3], $0xC800, $0x38;
	[tilespmem:$0x1DB40] =	vst v63  }
0x115: {  	_ = 	snop  }
0x116: {  	[hbm4b:s29+s2] =	stream.linear.scatter [tilespmem:s14], [sflag:$0x6], $0xC800, $0x38;
	[tilespmem:$0x1DB40] =	vst v63  }
0x117: {  	_ =	swait.ge [sflag:s7], $0xC800  }
0x118: {  	[sflag:s7] =	ssyncset.done $0x0  }
0x119: {  	[sflag:s7] =	ssyncadd.s32 $0xFFFF3800  }
0x11a: {  	_ =	swait.ge [sflag:s18], $0xC800  }
0x11b: {  	[sflag:s18] =	ssyncset.done $0x0  }
0x11c: {  	[sflag:s18] =	ssyncadd.s32 $0xFFFF3800  }
0x11d: {  	[tilespmem:s4], [sflag:$0x1] =	stream.indirect.gather [hbm4b:s8+s19], $0x40, s12, s19, $0xb8;
	[tilespmem:$0x1DB40] =	vst v63  }
0x11e: {  	_ = 	snop  }
0x11f: {  	[tilespmem:s14], [sflag:$0x4] =	stream.indirect.gather [hbm4b:s11+s19], $0x40, s17, s19, $0xb8;
	[tilespmem:$0x1DB40] =	vst v63  }
0x120: {  	_ =	swait.ge [sflag:s5], $0xC800  }
0x121: {  	[sflag:s5] =	ssyncset.done $0x0  }
0x122: {  	[sflag:s5] =	ssyncadd.s32 $0xFFFF3800  }
0x123: {  	[tilespmem:s4], [sflag:$0x2] =	stream.indirect.gather.add.f32 [hbm:s9], $0x40, s21, s19, $0xb8;
	[tilespmem:$0x1DB40] =	vst v63  }
0x124: {  	_ = 	snop  }
0x125: {  	[tilespmem:s4], [sflag:$0x2] =	stream.indirect.gather.add.f32 [hbm:s10], $0x40, s28, s19, $0xb8;
	[tilespmem:$0x1DB40] =	vst v63  }
0x126: {  	_ =	swait.ge [sflag:s20], $0xC800  }
0x127: {  	[sflag:s20] =	ssyncset.done $0x0  }
0x128: {  	[sflag:s20] =	ssyncadd.s32 $0xFFFF3800  }
0x129: {  	_ =	swait.ge [sflag:s6], $0xC800  }
0x12a: {  	[sflag:s6] =	ssyncset.done $0x0  }
0x12b: {  	[sflag:s6] =	ssyncadd.s32 $0xFFFF3800  }
0x12c: {  	_ =	swait.ge [sflag:s6], $0xC800  }
0x12d: {  	s17 =	sld [smem:$0x7F4]  }
0x12e: {  	[sflag:s6] =	ssyncset.done $0x0  }
0x12f: {  	s21 =	sld [smem:$0x7F5];
	[sflag:s6] =	ssyncadd.s32 $0xFFFF3800  }
0x130: {  	[hbm4b:s17+s2] =	stream.linear.scatter [tilespmem:s4], [sflag:$0x3], $0xC800, $0x38;
	[tilespmem:$0x1DB40] =	vst v63  }
0x131: {  	_ = 	snop  }
0x132: {  	[hbm4b:s21+s2] =	stream.linear.scatter [tilespmem:s14], [sflag:$0x6], $0xC800, $0x38;
	[tilespmem:$0x1DB40] =	vst v63  }
0x133: {  	_ =	swait.ge [sflag:s7], $0xC800  }
0x134: {  	[sflag:s7] =	ssyncset.done $0x0  }
0x135: {  	[sflag:s7] =	ssyncadd.s32 $0xFFFF3800  }
0x136: {  	_ =	swait.ge [sflag:s18], $0xC800  }
0x137: {  	[sflag:s18] =	ssyncset.done $0x0  }
0x138: {  	[sflag:s18] =	ssyncadd.s32 $0xFFFF3800  }
0x139: {  	[tilespmem:s4], [sflag:$0x1] =	stream.indirect.gather [hbm4b:s8+s19], $0x40, s26, s19, $0xb8;
	[tilespmem:$0x1DB40] =	vst v63  }
0x13a: {  	_ = 	snop  }
0x13b: {  	[tilespmem:s14], [sflag:$0x4] =	stream.indirect.gather [hbm4b:s11+s19], $0x40, s25, s19, $0xb8;
	[tilespmem:$0x1DB40] =	vst v63  }
0x13c: {  	_ =	swait.ge [sflag:s5], $0xC800  }
0x13d: {  	[sflag:s5] =	ssyncset.done $0x0  }
0x13e: {  	[sflag:s5] =	ssyncadd.s32 $0xFFFF3800  }
0x13f: {  	[tilespmem:s4], [sflag:$0x2] =	stream.indirect.gather.add.f32 [hbm:s9], $0x40, s24, s19, $0xb8;
	[tilespmem:$0x1DB40] =	vst v63  }
0x140: {  	_ = 	snop  }
0x141: {  	[tilespmem:s4], [sflag:$0x2] =	stream.indirect.gather.add.f32 [hbm:s10], $0x40, s0, s19, $0xb8;
	[tilespmem:$0x1DB40] =	vst v63  }
0x142: {  	_ =	swait.ge [sflag:s20], $0xC800  }
0x143: {  	[sflag:s20] =	ssyncset.done $0x0  }
0x144: {  	[sflag:s20] =	ssyncadd.s32 $0xFFFF3800  }
0x145: {  	_ =	swait.ge [sflag:s6], $0xC800  }
0x146: {  	[sflag:s6] =	ssyncset.done $0x0  }
0x147: {  	[sflag:s6] =	ssyncadd.s32 $0xFFFF3800  }
0x148: {  	_ =	swait.ge [sflag:s6], $0xC800  }
0x149: {  	s23 =	sld [smem:$0x7F6]  }
0x14a: {  	[sflag:s6] =	ssyncset.done $0x0  }
0x14b: {  	s24 =	sld [smem:$0x7F7];
	[sflag:s6] =	ssyncadd.s32 $0xFFFF3800  }
0x14c: {  	[hbm4b:s23+s2] =	stream.linear.scatter [tilespmem:s4], [sflag:$0x3], $0xC800, $0x38;
	[tilespmem:$0x1DB40] =	vst v63  }
0x14d: {  	_ = 	snop  }
0x14e: {  	[hbm4b:s24+s2] =	stream.linear.scatter [tilespmem:s14], [sflag:$0x6], $0xC800, $0x38;
	[tilespmem:$0x1DB40] =	vst v63  }
0x14f: {  	_ =	swait.ge [sflag:s7], $0xC800  }
0x150: {  	[sflag:s7] =	ssyncset.done $0x0  }
0x151: {  	[sflag:s7] =	ssyncadd.s32 $0xFFFF3800  }
0x152: {  	_ =	swait.ge [sflag:s18], $0xC800  }
0x153: {  	[sflag:s18] =	ssyncset.done $0x0  }
0x154: {  	s26 =	simm.s32 $0x1DB00;
	s25 =	rddreg [dreg:$0x10];
	[sflag:s18] =	ssyncadd.s32 $0xFFFF3800  }
0x155: {  	[tilespmem:s26], [sflag:$0x7] =	stream.linear.gather [hbm4b:s25+s2], $0x10, $0x38;
	[tilespmem:$0x1DB40] =	vst v63  }
0x156: {  	_ =	swait.ge [sflag:s3], $0x10  }
0x157: {  	[sflag:s3] =	ssyncset.done $0x0  }
0x158: {  	s17 =	simm.s32 $0x1DB10;
	s12 =	rddreg [dreg:$0x11];
	[sflag:s3] =	ssyncadd.s32 $0xFFFFFFF0  }
0x159: {  	[tilespmem:s17], [sflag:$0x7] =	stream.linear.gather [hbm4b:s12+s2], $0x10, $0x38;
	[tilespmem:$0x1DB40] =	vst v63  }
0x15a: {  	_ =	swait.ge [sflag:s3], $0x10  }
0x15b: {  	[sflag:s3] =	ssyncset.done $0x0  }
0x15c: {  	s23 =	simm.s32 $0x1DB20;
	s21 =	rddreg [dreg:$0x12];
	[sflag:s3] =	ssyncadd.s32 $0xFFFFFFF0  }
0x15d: {  	[tilespmem:s23], [sflag:$0x7] =	stream.linear.gather [hbm4b:s21+s2], $0x10, $0x38;
	[tilespmem:$0x1DB40] =	vst v63  }
0x15e: {  	_ =	swait.ge [sflag:s3], $0x10  }
0x15f: {  	[sflag:s3] =	ssyncset.done $0x0  }
0x160: {  	s29 =	simm.s32 $0x1DB30;
	s28 =	rddreg [dreg:$0x13];
	[sflag:s3] =	ssyncadd.s32 $0xFFFFFFF0  }
0x161: {  	[tilespmem:s29], [sflag:$0x7] =	stream.linear.gather [hbm4b:s28+s2], $0x10, $0x38;
	[tilespmem:$0x1DB40] =	vst v63  }
0x162: {  	_ =	swait.ge [sflag:s3], $0x10  }
0x163: {  	[sflag:s3] =	ssyncset.done $0x0  }
0x164: {  	s16 =	simm.s32 $0x10;
	s24 =	rddreg [dreg:$0x2];
	[sflag:s3] =	ssyncadd.s32 $0xFFFFFFF0  }
0x165: {  	[tilespmem:s4], [sflag:$0x1] =	stream.indirect.gather [hbm4b:s24+s16], $0x40, s26, s16, $0xb8;
	[tilespmem:$0x1DB40] =	vst v63  }
0x166: {  	_ =	swait.ge [sflag:s5], $0x400  }
0x167: {  	[sflag:s5] =	ssyncset.done $0x0  }
0x168: {  	s25 =	rddreg [dreg:$0x3];
	[sflag:s5] =	ssyncadd.s32 $0xFFFFFC00  }
0x169: {  	[tilespmem:s4], [sflag:$0x1] =	stream.indirect.gather.add.f32 [hbm:s25], $0x40, s17, s16, $0xb8;
	[tilespmem:$0x1DB40] =	vst v63  }
0x16a: {  	s26 =	rddreg [dreg:$0x4]  }
0x16b: {  	[tilespmem:s4], [sflag:$0x2] =	stream.indirect.gather.add.f32 [hbm:s26], $0x40, s23, s16, $0xb8;
	[tilespmem:$0x1DB40] =	vst v63  }
0x16c: {  	s28 =	rddreg [dreg:$0x5]  }
0x16d: {  	[tilespmem:s4], [sflag:$0x3] =	stream.indirect.gather.add.f32 [hbm:s28], $0x40, s29, s16, $0xb8;
	[tilespmem:$0x1DB40] =	vst v63  }
0x16e: {  	_ =	swait.ge [sflag:s5], $0x400  }
0x16f: {  	[sflag:s5] =	ssyncset.done $0x0  }
0x170: {  	[sflag:s5] =	ssyncadd.s32 $0xFFFFFC00  }
0x171: {  	_ =	swait.ge [sflag:s6], $0x400  }
0x172: {  	[sflag:s6] =	ssyncset.done $0x0  }
0x173: {  	[sflag:s6] =	ssyncadd.s32 $0xFFFFFC00  }
0x174: {  	p1 =	sne.s32 s1, $0x1;
	_ =	swait.ge [sflag:s7], $0x400  }
.Ltmp1:
0x175: {  	[sflag:s7] =	ssyncset.done $0x0;
	(pc) =	sbr.rel @!p1 .LBB2_6-.Ltmp1, $4  }
0x176: {  	s29 =	rddreg [dreg:$0x14];
	[sflag:s7] =	ssyncadd.s32 $0xFFFFFC00  }
0x177: {  	[hbm4b:s29+s2] =	stream.linear.scatter [tilespmem:s4], [sflag:$0x7], $0x400, $0x38;
	[tilespmem:$0x1DB40] =	vst v63  }
0x178: {  	p0 =	por $0x1, $0x1;
	_ =	swait.ge [sflag:s3], $0x400  }
0x179: {  	s22 =	sadd.s32 $0xFFFFFFFF, s1;
	s23 =	rddreg [dreg:$0x6];
	[sflag:s3] =	ssyncset.done $0x0  }
0x17a: {  	s29 =	simm.s32 $0x1F40  }
0x17b: {  	s26 =	simm.s32 $0x960;
	s25 =	simm.s32 $0x2EE0;
	s28 =	simm.s32 $0x15E0  }
.LBB2_3:
0x17c: {  	[sflag:s3] =	ssyncadd.s32 $0xFFFFFC00  }
0x17d: {  	[tilespmem:s2], [sflag:$0x7] =	stream.linear.gather [hbm4b:s23+s2], $0xC80, $0x38;
	[tilespmem:$0x1DB40] =	vst v63  }
0x17e: {  	_ =	swait.ge [sflag:s3], $0xC80  }
0x17f: {  	[sflag:s3] =	ssyncset.done $0x0  }
0x180: {  	s12 =	rddreg [dreg:$0x7];
	[sflag:s3] =	ssyncadd.s32 $0xFFFFF380  }
0x181: {  	[tilespmem:s30], [sflag:$0x7] =	stream.linear.gather [hbm4b:s12+s2], $0xC80, $0x38;
	[tilespmem:$0x1DB40] =	vst v63  }
0x182: {  	_ =	swait.ge [sflag:s3], $0xC80  }
0x183: {  	[sflag:s3] =	ssyncset.done $0x0  }
0x184: {  	s16 =	rddreg [dreg:$0x8];
	[sflag:s3] =	ssyncadd.s32 $0xFFFFF380  }
0x185: {  	[tilespmem:s31], [sflag:$0x7] =	stream.linear.gather [hbm4b:s16+s2], $0xC80, $0x38;
	[tilespmem:$0x1DB40] =	vst v63  }
0x186: {  	_ =	swait.ge [sflag:s3], $0xC80  }
0x187: {  	[sflag:s3] =	ssyncset.done $0x0  }
0x188: {  	s17 =	rddreg [dreg:$0x9];
	[sflag:s3] =	ssyncadd.s32 $0xFFFFF380  }
0x189: {  	[tilespmem:s13], [sflag:$0x7] =	stream.linear.gather [hbm4b:s17+s2], $0xC80, $0x38;
	[tilespmem:$0x1DB40] =	vst v63  }
0x18a: {  	_ =	swait.ge [sflag:s3], $0xC80  }
0x18b: {  	[sflag:s3] =	ssyncset.done $0x0  }
0x18c: {  	s0 =	simm.s32 $0x3200;
	s21 =	rddreg [dreg:$0xa];
	[sflag:s3] =	ssyncadd.s32 $0xFFFFF380  }
0x18d: {  	[tilespmem:s0], [sflag:$0x7] =	stream.linear.gather [hbm4b:s21+s2], $0xC80, $0x38;
	[tilespmem:$0x1DB40] =	vst v63  }
0x18e: {  	_ =	swait.ge [sflag:s3], $0xC80  }
0x18f: {  	[sflag:s3] =	ssyncset.done $0x0  }
0x190: {  	s1 =	simm.s32 $0x3E80;
	s24 =	rddreg [dreg:$0xb];
	[sflag:s3] =	ssyncadd.s32 $0xFFFFF380  }
0x191: {  	[tilespmem:s1], [sflag:$0x7] =	stream.linear.gather [hbm4b:s24+s2], $0xC80, $0x38;
	[tilespmem:$0x1DB40] =	vst v63  }
0x192: {  	_ =	swait.ge [sflag:s3], $0xC80  }
0x193: {  	[sflag:s3] =	ssyncset.done $0x0  }
0x194: {  	[sflag:s3] =	ssyncadd.s32 $0xFFFFF380  }
0x195: {  	[tilespmem:s4], [sflag:$0x1] =	stream.indirect.gather [hbm4b:s8+s19], $0x40, s2, s19, $0xb8;
	[tilespmem:$0x1DB40] =	vst v63  }
0x196: {  	_ = 	snop  }
0x197: {  	[tilespmem:s14], [sflag:$0x4] =	stream.indirect.gather [hbm4b:s8+s19], $0x40, s13, s19, $0xb8;
	[tilespmem:$0x1DB40] =	vst v63  }
0x198: {  	_ =	swait.ge [sflag:s5], $0xC800  }
0x199: {  	[sflag:s5] =	ssyncset.done $0x0  }
0x19a: {  	[sflag:s5] =	ssyncadd.s32 $0xFFFF3800  }
0x19b: {  	[tilespmem:s4], [sflag:$0x2] =	stream.indirect.gather.add.f32 [hbm:s9], $0x40, s30, s19, $0xb8;
	[tilespmem:$0x1DB40] =	vst v63  }
0x19c: {  	_ = 	snop  }
0x19d: {  	[tilespmem:s4], [sflag:$0x2] =	stream.indirect.gather.add.f32 [hbm:s10], $0x40, s31, s19, $0xb8;
	[tilespmem:$0x1DB40] =	vst v63  }
0x19e: {  	_ =	swait.ge [sflag:s20], $0xC800  }
0x19f: {  	[sflag:s20] =	ssyncset.done $0x0  }
0x1a0: {  	[sflag:s20] =	ssyncadd.s32 $0xFFFF3800  }
0x1a1: {  	[tilespmem:s14], [sflag:$0x5] =	stream.indirect.gather.add.f32 [hbm:s9], $0x40, s0, s19, $0xb8;
	[tilespmem:$0x1DB40] =	vst v63  }
0x1a2: {  	_ = 	snop  }
0x1a3: {  	[tilespmem:s14], [sflag:$0x5] =	stream.indirect.gather.add.f32 [hbm:s10], $0x40, s1, s19, $0xb8;
	[tilespmem:$0x1DB40] =	vst v63  }
0x1a4: {  	_ =	swait.ge [sflag:s6], $0xC800  }
0x1a5: {  	[sflag:s6] =	ssyncset.done $0x0  }
0x1a6: {  	[sflag:s6] =	ssyncadd.s32 $0xFFFF3800  }
0x1a7: {  	_ =	swait.ge [sflag:s6], $0xC800  }
0x1a8: {  	[sflag:s6] =	ssyncset.done $0x0  }
0x1a9: {  	s0 =	rddreg [dreg:$0x15];
	[sflag:s6] =	ssyncadd.s32 $0xFFFF3800  }
0x1aa: {  	[hbm4b:s0+s2] =	stream.linear.scatter [tilespmem:s4], [sflag:$0x3], $0xC800, $0x38;
	[tilespmem:$0x1DB40] =	vst v63  }
0x1ab: {  	_ =	swait.ge [sflag:s15], $0xC800  }
0x1ac: {  	[sflag:s15] =	ssyncset.done $0x0  }
0x1ad: {  	[sflag:s15] =	ssyncadd.s32 $0xFFFF3800  }
0x1ae: {  	_ =	swait.ge [sflag:s15], $0xC800  }
0x1af: {  	[sflag:s15] =	ssyncset.done $0x0  }
0x1b0: {  	s1 =	rddreg [dreg:$0x16];
	[sflag:s15] =	ssyncadd.s32 $0xFFFF3800  }
0x1b1: {  	[hbm4b:s1+s2] =	stream.linear.scatter [tilespmem:s14], [sflag:$0x6], $0xC800, $0x38;
	[tilespmem:$0x1DB40] =	vst v63  }
0x1b2: {  	_ =	swait.ge [sflag:s7], $0xC800  }
0x1b3: {  	[sflag:s7] =	ssyncset.done $0x0  }
0x1b4: {  	[sflag:s7] =	ssyncadd.s32 $0xFFFF3800  }
0x1b5: {  	_ =	swait.ge [sflag:s18], $0xC800  }
0x1b6: {  	[sflag:s18] =	ssyncset.done $0x0  }
0x1b7: {  	[sflag:s18] =	ssyncadd.s32 $0xFFFF3800  }
0x1b8: {  	[tilespmem:s4], [sflag:$0x1] =	stream.indirect.gather [hbm4b:s8+s19], $0x40, s19, s19, $0xb8;
	[tilespmem:$0x1DB40] =	vst v63  }
0x1b9: {  	s16 =	simm.s32 $0x28A0  }
0x1ba: {  	[tilespmem:s14], [sflag:$0x4] =	stream.indirect.gather [hbm4b:s8+s19], $0x40, s16, s19, $0xb8;
	[tilespmem:$0x1DB40] =	vst v63  }
0x1bb: {  	_ =	swait.ge [sflag:s5], $0xC800  }
0x1bc: {  	[sflag:s5] =	ssyncset.done $0x0  }
0x1bd: {  	s1 =	simm.s32 $0xFA0;
	[sflag:s5] =	ssyncadd.s32 $0xFFFF3800  }
0x1be: {  	[tilespmem:s4], [sflag:$0x2] =	stream.indirect.gather.add.f32 [hbm:s9], $0x40, s1, s19, $0xb8;
	[tilespmem:$0x1DB40] =	vst v63  }
0x1bf: {  	s30 =	simm.s32 $0x1C20  }
0x1c0: {  	[tilespmem:s4], [sflag:$0x2] =	stream.indirect.gather.add.f32 [hbm:s10], $0x40, s30, s19, $0xb8;
	[tilespmem:$0x1DB40] =	vst v63  }
0x1c1: {  	_ =	swait.ge [sflag:s20], $0xC800  }
0x1c2: {  	s12 =	sld [smem:$0x7F8]  }
0x1c3: {  	[sflag:s20] =	ssyncset.done $0x0  }
0x1c4: {  	s24 =	sld [smem:$0x7F9];
	[sflag:s20] =	ssyncadd.s32 $0xFFFF3800  }
0x1c5: {  	[tilespmem:s14], [sflag:$0x5] =	stream.indirect.gather.add.f32 [hbm:s9], $0x40, s12, s19, $0xb8;
	[tilespmem:$0x1DB40] =	vst v63  }
0x1c6: {  	_ = 	snop  }
0x1c7: {  	[tilespmem:s14], [sflag:$0x5] =	stream.indirect.gather.add.f32 [hbm:s10], $0x40, s24, s19, $0xb8;
	[tilespmem:$0x1DB40] =	vst v63  }
0x1c8: {  	_ =	swait.ge [sflag:s6], $0xC800  }
0x1c9: {  	[sflag:s6] =	ssyncset.done $0x0  }
0x1ca: {  	[sflag:s6] =	ssyncadd.s32 $0xFFFF3800  }
0x1cb: {  	_ =	swait.ge [sflag:s6], $0xC800  }
0x1cc: {  	[sflag:s6] =	ssyncset.done $0x0  }
0x1cd: {  	s17 =	rddreg [dreg:$0x17];
	[sflag:s6] =	ssyncadd.s32 $0xFFFF3800  }
0x1ce: {  	[hbm4b:s17+s2] =	stream.linear.scatter [tilespmem:s4], [sflag:$0x3], $0xC800, $0x38;
	[tilespmem:$0x1DB40] =	vst v63  }
0x1cf: {  	_ =	swait.ge [sflag:s15], $0xC800  }
0x1d0: {  	[sflag:s15] =	ssyncset.done $0x0  }
0x1d1: {  	[sflag:s15] =	ssyncadd.s32 $0xFFFF3800  }
0x1d2: {  	_ =	swait.ge [sflag:s15], $0xC800  }
0x1d3: {  	[sflag:s15] =	ssyncset.done $0x0  }
0x1d4: {  	s21 =	rddreg [dreg:$0x18];
	[sflag:s15] =	ssyncadd.s32 $0xFFFF3800  }
0x1d5: {  	[hbm4b:s21+s2] =	stream.linear.scatter [tilespmem:s14], [sflag:$0x6], $0xC800, $0x38;
	[tilespmem:$0x1DB40] =	vst v63  }
0x1d6: {  	_ =	swait.ge [sflag:s7], $0xC800  }
0x1d7: {  	[sflag:s7] =	ssyncset.done $0x0  }
0x1d8: {  	[sflag:s7] =	ssyncadd.s32 $0xFFFF3800  }
0x1d9: {  	_ =	swait.ge [sflag:s18], $0xC800  }
0x1da: {  	[sflag:s18] =	ssyncset.done $0x0  }
0x1db: {  	s12 =	simm.s32 $0x640;
	[sflag:s18] =	ssyncadd.s32 $0xFFFF3800  }
0x1dc: {  	[tilespmem:s4], [sflag:$0x1] =	stream.indirect.gather [hbm4b:s8+s19], $0x40, s12, s19, $0xb8;
	[tilespmem:$0x1DB40] =	vst v63  }
0x1dd: {  	s17 =	simm.s32 $0x2BC0  }
0x1de: {  	[tilespmem:s14], [sflag:$0x4] =	stream.indirect.gather [hbm4b:s8+s19], $0x40, s17, s19, $0xb8;
	[tilespmem:$0x1DB40] =	vst v63  }
0x1df: {  	_ =	swait.ge [sflag:s5], $0xC800  }
0x1e0: {  	[sflag:s5] =	ssyncset.done $0x0  }
0x1e1: {  	s21 =	simm.s32 $0x12C0;
	[sflag:s5] =	ssyncadd.s32 $0xFFFF3800  }
0x1e2: {  	[tilespmem:s4], [sflag:$0x2] =	stream.indirect.gather.add.f32 [hbm:s9], $0x40, s21, s19, $0xb8;
	[tilespmem:$0x1DB40] =	vst v63  }
0x1e3: {  	_ = 	snop  }
0x1e4: {  	[tilespmem:s4], [sflag:$0x2] =	stream.indirect.gather.add.f32 [hbm:s10], $0x40, s29, s19, $0xb8;
	[tilespmem:$0x1DB40] =	vst v63  }
0x1e5: {  	_ =	swait.ge [sflag:s20], $0xC800  }
0x1e6: {  	s24 =	sld [smem:$0x7FA]  }
0x1e7: {  	[sflag:s20] =	ssyncset.done $0x0  }
0x1e8: {  	s0 =	sld [smem:$0x7FB];
	[sflag:s20] =	ssyncadd.s32 $0xFFFF3800  }
0x1e9: {  	[tilespmem:s14], [sflag:$0x5] =	stream.indirect.gather.add.f32 [hbm:s9], $0x40, s24, s19, $0xb8;
	[tilespmem:$0x1DB40] =	vst v63  }
0x1ea: {  	_ = 	snop  }
0x1eb: {  	[tilespmem:s14], [sflag:$0x5] =	stream.indirect.gather.add.f32 [hbm:s10], $0x40, s0, s19, $0xb8;
	[tilespmem:$0x1DB40] =	vst v63  }
0x1ec: {  	_ =	swait.ge [sflag:s6], $0xC800  }
0x1ed: {  	[sflag:s6] =	ssyncset.done $0x0  }
0x1ee: {  	[sflag:s6] =	ssyncadd.s32 $0xFFFF3800  }
0x1ef: {  	_ =	swait.ge [sflag:s6], $0xC800  }
0x1f0: {  	[sflag:s6] =	ssyncset.done $0x0  }
0x1f1: {  	s24 =	rddreg [dreg:$0x19];
	[sflag:s6] =	ssyncadd.s32 $0xFFFF3800  }
0x1f2: {  	[hbm4b:s24+s2] =	stream.linear.scatter [tilespmem:s4], [sflag:$0x3], $0xC800, $0x38;
	[tilespmem:$0x1DB40] =	vst v63  }
0x1f3: {  	_ =	swait.ge [sflag:s15], $0xC800  }
0x1f4: {  	[sflag:s15] =	ssyncset.done $0x0  }
0x1f5: {  	[sflag:s15] =	ssyncadd.s32 $0xFFFF3800  }
0x1f6: {  	_ =	swait.ge [sflag:s15], $0xC800  }
0x1f7: {  	[sflag:s15] =	ssyncset.done $0x0  }
0x1f8: {  	s0 =	rddreg [dreg:$0x1a];
	[sflag:s15] =	ssyncadd.s32 $0xFFFF3800  }
0x1f9: {  	[hbm4b:s0+s2] =	stream.linear.scatter [tilespmem:s14], [sflag:$0x6], $0xC800, $0x38;
	[tilespmem:$0x1DB40] =	vst v63  }
0x1fa: {  	_ =	swait.ge [sflag:s7], $0xC800  }
0x1fb: {  	[sflag:s7] =	ssyncset.done $0x0  }
0x1fc: {  	[sflag:s7] =	ssyncadd.s32 $0xFFFF3800  }
0x1fd: {  	_ =	swait.ge [sflag:s18], $0xC800  }
0x1fe: {  	[sflag:s18] =	ssyncset.done $0x0  }
0x1ff: {  	[sflag:s18] =	ssyncadd.s32 $0xFFFF3800  }
0x200: {  	[tilespmem:s4], [sflag:$0x1] =	stream.indirect.gather [hbm4b:s8+s19], $0x40, s26, s19, $0xb8;
	[tilespmem:$0x1DB40] =	vst v63  }
0x201: {  	_ = 	snop  }
0x202: {  	[tilespmem:s14], [sflag:$0x4] =	stream.indirect.gather [hbm4b:s8+s19], $0x40, s25, s19, $0xb8;
	[tilespmem:$0x1DB40] =	vst v63  }
0x203: {  	_ =	swait.ge [sflag:s5], $0xC800  }
0x204: {  	[sflag:s5] =	ssyncset.done $0x0  }
0x205: {  	[sflag:s5] =	ssyncadd.s32 $0xFFFF3800  }
0x206: {  	[tilespmem:s4], [sflag:$0x2] =	stream.indirect.gather.add.f32 [hbm:s9], $0x40, s28, s19, $0xb8;
	[tilespmem:$0x1DB40] =	vst v63  }
0x207: {  	s0 =	simm.s32 $0x2260  }
0x208: {  	[tilespmem:s4], [sflag:$0x2] =	stream.indirect.gather.add.f32 [hbm:s10], $0x40, s0, s19, $0xb8;
	[tilespmem:$0x1DB40] =	vst v63  }
0x209: {  	_ =	swait.ge [sflag:s20], $0xC800  }
0x20a: {  	s23 =	sld [smem:$0x7FC]  }
0x20b: {  	[sflag:s20] =	ssyncset.done $0x0  }
0x20c: {  	s24 =	sld [smem:$0x7FD];
	[sflag:s20] =	ssyncadd.s32 $0xFFFF3800  }
0x20d: {  	[tilespmem:s14], [sflag:$0x5] =	stream.indirect.gather.add.f32 [hbm:s9], $0x40, s23, s19, $0xb8;
	[tilespmem:$0x1DB40] =	vst v63  }
0x20e: {  	_ = 	snop  }
0x20f: {  	[tilespmem:s14], [sflag:$0x5] =	stream.indirect.gather.add.f32 [hbm:s10], $0x40, s24, s19, $0xb8;
	[tilespmem:$0x1DB40] =	vst v63  }
0x210: {  	_ =	swait.ge [sflag:s6], $0xC800  }
0x211: {  	[sflag:s6] =	ssyncset.done $0x0  }
0x212: {  	[sflag:s6] =	ssyncadd.s32 $0xFFFF3800  }
0x213: {  	_ =	swait.ge [sflag:s6], $0xC800  }
0x214: {  	[sflag:s6] =	ssyncset.done $0x0  }
0x215: {  	s24 =	rddreg [dreg:$0x1b];
	[sflag:s6] =	ssyncadd.s32 $0xFFFF3800  }
0x216: {  	[hbm4b:s24+s2] =	stream.linear.scatter [tilespmem:s4], [sflag:$0x3], $0xC800, $0x38;
	[tilespmem:$0x1DB40] =	vst v63  }
0x217: {  	_ =	swait.ge [sflag:s15], $0xC800  }
0x218: {  	[sflag:s15] =	ssyncset.done $0x0  }
0x219: {  	[sflag:s15] =	ssyncadd.s32 $0xFFFF3800  }
0x21a: {  	_ =	swait.ge [sflag:s15], $0xC800  }
0x21b: {  	[sflag:s15] =	ssyncset.done $0x0  }
0x21c: {  	s24 =	rddreg [dreg:$0x1c];
	[sflag:s15] =	ssyncadd.s32 $0xFFFF3800  }
0x21d: {  	[hbm4b:s24+s2] =	stream.linear.scatter [tilespmem:s14], [sflag:$0x6], $0xC800, $0x38;
	[tilespmem:$0x1DB40] =	vst v63  }
0x21e: {  	_ =	swait.ge [sflag:s7], $0xC800  }
0x21f: {  	[sflag:s7] =	ssyncset.done $0x0  }
0x220: {  	[sflag:s7] =	ssyncadd.s32 $0xFFFF3800  }
0x221: {  	_ =	swait.ge [sflag:s18], $0xC800  }
0x222: {  	[sflag:s18] =	ssyncset.done $0x0  }
0x223: {  	s24 =	rddreg [dreg:$0xc];
	[sflag:s18] =	ssyncadd.s32 $0xFFFF3800  }
0x224: {  	[tilespmem:s2], [sflag:$0x7] =	stream.linear.gather [hbm4b:s24+s2], $0xC80, $0x38;
	[tilespmem:$0x1DB40] =	vst v63  }
0x225: {  	_ =	swait.ge [sflag:s3], $0xC80  }
0x226: {  	[sflag:s3] =	ssyncset.done $0x0  }
0x227: {  	s31 =	simm.s32 $0xC80;
	s24 =	rddreg [dreg:$0xd];
	[sflag:s3] =	ssyncadd.s32 $0xFFFFF380  }
0x228: {  	[tilespmem:s31], [sflag:$0x7] =	stream.linear.gather [hbm4b:s24+s2], $0xC80, $0x38;
	[tilespmem:$0x1DB40] =	vst v63  }
0x229: {  	_ =	swait.ge [sflag:s3], $0xC80  }
0x22a: {  	[sflag:s3] =	ssyncset.done $0x0  }
0x22b: {  	s13 =	simm.s32 $0x1900;
	s24 =	rddreg [dreg:$0xe];
	[sflag:s3] =	ssyncadd.s32 $0xFFFFF380  }
0x22c: {  	[tilespmem:s13], [sflag:$0x7] =	stream.linear.gather [hbm4b:s24+s2], $0xC80, $0x38;
	[tilespmem:$0x1DB40] =	vst v63  }
0x22d: {  	_ =	swait.ge [sflag:s3], $0xC80  }
0x22e: {  	[sflag:s3] =	ssyncset.done $0x0  }
0x22f: {  	s13 =	simm.s32 $0x2580;
	s24 =	rddreg [dreg:$0xf];
	[sflag:s3] =	ssyncadd.s32 $0xFFFFF380  }
0x230: {  	[tilespmem:s13], [sflag:$0x7] =	stream.linear.gather [hbm4b:s24+s2], $0xC80, $0x38;
	[tilespmem:$0x1DB40] =	vst v63  }
0x231: {  	_ =	swait.ge [sflag:s3], $0xC80  }
0x232: {  	[sflag:s3] =	ssyncset.done $0x0  }
0x233: {  	[sflag:s3] =	ssyncadd.s32 $0xFFFFF380  }
0x234: {  	[tilespmem:s4], [sflag:$0x1] =	stream.indirect.gather [hbm4b:s8+s19], $0x40, s2, s19, $0xb8;
	[tilespmem:$0x1DB40] =	vst v63  }
0x235: {  	_ = 	snop  }
0x236: {  	[tilespmem:s14], [sflag:$0x4] =	stream.indirect.gather [hbm4b:s11+s19], $0x40, s13, s19, $0xb8;
	[tilespmem:$0x1DB40] =	vst v63  }
0x237: {  	_ =	swait.ge [sflag:s5], $0xC800  }
0x238: {  	[sflag:s5] =	ssyncset.done $0x0  }
0x239: {  	[sflag:s5] =	ssyncadd.s32 $0xFFFF3800  }
0x23a: {  	[tilespmem:s4], [sflag:$0x2] =	stream.indirect.gather.add.f32 [hbm:s9], $0x40, s31, s19, $0xb8;
	[tilespmem:$0x1DB40] =	vst v63  }
0x23b: {  	s31 =	simm.s32 $0x1900  }
0x23c: {  	[tilespmem:s4], [sflag:$0x2] =	stream.indirect.gather.add.f32 [hbm:s10], $0x40, s31, s19, $0xb8;
	[tilespmem:$0x1DB40] =	vst v63  }
0x23d: {  	_ =	swait.ge [sflag:s20], $0xC800  }
0x23e: {  	[sflag:s20] =	ssyncset.done $0x0  }
0x23f: {  	[sflag:s20] =	ssyncadd.s32 $0xFFFF3800  }
0x240: {  	_ =	swait.ge [sflag:s6], $0xC800  }
0x241: {  	[sflag:s6] =	ssyncset.done $0x0  }
0x242: {  	[sflag:s6] =	ssyncadd.s32 $0xFFFF3800  }
0x243: {  	_ =	swait.ge [sflag:s6], $0xC800  }
0x244: {  	[sflag:s6] =	ssyncset.done $0x0  }
0x245: {  	s23 =	rddreg [dreg:$0x1d];
	[sflag:s6] =	ssyncadd.s32 $0xFFFF3800  }
0x246: {  	[hbm4b:s23+s2] =	stream.linear.scatter [tilespmem:s4], [sflag:$0x3], $0xC800, $0x38;
	[tilespmem:$0x1DB40] =	vst v63  }
0x247: {  	s24 =	rddreg [dreg:$0x1e]  }
0x248: {  	[hbm4b:s24+s2] =	stream.linear.scatter [tilespmem:s14], [sflag:$0x6], $0xC800, $0x38;
	[tilespmem:$0x1DB40] =	vst v63  }
0x249: {  	_ =	swait.ge [sflag:s7], $0xC800  }
0x24a: {  	[sflag:s7] =	ssyncset.done $0x0  }
0x24b: {  	[sflag:s7] =	ssyncadd.s32 $0xFFFF3800  }
0x24c: {  	_ =	swait.ge [sflag:s18], $0xC800  }
0x24d: {  	[sflag:s18] =	ssyncset.done $0x0  }
0x24e: {  	[sflag:s18] =	ssyncadd.s32 $0xFFFF3800  }
0x24f: {  	[tilespmem:s4], [sflag:$0x1] =	stream.indirect.gather [hbm4b:s8+s19], $0x40, s19, s19, $0xb8;
	[tilespmem:$0x1DB40] =	vst v63  }
0x250: {  	_ = 	snop  }
0x251: {  	[tilespmem:s14], [sflag:$0x4] =	stream.indirect.gather [hbm4b:s11+s19], $0x40, s16, s19, $0xb8;
	[tilespmem:$0x1DB40] =	vst v63  }
0x252: {  	_ =	swait.ge [sflag:s5], $0xC800  }
0x253: {  	[sflag:s5] =	ssyncset.done $0x0  }
0x254: {  	[sflag:s5] =	ssyncadd.s32 $0xFFFF3800  }
0x255: {  	[tilespmem:s4], [sflag:$0x2] =	stream.indirect.gather.add.f32 [hbm:s9], $0x40, s1, s19, $0xb8;
	[tilespmem:$0x1DB40] =	vst v63  }
0x256: {  	_ = 	snop  }
0x257: {  	[tilespmem:s4], [sflag:$0x2] =	stream.indirect.gather.add.f32 [hbm:s10], $0x40, s30, s19, $0xb8;
	[tilespmem:$0x1DB40] =	vst v63  }
0x258: {  	_ =	swait.ge [sflag:s20], $0xC800  }
0x259: {  	[sflag:s20] =	ssyncset.done $0x0  }
0x25a: {  	[sflag:s20] =	ssyncadd.s32 $0xFFFF3800  }
0x25b: {  	_ =	swait.ge [sflag:s6], $0xC800  }
0x25c: {  	[sflag:s6] =	ssyncset.done $0x0  }
0x25d: {  	[sflag:s6] =	ssyncadd.s32 $0xFFFF3800  }
0x25e: {  	_ =	swait.ge [sflag:s6], $0xC800  }
0x25f: {  	s24 =	rddreg [dreg:$0x1f];
	[sflag:s6] =	ssyncset.done $0x0  }
0x260: {  	s1 =	sld [smem:$0x7F3];
	[sflag:s6] =	ssyncadd.s32 $0xFFFF3800  }
0x261: {  	[hbm4b:s24+s2] =	stream.linear.scatter [tilespmem:s4], [sflag:$0x3], $0xC800, $0x38;
	[tilespmem:$0x1DB40] =	vst v63  }
0x262: {  	_ = 	snop  }
0x263: {  	[hbm4b:s1+s2] =	stream.linear.scatter [tilespmem:s14], [sflag:$0x6], $0xC800, $0x38;
	[tilespmem:$0x1DB40] =	vst v63  }
0x264: {  	_ =	swait.ge [sflag:s7], $0xC800  }
0x265: {  	[sflag:s7] =	ssyncset.done $0x0  }
0x266: {  	[sflag:s7] =	ssyncadd.s32 $0xFFFF3800  }
0x267: {  	_ =	swait.ge [sflag:s18], $0xC800  }
0x268: {  	[sflag:s18] =	ssyncset.done $0x0  }
0x269: {  	[sflag:s18] =	ssyncadd.s32 $0xFFFF3800  }
0x26a: {  	[tilespmem:s4], [sflag:$0x1] =	stream.indirect.gather [hbm4b:s8+s19], $0x40, s12, s19, $0xb8;
	[tilespmem:$0x1DB40] =	vst v63  }
0x26b: {  	_ = 	snop  }
0x26c: {  	[tilespmem:s14], [sflag:$0x4] =	stream.indirect.gather [hbm4b:s11+s19], $0x40, s17, s19, $0xb8;
	[tilespmem:$0x1DB40] =	vst v63  }
0x26d: {  	_ =	swait.ge [sflag:s5], $0xC800  }
0x26e: {  	[sflag:s5] =	ssyncset.done $0x0  }
0x26f: {  	[sflag:s5] =	ssyncadd.s32 $0xFFFF3800  }
0x270: {  	[tilespmem:s4], [sflag:$0x2] =	stream.indirect.gather.add.f32 [hbm:s9], $0x40, s21, s19, $0xb8;
	[tilespmem:$0x1DB40] =	vst v63  }
0x271: {  	_ = 	snop  }
0x272: {  	[tilespmem:s4], [sflag:$0x2] =	stream.indirect.gather.add.f32 [hbm:s10], $0x40, s29, s19, $0xb8;
	[tilespmem:$0x1DB40] =	vst v63  }
0x273: {  	_ =	swait.ge [sflag:s20], $0xC800  }
0x274: {  	[sflag:s20] =	ssyncset.done $0x0  }
0x275: {  	[sflag:s20] =	ssyncadd.s32 $0xFFFF3800  }
0x276: {  	_ =	swait.ge [sflag:s6], $0xC800  }
0x277: {  	[sflag:s6] =	ssyncset.done $0x0  }
0x278: {  	[sflag:s6] =	ssyncadd.s32 $0xFFFF3800  }
0x279: {  	_ =	swait.ge [sflag:s6], $0xC800  }
0x27a: {  	s17 =	sld [smem:$0x7F4]  }
0x27b: {  	[sflag:s6] =	ssyncset.done $0x0  }
0x27c: {  	s21 =	sld [smem:$0x7F5];
	[sflag:s6] =	ssyncadd.s32 $0xFFFF3800  }
0x27d: {  	[hbm4b:s17+s2] =	stream.linear.scatter [tilespmem:s4], [sflag:$0x3], $0xC800, $0x38;
	[tilespmem:$0x1DB40] =	vst v63  }
0x27e: {  	_ = 	snop  }
0x27f: {  	[hbm4b:s21+s2] =	stream.linear.scatter [tilespmem:s14], [sflag:$0x6], $0xC800, $0x38;
	[tilespmem:$0x1DB40] =	vst v63  }
0x280: {  	_ =	swait.ge [sflag:s7], $0xC800  }
0x281: {  	[sflag:s7] =	ssyncset.done $0x0  }
0x282: {  	[sflag:s7] =	ssyncadd.s32 $0xFFFF3800  }
0x283: {  	_ =	swait.ge [sflag:s18], $0xC800  }
0x284: {  	[sflag:s18] =	ssyncset.done $0x0  }
0x285: {  	[sflag:s18] =	ssyncadd.s32 $0xFFFF3800  }
0x286: {  	[tilespmem:s4], [sflag:$0x1] =	stream.indirect.gather [hbm4b:s8+s19], $0x40, s26, s19, $0xb8;
	[tilespmem:$0x1DB40] =	vst v63  }
0x287: {  	_ = 	snop  }
0x288: {  	[tilespmem:s14], [sflag:$0x4] =	stream.indirect.gather [hbm4b:s11+s19], $0x40, s25, s19, $0xb8;
	[tilespmem:$0x1DB40] =	vst v63  }
0x289: {  	_ =	swait.ge [sflag:s5], $0xC800  }
0x28a: {  	[sflag:s5] =	ssyncset.done $0x0  }
0x28b: {  	[sflag:s5] =	ssyncadd.s32 $0xFFFF3800  }
0x28c: {  	[tilespmem:s4], [sflag:$0x2] =	stream.indirect.gather.add.f32 [hbm:s9], $0x40, s28, s19, $0xb8;
	[tilespmem:$0x1DB40] =	vst v63  }
0x28d: {  	_ = 	snop  }
0x28e: {  	[tilespmem:s4], [sflag:$0x2] =	stream.indirect.gather.add.f32 [hbm:s10], $0x40, s0, s19, $0xb8;
	[tilespmem:$0x1DB40] =	vst v63  }
0x28f: {  	_ =	swait.ge [sflag:s20], $0xC800  }
0x290: {  	[sflag:s20] =	ssyncset.done $0x0  }
0x291: {  	[sflag:s20] =	ssyncadd.s32 $0xFFFF3800  }
0x292: {  	_ =	swait.ge [sflag:s6], $0xC800  }
0x293: {  	[sflag:s6] =	ssyncset.done $0x0  }
0x294: {  	[sflag:s6] =	ssyncadd.s32 $0xFFFF3800  }
0x295: {  	_ =	swait.ge [sflag:s6], $0xC800  }
0x296: {  	s1 =	sld [smem:$0x7F6]  }
0x297: {  	[sflag:s6] =	ssyncset.done $0x0  }
0x298: {  	s12 =	sld [smem:$0x7F7];
	[sflag:s6] =	ssyncadd.s32 $0xFFFF3800  }
0x299: {  	[hbm4b:s1+s2] =	stream.linear.scatter [tilespmem:s4], [sflag:$0x3], $0xC800, $0x38;
	[tilespmem:$0x1DB40] =	vst v63  }
0x29a: {  	_ = 	snop  }
0x29b: {  	[hbm4b:s12+s2] =	stream.linear.scatter [tilespmem:s14], [sflag:$0x6], $0xC800, $0x38;
	[tilespmem:$0x1DB40] =	vst v63  }
0x29c: {  	_ =	swait.ge [sflag:s7], $0xC800  }
0x29d: {  	[sflag:s7] =	ssyncset.done $0x0  }
0x29e: {  	[sflag:s7] =	ssyncadd.s32 $0xFFFF3800  }
0x29f: {  	_ =	swait.ge [sflag:s18], $0xC800  }
0x2a0: {  	[sflag:s18] =	ssyncset.done $0x0  }
0x2a1: {  	s0 =	simm.s32 $0x1DB00;
	s17 =	rddreg [dreg:$0x10];
	[sflag:s18] =	ssyncadd.s32 $0xFFFF3800  }
0x2a2: {  	[tilespmem:s0], [sflag:$0x7] =	stream.linear.gather [hbm4b:s17+s2], $0x10, $0x38;
	[tilespmem:$0x1DB40] =	vst v63  }
0x2a3: {  	_ =	swait.ge [sflag:s3], $0x10  }
0x2a4: {  	[sflag:s3] =	ssyncset.done $0x0  }
0x2a5: {  	s12 =	simm.s32 $0x1DB10;
	s21 =	rddreg [dreg:$0x11];
	[sflag:s3] =	ssyncadd.s32 $0xFFFFFFF0  }
0x2a6: {  	[tilespmem:s12], [sflag:$0x7] =	stream.linear.gather [hbm4b:s21+s2], $0x10, $0x38;
	[tilespmem:$0x1DB40] =	vst v63  }
0x2a7: {  	_ =	swait.ge [sflag:s3], $0x10  }
0x2a8: {  	[sflag:s3] =	ssyncset.done $0x0  }
0x2a9: {  	s17 =	simm.s32 $0x1DB20;
	s24 =	rddreg [dreg:$0x12];
	[sflag:s3] =	ssyncadd.s32 $0xFFFFFFF0  }
0x2aa: {  	[tilespmem:s17], [sflag:$0x7] =	stream.linear.gather [hbm4b:s24+s2], $0x10, $0x38;
	[tilespmem:$0x1DB40] =	vst v63  }
0x2ab: {  	_ =	swait.ge [sflag:s3], $0x10  }
0x2ac: {  	[sflag:s3] =	ssyncset.done $0x0  }
0x2ad: {  	s21 =	simm.s32 $0x1DB30;
	s1 =	rddreg [dreg:$0x13];
	[sflag:s3] =	ssyncadd.s32 $0xFFFFFFF0  }
0x2ae: {  	[tilespmem:s21], [sflag:$0x7] =	stream.linear.gather [hbm4b:s1+s2], $0x10, $0x38;
	[tilespmem:$0x1DB40] =	vst v63  }
0x2af: {  	_ =	swait.ge [sflag:s3], $0x10  }
0x2b0: {  	[sflag:s3] =	ssyncset.done $0x0  }
0x2b1: {  	s16 =	simm.s32 $0x10;
	s24 =	rddreg [dreg:$0x2];
	[sflag:s3] =	ssyncadd.s32 $0xFFFFFFF0  }
0x2b2: {  	[tilespmem:s4], [sflag:$0x1] =	stream.indirect.gather [hbm4b:s24+s16], $0x40, s0, s16, $0xb8;
	[tilespmem:$0x1DB40] =	vst v63  }
0x2b3: {  	_ =	swait.ge [sflag:s5], $0x400  }
0x2b4: {  	[sflag:s5] =	ssyncset.done $0x0  }
0x2b5: {  	s0 =	rddreg [dreg:$0x3];
	[sflag:s5] =	ssyncadd.s32 $0xFFFFFC00  }
0x2b6: {  	[tilespmem:s4], [sflag:$0x1] =	stream.indirect.gather.add.f32 [hbm:s0], $0x40, s12, s16, $0xb8;
	[tilespmem:$0x1DB40] =	vst v63  }
0x2b7: {  	s1 =	rddreg [dreg:$0x4]  }
0x2b8: {  	[tilespmem:s4], [sflag:$0x2] =	stream.indirect.gather.add.f32 [hbm:s1], $0x40, s17, s16, $0xb8;
	[tilespmem:$0x1DB40] =	vst v63  }
0x2b9: {  	s12 =	rddreg [dreg:$0x5]  }
0x2ba: {  	[tilespmem:s4], [sflag:$0x3] =	stream.indirect.gather.add.f32 [hbm:s12], $0x40, s21, s16, $0xb8;
	[tilespmem:$0x1DB40] =	vst v63  }
0x2bb: {  	_ =	swait.ge [sflag:s5], $0x400  }
0x2bc: {  	[sflag:s5] =	ssyncset.done $0x0  }
0x2bd: {  	[sflag:s5] =	ssyncadd.s32 $0xFFFFFC00  }
0x2be: {  	_ =	swait.ge [sflag:s6], $0x400  }
0x2bf: {  	[sflag:s6] =	ssyncset.done $0x0  }
0x2c0: {  	[sflag:s6] =	ssyncadd.s32 $0xFFFFFC00  }
0x2c1: {  	p1 =	sne.s32 s22, $0x1;
	_ =	swait.ge [sflag:s7], $0x400  }
.Ltmp2:
0x2c2: {  	[sflag:s7] =	ssyncset.done $0x0;
	(pc) =	sbr.rel @p1 .LBB2_3-.Ltmp2, $4  }
0x2c3: {  	s24 =	rddreg [dreg:$0x14];
	[sflag:s7] =	ssyncadd.s32 $0xFFFFFC00  }
0x2c4: {  	[hbm4b:s24+s2] =	stream.linear.scatter [tilespmem:s4], [sflag:$0x7], $0x400, $0x38;
	[tilespmem:$0x1DB40] =	vst v63  }
0x2c5: {  	s22 =	sadd.s32 $0xFFFFFFFF, s22;
	_ =	swait.ge [sflag:s3], $0x400  }
0x2c6: {  	s30 =	simm.s32 $0xC80;
	s23 =	rddreg [dreg:$0x6];
	[sflag:s3] =	ssyncset.done $0x0  }
0x2c7: {  	s24 =	simm.s32 $0x28A0;
	s25 =	simm.s32 $0x3200;
	s29 =	simm.s32 $0x3E80  }
.LBB2_5:
0x2c8: {  	[sflag:s3] =	ssyncadd.s32 @p0 $0xFFFFFC00  }
0x2c9: {  	[tilespmem:s2], [sflag:$0x7] =	stream.linear.gather [hbm4b:s23+s2], $0xC80, $0x38;
	[tilespmem:$0x1DB40] =	vst v63  }
0x2ca: {  	_ =	swait.ge [sflag:s3], $0xC80  }
0x2cb: {  	[sflag:s3] =	ssyncset.done $0x0  }
0x2cc: {  	s22 =	rddreg [dreg:$0x7];
	[sflag:s3] =	ssyncadd.s32 $0xFFFFF380  }
0x2cd: {  	[tilespmem:s30], [sflag:$0x7] =	stream.linear.gather [hbm4b:s22+s2], $0xC80, $0x38;
	[tilespmem:$0x1DB40] =	vst v63  }
0x2ce: {  	_ =	swait.ge [sflag:s3], $0xC80  }
0x2cf: {  	[sflag:s3] =	ssyncset.done $0x0  }
0x2d0: {  	s17 =	rddreg [dreg:$0x8];
	[sflag:s3] =	ssyncadd.s32 $0xFFFFF380  }
0x2d1: {  	[tilespmem:s31], [sflag:$0x7] =	stream.linear.gather [hbm4b:s17+s2], $0xC80, $0x38;
	[tilespmem:$0x1DB40] =	vst v63  }
0x2d2: {  	_ =	swait.ge [sflag:s3], $0xC80  }
0x2d3: {  	[sflag:s3] =	ssyncset.done $0x0  }
0x2d4: {  	s21 =	rddreg [dreg:$0x9];
	[sflag:s3] =	ssyncadd.s32 $0xFFFFF380  }
0x2d5: {  	[tilespmem:s13], [sflag:$0x7] =	stream.linear.gather [hbm4b:s21+s2], $0xC80, $0x38;
	[tilespmem:$0x1DB40] =	vst v63  }
0x2d6: {  	_ =	swait.ge [sflag:s3], $0xC80  }
0x2d7: {  	[sflag:s3] =	ssyncset.done $0x0  }
0x2d8: {  	s23 =	rddreg [dreg:$0xa];
	[sflag:s3] =	ssyncadd.s32 $0xFFFFF380  }
0x2d9: {  	[tilespmem:s25], [sflag:$0x7] =	stream.linear.gather [hbm4b:s23+s2], $0xC80, $0x38;
	[tilespmem:$0x1DB40] =	vst v63  }
0x2da: {  	_ =	swait.ge [sflag:s3], $0xC80  }
0x2db: {  	[sflag:s3] =	ssyncset.done $0x0  }
0x2dc: {  	s26 =	rddreg [dreg:$0xb];
	[sflag:s3] =	ssyncadd.s32 $0xFFFFF380  }
0x2dd: {  	[tilespmem:s29], [sflag:$0x7] =	stream.linear.gather [hbm4b:s26+s2], $0xC80, $0x38;
	[tilespmem:$0x1DB40] =	vst v63  }
0x2de: {  	_ =	swait.ge [sflag:s3], $0xC80  }
0x2df: {  	[sflag:s3] =	ssyncset.done $0x0  }
0x2e0: {  	[sflag:s3] =	ssyncadd.s32 $0xFFFFF380  }
0x2e1: {  	[tilespmem:s4], [sflag:$0x1] =	stream.indirect.gather [hbm4b:s8+s19], $0x40, s2, s19, $0xb8;
	[tilespmem:$0x1DB40] =	vst v63  }
0x2e2: {  	_ = 	snop  }
0x2e3: {  	[tilespmem:s14], [sflag:$0x4] =	stream.indirect.gather [hbm4b:s8+s19], $0x40, s13, s19, $0xb8;
	[tilespmem:$0x1DB40] =	vst v63  }
0x2e4: {  	_ =	swait.ge [sflag:s5], $0xC800  }
0x2e5: {  	[sflag:s5] =	ssyncset.done $0x0  }
0x2e6: {  	[sflag:s5] =	ssyncadd.s32 $0xFFFF3800  }
0x2e7: {  	[tilespmem:s4], [sflag:$0x2] =	stream.indirect.gather.add.f32 [hbm:s9], $0x40, s30, s19, $0xb8;
	[tilespmem:$0x1DB40] =	vst v63  }
0x2e8: {  	_ = 	snop  }
0x2e9: {  	[tilespmem:s4], [sflag:$0x2] =	stream.indirect.gather.add.f32 [hbm:s10], $0x40, s31, s19, $0xb8;
	[tilespmem:$0x1DB40] =	vst v63  }
0x2ea: {  	_ =	swait.ge [sflag:s20], $0xC800  }
0x2eb: {  	[sflag:s20] =	ssyncset.done $0x0  }
0x2ec: {  	[sflag:s20] =	ssyncadd.s32 $0xFFFF3800  }
0x2ed: {  	[tilespmem:s14], [sflag:$0x5] =	stream.indirect.gather.add.f32 [hbm:s9], $0x40, s25, s19, $0xb8;
	[tilespmem:$0x1DB40] =	vst v63  }
0x2ee: {  	_ = 	snop  }
0x2ef: {  	[tilespmem:s14], [sflag:$0x5] =	stream.indirect.gather.add.f32 [hbm:s10], $0x40, s29, s19, $0xb8;
	[tilespmem:$0x1DB40] =	vst v63  }
0x2f0: {  	_ =	swait.ge [sflag:s6], $0xC800  }
0x2f1: {  	[sflag:s6] =	ssyncset.done $0x0  }
0x2f2: {  	[sflag:s6] =	ssyncadd.s32 $0xFFFF3800  }
0x2f3: {  	_ =	swait.ge [sflag:s6], $0xC800  }
0x2f4: {  	[sflag:s6] =	ssyncset.done $0x0  }
0x2f5: {  	s17 =	rddreg [dreg:$0x15];
	[sflag:s6] =	ssyncadd.s32 $0xFFFF3800  }
0x2f6: {  	[hbm4b:s17+s2] =	stream.linear.scatter [tilespmem:s4], [sflag:$0x3], $0xC800, $0x38;
	[tilespmem:$0x1DB40] =	vst v63  }
0x2f7: {  	_ =	swait.ge [sflag:s15], $0xC800  }
0x2f8: {  	[sflag:s15] =	ssyncset.done $0x0  }
0x2f9: {  	[sflag:s15] =	ssyncadd.s32 $0xFFFF3800  }
0x2fa: {  	_ =	swait.ge [sflag:s15], $0xC800  }
0x2fb: {  	[sflag:s15] =	ssyncset.done $0x0  }
0x2fc: {  	s28 =	rddreg [dreg:$0x16];
	[sflag:s15] =	ssyncadd.s32 $0xFFFF3800  }
0x2fd: {  	[hbm4b:s28+s2] =	stream.linear.scatter [tilespmem:s14], [sflag:$0x6], $0xC800, $0x38;
	[tilespmem:$0x1DB40] =	vst v63  }
0x2fe: {  	_ =	swait.ge [sflag:s7], $0xC800  }
0x2ff: {  	[sflag:s7] =	ssyncset.done $0x0  }
0x300: {  	[sflag:s7] =	ssyncadd.s32 $0xFFFF3800  }
0x301: {  	_ =	swait.ge [sflag:s18], $0xC800  }
0x302: {  	[sflag:s18] =	ssyncset.done $0x0  }
0x303: {  	[sflag:s18] =	ssyncadd.s32 $0xFFFF3800  }
0x304: {  	[tilespmem:s4], [sflag:$0x1] =	stream.indirect.gather [hbm4b:s8+s19], $0x40, s19, s19, $0xb8;
	[tilespmem:$0x1DB40] =	vst v63  }
0x305: {  	_ = 	snop  }
0x306: {  	[tilespmem:s14], [sflag:$0x4] =	stream.indirect.gather [hbm4b:s8+s19], $0x40, s24, s19, $0xb8;
	[tilespmem:$0x1DB40] =	vst v63  }
0x307: {  	_ =	swait.ge [sflag:s5], $0xC800  }
0x308: {  	[sflag:s5] =	ssyncset.done $0x0  }
0x309: {  	s0 =	simm.s32 $0xFA0;
	[sflag:s5] =	ssyncadd.s32 $0xFFFF3800  }
0x30a: {  	[tilespmem:s4], [sflag:$0x2] =	stream.indirect.gather.add.f32 [hbm:s9], $0x40, s0, s19, $0xb8;
	[tilespmem:$0x1DB40] =	vst v63  }
0x30b: {  	s1 =	simm.s32 $0x1C20  }
0x30c: {  	[tilespmem:s4], [sflag:$0x2] =	stream.indirect.gather.add.f32 [hbm:s10], $0x40, s1, s19, $0xb8;
	[tilespmem:$0x1DB40] =	vst v63  }
0x30d: {  	_ =	swait.ge [sflag:s20], $0xC800  }
0x30e: {  	s29 =	sld [smem:$0x7F8]  }
0x30f: {  	[sflag:s20] =	ssyncset.done $0x0  }
0x310: {  	s21 =	sld [smem:$0x7F9];
	[sflag:s20] =	ssyncadd.s32 $0xFFFF3800  }
0x311: {  	[tilespmem:s14], [sflag:$0x5] =	stream.indirect.gather.add.f32 [hbm:s9], $0x40, s29, s19, $0xb8;
	[tilespmem:$0x1DB40] =	vst v63  }
0x312: {  	_ = 	snop  }
0x313: {  	[tilespmem:s14], [sflag:$0x5] =	stream.indirect.gather.add.f32 [hbm:s10], $0x40, s21, s19, $0xb8;
	[tilespmem:$0x1DB40] =	vst v63  }
0x314: {  	_ =	swait.ge [sflag:s6], $0xC800  }
0x315: {  	[sflag:s6] =	ssyncset.done $0x0  }
0x316: {  	[sflag:s6] =	ssyncadd.s32 $0xFFFF3800  }
0x317: {  	_ =	swait.ge [sflag:s6], $0xC800  }
0x318: {  	[sflag:s6] =	ssyncset.done $0x0  }
0x319: {  	s12 =	rddreg [dreg:$0x17];
	[sflag:s6] =	ssyncadd.s32 $0xFFFF3800  }
0x31a: {  	[hbm4b:s12+s2] =	stream.linear.scatter [tilespmem:s4], [sflag:$0x3], $0xC800, $0x38;
	[tilespmem:$0x1DB40] =	vst v63  }
0x31b: {  	_ =	swait.ge [sflag:s15], $0xC800  }
0x31c: {  	[sflag:s15] =	ssyncset.done $0x0  }
0x31d: {  	[sflag:s15] =	ssyncadd.s32 $0xFFFF3800  }
0x31e: {  	_ =	swait.ge [sflag:s15], $0xC800  }
0x31f: {  	[sflag:s15] =	ssyncset.done $0x0  }
0x320: {  	s21 =	rddreg [dreg:$0x18];
	[sflag:s15] =	ssyncadd.s32 $0xFFFF3800  }
0x321: {  	[hbm4b:s21+s2] =	stream.linear.scatter [tilespmem:s14], [sflag:$0x6], $0xC800, $0x38;
	[tilespmem:$0x1DB40] =	vst v63  }
0x322: {  	_ =	swait.ge [sflag:s7], $0xC800  }
0x323: {  	[sflag:s7] =	ssyncset.done $0x0  }
0x324: {  	[sflag:s7] =	ssyncadd.s32 $0xFFFF3800  }
0x325: {  	_ =	swait.ge [sflag:s18], $0xC800  }
0x326: {  	[sflag:s18] =	ssyncset.done $0x0  }
0x327: {  	s29 =	simm.s32 $0x640;
	[sflag:s18] =	ssyncadd.s32 $0xFFFF3800  }
0x328: {  	[tilespmem:s4], [sflag:$0x1] =	stream.indirect.gather [hbm4b:s8+s19], $0x40, s29, s19, $0xb8;
	[tilespmem:$0x1DB40] =	vst v63  }
0x329: {  	s24 =	simm.s32 $0x2BC0  }
0x32a: {  	[tilespmem:s14], [sflag:$0x4] =	stream.indirect.gather [hbm4b:s8+s19], $0x40, s24, s19, $0xb8;
	[tilespmem:$0x1DB40] =	vst v63  }
0x32b: {  	_ =	swait.ge [sflag:s5], $0xC800  }
0x32c: {  	[sflag:s5] =	ssyncset.done $0x0  }
0x32d: {  	s26 =	simm.s32 $0x12C0;
	[sflag:s5] =	ssyncadd.s32 $0xFFFF3800  }
0x32e: {  	[tilespmem:s4], [sflag:$0x2] =	stream.indirect.gather.add.f32 [hbm:s9], $0x40, s26, s19, $0xb8;
	[tilespmem:$0x1DB40] =	vst v63  }
0x32f: {  	s28 =	simm.s32 $0x1F40  }
0x330: {  	[tilespmem:s4], [sflag:$0x2] =	stream.indirect.gather.add.f32 [hbm:s10], $0x40, s28, s19, $0xb8;
	[tilespmem:$0x1DB40] =	vst v63  }
0x331: {  	_ =	swait.ge [sflag:s20], $0xC800  }
0x332: {  	s22 =	sld [smem:$0x7FA]  }
0x333: {  	[sflag:s20] =	ssyncset.done $0x0  }
0x334: {  	s23 =	sld [smem:$0x7FB];
	[sflag:s20] =	ssyncadd.s32 $0xFFFF3800  }
0x335: {  	[tilespmem:s14], [sflag:$0x5] =	stream.indirect.gather.add.f32 [hbm:s9], $0x40, s22, s19, $0xb8;
	[tilespmem:$0x1DB40] =	vst v63  }
0x336: {  	_ = 	snop  }
0x337: {  	[tilespmem:s14], [sflag:$0x5] =	stream.indirect.gather.add.f32 [hbm:s10], $0x40, s23, s19, $0xb8;
	[tilespmem:$0x1DB40] =	vst v63  }
0x338: {  	_ =	swait.ge [sflag:s6], $0xC800  }
0x339: {  	[sflag:s6] =	ssyncset.done $0x0  }
0x33a: {  	[sflag:s6] =	ssyncadd.s32 $0xFFFF3800  }
0x33b: {  	_ =	swait.ge [sflag:s6], $0xC800  }
0x33c: {  	[sflag:s6] =	ssyncset.done $0x0  }
0x33d: {  	s25 =	rddreg [dreg:$0x19];
	[sflag:s6] =	ssyncadd.s32 $0xFFFF3800  }
0x33e: {  	[hbm4b:s25+s2] =	stream.linear.scatter [tilespmem:s4], [sflag:$0x3], $0xC800, $0x38;
	[tilespmem:$0x1DB40] =	vst v63  }
0x33f: {  	_ =	swait.ge [sflag:s15], $0xC800  }
0x340: {  	[sflag:s15] =	ssyncset.done $0x0  }
0x341: {  	[sflag:s15] =	ssyncadd.s32 $0xFFFF3800  }
0x342: {  	_ =	swait.ge [sflag:s15], $0xC800  }
0x343: {  	[sflag:s15] =	ssyncset.done $0x0  }
0x344: {  	s12 =	rddreg [dreg:$0x1a];
	[sflag:s15] =	ssyncadd.s32 $0xFFFF3800  }
0x345: {  	[hbm4b:s12+s2] =	stream.linear.scatter [tilespmem:s14], [sflag:$0x6], $0xC800, $0x38;
	[tilespmem:$0x1DB40] =	vst v63  }
0x346: {  	_ =	swait.ge [sflag:s7], $0xC800  }
0x347: {  	[sflag:s7] =	ssyncset.done $0x0  }
0x348: {  	[sflag:s7] =	ssyncadd.s32 $0xFFFF3800  }
0x349: {  	_ =	swait.ge [sflag:s18], $0xC800  }
0x34a: {  	[sflag:s18] =	ssyncset.done $0x0  }
0x34b: {  	s12 =	simm.s32 $0x960;
	[sflag:s18] =	ssyncadd.s32 $0xFFFF3800  }
0x34c: {  	[tilespmem:s4], [sflag:$0x1] =	stream.indirect.gather [hbm4b:s8+s19], $0x40, s12, s19, $0xb8;
	[tilespmem:$0x1DB40] =	vst v63  }
0x34d: {  	s25 =	simm.s32 $0x2EE0  }
0x34e: {  	[tilespmem:s14], [sflag:$0x4] =	stream.indirect.gather [hbm4b:s8+s19], $0x40, s25, s19, $0xb8;
	[tilespmem:$0x1DB40] =	vst v63  }
0x34f: {  	_ =	swait.ge [sflag:s5], $0xC800  }
0x350: {  	[sflag:s5] =	ssyncset.done $0x0  }
0x351: {  	s22 =	simm.s32 $0x15E0;
	[sflag:s5] =	ssyncadd.s32 $0xFFFF3800  }
0x352: {  	[tilespmem:s4], [sflag:$0x2] =	stream.indirect.gather.add.f32 [hbm:s9], $0x40, s22, s19, $0xb8;
	[tilespmem:$0x1DB40] =	vst v63  }
0x353: {  	s23 =	simm.s32 $0x2260  }
0x354: {  	[tilespmem:s4], [sflag:$0x2] =	stream.indirect.gather.add.f32 [hbm:s10], $0x40, s23, s19, $0xb8;
	[tilespmem:$0x1DB40] =	vst v63  }
0x355: {  	_ =	swait.ge [sflag:s20], $0xC800  }
0x356: {  	s17 =	sld [smem:$0x7FC]  }
0x357: {  	[sflag:s20] =	ssyncset.done $0x0  }
0x358: {  	s21 =	sld [smem:$0x7FD];
	[sflag:s20] =	ssyncadd.s32 $0xFFFF3800  }
0x359: {  	[tilespmem:s14], [sflag:$0x5] =	stream.indirect.gather.add.f32 [hbm:s9], $0x40, s17, s19, $0xb8;
	[tilespmem:$0x1DB40] =	vst v63  }
0x35a: {  	_ = 	snop  }
0x35b: {  	[tilespmem:s14], [sflag:$0x5] =	stream.indirect.gather.add.f32 [hbm:s10], $0x40, s21, s19, $0xb8;
	[tilespmem:$0x1DB40] =	vst v63  }
0x35c: {  	_ =	swait.ge [sflag:s6], $0xC800  }
0x35d: {  	[sflag:s6] =	ssyncset.done $0x0  }
0x35e: {  	[sflag:s6] =	ssyncadd.s32 $0xFFFF3800  }
0x35f: {  	_ =	swait.ge [sflag:s6], $0xC800  }
0x360: {  	[sflag:s6] =	ssyncset.done $0x0  }
0x361: {  	s21 =	rddreg [dreg:$0x1b];
	[sflag:s6] =	ssyncadd.s32 $0xFFFF3800  }
0x362: {  	[hbm4b:s21+s2] =	stream.linear.scatter [tilespmem:s4], [sflag:$0x3], $0xC800, $0x38;
	[tilespmem:$0x1DB40] =	vst v63  }
0x363: {  	_ =	swait.ge [sflag:s15], $0xC800  }
0x364: {  	[sflag:s15] =	ssyncset.done $0x0  }
0x365: {  	[sflag:s15] =	ssyncadd.s32 $0xFFFF3800  }
0x366: {  	_ =	swait.ge [sflag:s15], $0xC800  }
0x367: {  	[sflag:s15] =	ssyncset.done $0x0  }
0x368: {  	s21 =	rddreg [dreg:$0x1c];
	[sflag:s15] =	ssyncadd.s32 $0xFFFF3800  }
0x369: {  	[hbm4b:s21+s2] =	stream.linear.scatter [tilespmem:s14], [sflag:$0x6], $0xC800, $0x38;
	[tilespmem:$0x1DB40] =	vst v63  }
0x36a: {  	_ =	swait.ge [sflag:s7], $0xC800  }
0x36b: {  	[sflag:s7] =	ssyncset.done $0x0  }
0x36c: {  	[sflag:s7] =	ssyncadd.s32 $0xFFFF3800  }
0x36d: {  	_ =	swait.ge [sflag:s18], $0xC800  }
0x36e: {  	[sflag:s18] =	ssyncset.done $0x0  }
0x36f: {  	s17 =	rddreg [dreg:$0xc];
	[sflag:s18] =	ssyncadd.s32 $0xFFFF3800  }
0x370: {  	[tilespmem:s2], [sflag:$0x7] =	stream.linear.gather [hbm4b:s17+s2], $0xC80, $0x38;
	[tilespmem:$0x1DB40] =	vst v63  }
0x371: {  	_ =	swait.ge [sflag:s3], $0xC80  }
0x372: {  	[sflag:s3] =	ssyncset.done $0x0  }
0x373: {  	s21 =	rddreg [dreg:$0xd];
	[sflag:s3] =	ssyncadd.s32 $0xFFFFF380  }
0x374: {  	[tilespmem:s30], [sflag:$0x7] =	stream.linear.gather [hbm4b:s21+s2], $0xC80, $0x38;
	[tilespmem:$0x1DB40] =	vst v63  }
0x375: {  	_ =	swait.ge [sflag:s3], $0xC80  }
0x376: {  	[sflag:s3] =	ssyncset.done $0x0  }
0x377: {  	s17 =	rddreg [dreg:$0xe];
	[sflag:s3] =	ssyncadd.s32 $0xFFFFF380  }
0x378: {  	[tilespmem:s31], [sflag:$0x7] =	stream.linear.gather [hbm4b:s17+s2], $0xC80, $0x38;
	[tilespmem:$0x1DB40] =	vst v63  }
0x379: {  	_ =	swait.ge [sflag:s3], $0xC80  }
0x37a: {  	[sflag:s3] =	ssyncset.done $0x0  }
0x37b: {  	s21 =	rddreg [dreg:$0xf];
	[sflag:s3] =	ssyncadd.s32 $0xFFFFF380  }
0x37c: {  	[tilespmem:s13], [sflag:$0x7] =	stream.linear.gather [hbm4b:s21+s2], $0xC80, $0x38;
	[tilespmem:$0x1DB40] =	vst v63  }
0x37d: {  	_ =	swait.ge [sflag:s3], $0xC80  }
0x37e: {  	[sflag:s3] =	ssyncset.done $0x0  }
0x37f: {  	[sflag:s3] =	ssyncadd.s32 $0xFFFFF380  }
0x380: {  	[tilespmem:s4], [sflag:$0x1] =	stream.indirect.gather [hbm4b:s8+s19], $0x40, s2, s19, $0xb8;
	[tilespmem:$0x1DB40] =	vst v63  }
0x381: {  	_ = 	snop  }
0x382: {  	[tilespmem:s14], [sflag:$0x4] =	stream.indirect.gather [hbm4b:s11+s19], $0x40, s13, s19, $0xb8;
	[tilespmem:$0x1DB40] =	vst v63  }
0x383: {  	_ =	swait.ge [sflag:s5], $0xC800  }
0x384: {  	[sflag:s5] =	ssyncset.done $0x0  }
0x385: {  	[sflag:s5] =	ssyncadd.s32 $0xFFFF3800  }
0x386: {  	[tilespmem:s4], [sflag:$0x2] =	stream.indirect.gather.add.f32 [hbm:s9], $0x40, s30, s19, $0xb8;
	[tilespmem:$0x1DB40] =	vst v63  }
0x387: {  	_ = 	snop  }
0x388: {  	[tilespmem:s4], [sflag:$0x2] =	stream.indirect.gather.add.f32 [hbm:s10], $0x40, s31, s19, $0xb8;
	[tilespmem:$0x1DB40] =	vst v63  }
0x389: {  	_ =	swait.ge [sflag:s20], $0xC800  }
0x38a: {  	[sflag:s20] =	ssyncset.done $0x0  }
0x38b: {  	[sflag:s20] =	ssyncadd.s32 $0xFFFF3800  }
0x38c: {  	_ =	swait.ge [sflag:s6], $0xC800  }
0x38d: {  	[sflag:s6] =	ssyncset.done $0x0  }
0x38e: {  	[sflag:s6] =	ssyncadd.s32 $0xFFFF3800  }
0x38f: {  	_ =	swait.ge [sflag:s6], $0xC800  }
0x390: {  	[sflag:s6] =	ssyncset.done $0x0  }
0x391: {  	s30 =	rddreg [dreg:$0x1d];
	[sflag:s6] =	ssyncadd.s32 $0xFFFF3800  }
0x392: {  	[hbm4b:s30+s2] =	stream.linear.scatter [tilespmem:s4], [sflag:$0x3], $0xC800, $0x38;
	[tilespmem:$0x1DB40] =	vst v63  }
0x393: {  	s31 =	rddreg [dreg:$0x1e]  }
0x394: {  	[hbm4b:s31+s2] =	stream.linear.scatter [tilespmem:s14], [sflag:$0x6], $0xC800, $0x38;
	[tilespmem:$0x1DB40] =	vst v63  }
0x395: {  	_ =	swait.ge [sflag:s7], $0xC800  }
0x396: {  	[sflag:s7] =	ssyncset.done $0x0  }
0x397: {  	[sflag:s7] =	ssyncadd.s32 $0xFFFF3800  }
0x398: {  	_ =	swait.ge [sflag:s18], $0xC800  }
0x399: {  	[sflag:s18] =	ssyncset.done $0x0  }
0x39a: {  	[sflag:s18] =	ssyncadd.s32 $0xFFFF3800  }
0x39b: {  	[tilespmem:s4], [sflag:$0x1] =	stream.indirect.gather [hbm4b:s8+s19], $0x40, s19, s19, $0xb8;
	[tilespmem:$0x1DB40] =	vst v63  }
0x39c: {  	s15 =	simm.s32 $0x28A0  }
0x39d: {  	[tilespmem:s14], [sflag:$0x4] =	stream.indirect.gather [hbm4b:s11+s19], $0x40, s15, s19, $0xb8;
	[tilespmem:$0x1DB40] =	vst v63  }
0x39e: {  	_ =	swait.ge [sflag:s5], $0xC800  }
0x39f: {  	[sflag:s5] =	ssyncset.done $0x0  }
0x3a0: {  	[sflag:s5] =	ssyncadd.s32 $0xFFFF3800  }
0x3a1: {  	[tilespmem:s4], [sflag:$0x2] =	stream.indirect.gather.add.f32 [hbm:s9], $0x40, s0, s19, $0xb8;
	[tilespmem:$0x1DB40] =	vst v63  }
0x3a2: {  	_ = 	snop  }
0x3a3: {  	[tilespmem:s4], [sflag:$0x2] =	stream.indirect.gather.add.f32 [hbm:s10], $0x40, s1, s19, $0xb8;
	[tilespmem:$0x1DB40] =	vst v63  }
0x3a4: {  	_ =	swait.ge [sflag:s20], $0xC800  }
0x3a5: {  	[sflag:s20] =	ssyncset.done $0x0  }
0x3a6: {  	[sflag:s20] =	ssyncadd.s32 $0xFFFF3800  }
0x3a7: {  	_ =	swait.ge [sflag:s6], $0xC800  }
0x3a8: {  	[sflag:s6] =	ssyncset.done $0x0  }
0x3a9: {  	[sflag:s6] =	ssyncadd.s32 $0xFFFF3800  }
0x3aa: {  	_ =	swait.ge [sflag:s6], $0xC800  }
0x3ab: {  	s17 =	rddreg [dreg:$0x1f];
	[sflag:s6] =	ssyncset.done $0x0  }
0x3ac: {  	s21 =	sld [smem:$0x7F3];
	[sflag:s6] =	ssyncadd.s32 $0xFFFF3800  }
0x3ad: {  	[hbm4b:s17+s2] =	stream.linear.scatter [tilespmem:s4], [sflag:$0x3], $0xC800, $0x38;
	[tilespmem:$0x1DB40] =	vst v63  }
0x3ae: {  	_ = 	snop  }
0x3af: {  	[hbm4b:s21+s2] =	stream.linear.scatter [tilespmem:s14], [sflag:$0x6], $0xC800, $0x38;
	[tilespmem:$0x1DB40] =	vst v63  }
0x3b0: {  	_ =	swait.ge [sflag:s7], $0xC800  }
0x3b1: {  	[sflag:s7] =	ssyncset.done $0x0  }
0x3b2: {  	[sflag:s7] =	ssyncadd.s32 $0xFFFF3800  }
0x3b3: {  	_ =	swait.ge [sflag:s18], $0xC800  }
0x3b4: {  	[sflag:s18] =	ssyncset.done $0x0  }
0x3b5: {  	[sflag:s18] =	ssyncadd.s32 $0xFFFF3800  }
0x3b6: {  	[tilespmem:s4], [sflag:$0x1] =	stream.indirect.gather [hbm4b:s8+s19], $0x40, s29, s19, $0xb8;
	[tilespmem:$0x1DB40] =	vst v63  }
0x3b7: {  	_ = 	snop  }
0x3b8: {  	[tilespmem:s14], [sflag:$0x4] =	stream.indirect.gather [hbm4b:s11+s19], $0x40, s24, s19, $0xb8;
	[tilespmem:$0x1DB40] =	vst v63  }
0x3b9: {  	_ =	swait.ge [sflag:s5], $0xC800  }
0x3ba: {  	[sflag:s5] =	ssyncset.done $0x0  }
0x3bb: {  	[sflag:s5] =	ssyncadd.s32 $0xFFFF3800  }
0x3bc: {  	[tilespmem:s4], [sflag:$0x2] =	stream.indirect.gather.add.f32 [hbm:s9], $0x40, s26, s19, $0xb8;
	[tilespmem:$0x1DB40] =	vst v63  }
0x3bd: {  	_ = 	snop  }
0x3be: {  	[tilespmem:s4], [sflag:$0x2] =	stream.indirect.gather.add.f32 [hbm:s10], $0x40, s28, s19, $0xb8;
	[tilespmem:$0x1DB40] =	vst v63  }
0x3bf: {  	_ =	swait.ge [sflag:s20], $0xC800  }
0x3c0: {  	[sflag:s20] =	ssyncset.done $0x0  }
0x3c1: {  	[sflag:s20] =	ssyncadd.s32 $0xFFFF3800  }
0x3c2: {  	_ =	swait.ge [sflag:s6], $0xC800  }
0x3c3: {  	[sflag:s6] =	ssyncset.done $0x0  }
0x3c4: {  	[sflag:s6] =	ssyncadd.s32 $0xFFFF3800  }
0x3c5: {  	_ =	swait.ge [sflag:s6], $0xC800  }
0x3c6: {  	s30 =	sld [smem:$0x7F4]  }
0x3c7: {  	[sflag:s6] =	ssyncset.done $0x0  }
0x3c8: {  	s31 =	sld [smem:$0x7F5];
	[sflag:s6] =	ssyncadd.s32 $0xFFFF3800  }
0x3c9: {  	[hbm4b:s30+s2] =	stream.linear.scatter [tilespmem:s4], [sflag:$0x3], $0xC800, $0x38;
	[tilespmem:$0x1DB40] =	vst v63  }
0x3ca: {  	_ = 	snop  }
0x3cb: {  	[hbm4b:s31+s2] =	stream.linear.scatter [tilespmem:s14], [sflag:$0x6], $0xC800, $0x38;
	[tilespmem:$0x1DB40] =	vst v63  }
0x3cc: {  	_ =	swait.ge [sflag:s7], $0xC800  }
0x3cd: {  	[sflag:s7] =	ssyncset.done $0x0  }
0x3ce: {  	[sflag:s7] =	ssyncadd.s32 $0xFFFF3800  }
0x3cf: {  	_ =	swait.ge [sflag:s18], $0xC800  }
0x3d0: {  	[sflag:s18] =	ssyncset.done $0x0  }
0x3d1: {  	[sflag:s18] =	ssyncadd.s32 $0xFFFF3800  }
0x3d2: {  	[tilespmem:s4], [sflag:$0x1] =	stream.indirect.gather [hbm4b:s8+s19], $0x40, s12, s19, $0xb8;
	[tilespmem:$0x1DB40] =	vst v63  }
0x3d3: {  	_ = 	snop  }
0x3d4: {  	[tilespmem:s14], [sflag:$0x4] =	stream.indirect.gather [hbm4b:s11+s19], $0x40, s25, s19, $0xb8;
	[tilespmem:$0x1DB40] =	vst v63  }
0x3d5: {  	_ =	swait.ge [sflag:s5], $0xC800  }
0x3d6: {  	[sflag:s5] =	ssyncset.done $0x0  }
0x3d7: {  	[sflag:s5] =	ssyncadd.s32 $0xFFFF3800  }
0x3d8: {  	[tilespmem:s4], [sflag:$0x2] =	stream.indirect.gather.add.f32 [hbm:s9], $0x40, s22, s19, $0xb8;
	[tilespmem:$0x1DB40] =	vst v63  }
0x3d9: {  	_ = 	snop  }
0x3da: {  	[tilespmem:s4], [sflag:$0x2] =	stream.indirect.gather.add.f32 [hbm:s10], $0x40, s23, s19, $0xb8;
	[tilespmem:$0x1DB40] =	vst v63  }
0x3db: {  	_ =	swait.ge [sflag:s20], $0xC800  }
0x3dc: {  	[sflag:s20] =	ssyncset.done $0x0  }
0x3dd: {  	[sflag:s20] =	ssyncadd.s32 $0xFFFF3800  }
0x3de: {  	_ =	swait.ge [sflag:s6], $0xC800  }
0x3df: {  	[sflag:s6] =	ssyncset.done $0x0  }
0x3e0: {  	[sflag:s6] =	ssyncadd.s32 $0xFFFF3800  }
0x3e1: {  	_ =	swait.ge [sflag:s6], $0xC800  }
0x3e2: {  	s13 =	sld [smem:$0x7F6]  }
0x3e3: {  	[sflag:s6] =	ssyncset.done $0x0  }
0x3e4: {  	s15 =	sld [smem:$0x7F7];
	[sflag:s6] =	ssyncadd.s32 $0xFFFF3800  }
0x3e5: {  	[hbm4b:s13+s2] =	stream.linear.scatter [tilespmem:s4], [sflag:$0x3], $0xC800, $0x38;
	[tilespmem:$0x1DB40] =	vst v63  }
0x3e6: {  	_ = 	snop  }
0x3e7: {  	[hbm4b:s15+s2] =	stream.linear.scatter [tilespmem:s14], [sflag:$0x6], $0xC800, $0x38;
	[tilespmem:$0x1DB40] =	vst v63  }
0x3e8: {  	_ =	swait.ge [sflag:s7], $0xC800  }
0x3e9: {  	[sflag:s7] =	ssyncset.done $0x0  }
0x3ea: {  	[sflag:s7] =	ssyncadd.s32 $0xFFFF3800  }
0x3eb: {  	_ =	swait.ge [sflag:s18], $0xC800  }
0x3ec: {  	[sflag:s18] =	ssyncset.done $0x0  }
0x3ed: {  	s17 =	rddreg [dreg:$0x10];
	[sflag:s18] =	ssyncadd.s32 $0xFFFF3800;
	s18 =	simm.s32 $0x1DB00  }
0x3ee: {  	[tilespmem:s18], [sflag:$0x7] =	stream.linear.gather [hbm4b:s17+s2], $0x10, $0x38;
	[tilespmem:$0x1DB40] =	vst v63  }
0x3ef: {  	_ =	swait.ge [sflag:s3], $0x10  }
0x3f0: {  	[sflag:s3] =	ssyncset.done $0x0  }
0x3f1: {  	s20 =	simm.s32 $0x1DB10;
	s19 =	rddreg [dreg:$0x11];
	[sflag:s3] =	ssyncadd.s32 $0xFFFFFFF0  }
0x3f2: {  	[tilespmem:s20], [sflag:$0x7] =	stream.linear.gather [hbm4b:s19+s2], $0x10, $0x38;
	[tilespmem:$0x1DB40] =	vst v63  }
0x3f3: {  	_ =	swait.ge [sflag:s3], $0x10  }
0x3f4: {  	[sflag:s3] =	ssyncset.done $0x0  }
0x3f5: {  	s22 =	simm.s32 $0x1DB20;
	s21 =	rddreg [dreg:$0x12];
	[sflag:s3] =	ssyncadd.s32 $0xFFFFFFF0  }
0x3f6: {  	[tilespmem:s22], [sflag:$0x7] =	stream.linear.gather [hbm4b:s21+s2], $0x10, $0x38;
	[tilespmem:$0x1DB40] =	vst v63  }
0x3f7: {  	_ =	swait.ge [sflag:s3], $0x10  }
0x3f8: {  	[sflag:s3] =	ssyncset.done $0x0  }
0x3f9: {  	s24 =	simm.s32 $0x1DB30;
	s23 =	rddreg [dreg:$0x13];
	[sflag:s3] =	ssyncadd.s32 $0xFFFFFFF0  }
0x3fa: {  	[tilespmem:s24], [sflag:$0x7] =	stream.linear.gather [hbm4b:s23+s2], $0x10, $0x38;
	[tilespmem:$0x1DB40] =	vst v63  }
0x3fb: {  	_ =	swait.ge [sflag:s3], $0x10  }
0x3fc: {  	[sflag:s3] =	ssyncset.done $0x0  }
0x3fd: {  	s25 =	rddreg [dreg:$0x2];
	[sflag:s3] =	ssyncadd.s32 $0xFFFFFFF0  }
0x3fe: {  	[tilespmem:s4], [sflag:$0x1] =	stream.indirect.gather [hbm4b:s25+s16], $0x40, s18, s16, $0xb8;
	[tilespmem:$0x1DB40] =	vst v63  }
0x3ff: {  	_ =	swait.ge [sflag:s5], $0x400  }
0x400: {  	[sflag:s5] =	ssyncset.done $0x0  }
0x401: {  	s26 =	rddreg [dreg:$0x3];
	[sflag:s5] =	ssyncadd.s32 $0xFFFFFC00  }
0x402: {  	[tilespmem:s4], [sflag:$0x1] =	stream.indirect.gather.add.f32 [hbm:s26], $0x40, s20, s16, $0xb8;
	[tilespmem:$0x1DB40] =	vst v63  }
0x403: {  	s28 =	rddreg [dreg:$0x4]  }
0x404: {  	[tilespmem:s4], [sflag:$0x2] =	stream.indirect.gather.add.f32 [hbm:s28], $0x40, s22, s16, $0xb8;
	[tilespmem:$0x1DB40] =	vst v63  }
0x405: {  	s29 =	rddreg [dreg:$0x5]  }
0x406: {  	[tilespmem:s4], [sflag:$0x3] =	stream.indirect.gather.add.f32 [hbm:s29], $0x40, s24, s16, $0xb8;
	[tilespmem:$0x1DB40] =	vst v63  }
0x407: {  	_ =	swait.ge [sflag:s5], $0x400  }
0x408: {  	[sflag:s5] =	ssyncset.done $0x0  }
0x409: {  	[sflag:s5] =	ssyncadd.s32 $0xFFFFFC00  }
0x40a: {  	_ =	swait.ge [sflag:s6], $0x400  }
0x40b: {  	[sflag:s6] =	ssyncset.done $0x0  }
0x40c: {  	[sflag:s6] =	ssyncadd.s32 $0xFFFFFC00  }
0x40d: {  	_ =	swait.ge [sflag:s7], $0x400  }
0x40e: {  	[sflag:s7] =	ssyncset.done $0x0  }
0x40f: {  	s30 =	rddreg [dreg:$0x14];
	[sflag:s7] =	ssyncadd.s32 $0xFFFFFC00  }
0x410: {  	[hbm4b:s30+s2] =	stream.linear.scatter [tilespmem:s4], [sflag:$0x7], $0x400, $0x38;
	[tilespmem:$0x1DB40] =	vst v63  }
0x411: {  	_ =	swait.ge [sflag:s3], $0x400  }
0x412: {  	[sflag:s3] =	ssyncset.done $0x0  }
0x413: {  	[sflag:s3] =	ssyncadd.s32 $0xFFFFFC00  }
0x414: {  	_ =	sfence.sel $0x180000  }
0x415: {  	[bflag:$0x0] =	sbarrier.arrive $0xFFFF  }
0x416: {  	_ =	strace $0x90000047  }
0x417: {  	s31 =	stileid.u32;
	[bflag:$0x2] =	sbarrier.arrive $0xFFFF  }
0x418: {  	p0 =	sne.s32 s31, $0x0;
	s0 =	rddreg [dreg:$0x1]  }
0x419: {  	s0 =	sadd.s32 @!p0 $0x100000, s0  }
0x41a: {  	[sflag:s0] =	ssyncadd.tile.s32 @!p0 $0x1;
	_ =	shalt  }
.LBB2_6:
.Ltmp3:
0x41b: {  	(pc) =	sbr.rel .LBB2_5-.Ltmp3, $2  }
0x41c: {  	_ =	sdelay $0x2  }
0x41d: {  	s24 =	simm.s32 $0x28A0;
	s25 =	simm.s32 $0x3200;
	s29 =	simm.s32 $0x3E80  }
.Lfunc_end2:
_tile_overlayer_lowered:
.L_overlay_start_2:
0x41e: {  	(tag) =	ssettag $0x2  }
0x41f: {  	s0 =	rddreg [dreg:$0x0];
	s2 =	stileid.u32  }
0x420: {  	s1 =	rddreg [dreg:$0x1];
	p0 =	sne.s32 s2, $0x0  }
0x421: {  	s3 =	rddreg [dreg:$0x2];
	[bflag:$0x3] =	sbarrier.arrive $0xFFFF;
	s2 =	simm.s32 @!p0 $0x1C07  }
0x422: {  	[timem:s3], [sflag:s2] =	dma.local @!p0 [hbm:s0], s1  }
0x423: {  	s0 =	simm.s32 @!p0 $0x7  }
0x424: {  	_ =	swait.ge @!p0 [sflag:s0], s1  }
0x425: {  	s1 =	ssub.s32 @!p0 $0x0, s1;
	[sflag:s0] =	ssyncset.done @!p0 $0x0  }
0x426: {  	[sflag:s0] =	ssyncadd.s32 @!p0 s1  }
0x427: {  	[bflag:$0x3] =	sbarrier.arrive $0xFFFF  }
0x428: {  	_ =	shalt  }

// kernel: kernel.9.cloned.1.call-start
scs
__scs_entry_jumppad:
0x0: {  	(pc) =	sbr.rel $0x88, $3  }
0x1: {  	(tag) =	ssettag $0x0;
	lr =	simm.s32 $0x1  }
0x2: {  	[smem:$0x3F85] =	sst lr;
	_ =	strace $0xD0000000  }
0x3: {  	_ = 	snop  }
0x4: {  	_ = 	snop  }
0x5: {  	_ = 	snop  }
0x6: {  	_ = 	snop  }
0x7: {  	_ = 	snop  }
__scs_overlays_trampoline_lowered:
0x8: {  	[smem:$0x3F94] =	sst s0  }
0x9: {  	[smem:$0x3F95] =	sst s1  }
0xa: {  	[smem:$0x3F96] =	sst s2  }
0xb: {  	[smem:$0x3F97] =	sst s3  }
0xc: {  	[smem:$0x3F98] =	sst s4  }
0xd: {  	[smem:$0x3F99] =	sst s5  }
0xe: {  	[smem:$0x3F9A] =	sst s6  }
0xf: {  	[smem:$0x3F9B] =	sst s7  }
0x10: {  	[smem:$0x3F9C] =	sst s8  }
0x11: {  	[smem:$0x3F9D] =	sst s9;
	s0 =	simm.s32 @!p0 $0x0  }
0x12: {  	s1 =	sld [smem:$0x3F83];
	s0 =	simm.s32 @p0 $0x1  }
0x13: {  	[smem:$0x3F9E] =	sst s0;
	s0 =	simm.s32 @!p1 $0x0  }
0x14: {  	s2 =	sld [smem:$0x3F82];
	s0 =	simm.s32 @p1 $0x1  }
0x15: {  	[smem:$0x3F9F] =	sst s0;
	s0 =	simm.s32 @!p2 $0x0  }
0x16: {  	s3 =	sld [smem:$0x3FDB];
	s0 =	simm.s32 @p2 $0x1  }
0x17: {  	s4 =	simm.s32 $0x1BF5;
	[smem:$0x3FA1] =	sst s0  }
0x18: {  	s0 =	sld [smem:$0x3F84];
	_ =	swait.ge [sflag:s4], $0x0  }
0x19: {  	s7 =	sld [smem:$0x3F85]  }
0x1a: {  	s8 =	sadd.s32 $0xFFFFE003, lr  }
0x1b: {  	s9 =	sadd.s32 $0xFFFFFEF7, lr;
	s5 =	simm.s32 $0xFFFFFFFF;
	p2 =	slt.u32 s8, $0xFFFFF086  }
0x1c: {  	p1 =	slt.u32 s9, $0xF7A;
	s5 =	simm.s32 @!p2 $0x0  }
0x1d: {  	s5 =	simm.s32 @p1 $0x1;
	p0 =	seq.s32 s7, s2  }
0x1e: {  	s7 =	smul.u32 @!p0 $0xF7A, s2;
	p2 =	seq.s32 @!p0 s5, $0x0  }
0x1f: {  	s9 =	smul.u32 $0xF7A, s1;
	s8 =	simm.s32 @!p0 $0x1BF5;
	p2 =	por !p2, p0  }
0x20: {  	[sflag:s8] =	ssyncset.s32 @!p0 $0xFFFFF086;
	s6 =	sadd.s32 @!p0 s3, s7;
	s7 =	simm.s32 @!p0 $0x108  }
0x21: {  	s3 =	sadd.s32 s3, s9;
	s6 =	sadd.s32 @!p0 $0x88, s6;
	s7 =	simm.s32 @p2 $0x1082  }
0x22: {  	[simem:s7], [sflag:s8] =	dma.local @!p0 [hbm:s6], $0xF7A  }
0x23: {  	s9 =	sor.u32 $0xD0000000, s2;
	s6 =	simm.s32 $0x108;
	_ =	swait.ge @!p0 [sflag:s8], $0x0  }
0x24: {  	s3 =	sadd.s32 $0x88, s3;
	s6 =	simm.s32 @!p1 $0x1082;
	[sflag:s4] =	ssyncset.s32 $0xFFFFF086  }
0x25: {  	[simem:s6], [sflag:s4] =	dma.local [hbm:s3], $0xF7A  }
0x26: {  	[smem:$0x3F85] =	sst s1;
	(tag) =	ssettag s2;
	_ =	strace s9  }
0x27: {  	s1 =	sld [smem:$0x3F95]  }
0x28: {  	s2 =	sld [smem:$0x3F96]  }
0x29: {  	s4 =	sld [smem:$0x3F98]  }
0x2a: {  	p0 =	seq.s32 s5, $0x0;
	s5 =	sld [smem:$0x3F99]  }
0x2b: {  	s6 =	sld [smem:$0x3F9A]  }
0x2c: {  	s7 =	sld [smem:$0x3F9B]  }
0x2d: {  	s3 =	simm.s32 $0x108;
	s8 =	sld [smem:$0x3F9C]  }
0x2e: {  	s3 =	simm.s32 @!p0 $0x1082;
	s9 =	sld [smem:$0x3F9D]  }
0x2f: {  	lr =	sadd.s32 s0, s3;
	s0 =	sld [smem:$0x3F94]  }
0x30: {  	s3 =	sld [smem:$0x3F97]  }
0x31: {  	[smem:$0x3FA0] =	sst s10  }
0x32: {  	s10 =	sld [smem:$0x3F9E];
	_ =	sdelay $0x3  }
0x33: {  	p0 =	seq.s32 s10, $0x1;
	s10 =	sld [smem:$0x3FA0];
	_ =	sdelay $0x3  }
0x34: {  	[smem:$0x3FA0] =	sst s10  }
0x35: {  	s10 =	sld [smem:$0x3F9F];
	_ =	sdelay $0x3  }
0x36: {  	p1 =	seq.s32 s10, $0x1;
	s10 =	sld [smem:$0x3FA0];
	_ =	sdelay $0x3  }
0x37: {  	[smem:$0x3FA0] =	sst s10  }
0x38: {  	s10 =	sld [smem:$0x3FA1]  }
0x39: {  	_ = 	snop;
	(pc) =	sbr.ind lr, $3  }
0x3a: {  	_ = 	snop  }
0x3b: {  	_ = 	snop  }
0x3c: {  	p2 =	seq.s32 s10, $0x1;
	s10 =	sld [smem:$0x3FA0]  }
0x3d: {  	_ =	shalt  }
0x3e: {  	_ =	shalt  }
0x3f: {  	_ =	shalt  }
0x40: {  	_ =	shalt  }
0x41: {  	_ =	shalt  }
0x42: {  	_ =	shalt  }
0x43: {  	_ =	shalt  }
0x44: {  	_ =	shalt  }
0x45: {  	_ =	shalt  }
0x46: {  	_ =	shalt  }
0x47: {  	_ =	shalt  }
0x48: {  	_ =	shalt  }
0x49: {  	_ =	shalt  }
0x4a: {  	_ =	shalt  }
0x4b: {  	_ =	shalt  }
0x4c: {  	_ =	shalt  }
0x4d: {  	_ =	shalt  }
0x4e: {  	_ =	shalt  }
0x4f: {  	_ =	shalt  }
0x50: {  	_ =	shalt  }
0x51: {  	_ =	shalt  }
0x52: {  	_ =	shalt  }
0x53: {  	_ =	shalt  }
0x54: {  	_ =	shalt  }
0x55: {  	_ =	shalt  }
0x56: {  	_ =	shalt  }
0x57: {  	_ =	shalt  }
0x58: {  	_ =	shalt  }
0x59: {  	_ =	shalt  }
0x5a: {  	_ =	shalt  }
0x5b: {  	_ =	shalt  }
0x5c: {  	_ =	shalt  }
0x5d: {  	_ =	shalt  }
0x5e: {  	_ =	shalt  }
0x5f: {  	_ =	shalt  }
0x60: {  	_ =	shalt  }
0x61: {  	_ =	shalt  }
0x62: {  	_ =	shalt  }
0x63: {  	_ =	shalt  }
0x64: {  	_ =	shalt  }
0x65: {  	_ =	shalt  }
0x66: {  	_ =	shalt  }
0x67: {  	_ =	shalt  }
0x68: {  	_ =	shalt  }
0x69: {  	_ =	shalt  }
0x6a: {  	_ =	shalt  }
0x6b: {  	_ =	shalt  }
0x6c: {  	_ =	shalt  }
0x6d: {  	_ =	shalt  }
0x6e: {  	_ =	shalt  }
0x6f: {  	_ =	shalt  }
0x70: {  	_ =	shalt  }
0x71: {  	_ =	shalt  }
0x72: {  	_ =	shalt  }
0x73: {  	_ =	shalt  }
0x74: {  	_ =	shalt  }
0x75: {  	_ =	shalt  }
0x76: {  	_ =	shalt  }
0x77: {  	_ =	shalt  }
0x78: {  	_ =	shalt  }
0x79: {  	_ =	shalt  }
0x7a: {  	_ =	shalt  }
0x7b: {  	_ =	shalt  }
0x7c: {  	_ =	shalt  }
0x7d: {  	_ =	shalt  }
0x7e: {  	_ =	shalt  }
0x7f: {  	_ =	shalt  }
0x80: {  	_ =	shalt  }
0x81: {  	_ =	shalt  }
0x82: {  	_ =	shalt  }
0x83: {  	_ =	shalt  }
0x84: {  	_ =	shalt  }
0x85: {  	_ =	shalt  }
0x86: {  	_ =	shalt  }
0x87: {  	_ =	shalt  }
.Lfunc_end0:
.L_simem_size_0:
called_computation.1_lowered:
.L_overlay_start_0:
0x88: {  	s2 =	sld [smem:$0x3FD9]  }
0x89: {  	s3 =	sld [smem:$0x3FFE];
	_ =	sdelay $0x1  }
0x8a: {  	s1 =	srdreg.scid  }
0x8b: {  	s0 =	sand.u32 $0x1, s1  }
0x8c: {  	s17 =	sshll.u32 s0, $0xA;
	s2 =	sadd.s32 s3, s2  }
0x8d: {  	s2 =	sadd.s32 s2, s17  }
0x8e: {  	[smem:$0x3FAC] =	sst s2  }
0x8f: {  	_ = 	snop  }
0x90: {  	(tm) =	ssettm $0x1  }
0x91: {  	s18 =	sld [smem:$0x3FFB];
	_ =	sdelay $0x3  }
0x92: {  	_ =	strace s18  }
0x93: {  	s2 =	sld [smem:$0x3FFC];
	_ =	sdelay $0x3  }
0x94: {  	_ =	strace s2  }
0x95: {  	s2 =	sld [smem:$0x3FFD];
	_ =	sdelay $0x3  }
0x96: {  	_ =	strace s2  }
0x97: {  	_ =	strace $0x8FFFFFFF  }
0x98: {  	s19 =	sld [smem:$0x3FDB];
	_ =	sdelay $0x1  }
0x99: {  	s20 =	simm.s32 $_scs_section_size  }
0x9a: {  	s4 =	simm.s32 $_size__tile_overlayer_lowered;
	s5 =	simm.s32 $_tile_overlayer_lowered  }
0x9b: {  	s6 =	simm.s32 $0x1BFF;
	s21 =	sshll.u32 s5, $0x1;
	s3 =	sadd.s32 s20, s19  }
0x9c: {  	s22 =	simm.s32 $0x0;
	s4 =	sshll.u32 s4, $0x1;
	s5 =	sadd.s32 s21, s3  }
0x9d: {  	[timem:s22], [sflag:s6] =	dma.local [hbm:s5], s4  }
0x9e: {  	_ =	swait.ge [sflag:s6], s4  }
0x9f: {  	s4 =	ssub.s32 $0x0, s4;
	[sflag:s6] =	ssyncset.done $0x0  }
0xa0: {  	[sflag:s6] =	ssyncadd.s32 s4;
	_ =	sdelay $0x1  }
0xa1: {  	s23 =	simm.s32 $0x1B8B  }
0xa2: {  	_ =	swait.ge [sflag:s23], $0x1  }
0xa3: {  	[sflag:s23] =	ssyncset.done $0x0  }
0xa4: {  	[sflag:s23] =	ssyncadd.s32 $0xFFFFFFFF  }
0xa5: {  	s4 =	sld [smem:$0x0]  }
0xa6: {  	s5 =	sand.u32 $0xFFFFFFFE, s1  }
0xa7: {  	p0 =	sne.s32 s1, s5  }
0xa8: {  	s5 =	sshll.u32 @p0 s5, $0xE  }
0xa9: {  	s5 =	sadd.s32 @p0 $0x11B8D, s5;
	s6 =	sshll.u32 @p0 s4, $0x11  }
0xaa: {  	s5 =	sor.u32 @p0 s6, s5  }
0xab: {  	[sflag:s5] =	ssyncadd.remote.s32 @p0 $0x1;
	_ =	sdelay $0x1  }
0xac: {  	s5 =	simm.s32 @p0 $0x1B8D  }
0xad: {  	_ =	swait.eq @p0 [sflag:s5], $0x1  }
0xae: {  	[sflag:s5] =	ssyncadd.s32 @p0 $0xFFFFFFFF  }
0xaf: {  	s6 =	sshll.u32 @!p0 s1, $0xE  }
0xb0: {  	s6 =	sor.u32 @!p0 $0x4000, s6;
	s5 =	simm.s32 @!p0 $0x1B8D  }
0xb1: {  	s4 =	sshll.u32 @!p0 s4, $0x11;
	s6 =	sadd.s32 @!p0 $0x11B8D, s6;
	_ =	swait.eq @!p0 [sflag:s5], $0x1  }
0xb2: {  	s4 =	sor.u32 @!p0 s4, s6;
	[sflag:s5] =	ssyncadd.s32 @!p0 $0xFFFFFFFF  }
0xb3: {  	s25 =	simm.s32 $0x1B8E;
	s24 =	sld [smem:$0x3FFE];
	[sflag:s4] =	ssyncadd.remote.s32 @!p0 $0x1  }
0xb4: {  	s26 =	simm.s32 $execute0_lowered;
	[smem:$0x3FD2] =	sst s25  }
0xb5: {  	s5 =	sshll.u32 s26, $0x1;
	_ =	strace $0x80000049;
	[dreg:$0x1] =	wrdreg $0xFFFFFFFF  }
0xb6: {  	s28 =	simm.s32 $_size_execute0_lowered;
	s3 =	sadd.s32 s3, s5;
	[dreg:$0x0] =	wrdreg $0x0  }
0xb7: {  	s5 =	sshll.u32 s28, $0x1;
	[dreg:$0x2] =	wrdreg s3  }
0xb8: {  	[dreg:$0x3] =	wrdreg s5  }
0xb9: {  	[dreg:$0x4] =	wrdreg $0xC0  }
0xba: {  	_ =	task [dreg:s22], $0x5FFFF  }
0xbb: {  	[dreg:$0x1] =	wrdreg $0xFFFFFFFF  }
0xbc: {  	[dreg:$0x0] =	wrdreg $0x60  }
0xbd: {  	[dreg:$0x2] =	wrdreg s24  }
0xbe: {  	[dreg:$0x3] =	wrdreg $0xA  }
0xbf: {  	_ =	task.clear_ibuf [dreg:s22], $0x4FFFF;
	_ =	strace $0x90000049  }
0xc0: {  	s29 =	simm.s32 $0xA;
	_ =	strace $0x8000004B  }
0xc1: {  	_ =	swait.ge [sflag:s29], $0x1  }
0xc2: {  	[sflag:s29] =	ssyncadd.s32 $0xFFFFFFFF  }
0xc3: {  	_ =	strace $0x9000004B  }
0xc4: {  	_ =	sfence  }
0xc5: {  	s30 =	sld [smem:$0x0];
	_ =	sdelay $0x2  }
0xc6: {  	s31 =	sshll.u32 s1, $0xD;
	s1 =	sshrl.u32 s1, $0x2  }
0xc7: {  	s4 =	sand.u32 $0x4000, s31;
	s1 =	sadd.s32 s1, s30  }
0xc8: {  	s0 =	sor.u32 s4, s0;
	s1 =	sshll.u32 s1, $0x11  }
0xc9: {  	s0 =	sor.u32 s1, s0  }
0xca: {  	s0 =	sadd.s32 $0x8F2B, s0  }
0xcb: {  	[sflag:s0] =	ssyncadd.remote.s32 $0x1  }
0xcc: {  	_ =	sfence.sel $0xFFFF  }
0xcd: {  	[dreg:$0x0] =	wrdreg $0xFFFFFFFF;
	(pc) =	sbr.abs _section_cstart, $3  }
0xce: {  	[dreg:$0x1] =	wrdreg $0xFFFFFFFF  }
0xcf: {  	_ =	task.clear_ibuf [dreg:s22], $0x2FFFF;
	_ =	strace $0x9FFFFFFF  }
0xd0: {  	(tm) =	ssettm $0x7FFFFFFF  }
0xd1: {  	_ =	shalt  }
tec
execute0_lowered:
.L_overlay_start_1:
0x0: {  	(tag) =	ssettag $0x1  }
0x1: {  	s0 =	rddreg [dreg:$0x0]  }
0x2: {  	s2 =	simm.s32 $0x0;
	s1 =	srdreg.scid;
	s3 =	stileid.u32  }
0x3: {  	[smem:$0x7FF] =	sst s2;
	s1 =	sand.u32 $0x1, s1;
	s3 =	sshll.u32 s3, $0x1  }
0x4: {  	s4 =	sadd.s32 $0x18E800, s0;
	s19 =	sadd.s32 $0x55400, s0;
	s3 =	sor.u32 s1, s3  }
0x5: {  	_ =	strace $0x8000004A;
	[dreg:$0x2] =	wrdreg s4;
	s5 =	smul.u32 $0x190, s3  }
0x6: {  	s20 =	sadd.s32 $0x55800, s0;
	[dreg:$0x3] =	wrdreg s19  }
0x7: {  	s21 =	sadd.s32 $0x51400, s0;
	[dreg:$0x4] =	wrdreg s20;
	s5 =	sadd.s32 s5, s0  }
0x8: {  	[dreg:$0x5] =	wrdreg s21;
	s22 =	sadd.s32 $0x144A00, s5  }
0x9: {  	s30 =	simm.s32 $0xC80;
	s23 =	sadd.s32 $0x138200, s5;
	[dreg:$0x6] =	wrdreg s22  }
0xa: {  	s31 =	simm.s32 $0x1900;
	s24 =	sadd.s32 $0x135000, s5;
	[dreg:$0x7] =	wrdreg s23  }
0xb: {  	s29 =	simm.s32 $0x3E80;
	s25 =	sadd.s32 $0x141800, s5;
	[dreg:$0x8] =	wrdreg s24  }
0xc: {  	p0 =	por $0x0, $0x0;
	s26 =	sadd.s32 $0x131E00, s5;
	[dreg:$0x9] =	wrdreg s25  }
0xd: {  	s15 =	sadd.s32 $0x56D400, s0;
	s28 =	sadd.s32 $0x12EC00, s5;
	[dreg:$0xa] =	wrdreg s26  }
0xe: {  	s17 =	sadd.s32 $0x635400, s0;
	s6 =	sadd.s32 $0x13E600, s5;
	[dreg:$0xb] =	wrdreg s28  }
0xf: {  	s1 =	ssub.s32 $0x2, s1;
	s7 =	sadd.s32 $0x12BA00, s5;
	[dreg:$0xc] =	wrdreg s6  }
0x10: {  	s4 =	simm.s32 $0x4B00;
	s8 =	sadd.s32 $0x128800, s5;
	[dreg:$0xd] =	wrdreg s7  }
0x11: {  	s11 =	sshll.u32 s3, $0x7;
	s9 =	sadd.s32 $0x13B400, s5;
	[dreg:$0xe] =	wrdreg s8  }
0x12: {  	s5 =	sadd.s32 s11, s0;
	s6 =	sshll.u32 s3, $0x1;
	[dreg:$0xf] =	wrdreg s9  }
0x13: {  	s3 =	smul.u32 $0x6400, s3;
	s16 =	sadd.s32 $0x147E00, s5;
	s6 =	sadd.s32 s6, s0  }
0x14: {  	s8 =	sadd.s32 $0x251E00, s0;
	[dreg:$0x14] =	wrdreg s16;
	s10 =	sadd.s32 $0x147C00, s6  }
0x15: {  	s25 =	sadd.s32 $0x6FD400, s0;
	s12 =	sadd.s32 $0x128600, s6;
	[dreg:$0x10] =	wrdreg s10  }
0x16: {  	s28 =	sadd.s32 $0x7C5400, s0;
	s13 =	sadd.s32 $0x128400, s6;
	[dreg:$0x11] =	wrdreg s12  }
0x17: {  	s9 =	sadd.s32 $0x53400, s0;
	s14 =	sadd.s32 $0x128200, s6;
	[dreg:$0x12] =	wrdreg s13  }
0x18: {  	s5 =	simm.s32 $0x1;
	s18 =	sadd.s32 s15, s3;
	[dreg:$0x13] =	wrdreg s14  }
0x19: {  	s19 =	sadd.s32 s17, s3;
	s7 =	sadd.s32 $0x1900, s3;
	[dreg:$0x15] =	wrdreg s18  }
0x1a: {  	s11 =	sadd.s32 s25, s3;
	s6 =	simm.s32 $0x2;
	[dreg:$0x16] =	wrdreg s19  }
0x1b: {  	s20 =	sadd.s32 s15, s7;
	s21 =	sadd.s32 s17, s7;
	[dreg:$0x1d] =	wrdreg s11  }
0x1c: {  	s12 =	sadd.s32 $0x3200, s3;
	s13 =	sadd.s32 $0x4B00, s3;
	[dreg:$0x17] =	wrdreg s20  }
0x1d: {  	s3 =	sadd.s32 s28, s3;
	s10 =	sadd.s32 $0x27C00, s0;
	[dreg:$0x18] =	wrdreg s21  }
0x1e: {  	s14 =	sadd.s32 s25, s7;
	s11 =	sadd.s32 $0x7C00, s0;
	[dreg:$0x1e] =	wrdreg s3  }
0x1f: {  	s22 =	sadd.s32 s15, s12;
	s23 =	sadd.s32 s17, s12;
	[dreg:$0x1f] =	wrdreg s14  }
0x20: {  	s24 =	sadd.s32 s15, s13;
	s26 =	sadd.s32 s17, s13;
	[dreg:$0x19] =	wrdreg s22  }
0x21: {  	s15 =	sadd.s32 s28, s7;
	s16 =	sadd.s32 s25, s12;
	[dreg:$0x1a] =	wrdreg s23  }
0x22: {  	s17 =	sshrl.u32 s1, $0x1;
	s18 =	sadd.s32 s28, s12;
	[dreg:$0x1b] =	wrdreg s24  }
0x23: {  	s19 =	sadd.s32 s25, s13;
	s20 =	sadd.s32 s28, s13;
	[dreg:$0x1c] =	wrdreg s26  }
0x24: {  	s3 =	simm.s32 $0x7;
	s13 =	simm.s32 $0x2580;
	[smem:$0x7F3] =	sst s15  }
0x25: {  	s25 =	simm.s32 $0x3200;
	s14 =	simm.s32 $0x11300;
	[smem:$0x7F4] =	sst s16  }
0x26: {  	s21 =	simm.s32 $0x3520;
	s7 =	simm.s32 $0x3;
	[smem:$0x7F5] =	sst s18  }
0x27: {  	s28 =	simm.s32 $0x47E0;
	s1 =	ssub.s32 s1, s17;
	[smem:$0x7F6] =	sst s19  }
0x28: {  	[smem:$0x7F7] =	sst s20;
	s19 =	simm.s32 $0x320;
	s20 =	simm.s32 $0x4  }
0x29: {  	[smem:$0x7F8] =	sst s21;
	s22 =	simm.s32 $0x41A0;
	s16 =	smax.u32 s1, $0x1  }
0x2a: {  	s23 =	simm.s32 $0x3840;
	[smem:$0x7FD] =	sst s28;
	p1 =	sne.s32 s16, $0x1  }
.Ltmp0:
0x2b: {  	s15 =	simm.s32 $0x5;
	[smem:$0x7F9] =	sst s22;
	(pc) =	sbr.rel @!p1 .LBB2_5-.Ltmp0, $4  }
0x2c: {  	s24 =	simm.s32 $0x44C0;
	s26 =	simm.s32 $0x3B60;
	[smem:$0x7FA] =	sst s23  }
0x2d: {  	s18 =	simm.s32 $0x6;
	s21 =	simm.s32 $0xFA0;
	[smem:$0x7FB] =	sst s24  }
0x2e: {  	[smem:$0x7FC] =	sst s26;
	s24 =	simm.s32 $0x28A0;
	s22 =	simm.s32 $0x1C20  }
0x2f: {  	s23 =	rddreg [dreg:$0x6];
	s1 =	sadd.s32 $0xFFFFFFFF, s16;
	s16 =	simm.s32 $0x10  }
0x30: {  	[tilespmem:s2], [sflag:$0x7] =	stream.linear.gather [hbm4b:s23+s2], $0xC80, $0x38;
	[tilespmem:$0x1DB40] =	vst v63  }
0x31: {  	_ =	swait.ge [sflag:s3], $0xC80  }
0x32: {  	[sflag:s3] =	ssyncset.done $0x0  }
0x33: {  	s12 =	rddreg [dreg:$0x7];
	[sflag:s3] =	ssyncadd.s32 $0xFFFFF380  }
0x34: {  	[tilespmem:s30], [sflag:$0x7] =	stream.linear.gather [hbm4b:s12+s2], $0xC80, $0x38;
	[tilespmem:$0x1DB40] =	vst v63  }
0x35: {  	_ =	swait.ge [sflag:s3], $0xC80  }
0x36: {  	[sflag:s3] =	ssyncset.done $0x0  }
0x37: {  	s16 =	rddreg [dreg:$0x8];
	[sflag:s3] =	ssyncadd.s32 $0xFFFFF380  }
0x38: {  	[tilespmem:s31], [sflag:$0x7] =	stream.linear.gather [hbm4b:s16+s2], $0xC80, $0x38;
	[tilespmem:$0x1DB40] =	vst v63  }
0x39: {  	_ =	swait.ge [sflag:s3], $0xC80  }
0x3a: {  	[sflag:s3] =	ssyncset.done $0x0  }
0x3b: {  	s17 =	rddreg [dreg:$0x9];
	[sflag:s3] =	ssyncadd.s32 $0xFFFFF380  }
0x3c: {  	[tilespmem:s13], [sflag:$0x7] =	stream.linear.gather [hbm4b:s17+s2], $0xC80, $0x38;
	[tilespmem:$0x1DB40] =	vst v63  }
0x3d: {  	_ =	swait.ge [sflag:s3], $0xC80  }
0x3e: {  	[sflag:s3] =	ssyncset.done $0x0  }
0x3f: {  	s26 =	rddreg [dreg:$0xa];
	[sflag:s3] =	ssyncadd.s32 $0xFFFFF380  }
0x40: {  	[tilespmem:s25], [sflag:$0x7] =	stream.linear.gather [hbm4b:s26+s2], $0xC80, $0x38;
	[tilespmem:$0x1DB40] =	vst v63  }
0x41: {  	_ =	swait.ge [sflag:s3], $0xC80  }
0x42: {  	[sflag:s3] =	ssyncset.done $0x0  }
0x43: {  	s28 =	rddreg [dreg:$0xb];
	[sflag:s3] =	ssyncadd.s32 $0xFFFFF380  }
0x44: {  	[tilespmem:s29], [sflag:$0x7] =	stream.linear.gather [hbm4b:s28+s2], $0xC80, $0x38;
	[tilespmem:$0x1DB40] =	vst v63  }
0x45: {  	_ =	swait.ge [sflag:s3], $0xC80  }
0x46: {  	[sflag:s3] =	ssyncset.done $0x0  }
0x47: {  	[sflag:s3] =	ssyncadd.s32 $0xFFFFF380  }
0x48: {  	[tilespmem:s4], [sflag:$0x1] =	stream.indirect.gather [hbm4b:s8+s19], $0x40, s2, s19, $0xb8;
	[tilespmem:$0x1DB40] =	vst v63  }
0x49: {  	_ = 	snop  }
0x4a: {  	[tilespmem:s14], [sflag:$0x4] =	stream.indirect.gather [hbm4b:s8+s19], $0x40, s13, s19, $0xb8;
	[tilespmem:$0x1DB40] =	vst v63  }
0x4b: {  	_ =	swait.ge [sflag:s5], $0xC800  }
0x4c: {  	[sflag:s5] =	ssyncset.done $0x0  }
0x4d: {  	[sflag:s5] =	ssyncadd.s32 $0xFFFF3800  }
0x4e: {  	[tilespmem:s4], [sflag:$0x2] =	stream.indirect.gather.add.f32 [hbm:s9], $0x40, s30, s19, $0xb8;
	[tilespmem:$0x1DB40] =	vst v63  }
0x4f: {  	_ = 	snop  }
0x50: {  	[tilespmem:s4], [sflag:$0x2] =	stream.indirect.gather.add.f32 [hbm:s10], $0x40, s31, s19, $0xb8;
	[tilespmem:$0x1DB40] =	vst v63  }
0x51: {  	_ =	swait.ge [sflag:s20], $0xC800  }
0x52: {  	[sflag:s20] =	ssyncset.done $0x0  }
0x53: {  	[sflag:s20] =	ssyncadd.s32 $0xFFFF3800  }
0x54: {  	[tilespmem:s14], [sflag:$0x5] =	stream.indirect.gather.add.f32 [hbm:s9], $0x40, s25, s19, $0xb8;
	[tilespmem:$0x1DB40] =	vst v63  }
0x55: {  	_ = 	snop  }
0x56: {  	[tilespmem:s14], [sflag:$0x5] =	stream.indirect.gather.add.f32 [hbm:s10], $0x40, s29, s19, $0xb8;
	[tilespmem:$0x1DB40] =	vst v63  }
0x57: {  	_ =	swait.ge [sflag:s6], $0xC800  }
0x58: {  	[sflag:s6] =	ssyncset.done $0x0  }
0x59: {  	[sflag:s6] =	ssyncadd.s32 $0xFFFF3800  }
0x5a: {  	_ =	swait.ge [sflag:s6], $0xC800  }
0x5b: {  	[sflag:s6] =	ssyncset.done $0x0  }
0x5c: {  	s29 =	rddreg [dreg:$0x15];
	[sflag:s6] =	ssyncadd.s32 $0xFFFF3800  }
0x5d: {  	[hbm4b:s29+s2] =	stream.linear.scatter [tilespmem:s4], [sflag:$0x3], $0xC800, $0x38;
	[tilespmem:$0x1DB40] =	vst v63  }
0x5e: {  	_ =	swait.ge [sflag:s15], $0xC800  }
0x5f: {  	[sflag:s15] =	ssyncset.done $0x0  }
0x60: {  	[sflag:s15] =	ssyncadd.s32 $0xFFFF3800  }
0x61: {  	_ =	swait.ge [sflag:s15], $0xC800  }
0x62: {  	[sflag:s15] =	ssyncset.done $0x0  }
0x63: {  	s0 =	rddreg [dreg:$0x16];
	[sflag:s15] =	ssyncadd.s32 $0xFFFF3800  }
0x64: {  	[hbm4b:s0+s2] =	stream.linear.scatter [tilespmem:s14], [sflag:$0x6], $0xC800, $0x38;
	[tilespmem:$0x1DB40] =	vst v63  }
0x65: {  	_ =	swait.ge [sflag:s7], $0xC800  }
0x66: {  	[sflag:s7] =	ssyncset.done $0x0  }
0x67: {  	[sflag:s7] =	ssyncadd.s32 $0xFFFF3800  }
0x68: {  	_ =	swait.ge [sflag:s18], $0xC800  }
0x69: {  	[sflag:s18] =	ssyncset.done $0x0  }
0x6a: {  	[sflag:s18] =	ssyncadd.s32 $0xFFFF3800  }
0x6b: {  	[tilespmem:s4], [sflag:$0x1] =	stream.indirect.gather [hbm4b:s8+s19], $0x40, s19, s19, $0xb8;
	[tilespmem:$0x1DB40] =	vst v63  }
0x6c: {  	_ = 	snop  }
0x6d: {  	[tilespmem:s14], [sflag:$0x4] =	stream.indirect.gather [hbm4b:s8+s19], $0x40, s24, s19, $0xb8;
	[tilespmem:$0x1DB40] =	vst v63  }
0x6e: {  	_ =	swait.ge [sflag:s5], $0xC800  }
0x6f: {  	[sflag:s5] =	ssyncset.done $0x0  }
0x70: {  	[sflag:s5] =	ssyncadd.s32 $0xFFFF3800  }
0x71: {  	[tilespmem:s4], [sflag:$0x2] =	stream.indirect.gather.add.f32 [hbm:s9], $0x40, s21, s19, $0xb8;
	[tilespmem:$0x1DB40] =	vst v63  }
0x72: {  	_ = 	snop  }
0x73: {  	[tilespmem:s4], [sflag:$0x2] =	stream.indirect.gather.add.f32 [hbm:s10], $0x40, s22, s19, $0xb8;
	[tilespmem:$0x1DB40] =	vst v63  }
0x74: {  	_ =	swait.ge [sflag:s20], $0xC800  }
0x75: {  	s12 =	sld [smem:$0x7F8]  }
0x76: {  	[sflag:s20] =	ssyncset.done $0x0  }
0x77: {  	s17 =	sld [smem:$0x7F9];
	[sflag:s20] =	ssyncadd.s32 $0xFFFF3800  }
0x78: {  	[tilespmem:s14], [sflag:$0x5] =	stream.indirect.gather.add.f32 [hbm:s9], $0x40, s12, s19, $0xb8;
	[tilespmem:$0x1DB40] =	vst v63  }
0x79: {  	_ = 	snop  }
0x7a: {  	[tilespmem:s14], [sflag:$0x5] =	stream.indirect.gather.add.f32 [hbm:s10], $0x40, s17, s19, $0xb8;
	[tilespmem:$0x1DB40] =	vst v63  }
0x7b: {  	_ =	swait.ge [sflag:s6], $0xC800  }
0x7c: {  	[sflag:s6] =	ssyncset.done $0x0  }
0x7d: {  	[sflag:s6] =	ssyncadd.s32 $0xFFFF3800  }
0x7e: {  	_ =	swait.ge [sflag:s6], $0xC800  }
0x7f: {  	[sflag:s6] =	ssyncset.done $0x0  }
0x80: {  	s21 =	rddreg [dreg:$0x17];
	[sflag:s6] =	ssyncadd.s32 $0xFFFF3800  }
0x81: {  	[hbm4b:s21+s2] =	stream.linear.scatter [tilespmem:s4], [sflag:$0x3], $0xC800, $0x38;
	[tilespmem:$0x1DB40] =	vst v63  }
0x82: {  	_ =	swait.ge [sflag:s15], $0xC800  }
0x83: {  	[sflag:s15] =	ssyncset.done $0x0  }
0x84: {  	[sflag:s15] =	ssyncadd.s32 $0xFFFF3800  }
0x85: {  	_ =	swait.ge [sflag:s15], $0xC800  }
0x86: {  	[sflag:s15] =	ssyncset.done $0x0  }
0x87: {  	s23 =	rddreg [dreg:$0x18];
	[sflag:s15] =	ssyncadd.s32 $0xFFFF3800  }
0x88: {  	[hbm4b:s23+s2] =	stream.linear.scatter [tilespmem:s14], [sflag:$0x6], $0xC800, $0x38;
	[tilespmem:$0x1DB40] =	vst v63  }
0x89: {  	_ =	swait.ge [sflag:s7], $0xC800  }
0x8a: {  	[sflag:s7] =	ssyncset.done $0x0  }
0x8b: {  	[sflag:s7] =	ssyncadd.s32 $0xFFFF3800  }
0x8c: {  	_ =	swait.ge [sflag:s18], $0xC800  }
0x8d: {  	[sflag:s18] =	ssyncset.done $0x0  }
0x8e: {  	s12 =	simm.s32 $0x640;
	[sflag:s18] =	ssyncadd.s32 $0xFFFF3800  }
0x8f: {  	[tilespmem:s4], [sflag:$0x1] =	stream.indirect.gather [hbm4b:s8+s19], $0x40, s12, s19, $0xb8;
	[tilespmem:$0x1DB40] =	vst v63  }
0x90: {  	s17 =	simm.s32 $0x2BC0  }
0x91: {  	[tilespmem:s14], [sflag:$0x4] =	stream.indirect.gather [hbm4b:s8+s19], $0x40, s17, s19, $0xb8;
	[tilespmem:$0x1DB40] =	vst v63  }
0x92: {  	_ =	swait.ge [sflag:s5], $0xC800  }
0x93: {  	[sflag:s5] =	ssyncset.done $0x0  }
0x94: {  	s21 =	simm.s32 $0x12C0;
	[sflag:s5] =	ssyncadd.s32 $0xFFFF3800  }
0x95: {  	[tilespmem:s4], [sflag:$0x2] =	stream.indirect.gather.add.f32 [hbm:s9], $0x40, s21, s19, $0xb8;
	[tilespmem:$0x1DB40] =	vst v63  }
0x96: {  	s28 =	simm.s32 $0x1F40  }
0x97: {  	[tilespmem:s4], [sflag:$0x2] =	stream.indirect.gather.add.f32 [hbm:s10], $0x40, s28, s19, $0xb8;
	[tilespmem:$0x1DB40] =	vst v63  }
0x98: {  	_ =	swait.ge [sflag:s20], $0xC800  }
0x99: {  	s24 =	sld [smem:$0x7FA]  }
0x9a: {  	[sflag:s20] =	ssyncset.done $0x0  }
0x9b: {  	s25 =	sld [smem:$0x7FB];
	[sflag:s20] =	ssyncadd.s32 $0xFFFF3800  }
0x9c: {  	[tilespmem:s14], [sflag:$0x5] =	stream.indirect.gather.add.f32 [hbm:s9], $0x40, s24, s19, $0xb8;
	[tilespmem:$0x1DB40] =	vst v63  }
0x9d: {  	_ = 	snop  }
0x9e: {  	[tilespmem:s14], [sflag:$0x5] =	stream.indirect.gather.add.f32 [hbm:s10], $0x40, s25, s19, $0xb8;
	[tilespmem:$0x1DB40] =	vst v63  }
0x9f: {  	_ =	swait.ge [sflag:s6], $0xC800  }
0xa0: {  	[sflag:s6] =	ssyncset.done $0x0  }
0xa1: {  	[sflag:s6] =	ssyncadd.s32 $0xFFFF3800  }
0xa2: {  	_ =	swait.ge [sflag:s6], $0xC800  }
0xa3: {  	[sflag:s6] =	ssyncset.done $0x0  }
0xa4: {  	s26 =	rddreg [dreg:$0x19];
	[sflag:s6] =	ssyncadd.s32 $0xFFFF3800  }
0xa5: {  	[hbm4b:s26+s2] =	stream.linear.scatter [tilespmem:s4], [sflag:$0x3], $0xC800, $0x38;
	[tilespmem:$0x1DB40] =	vst v63  }
0xa6: {  	_ =	swait.ge [sflag:s15], $0xC800  }
0xa7: {  	[sflag:s15] =	ssyncset.done $0x0  }
0xa8: {  	[sflag:s15] =	ssyncadd.s32 $0xFFFF3800  }
0xa9: {  	_ =	swait.ge [sflag:s15], $0xC800  }
0xaa: {  	[sflag:s15] =	ssyncset.done $0x0  }
0xab: {  	s0 =	rddreg [dreg:$0x1a];
	[sflag:s15] =	ssyncadd.s32 $0xFFFF3800  }
0xac: {  	[hbm4b:s0+s2] =	stream.linear.scatter [tilespmem:s14], [sflag:$0x6], $0xC800, $0x38;
	[tilespmem:$0x1DB40] =	vst v63  }
0xad: {  	_ =	swait.ge [sflag:s7], $0xC800  }
0xae: {  	[sflag:s7] =	ssyncset.done $0x0  }
0xaf: {  	[sflag:s7] =	ssyncadd.s32 $0xFFFF3800  }
0xb0: {  	_ =	swait.ge [sflag:s18], $0xC800  }
0xb1: {  	[sflag:s18] =	ssyncset.done $0x0  }
0xb2: {  	s26 =	simm.s32 $0x960;
	[sflag:s18] =	ssyncadd.s32 $0xFFFF3800  }
0xb3: {  	[tilespmem:s4], [sflag:$0x1] =	stream.indirect.gather [hbm4b:s8+s19], $0x40, s26, s19, $0xb8;
	[tilespmem:$0x1DB40] =	vst v63  }
0xb4: {  	s25 =	simm.s32 $0x2EE0  }
0xb5: {  	[tilespmem:s14], [sflag:$0x4] =	stream.indirect.gather [hbm4b:s8+s19], $0x40, s25, s19, $0xb8;
	[tilespmem:$0x1DB40] =	vst v63  }
0xb6: {  	_ =	swait.ge [sflag:s5], $0xC800  }
0xb7: {  	[sflag:s5] =	ssyncset.done $0x0  }
0xb8: {  	s24 =	simm.s32 $0x15E0;
	[sflag:s5] =	ssyncadd.s32 $0xFFFF3800  }
0xb9: {  	[tilespmem:s4], [sflag:$0x2] =	stream.indirect.gather.add.f32 [hbm:s9], $0x40, s24, s19, $0xb8;
	[tilespmem:$0x1DB40] =	vst v63  }
0xba: {  	s0 =	simm.s32 $0x2260  }
0xbb: {  	[tilespmem:s4], [sflag:$0x2] =	stream.indirect.gather.add.f32 [hbm:s10], $0x40, s0, s19, $0xb8;
	[tilespmem:$0x1DB40] =	vst v63  }
0xbc: {  	_ =	swait.ge [sflag:s20], $0xC800  }
0xbd: {  	s22 =	sld [smem:$0x7FC]  }
0xbe: {  	[sflag:s20] =	ssyncset.done $0x0  }
0xbf: {  	s23 =	sld [smem:$0x7FD];
	[sflag:s20] =	ssyncadd.s32 $0xFFFF3800  }
0xc0: {  	[tilespmem:s14], [sflag:$0x5] =	stream.indirect.gather.add.f32 [hbm:s9], $0x40, s22, s19, $0xb8;
	[tilespmem:$0x1DB40] =	vst v63  }
0xc1: {  	_ = 	snop  }
0xc2: {  	[tilespmem:s14], [sflag:$0x5] =	stream.indirect.gather.add.f32 [hbm:s10], $0x40, s23, s19, $0xb8;
	[tilespmem:$0x1DB40] =	vst v63  }
0xc3: {  	_ =	swait.ge [sflag:s6], $0xC800  }
0xc4: {  	[sflag:s6] =	ssyncset.done $0x0  }
0xc5: {  	[sflag:s6] =	ssyncadd.s32 $0xFFFF3800  }
0xc6: {  	_ =	swait.ge [sflag:s6], $0xC800  }
0xc7: {  	[sflag:s6] =	ssyncset.done $0x0  }
0xc8: {  	s23 =	rddreg [dreg:$0x1b];
	[sflag:s6] =	ssyncadd.s32 $0xFFFF3800  }
0xc9: {  	[hbm4b:s23+s2] =	stream.linear.scatter [tilespmem:s4], [sflag:$0x3], $0xC800, $0x38;
	[tilespmem:$0x1DB40] =	vst v63  }
0xca: {  	_ =	swait.ge [sflag:s15], $0xC800  }
0xcb: {  	[sflag:s15] =	ssyncset.done $0x0  }
0xcc: {  	[sflag:s15] =	ssyncadd.s32 $0xFFFF3800  }
0xcd: {  	_ =	swait.ge [sflag:s15], $0xC800  }
0xce: {  	[sflag:s15] =	ssyncset.done $0x0  }
0xcf: {  	s23 =	rddreg [dreg:$0x1c];
	[sflag:s15] =	ssyncadd.s32 $0xFFFF3800  }
0xd0: {  	[hbm4b:s23+s2] =	stream.linear.scatter [tilespmem:s14], [sflag:$0x6], $0xC800, $0x38;
	[tilespmem:$0x1DB40] =	vst v63  }
0xd1: {  	_ =	swait.ge [sflag:s7], $0xC800  }
0xd2: {  	[sflag:s7] =	ssyncset.done $0x0  }
0xd3: {  	[sflag:s7] =	ssyncadd.s32 $0xFFFF3800  }
0xd4: {  	_ =	swait.ge [sflag:s18], $0xC800  }
0xd5: {  	[sflag:s18] =	ssyncset.done $0x0  }
0xd6: {  	s23 =	rddreg [dreg:$0xc];
	[sflag:s18] =	ssyncadd.s32 $0xFFFF3800  }
0xd7: {  	[tilespmem:s2], [sflag:$0x7] =	stream.linear.gather [hbm4b:s23+s2], $0xC80, $0x38;
	[tilespmem:$0x1DB40] =	vst v63  }
0xd8: {  	_ =	swait.ge [sflag:s3], $0xC80  }
0xd9: {  	[sflag:s3] =	ssyncset.done $0x0  }
0xda: {  	s23 =	rddreg [dreg:$0xd];
	[sflag:s3] =	ssyncadd.s32 $0xFFFFF380  }
0xdb: {  	[tilespmem:s30], [sflag:$0x7] =	stream.linear.gather [hbm4b:s23+s2], $0xC80, $0x38;
	[tilespmem:$0x1DB40] =	vst v63  }
0xdc: {  	_ =	swait.ge [sflag:s3], $0xC80  }
0xdd: {  	[sflag:s3] =	ssyncset.done $0x0  }
0xde: {  	s23 =	rddreg [dreg:$0xe];
	[sflag:s3] =	ssyncadd.s32 $0xFFFFF380  }
0xdf: {  	[tilespmem:s31], [sflag:$0x7] =	stream.linear.gather [hbm4b:s23+s2], $0xC80, $0x38;
	[tilespmem:$0x1DB40] =	vst v63  }
0xe0: {  	_ =	swait.ge [sflag:s3], $0xC80  }
0xe1: {  	[sflag:s3] =	ssyncset.done $0x0  }
0xe2: {  	s23 =	rddreg [dreg:$0xf];
	[sflag:s3] =	ssyncadd.s32 $0xFFFFF380  }
0xe3: {  	[tilespmem:s13], [sflag:$0x7] =	stream.linear.gather [hbm4b:s23+s2], $0xC80, $0x38;
	[tilespmem:$0x1DB40] =	vst v63  }
0xe4: {  	_ =	swait.ge [sflag:s3], $0xC80  }
0xe5: {  	[sflag:s3] =	ssyncset.done $0x0  }
0xe6: {  	[sflag:s3] =	ssyncadd.s32 $0xFFFFF380  }
0xe7: {  	[tilespmem:s4], [sflag:$0x1] =	stream.indirect.gather [hbm4b:s8+s19], $0x40, s2, s19, $0xb8;
	[tilespmem:$0x1DB40] =	vst v63  }
0xe8: {  	_ = 	snop  }
0xe9: {  	[tilespmem:s14], [sflag:$0x4] =	stream.indirect.gather [hbm4b:s11+s19], $0x40, s13, s19, $0xb8;
	[tilespmem:$0x1DB40] =	vst v63  }
0xea: {  	_ =	swait.ge [sflag:s5], $0xC800  }
0xeb: {  	[sflag:s5] =	ssyncset.done $0x0  }
0xec: {  	[sflag:s5] =	ssyncadd.s32 $0xFFFF3800  }
0xed: {  	[tilespmem:s4], [sflag:$0x2] =	stream.indirect.gather.add.f32 [hbm:s9], $0x40, s30, s19, $0xb8;
	[tilespmem:$0x1DB40] =	vst v63  }
0xee: {  	_ = 	snop  }
0xef: {  	[tilespmem:s4], [sflag:$0x2] =	stream.indirect.gather.add.f32 [hbm:s10], $0x40, s31, s19, $0xb8;
	[tilespmem:$0x1DB40] =	vst v63  }
0xf0: {  	_ =	swait.ge [sflag:s20], $0xC800  }
0xf1: {  	[sflag:s20] =	ssyncset.done $0x0  }
0xf2: {  	[sflag:s20] =	ssyncadd.s32 $0xFFFF3800  }
0xf3: {  	_ =	swait.ge [sflag:s6], $0xC800  }
0xf4: {  	[sflag:s6] =	ssyncset.done $0x0  }
0xf5: {  	[sflag:s6] =	ssyncadd.s32 $0xFFFF3800  }
0xf6: {  	_ =	swait.ge [sflag:s6], $0xC800  }
0xf7: {  	[sflag:s6] =	ssyncset.done $0x0  }
0xf8: {  	s22 =	rddreg [dreg:$0x1d];
	[sflag:s6] =	ssyncadd.s32 $0xFFFF3800  }
0xf9: {  	[hbm4b:s22+s2] =	stream.linear.scatter [tilespmem:s4], [sflag:$0x3], $0xC800, $0x38;
	[tilespmem:$0x1DB40] =	vst v63  }
0xfa: {  	s23 =	rddreg [dreg:$0x1e]  }
0xfb: {  	[hbm4b:s23+s2] =	stream.linear.scatter [tilespmem:s14], [sflag:$0x6], $0xC800, $0x38;
	[tilespmem:$0x1DB40] =	vst v63  }
0xfc: {  	_ =	swait.ge [sflag:s7], $0xC800  }
0xfd: {  	[sflag:s7] =	ssyncset.done $0x0  }
0xfe: {  	[sflag:s7] =	ssyncadd.s32 $0xFFFF3800  }
0xff: {  	_ =	swait.ge [sflag:s18], $0xC800  }
0x100: {  	[sflag:s18] =	ssyncset.done $0x0  }
0x101: {  	[sflag:s18] =	ssyncadd.s32 $0xFFFF3800  }
0x102: {  	[tilespmem:s4], [sflag:$0x1] =	stream.indirect.gather [hbm4b:s8+s19], $0x40, s19, s19, $0xb8;
	[tilespmem:$0x1DB40] =	vst v63  }
0x103: {  	s16 =	simm.s32 $0x28A0  }
0x104: {  	[tilespmem:s14], [sflag:$0x4] =	stream.indirect.gather [hbm4b:s11+s19], $0x40, s16, s19, $0xb8;
	[tilespmem:$0x1DB40] =	vst v63  }
0x105: {  	_ =	swait.ge [sflag:s5], $0xC800  }
0x106: {  	[sflag:s5] =	ssyncset.done $0x0  }
0x107: {  	s23 =	simm.s32 $0xFA0;
	[sflag:s5] =	ssyncadd.s32 $0xFFFF3800  }
0x108: {  	[tilespmem:s4], [sflag:$0x2] =	stream.indirect.gather.add.f32 [hbm:s9], $0x40, s23, s19, $0xb8;
	[tilespmem:$0x1DB40] =	vst v63  }
0x109: {  	s29 =	simm.s32 $0x1C20  }
0x10a: {  	[tilespmem:s4], [sflag:$0x2] =	stream.indirect.gather.add.f32 [hbm:s10], $0x40, s29, s19, $0xb8;
	[tilespmem:$0x1DB40] =	vst v63  }
0x10b: {  	_ =	swait.ge [sflag:s20], $0xC800  }
0x10c: {  	[sflag:s20] =	ssyncset.done $0x0  }
0x10d: {  	[sflag:s20] =	ssyncadd.s32 $0xFFFF3800  }
0x10e: {  	_ =	swait.ge [sflag:s6], $0xC800  }
0x10f: {  	[sflag:s6] =	ssyncset.done $0x0  }
0x110: {  	[sflag:s6] =	ssyncadd.s32 $0xFFFF3800  }
0x111: {  	_ =	swait.ge [sflag:s6], $0xC800  }
0x112: {  	s23 =	rddreg [dreg:$0x1f];
	[sflag:s6] =	ssyncset.done $0x0  }
0x113: {  	s29 =	sld [smem:$0x7F3];
	[sflag:s6] =	ssyncadd.s32 $0xFFFF3800  }
0x114: {  	[hbm4b:s23+s2] =	stream.linear.scatter [tilespmem:s4], [sflag:$0x3], $0xC800, $0x38;
	[tilespmem:$0x1DB40] =	vst v63  }
0x115: {  	_ = 	snop  }
0x116: {  	[hbm4b:s29+s2] =	stream.linear.scatter [tilespmem:s14], [sflag:$0x6], $0xC800, $0x38;
	[tilespmem:$0x1DB40] =	vst v63  }
0x117: {  	_ =	swait.ge [sflag:s7], $0xC800  }
0x118: {  	[sflag:s7] =	ssyncset.done $0x0  }
0x119: {  	[sflag:s7] =	ssyncadd.s32 $0xFFFF3800  }
0x11a: {  	_ =	swait.ge [sflag:s18], $0xC800  }
0x11b: {  	[sflag:s18] =	ssyncset.done $0x0  }
0x11c: {  	[sflag:s18] =	ssyncadd.s32 $0xFFFF3800  }
0x11d: {  	[tilespmem:s4], [sflag:$0x1] =	stream.indirect.gather [hbm4b:s8+s19], $0x40, s12, s19, $0xb8;
	[tilespmem:$0x1DB40] =	vst v63  }
0x11e: {  	_ = 	snop  }
0x11f: {  	[tilespmem:s14], [sflag:$0x4] =	stream.indirect.gather [hbm4b:s11+s19], $0x40, s17, s19, $0xb8;
	[tilespmem:$0x1DB40] =	vst v63  }
0x120: {  	_ =	swait.ge [sflag:s5], $0xC800  }
0x121: {  	[sflag:s5] =	ssyncset.done $0x0  }
0x122: {  	[sflag:s5] =	ssyncadd.s32 $0xFFFF3800  }
0x123: {  	[tilespmem:s4], [sflag:$0x2] =	stream.indirect.gather.add.f32 [hbm:s9], $0x40, s21, s19, $0xb8;
	[tilespmem:$0x1DB40] =	vst v63  }
0x124: {  	_ = 	snop  }
0x125: {  	[tilespmem:s4], [sflag:$0x2] =	stream.indirect.gather.add.f32 [hbm:s10], $0x40, s28, s19, $0xb8;
	[tilespmem:$0x1DB40] =	vst v63  }
0x126: {  	_ =	swait.ge [sflag:s20], $0xC800  }
0x127: {  	[sflag:s20] =	ssyncset.done $0x0  }
0x128: {  	[sflag:s20] =	ssyncadd.s32 $0xFFFF3800  }
0x129: {  	_ =	swait.ge [sflag:s6], $0xC800  }
0x12a: {  	[sflag:s6] =	ssyncset.done $0x0  }
0x12b: {  	[sflag:s6] =	ssyncadd.s32 $0xFFFF3800  }
0x12c: {  	_ =	swait.ge [sflag:s6], $0xC800  }
0x12d: {  	s17 =	sld [smem:$0x7F4]  }
0x12e: {  	[sflag:s6] =	ssyncset.done $0x0  }
0x12f: {  	s21 =	sld [smem:$0x7F5];
	[sflag:s6] =	ssyncadd.s32 $0xFFFF3800  }
0x130: {  	[hbm4b:s17+s2] =	stream.linear.scatter [tilespmem:s4], [sflag:$0x3], $0xC800, $0x38;
	[tilespmem:$0x1DB40] =	vst v63  }
0x131: {  	_ = 	snop  }
0x132: {  	[hbm4b:s21+s2] =	stream.linear.scatter [tilespmem:s14], [sflag:$0x6], $0xC800, $0x38;
	[tilespmem:$0x1DB40] =	vst v63  }
0x133: {  	_ =	swait.ge [sflag:s7], $0xC800  }
0x134: {  	[sflag:s7] =	ssyncset.done $0x0  }
0x135: {  	[sflag:s7] =	ssyncadd.s32 $0xFFFF3800  }
0x136: {  	_ =	swait.ge [sflag:s18], $0xC800  }
0x137: {  	[sflag:s18] =	ssyncset.done $0x0  }
0x138: {  	[sflag:s18] =	ssyncadd.s32 $0xFFFF3800  }
0x139: {  	[tilespmem:s4], [sflag:$0x1] =	stream.indirect.gather [hbm4b:s8+s19], $0x40, s26, s19, $0xb8;
	[tilespmem:$0x1DB40] =	vst v63  }
0x13a: {  	_ = 	snop  }
0x13b: {  	[tilespmem:s14], [sflag:$0x4] =	stream.indirect.gather [hbm4b:s11+s19], $0x40, s25, s19, $0xb8;
	[tilespmem:$0x1DB40] =	vst v63  }
0x13c: {  	_ =	swait.ge [sflag:s5], $0xC800  }
0x13d: {  	[sflag:s5] =	ssyncset.done $0x0  }
0x13e: {  	[sflag:s5] =	ssyncadd.s32 $0xFFFF3800  }
0x13f: {  	[tilespmem:s4], [sflag:$0x2] =	stream.indirect.gather.add.f32 [hbm:s9], $0x40, s24, s19, $0xb8;
	[tilespmem:$0x1DB40] =	vst v63  }
0x140: {  	_ = 	snop  }
0x141: {  	[tilespmem:s4], [sflag:$0x2] =	stream.indirect.gather.add.f32 [hbm:s10], $0x40, s0, s19, $0xb8;
	[tilespmem:$0x1DB40] =	vst v63  }
0x142: {  	_ =	swait.ge [sflag:s20], $0xC800  }
0x143: {  	[sflag:s20] =	ssyncset.done $0x0  }
0x144: {  	[sflag:s20] =	ssyncadd.s32 $0xFFFF3800  }
0x145: {  	_ =	swait.ge [sflag:s6], $0xC800  }
0x146: {  	[sflag:s6] =	ssyncset.done $0x0  }
0x147: {  	[sflag:s6] =	ssyncadd.s32 $0xFFFF3800  }
0x148: {  	_ =	swait.ge [sflag:s6], $0xC800  }
0x149: {  	s23 =	sld [smem:$0x7F6]  }
0x14a: {  	[sflag:s6] =	ssyncset.done $0x0  }
0x14b: {  	s24 =	sld [smem:$0x7F7];
	[sflag:s6] =	ssyncadd.s32 $0xFFFF3800  }
0x14c: {  	[hbm4b:s23+s2] =	stream.linear.scatter [tilespmem:s4], [sflag:$0x3], $0xC800, $0x38;
	[tilespmem:$0x1DB40] =	vst v63  }
0x14d: {  	_ = 	snop  }
0x14e: {  	[hbm4b:s24+s2] =	stream.linear.scatter [tilespmem:s14], [sflag:$0x6], $0xC800, $0x38;
	[tilespmem:$0x1DB40] =	vst v63  }
0x14f: {  	_ =	swait.ge [sflag:s7], $0xC800  }
0x150: {  	[sflag:s7] =	ssyncset.done $0x0  }
0x151: {  	[sflag:s7] =	ssyncadd.s32 $0xFFFF3800  }
0x152: {  	_ =	swait.ge [sflag:s18], $0xC800  }
0x153: {  	[sflag:s18] =	ssyncset.done $0x0  }
0x154: {  	s26 =	simm.s32 $0x1DB00;
	s25 =	rddreg [dreg:$0x10];
	[sflag:s18] =	ssyncadd.s32 $0xFFFF3800  }
0x155: {  	[tilespmem:s26], [sflag:$0x7] =	stream.linear.gather [hbm4b:s25+s2], $0x10, $0x38;
	[tilespmem:$0x1DB40] =	vst v63  }
0x156: {  	_ =	swait.ge [sflag:s3], $0x10  }
0x157: {  	[sflag:s3] =	ssyncset.done $0x0  }
0x158: {  	s17 =	simm.s32 $0x1DB10;
	s12 =	rddreg [dreg:$0x11];
	[sflag:s3] =	ssyncadd.s32 $0xFFFFFFF0  }
0x159: {  	[tilespmem:s17], [sflag:$0x7] =	stream.linear.gather [hbm4b:s12+s2], $0x10, $0x38;
	[tilespmem:$0x1DB40] =	vst v63  }
0x15a: {  	_ =	swait.ge [sflag:s3], $0x10  }
0x15b: {  	[sflag:s3] =	ssyncset.done $0x0  }
0x15c: {  	s23 =	simm.s32 $0x1DB20;
	s21 =	rddreg [dreg:$0x12];
	[sflag:s3] =	ssyncadd.s32 $0xFFFFFFF0  }
0x15d: {  	[tilespmem:s23], [sflag:$0x7] =	stream.linear.gather [hbm4b:s21+s2], $0x10, $0x38;
	[tilespmem:$0x1DB40] =	vst v63  }
0x15e: {  	_ =	swait.ge [sflag:s3], $0x10  }
0x15f: {  	[sflag:s3] =	ssyncset.done $0x0  }
0x160: {  	s29 =	simm.s32 $0x1DB30;
	s28 =	rddreg [dreg:$0x13];
	[sflag:s3] =	ssyncadd.s32 $0xFFFFFFF0  }
0x161: {  	[tilespmem:s29], [sflag:$0x7] =	stream.linear.gather [hbm4b:s28+s2], $0x10, $0x38;
	[tilespmem:$0x1DB40] =	vst v63  }
0x162: {  	_ =	swait.ge [sflag:s3], $0x10  }
0x163: {  	[sflag:s3] =	ssyncset.done $0x0  }
0x164: {  	s16 =	simm.s32 $0x10;
	s24 =	rddreg [dreg:$0x2];
	[sflag:s3] =	ssyncadd.s32 $0xFFFFFFF0  }
0x165: {  	[tilespmem:s4], [sflag:$0x1] =	stream.indirect.gather [hbm4b:s24+s16], $0x40, s26, s16, $0xb8;
	[tilespmem:$0x1DB40] =	vst v63  }
0x166: {  	_ =	swait.ge [sflag:s5], $0x400  }
0x167: {  	[sflag:s5] =	ssyncset.done $0x0  }
0x168: {  	s25 =	rddreg [dreg:$0x3];
	[sflag:s5] =	ssyncadd.s32 $0xFFFFFC00  }
0x169: {  	[tilespmem:s4], [sflag:$0x1] =	stream.indirect.gather.add.f32 [hbm:s25], $0x40, s17, s16, $0xb8;
	[tilespmem:$0x1DB40] =	vst v63  }
0x16a: {  	s26 =	rddreg [dreg:$0x4]  }
0x16b: {  	[tilespmem:s4], [sflag:$0x2] =	stream.indirect.gather.add.f32 [hbm:s26], $0x40, s23, s16, $0xb8;
	[tilespmem:$0x1DB40] =	vst v63  }
0x16c: {  	s28 =	rddreg [dreg:$0x5]  }
0x16d: {  	[tilespmem:s4], [sflag:$0x3] =	stream.indirect.gather.add.f32 [hbm:s28], $0x40, s29, s16, $0xb8;
	[tilespmem:$0x1DB40] =	vst v63  }
0x16e: {  	_ =	swait.ge [sflag:s5], $0x400  }
0x16f: {  	[sflag:s5] =	ssyncset.done $0x0  }
0x170: {  	[sflag:s5] =	ssyncadd.s32 $0xFFFFFC00  }
0x171: {  	_ =	swait.ge [sflag:s6], $0x400  }
0x172: {  	[sflag:s6] =	ssyncset.done $0x0  }
0x173: {  	[sflag:s6] =	ssyncadd.s32 $0xFFFFFC00  }
0x174: {  	p1 =	sne.s32 s1, $0x1;
	_ =	swait.ge [sflag:s7], $0x400  }
.Ltmp1:
0x175: {  	[sflag:s7] =	ssyncset.done $0x0;
	(pc) =	sbr.rel @!p1 .LBB2_6-.Ltmp1, $4  }
0x176: {  	s29 =	rddreg [dreg:$0x14];
	[sflag:s7] =	ssyncadd.s32 $0xFFFFFC00  }
0x177: {  	[hbm4b:s29+s2] =	stream.linear.scatter [tilespmem:s4], [sflag:$0x7], $0x400, $0x38;
	[tilespmem:$0x1DB40] =	vst v63  }
0x178: {  	p0 =	por $0x1, $0x1;
	_ =	swait.ge [sflag:s3], $0x400  }
0x179: {  	s22 =	sadd.s32 $0xFFFFFFFF, s1;
	s23 =	rddreg [dreg:$0x6];
	[sflag:s3] =	ssyncset.done $0x0  }
0x17a: {  	s29 =	simm.s32 $0x1F40  }
0x17b: {  	s26 =	simm.s32 $0x960;
	s25 =	simm.s32 $0x2EE0;
	s28 =	simm.s32 $0x15E0  }
.LBB2_3:
0x17c: {  	[sflag:s3] =	ssyncadd.s32 $0xFFFFFC00  }
0x17d: {  	[tilespmem:s2], [sflag:$0x7] =	stream.linear.gather [hbm4b:s23+s2], $0xC80, $0x38;
	[tilespmem:$0x1DB40] =	vst v63  }
0x17e: {  	_ =	swait.ge [sflag:s3], $0xC80  }
0x17f: {  	[sflag:s3] =	ssyncset.done $0x0  }
0x180: {  	s12 =	rddreg [dreg:$0x7];
	[sflag:s3] =	ssyncadd.s32 $0xFFFFF380  }
0x181: {  	[tilespmem:s30], [sflag:$0x7] =	stream.linear.gather [hbm4b:s12+s2], $0xC80, $0x38;
	[tilespmem:$0x1DB40] =	vst v63  }
0x182: {  	_ =	swait.ge [sflag:s3], $0xC80  }
0x183: {  	[sflag:s3] =	ssyncset.done $0x0  }
0x184: {  	s16 =	rddreg [dreg:$0x8];
	[sflag:s3] =	ssyncadd.s32 $0xFFFFF380  }
0x185: {  	[tilespmem:s31], [sflag:$0x7] =	stream.linear.gather [hbm4b:s16+s2], $0xC80, $0x38;
	[tilespmem:$0x1DB40] =	vst v63  }
0x186: {  	_ =	swait.ge [sflag:s3], $0xC80  }
0x187: {  	[sflag:s3] =	ssyncset.done $0x0  }
0x188: {  	s17 =	rddreg [dreg:$0x9];
	[sflag:s3] =	ssyncadd.s32 $0xFFFFF380  }
0x189: {  	[tilespmem:s13], [sflag:$0x7] =	stream.linear.gather [hbm4b:s17+s2], $0xC80, $0x38;
	[tilespmem:$0x1DB40] =	vst v63  }
0x18a: {  	_ =	swait.ge [sflag:s3], $0xC80  }
0x18b: {  	[sflag:s3] =	ssyncset.done $0x0  }
0x18c: {  	s0 =	simm.s32 $0x3200;
	s21 =	rddreg [dreg:$0xa];
	[sflag:s3] =	ssyncadd.s32 $0xFFFFF380  }
0x18d: {  	[tilespmem:s0], [sflag:$0x7] =	stream.linear.gather [hbm4b:s21+s2], $0xC80, $0x38;
	[tilespmem:$0x1DB40] =	vst v63  }
0x18e: {  	_ =	swait.ge [sflag:s3], $0xC80  }
0x18f: {  	[sflag:s3] =	ssyncset.done $0x0  }
0x190: {  	s1 =	simm.s32 $0x3E80;
	s24 =	rddreg [dreg:$0xb];
	[sflag:s3] =	ssyncadd.s32 $0xFFFFF380  }
0x191: {  	[tilespmem:s1], [sflag:$0x7] =	stream.linear.gather [hbm4b:s24+s2], $0xC80, $0x38;
	[tilespmem:$0x1DB40] =	vst v63  }
0x192: {  	_ =	swait.ge [sflag:s3], $0xC80  }
0x193: {  	[sflag:s3] =	ssyncset.done $0x0  }
0x194: {  	[sflag:s3] =	ssyncadd.s32 $0xFFFFF380  }
0x195: {  	[tilespmem:s4], [sflag:$0x1] =	stream.indirect.gather [hbm4b:s8+s19], $0x40, s2, s19, $0xb8;
	[tilespmem:$0x1DB40] =	vst v63  }
0x196: {  	_ = 	snop  }
0x197: {  	[tilespmem:s14], [sflag:$0x4] =	stream.indirect.gather [hbm4b:s8+s19], $0x40, s13, s19, $0xb8;
	[tilespmem:$0x1DB40] =	vst v63  }
0x198: {  	_ =	swait.ge [sflag:s5], $0xC800  }
0x199: {  	[sflag:s5] =	ssyncset.done $0x0  }
0x19a: {  	[sflag:s5] =	ssyncadd.s32 $0xFFFF3800  }
0x19b: {  	[tilespmem:s4], [sflag:$0x2] =	stream.indirect.gather.add.f32 [hbm:s9], $0x40, s30, s19, $0xb8;
	[tilespmem:$0x1DB40] =	vst v63  }
0x19c: {  	_ = 	snop  }
0x19d: {  	[tilespmem:s4], [sflag:$0x2] =	stream.indirect.gather.add.f32 [hbm:s10], $0x40, s31, s19, $0xb8;
	[tilespmem:$0x1DB40] =	vst v63  }
0x19e: {  	_ =	swait.ge [sflag:s20], $0xC800  }
0x19f: {  	[sflag:s20] =	ssyncset.done $0x0  }
0x1a0: {  	[sflag:s20] =	ssyncadd.s32 $0xFFFF3800  }
0x1a1: {  	[tilespmem:s14], [sflag:$0x5] =	stream.indirect.gather.add.f32 [hbm:s9], $0x40, s0, s19, $0xb8;
	[tilespmem:$0x1DB40] =	vst v63  }
0x1a2: {  	_ = 	snop  }
0x1a3: {  	[tilespmem:s14], [sflag:$0x5] =	stream.indirect.gather.add.f32 [hbm:s10], $0x40, s1, s19, $0xb8;
	[tilespmem:$0x1DB40] =	vst v63  }
0x1a4: {  	_ =	swait.ge [sflag:s6], $0xC800  }
0x1a5: {  	[sflag:s6] =	ssyncset.done $0x0  }
0x1a6: {  	[sflag:s6] =	ssyncadd.s32 $0xFFFF3800  }
0x1a7: {  	_ =	swait.ge [sflag:s6], $0xC800  }
0x1a8: {  	[sflag:s6] =	ssyncset.done $0x0  }
0x1a9: {  	s0 =	rddreg [dreg:$0x15];
	[sflag:s6] =	ssyncadd.s32 $0xFFFF3800  }
0x1aa: {  	[hbm4b:s0+s2] =	stream.linear.scatter [tilespmem:s4], [sflag:$0x3], $0xC800, $0x38;
	[tilespmem:$0x1DB40] =	vst v63  }
0x1ab: {  	_ =	swait.ge [sflag:s15], $0xC800  }
0x1ac: {  	[sflag:s15] =	ssyncset.done $0x0  }
0x1ad: {  	[sflag:s15] =	ssyncadd.s32 $0xFFFF3800  }
0x1ae: {  	_ =	swait.ge [sflag:s15], $0xC800  }
0x1af: {  	[sflag:s15] =	ssyncset.done $0x0  }
0x1b0: {  	s1 =	rddreg [dreg:$0x16];
	[sflag:s15] =	ssyncadd.s32 $0xFFFF3800  }
0x1b1: {  	[hbm4b:s1+s2] =	stream.linear.scatter [tilespmem:s14], [sflag:$0x6], $0xC800, $0x38;
	[tilespmem:$0x1DB40] =	vst v63  }
0x1b2: {  	_ =	swait.ge [sflag:s7], $0xC800  }
0x1b3: {  	[sflag:s7] =	ssyncset.done $0x0  }
0x1b4: {  	[sflag:s7] =	ssyncadd.s32 $0xFFFF3800  }
0x1b5: {  	_ =	swait.ge [sflag:s18], $0xC800  }
0x1b6: {  	[sflag:s18] =	ssyncset.done $0x0  }
0x1b7: {  	[sflag:s18] =	ssyncadd.s32 $0xFFFF3800  }
0x1b8: {  	[tilespmem:s4], [sflag:$0x1] =	stream.indirect.gather [hbm4b:s8+s19], $0x40, s19, s19, $0xb8;
	[tilespmem:$0x1DB40] =	vst v63  }
0x1b9: {  	s16 =	simm.s32 $0x28A0  }
0x1ba: {  	[tilespmem:s14], [sflag:$0x4] =	stream.indirect.gather [hbm4b:s8+s19], $0x40, s16, s19, $0xb8;
	[tilespmem:$0x1DB40] =	vst v63  }
0x1bb: {  	_ =	swait.ge [sflag:s5], $0xC800  }
0x1bc: {  	[sflag:s5] =	ssyncset.done $0x0  }
0x1bd: {  	s1 =	simm.s32 $0xFA0;
	[sflag:s5] =	ssyncadd.s32 $0xFFFF3800  }
0x1be: {  	[tilespmem:s4], [sflag:$0x2] =	stream.indirect.gather.add.f32 [hbm:s9], $0x40, s1, s19, $0xb8;
	[tilespmem:$0x1DB40] =	vst v63  }
0x1bf: {  	s30 =	simm.s32 $0x1C20  }
0x1c0: {  	[tilespmem:s4], [sflag:$0x2] =	stream.indirect.gather.add.f32 [hbm:s10], $0x40, s30, s19, $0xb8;
	[tilespmem:$0x1DB40] =	vst v63  }
0x1c1: {  	_ =	swait.ge [sflag:s20], $0xC800  }
0x1c2: {  	s12 =	sld [smem:$0x7F8]  }
0x1c3: {  	[sflag:s20] =	ssyncset.done $0x0  }
0x1c4: {  	s24 =	sld [smem:$0x7F9];
	[sflag:s20] =	ssyncadd.s32 $0xFFFF3800  }
0x1c5: {  	[tilespmem:s14], [sflag:$0x5] =	stream.indirect.gather.add.f32 [hbm:s9], $0x40, s12, s19, $0xb8;
	[tilespmem:$0x1DB40] =	vst v63  }
0x1c6: {  	_ = 	snop  }
0x1c7: {  	[tilespmem:s14], [sflag:$0x5] =	stream.indirect.gather.add.f32 [hbm:s10], $0x40, s24, s19, $0xb8;
	[tilespmem:$0x1DB40] =	vst v63  }
0x1c8: {  	_ =	swait.ge [sflag:s6], $0xC800  }
0x1c9: {  	[sflag:s6] =	ssyncset.done $0x0  }
0x1ca: {  	[sflag:s6] =	ssyncadd.s32 $0xFFFF3800  }
0x1cb: {  	_ =	swait.ge [sflag:s6], $0xC800  }
0x1cc: {  	[sflag:s6] =	ssyncset.done $0x0  }
0x1cd: {  	s17 =	rddreg [dreg:$0x17];
	[sflag:s6] =	ssyncadd.s32 $0xFFFF3800  }
0x1ce: {  	[hbm4b:s17+s2] =	stream.linear.scatter [tilespmem:s4], [sflag:$0x3], $0xC800, $0x38;
	[tilespmem:$0x1DB40] =	vst v63  }
0x1cf: {  	_ =	swait.ge [sflag:s15], $0xC800  }
0x1d0: {  	[sflag:s15] =	ssyncset.done $0x0  }
0x1d1: {  	[sflag:s15] =	ssyncadd.s32 $0xFFFF3800  }
0x1d2: {  	_ =	swait.ge [sflag:s15], $0xC800  }
0x1d3: {  	[sflag:s15] =	ssyncset.done $0x0  }
0x1d4: {  	s21 =	rddreg [dreg:$0x18];
	[sflag:s15] =	ssyncadd.s32 $0xFFFF3800  }
0x1d5: {  	[hbm4b:s21+s2] =	stream.linear.scatter [tilespmem:s14], [sflag:$0x6], $0xC800, $0x38;
	[tilespmem:$0x1DB40] =	vst v63  }
0x1d6: {  	_ =	swait.ge [sflag:s7], $0xC800  }
0x1d7: {  	[sflag:s7] =	ssyncset.done $0x0  }
0x1d8: {  	[sflag:s7] =	ssyncadd.s32 $0xFFFF3800  }
0x1d9: {  	_ =	swait.ge [sflag:s18], $0xC800  }
0x1da: {  	[sflag:s18] =	ssyncset.done $0x0  }
0x1db: {  	s12 =	simm.s32 $0x640;
	[sflag:s18] =	ssyncadd.s32 $0xFFFF3800  }
0x1dc: {  	[tilespmem:s4], [sflag:$0x1] =	stream.indirect.gather [hbm4b:s8+s19], $0x40, s12, s19, $0xb8;
	[tilespmem:$0x1DB40] =	vst v63  }
0x1dd: {  	s17 =	simm.s32 $0x2BC0  }
0x1de: {  	[tilespmem:s14], [sflag:$0x4] =	stream.indirect.gather [hbm4b:s8+s19], $0x40, s17, s19, $0xb8;
	[tilespmem:$0x1DB40] =	vst v63  }
0x1df: {  	_ =	swait.ge [sflag:s5], $0xC800  }
0x1e0: {  	[sflag:s5] =	ssyncset.done $0x0  }
0x1e1: {  	s21 =	simm.s32 $0x12C0;
	[sflag:s5] =	ssyncadd.s32 $0xFFFF3800  }
0x1e2: {  	[tilespmem:s4], [sflag:$0x2] =	stream.indirect.gather.add.f32 [hbm:s9], $0x40, s21, s19, $0xb8;
	[tilespmem:$0x1DB40] =	vst v63  }
0x1e3: {  	_ = 	snop  }
0x1e4: {  	[tilespmem:s4], [sflag:$0x2] =	stream.indirect.gather.add.f32 [hbm:s10], $0x40, s29, s19, $0xb8;
	[tilespmem:$0x1DB40] =	vst v63  }
0x1e5: {  	_ =	swait.ge [sflag:s20], $0xC800  }
0x1e6: {  	s24 =	sld [smem:$0x7FA]  }
0x1e7: {  	[sflag:s20] =	ssyncset.done $0x0  }
0x1e8: {  	s0 =	sld [smem:$0x7FB];
	[sflag:s20] =	ssyncadd.s32 $0xFFFF3800  }
0x1e9: {  	[tilespmem:s14], [sflag:$0x5] =	stream.indirect.gather.add.f32 [hbm:s9], $0x40, s24, s19, $0xb8;
	[tilespmem:$0x1DB40] =	vst v63  }
0x1ea: {  	_ = 	snop  }
0x1eb: {  	[tilespmem:s14], [sflag:$0x5] =	stream.indirect.gather.add.f32 [hbm:s10], $0x40, s0, s19, $0xb8;
	[tilespmem:$0x1DB40] =	vst v63  }
0x1ec: {  	_ =	swait.ge [sflag:s6], $0xC800  }
0x1ed: {  	[sflag:s6] =	ssyncset.done $0x0  }
0x1ee: {  	[sflag:s6] =	ssyncadd.s32 $0xFFFF3800  }
0x1ef: {  	_ =	swait.ge [sflag:s6], $0xC800  }
0x1f0: {  	[sflag:s6] =	ssyncset.done $0x0  }
0x1f1: {  	s24 =	rddreg [dreg:$0x19];
	[sflag:s6] =	ssyncadd.s32 $0xFFFF3800  }
0x1f2: {  	[hbm4b:s24+s2] =	stream.linear.scatter [tilespmem:s4], [sflag:$0x3], $0xC800, $0x38;
	[tilespmem:$0x1DB40] =	vst v63  }
0x1f3: {  	_ =	swait.ge [sflag:s15], $0xC800  }
0x1f4: {  	[sflag:s15] =	ssyncset.done $0x0  }
0x1f5: {  	[sflag:s15] =	ssyncadd.s32 $0xFFFF3800  }
0x1f6: {  	_ =	swait.ge [sflag:s15], $0xC800  }
0x1f7: {  	[sflag:s15] =	ssyncset.done $0x0  }
0x1f8: {  	s0 =	rddreg [dreg:$0x1a];
	[sflag:s15] =	ssyncadd.s32 $0xFFFF3800  }
0x1f9: {  	[hbm4b:s0+s2] =	stream.linear.scatter [tilespmem:s14], [sflag:$0x6], $0xC800, $0x38;
	[tilespmem:$0x1DB40] =	vst v63  }
0x1fa: {  	_ =	swait.ge [sflag:s7], $0xC800  }
0x1fb: {  	[sflag:s7] =	ssyncset.done $0x0  }
0x1fc: {  	[sflag:s7] =	ssyncadd.s32 $0xFFFF3800  }
0x1fd: {  	_ =	swait.ge [sflag:s18], $0xC800  }
0x1fe: {  	[sflag:s18] =	ssyncset.done $0x0  }
0x1ff: {  	[sflag:s18] =	ssyncadd.s32 $0xFFFF3800  }
0x200: {  	[tilespmem:s4], [sflag:$0x1] =	stream.indirect.gather [hbm4b:s8+s19], $0x40, s26, s19, $0xb8;
	[tilespmem:$0x1DB40] =	vst v63  }
0x201: {  	_ = 	snop  }
0x202: {  	[tilespmem:s14], [sflag:$0x4] =	stream.indirect.gather [hbm4b:s8+s19], $0x40, s25, s19, $0xb8;
	[tilespmem:$0x1DB40] =	vst v63  }
0x203: {  	_ =	swait.ge [sflag:s5], $0xC800  }
0x204: {  	[sflag:s5] =	ssyncset.done $0x0  }
0x205: {  	[sflag:s5] =	ssyncadd.s32 $0xFFFF3800  }
0x206: {  	[tilespmem:s4], [sflag:$0x2] =	stream.indirect.gather.add.f32 [hbm:s9], $0x40, s28, s19, $0xb8;
	[tilespmem:$0x1DB40] =	vst v63  }
0x207: {  	s0 =	simm.s32 $0x2260  }
0x208: {  	[tilespmem:s4], [sflag:$0x2] =	stream.indirect.gather.add.f32 [hbm:s10], $0x40, s0, s19, $0xb8;
	[tilespmem:$0x1DB40] =	vst v63  }
0x209: {  	_ =	swait.ge [sflag:s20], $0xC800  }
0x20a: {  	s23 =	sld [smem:$0x7FC]  }
0x20b: {  	[sflag:s20] =	ssyncset.done $0x0  }
0x20c: {  	s24 =	sld [smem:$0x7FD];
	[sflag:s20] =	ssyncadd.s32 $0xFFFF3800  }
0x20d: {  	[tilespmem:s14], [sflag:$0x5] =	stream.indirect.gather.add.f32 [hbm:s9], $0x40, s23, s19, $0xb8;
	[tilespmem:$0x1DB40] =	vst v63  }
0x20e: {  	_ = 	snop  }
0x20f: {  	[tilespmem:s14], [sflag:$0x5] =	stream.indirect.gather.add.f32 [hbm:s10], $0x40, s24, s19, $0xb8;
	[tilespmem:$0x1DB40] =	vst v63  }
0x210: {  	_ =	swait.ge [sflag:s6], $0xC800  }
0x211: {  	[sflag:s6] =	ssyncset.done $0x0  }
0x212: {  	[sflag:s6] =	ssyncadd.s32 $0xFFFF3800  }
0x213: {  	_ =	swait.ge [sflag:s6], $0xC800  }
0x214: {  	[sflag:s6] =	ssyncset.done $0x0  }
0x215: {  	s24 =	rddreg [dreg:$0x1b];
	[sflag:s6] =	ssyncadd.s32 $0xFFFF3800  }
0x216: {  	[hbm4b:s24+s2] =	stream.linear.scatter [tilespmem:s4], [sflag:$0x3], $0xC800, $0x38;
	[tilespmem:$0x1DB40] =	vst v63  }
0x217: {  	_ =	swait.ge [sflag:s15], $0xC800  }
0x218: {  	[sflag:s15] =	ssyncset.done $0x0  }
0x219: {  	[sflag:s15] =	ssyncadd.s32 $0xFFFF3800  }
0x21a: {  	_ =	swait.ge [sflag:s15], $0xC800  }
0x21b: {  	[sflag:s15] =	ssyncset.done $0x0  }
0x21c: {  	s24 =	rddreg [dreg:$0x1c];
	[sflag:s15] =	ssyncadd.s32 $0xFFFF3800  }
0x21d: {  	[hbm4b:s24+s2] =	stream.linear.scatter [tilespmem:s14], [sflag:$0x6], $0xC800, $0x38;
	[tilespmem:$0x1DB40] =	vst v63  }
0x21e: {  	_ =	swait.ge [sflag:s7], $0xC800  }
0x21f: {  	[sflag:s7] =	ssyncset.done $0x0  }
0x220: {  	[sflag:s7] =	ssyncadd.s32 $0xFFFF3800  }
0x221: {  	_ =	swait.ge [sflag:s18], $0xC800  }
0x222: {  	[sflag:s18] =	ssyncset.done $0x0  }
0x223: {  	s24 =	rddreg [dreg:$0xc];
	[sflag:s18] =	ssyncadd.s32 $0xFFFF3800  }
0x224: {  	[tilespmem:s2], [sflag:$0x7] =	stream.linear.gather [hbm4b:s24+s2], $0xC80, $0x38;
	[tilespmem:$0x1DB40] =	vst v63  }
0x225: {  	_ =	swait.ge [sflag:s3], $0xC80  }
0x226: {  	[sflag:s3] =	ssyncset.done $0x0  }
0x227: {  	s31 =	simm.s32 $0xC80;
	s24 =	rddreg [dreg:$0xd];
	[sflag:s3] =	ssyncadd.s32 $0xFFFFF380  }
0x228: {  	[tilespmem:s31], [sflag:$0x7] =	stream.linear.gather [hbm4b:s24+s2], $0xC80, $0x38;
	[tilespmem:$0x1DB40] =	vst v63  }
0x229: {  	_ =	swait.ge [sflag:s3], $0xC80  }
0x22a: {  	[sflag:s3] =	ssyncset.done $0x0  }
0x22b: {  	s13 =	simm.s32 $0x1900;
	s24 =	rddreg [dreg:$0xe];
	[sflag:s3] =	ssyncadd.s32 $0xFFFFF380  }
0x22c: {  	[tilespmem:s13], [sflag:$0x7] =	stream.linear.gather [hbm4b:s24+s2], $0xC80, $0x38;
	[tilespmem:$0x1DB40] =	vst v63  }
0x22d: {  	_ =	swait.ge [sflag:s3], $0xC80  }
0x22e: {  	[sflag:s3] =	ssyncset.done $0x0  }
0x22f: {  	s13 =	simm.s32 $0x2580;
	s24 =	rddreg [dreg:$0xf];
	[sflag:s3] =	ssyncadd.s32 $0xFFFFF380  }
0x230: {  	[tilespmem:s13], [sflag:$0x7] =	stream.linear.gather [hbm4b:s24+s2], $0xC80, $0x38;
	[tilespmem:$0x1DB40] =	vst v63  }
0x231: {  	_ =	swait.ge [sflag:s3], $0xC80  }
0x232: {  	[sflag:s3] =	ssyncset.done $0x0  }
0x233: {  	[sflag:s3] =	ssyncadd.s32 $0xFFFFF380  }
0x234: {  	[tilespmem:s4], [sflag:$0x1] =	stream.indirect.gather [hbm4b:s8+s19], $0x40, s2, s19, $0xb8;
	[tilespmem:$0x1DB40] =	vst v63  }
0x235: {  	_ = 	snop  }
0x236: {  	[tilespmem:s14], [sflag:$0x4] =	stream.indirect.gather [hbm4b:s11+s19], $0x40, s13, s19, $0xb8;
	[tilespmem:$0x1DB40] =	vst v63  }
0x237: {  	_ =	swait.ge [sflag:s5], $0xC800  }
0x238: {  	[sflag:s5] =	ssyncset.done $0x0  }
0x239: {  	[sflag:s5] =	ssyncadd.s32 $0xFFFF3800  }
0x23a: {  	[tilespmem:s4], [sflag:$0x2] =	stream.indirect.gather.add.f32 [hbm:s9], $0x40, s31, s19, $0xb8;
	[tilespmem:$0x1DB40] =	vst v63  }
0x23b: {  	s31 =	simm.s32 $0x1900  }
0x23c: {  	[tilespmem:s4], [sflag:$0x2] =	stream.indirect.gather.add.f32 [hbm:s10], $0x40, s31, s19, $0xb8;
	[tilespmem:$0x1DB40] =	vst v63  }
0x23d: {  	_ =	swait.ge [sflag:s20], $0xC800  }
0x23e: {  	[sflag:s20] =	ssyncset.done $0x0  }
0x23f: {  	[sflag:s20] =	ssyncadd.s32 $0xFFFF3800  }
0x240: {  	_ =	swait.ge [sflag:s6], $0xC800  }
0x241: {  	[sflag:s6] =	ssyncset.done $0x0  }
0x242: {  	[sflag:s6] =	ssyncadd.s32 $0xFFFF3800  }
0x243: {  	_ =	swait.ge [sflag:s6], $0xC800  }
0x244: {  	[sflag:s6] =	ssyncset.done $0x0  }
0x245: {  	s23 =	rddreg [dreg:$0x1d];
	[sflag:s6] =	ssyncadd.s32 $0xFFFF3800  }
0x246: {  	[hbm4b:s23+s2] =	stream.linear.scatter [tilespmem:s4], [sflag:$0x3], $0xC800, $0x38;
	[tilespmem:$0x1DB40] =	vst v63  }
0x247: {  	s24 =	rddreg [dreg:$0x1e]  }
0x248: {  	[hbm4b:s24+s2] =	stream.linear.scatter [tilespmem:s14], [sflag:$0x6], $0xC800, $0x38;
	[tilespmem:$0x1DB40] =	vst v63  }
0x249: {  	_ =	swait.ge [sflag:s7], $0xC800  }
0x24a: {  	[sflag:s7] =	ssyncset.done $0x0  }
0x24b: {  	[sflag:s7] =	ssyncadd.s32 $0xFFFF3800  }
0x24c: {  	_ =	swait.ge [sflag:s18], $0xC800  }
0x24d: {  	[sflag:s18] =	ssyncset.done $0x0  }
0x24e: {  	[sflag:s18] =	ssyncadd.s32 $0xFFFF3800  }
0x24f: {  	[tilespmem:s4], [sflag:$0x1] =	stream.indirect.gather [hbm4b:s8+s19], $0x40, s19, s19, $0xb8;
	[tilespmem:$0x1DB40] =	vst v63  }
0x250: {  	_ = 	snop  }
0x251: {  	[tilespmem:s14], [sflag:$0x4] =	stream.indirect.gather [hbm4b:s11+s19], $0x40, s16, s19, $0xb8;
	[tilespmem:$0x1DB40] =	vst v63  }
0x252: {  	_ =	swait.ge [sflag:s5], $0xC800  }
0x253: {  	[sflag:s5] =	ssyncset.done $0x0  }
0x254: {  	[sflag:s5] =	ssyncadd.s32 $0xFFFF3800  }
0x255: {  	[tilespmem:s4], [sflag:$0x2] =	stream.indirect.gather.add.f32 [hbm:s9], $0x40, s1, s19, $0xb8;
	[tilespmem:$0x1DB40] =	vst v63  }
0x256: {  	_ = 	snop  }
0x257: {  	[tilespmem:s4], [sflag:$0x2] =	stream.indirect.gather.add.f32 [hbm:s10], $0x40, s30, s19, $0xb8;
	[tilespmem:$0x1DB40] =	vst v63  }
0x258: {  	_ =	swait.ge [sflag:s20], $0xC800  }
0x259: {  	[sflag:s20] =	ssyncset.done $0x0  }
0x25a: {  	[sflag:s20] =	ssyncadd.s32 $0xFFFF3800  }
0x25b: {  	_ =	swait.ge [sflag:s6], $0xC800  }
0x25c: {  	[sflag:s6] =	ssyncset.done $0x0  }
0x25d: {  	[sflag:s6] =	ssyncadd.s32 $0xFFFF3800  }
0x25e: {  	_ =	swait.ge [sflag:s6], $0xC800  }
0x25f: {  	s24 =	rddreg [dreg:$0x1f];
	[sflag:s6] =	ssyncset.done $0x0  }
0x260: {  	s1 =	sld [smem:$0x7F3];
	[sflag:s6] =	ssyncadd.s32 $0xFFFF3800  }
0x261: {  	[hbm4b:s24+s2] =	stream.linear.scatter [tilespmem:s4], [sflag:$0x3], $0xC800, $0x38;
	[tilespmem:$0x1DB40] =	vst v63  }
0x262: {  	_ = 	snop  }
0x263: {  	[hbm4b:s1+s2] =	stream.linear.scatter [tilespmem:s14], [sflag:$0x6], $0xC800, $0x38;
	[tilespmem:$0x1DB40] =	vst v63  }
0x264: {  	_ =	swait.ge [sflag:s7], $0xC800  }
0x265: {  	[sflag:s7] =	ssyncset.done $0x0  }
0x266: {  	[sflag:s7] =	ssyncadd.s32 $0xFFFF3800  }
0x267: {  	_ =	swait.ge [sflag:s18], $0xC800  }
0x268: {  	[sflag:s18] =	ssyncset.done $0x0  }
0x269: {  	[sflag:s18] =	ssyncadd.s32 $0xFFFF3800  }
0x26a: {  	[tilespmem:s4], [sflag:$0x1] =	stream.indirect.gather [hbm4b:s8+s19], $0x40, s12, s19, $0xb8;
	[tilespmem:$0x1DB40] =	vst v63  }
0x26b: {  	_ = 	snop  }
0x26c: {  	[tilespmem:s14], [sflag:$0x4] =	stream.indirect.gather [hbm4b:s11+s19], $0x40, s17, s19, $0xb8;
	[tilespmem:$0x1DB40] =	vst v63  }
0x26d: {  	_ =	swait.ge [sflag:s5], $0xC800  }
0x26e: {  	[sflag:s5] =	ssyncset.done $0x0  }
0x26f: {  	[sflag:s5] =	ssyncadd.s32 $0xFFFF3800  }
0x270: {  	[tilespmem:s4], [sflag:$0x2] =	stream.indirect.gather.add.f32 [hbm:s9], $0x40, s21, s19, $0xb8;
	[tilespmem:$0x1DB40] =	vst v63  }
0x271: {  	_ = 	snop  }
0x272: {  	[tilespmem:s4], [sflag:$0x2] =	stream.indirect.gather.add.f32 [hbm:s10], $0x40, s29, s19, $0xb8;
	[tilespmem:$0x1DB40] =	vst v63  }
0x273: {  	_ =	swait.ge [sflag:s20], $0xC800  }
0x274: {  	[sflag:s20] =	ssyncset.done $0x0  }
0x275: {  	[sflag:s20] =	ssyncadd.s32 $0xFFFF3800  }
0x276: {  	_ =	swait.ge [sflag:s6], $0xC800  }
0x277: {  	[sflag:s6] =	ssyncset.done $0x0  }
0x278: {  	[sflag:s6] =	ssyncadd.s32 $0xFFFF3800  }
0x279: {  	_ =	swait.ge [sflag:s6], $0xC800  }
0x27a: {  	s17 =	sld [smem:$0x7F4]  }
0x27b: {  	[sflag:s6] =	ssyncset.done $0x0  }
0x27c: {  	s21 =	sld [smem:$0x7F5];
	[sflag:s6] =	ssyncadd.s32 $0xFFFF3800  }
0x27d: {  	[hbm4b:s17+s2] =	stream.linear.scatter [tilespmem:s4], [sflag:$0x3], $0xC800, $0x38;
	[tilespmem:$0x1DB40] =	vst v63  }
0x27e: {  	_ = 	snop  }
0x27f: {  	[hbm4b:s21+s2] =	stream.linear.scatter [tilespmem:s14], [sflag:$0x6], $0xC800, $0x38;
	[tilespmem:$0x1DB40] =	vst v63  }
0x280: {  	_ =	swait.ge [sflag:s7], $0xC800  }
0x281: {  	[sflag:s7] =	ssyncset.done $0x0  }
0x282: {  	[sflag:s7] =	ssyncadd.s32 $0xFFFF3800  }
0x283: {  	_ =	swait.ge [sflag:s18], $0xC800  }
0x284: {  	[sflag:s18] =	ssyncset.done $0x0  }
0x285: {  	[sflag:s18] =	ssyncadd.s32 $0xFFFF3800  }
0x286: {  	[tilespmem:s4], [sflag:$0x1] =	stream.indirect.gather [hbm4b:s8+s19], $0x40, s26, s19, $0xb8;
	[tilespmem:$0x1DB40] =	vst v63  }
0x287: {  	_ = 	snop  }
0x288: {  	[tilespmem:s14], [sflag:$0x4] =	stream.indirect.gather [hbm4b:s11+s19], $0x40, s25, s19, $0xb8;
	[tilespmem:$0x1DB40] =	vst v63  }
0x289: {  	_ =	swait.ge [sflag:s5], $0xC800  }
0x28a: {  	[sflag:s5] =	ssyncset.done $0x0  }
0x28b: {  	[sflag:s5] =	ssyncadd.s32 $0xFFFF3800  }
0x28c: {  	[tilespmem:s4], [sflag:$0x2] =	stream.indirect.gather.add.f32 [hbm:s9], $0x40, s28, s19, $0xb8;
	[tilespmem:$0x1DB40] =	vst v63  }
0x28d: {  	_ = 	snop  }
0x28e: {  	[tilespmem:s4], [sflag:$0x2] =	stream.indirect.gather.add.f32 [hbm:s10], $0x40, s0, s19, $0xb8;
	[tilespmem:$0x1DB40] =	vst v63  }
0x28f: {  	_ =	swait.ge [sflag:s20], $0xC800  }
0x290: {  	[sflag:s20] =	ssyncset.done $0x0  }
0x291: {  	[sflag:s20] =	ssyncadd.s32 $0xFFFF3800  }
0x292: {  	_ =	swait.ge [sflag:s6], $0xC800  }
0x293: {  	[sflag:s6] =	ssyncset.done $0x0  }
0x294: {  	[sflag:s6] =	ssyncadd.s32 $0xFFFF3800  }
0x295: {  	_ =	swait.ge [sflag:s6], $0xC800  }
0x296: {  	s1 =	sld [smem:$0x7F6]  }
0x297: {  	[sflag:s6] =	ssyncset.done $0x0  }
0x298: {  	s12 =	sld [smem:$0x7F7];
	[sflag:s6] =	ssyncadd.s32 $0xFFFF3800  }
0x299: {  	[hbm4b:s1+s2] =	stream.linear.scatter [tilespmem:s4], [sflag:$0x3], $0xC800, $0x38;
	[tilespmem:$0x1DB40] =	vst v63  }
0x29a: {  	_ = 	snop  }
0x29b: {  	[hbm4b:s12+s2] =	stream.linear.scatter [tilespmem:s14], [sflag:$0x6], $0xC800, $0x38;
	[tilespmem:$0x1DB40] =	vst v63  }
0x29c: {  	_ =	swait.ge [sflag:s7], $0xC800  }
0x29d: {  	[sflag:s7] =	ssyncset.done $0x0  }
0x29e: {  	[sflag:s7] =	ssyncadd.s32 $0xFFFF3800  }
0x29f: {  	_ =	swait.ge [sflag:s18], $0xC800  }
0x2a0: {  	[sflag:s18] =	ssyncset.done $0x0  }
0x2a1: {  	s0 =	simm.s32 $0x1DB00;
	s17 =	rddreg [dreg:$0x10];
	[sflag:s18] =	ssyncadd.s32 $0xFFFF3800  }
0x2a2: {  	[tilespmem:s0], [sflag:$0x7] =	stream.linear.gather [hbm4b:s17+s2], $0x10, $0x38;
	[tilespmem:$0x1DB40] =	vst v63  }
0x2a3: {  	_ =	swait.ge [sflag:s3], $0x10  }
0x2a4: {  	[sflag:s3] =	ssyncset.done $0x0  }
0x2a5: {  	s12 =	simm.s32 $0x1DB10;
	s21 =	rddreg [dreg:$0x11];
	[sflag:s3] =	ssyncadd.s32 $0xFFFFFFF0  }
0x2a6: {  	[tilespmem:s12], [sflag:$0x7] =	stream.linear.gather [hbm4b:s21+s2], $0x10, $0x38;
	[tilespmem:$0x1DB40] =	vst v63  }
0x2a7: {  	_ =	swait.ge [sflag:s3], $0x10  }
0x2a8: {  	[sflag:s3] =	ssyncset.done $0x0  }
0x2a9: {  	s17 =	simm.s32 $0x1DB20;
	s24 =	rddreg [dreg:$0x12];
	[sflag:s3] =	ssyncadd.s32 $0xFFFFFFF0  }
0x2aa: {  	[tilespmem:s17], [sflag:$0x7] =	stream.linear.gather [hbm4b:s24+s2], $0x10, $0x38;
	[tilespmem:$0x1DB40] =	vst v63  }
0x2ab: {  	_ =	swait.ge [sflag:s3], $0x10  }
0x2ac: {  	[sflag:s3] =	ssyncset.done $0x0  }
0x2ad: {  	s21 =	simm.s32 $0x1DB30;
	s1 =	rddreg [dreg:$0x13];
	[sflag:s3] =	ssyncadd.s32 $0xFFFFFFF0  }
0x2ae: {  	[tilespmem:s21], [sflag:$0x7] =	stream.linear.gather [hbm4b:s1+s2], $0x10, $0x38;
	[tilespmem:$0x1DB40] =	vst v63  }
0x2af: {  	_ =	swait.ge [sflag:s3], $0x10  }
0x2b0: {  	[sflag:s3] =	ssyncset.done $0x0  }
0x2b1: {  	s16 =	simm.s32 $0x10;
	s24 =	rddreg [dreg:$0x2];
	[sflag:s3] =	ssyncadd.s32 $0xFFFFFFF0  }
0x2b2: {  	[tilespmem:s4], [sflag:$0x1] =	stream.indirect.gather [hbm4b:s24+s16], $0x40, s0, s16, $0xb8;
	[tilespmem:$0x1DB40] =	vst v63  }
0x2b3: {  	_ =	swait.ge [sflag:s5], $0x400  }
0x2b4: {  	[sflag:s5] =	ssyncset.done $0x0  }
0x2b5: {  	s0 =	rddreg [dreg:$0x3];
	[sflag:s5] =	ssyncadd.s32 $0xFFFFFC00  }
0x2b6: {  	[tilespmem:s4], [sflag:$0x1] =	stream.indirect.gather.add.f32 [hbm:s0], $0x40, s12, s16, $0xb8;
	[tilespmem:$0x1DB40] =	vst v63  }
0x2b7: {  	s1 =	rddreg [dreg:$0x4]  }
0x2b8: {  	[tilespmem:s4], [sflag:$0x2] =	stream.indirect.gather.add.f32 [hbm:s1], $0x40, s17, s16, $0xb8;
	[tilespmem:$0x1DB40] =	vst v63  }
0x2b9: {  	s12 =	rddreg [dreg:$0x5]  }
0x2ba: {  	[tilespmem:s4], [sflag:$0x3] =	stream.indirect.gather.add.f32 [hbm:s12], $0x40, s21, s16, $0xb8;
	[tilespmem:$0x1DB40] =	vst v63  }
0x2bb: {  	_ =	swait.ge [sflag:s5], $0x400  }
0x2bc: {  	[sflag:s5] =	ssyncset.done $0x0  }
0x2bd: {  	[sflag:s5] =	ssyncadd.s32 $0xFFFFFC00  }
0x2be: {  	_ =	swait.ge [sflag:s6], $0x400  }
0x2bf: {  	[sflag:s6] =	ssyncset.done $0x0  }
0x2c0: {  	[sflag:s6] =	ssyncadd.s32 $0xFFFFFC00  }
0x2c1: {  	p1 =	sne.s32 s22, $0x1;
	_ =	swait.ge [sflag:s7], $0x400  }
.Ltmp2:
0x2c2: {  	[sflag:s7] =	ssyncset.done $0x0;
	(pc) =	sbr.rel @p1 .LBB2_3-.Ltmp2, $4  }
0x2c3: {  	s24 =	rddreg [dreg:$0x14];
	[sflag:s7] =	ssyncadd.s32 $0xFFFFFC00  }
0x2c4: {  	[hbm4b:s24+s2] =	stream.linear.scatter [tilespmem:s4], [sflag:$0x7], $0x400, $0x38;
	[tilespmem:$0x1DB40] =	vst v63  }
0x2c5: {  	s22 =	sadd.s32 $0xFFFFFFFF, s22;
	_ =	swait.ge [sflag:s3], $0x400  }
0x2c6: {  	s30 =	simm.s32 $0xC80;
	s23 =	rddreg [dreg:$0x6];
	[sflag:s3] =	ssyncset.done $0x0  }
0x2c7: {  	s24 =	simm.s32 $0x28A0;
	s25 =	simm.s32 $0x3200;
	s29 =	simm.s32 $0x3E80  }
.LBB2_5:
0x2c8: {  	[sflag:s3] =	ssyncadd.s32 @p0 $0xFFFFFC00  }
0x2c9: {  	[tilespmem:s2], [sflag:$0x7] =	stream.linear.gather [hbm4b:s23+s2], $0xC80, $0x38;
	[tilespmem:$0x1DB40] =	vst v63  }
0x2ca: {  	_ =	swait.ge [sflag:s3], $0xC80  }
0x2cb: {  	[sflag:s3] =	ssyncset.done $0x0  }
0x2cc: {  	s22 =	rddreg [dreg:$0x7];
	[sflag:s3] =	ssyncadd.s32 $0xFFFFF380  }
0x2cd: {  	[tilespmem:s30], [sflag:$0x7] =	stream.linear.gather [hbm4b:s22+s2], $0xC80, $0x38;
	[tilespmem:$0x1DB40] =	vst v63  }
0x2ce: {  	_ =	swait.ge [sflag:s3], $0xC80  }
0x2cf: {  	[sflag:s3] =	ssyncset.done $0x0  }
0x2d0: {  	s17 =	rddreg [dreg:$0x8];
	[sflag:s3] =	ssyncadd.s32 $0xFFFFF380  }
0x2d1: {  	[tilespmem:s31], [sflag:$0x7] =	stream.linear.gather [hbm4b:s17+s2], $0xC80, $0x38;
	[tilespmem:$0x1DB40] =	vst v63  }
0x2d2: {  	_ =	swait.ge [sflag:s3], $0xC80  }
0x2d3: {  	[sflag:s3] =	ssyncset.done $0x0  }
0x2d4: {  	s21 =	rddreg [dreg:$0x9];
	[sflag:s3] =	ssyncadd.s32 $0xFFFFF380  }
0x2d5: {  	[tilespmem:s13], [sflag:$0x7] =	stream.linear.gather [hbm4b:s21+s2], $0xC80, $0x38;
	[tilespmem:$0x1DB40] =	vst v63  }
0x2d6: {  	_ =	swait.ge [sflag:s3], $0xC80  }
0x2d7: {  	[sflag:s3] =	ssyncset.done $0x0  }
0x2d8: {  	s23 =	rddreg [dreg:$0xa];
	[sflag:s3] =	ssyncadd.s32 $0xFFFFF380  }
0x2d9: {  	[tilespmem:s25], [sflag:$0x7] =	stream.linear.gather [hbm4b:s23+s2], $0xC80, $0x38;
	[tilespmem:$0x1DB40] =	vst v63  }
0x2da: {  	_ =	swait.ge [sflag:s3], $0xC80  }
0x2db: {  	[sflag:s3] =	ssyncset.done $0x0  }
0x2dc: {  	s26 =	rddreg [dreg:$0xb];
	[sflag:s3] =	ssyncadd.s32 $0xFFFFF380  }
0x2dd: {  	[tilespmem:s29], [sflag:$0x7] =	stream.linear.gather [hbm4b:s26+s2], $0xC80, $0x38;
	[tilespmem:$0x1DB40] =	vst v63  }
0x2de: {  	_ =	swait.ge [sflag:s3], $0xC80  }
0x2df: {  	[sflag:s3] =	ssyncset.done $0x0  }
0x2e0: {  	[sflag:s3] =	ssyncadd.s32 $0xFFFFF380  }
0x2e1: {  	[tilespmem:s4], [sflag:$0x1] =	stream.indirect.gather [hbm4b:s8+s19], $0x40, s2, s19, $0xb8;
	[tilespmem:$0x1DB40] =	vst v63  }
0x2e2: {  	_ = 	snop  }
0x2e3: {  	[tilespmem:s14], [sflag:$0x4] =	stream.indirect.gather [hbm4b:s8+s19], $0x40, s13, s19, $0xb8;
	[tilespmem:$0x1DB40] =	vst v63  }
0x2e4: {  	_ =	swait.ge [sflag:s5], $0xC800  }
0x2e5: {  	[sflag:s5] =	ssyncset.done $0x0  }
0x2e6: {  	[sflag:s5] =	ssyncadd.s32 $0xFFFF3800  }
0x2e7: {  	[tilespmem:s4], [sflag:$0x2] =	stream.indirect.gather.add.f32 [hbm:s9], $0x40, s30, s19, $0xb8;
	[tilespmem:$0x1DB40] =	vst v63  }
0x2e8: {  	_ = 	snop  }
0x2e9: {  	[tilespmem:s4], [sflag:$0x2] =	stream.indirect.gather.add.f32 [hbm:s10], $0x40, s31, s19, $0xb8;
	[tilespmem:$0x1DB40] =	vst v63  }
0x2ea: {  	_ =	swait.ge [sflag:s20], $0xC800  }
0x2eb: {  	[sflag:s20] =	ssyncset.done $0x0  }
0x2ec: {  	[sflag:s20] =	ssyncadd.s32 $0xFFFF3800  }
0x2ed: {  	[tilespmem:s14], [sflag:$0x5] =	stream.indirect.gather.add.f32 [hbm:s9], $0x40, s25, s19, $0xb8;
	[tilespmem:$0x1DB40] =	vst v63  }
0x2ee: {  	_ = 	snop  }
0x2ef: {  	[tilespmem:s14], [sflag:$0x5] =	stream.indirect.gather.add.f32 [hbm:s10], $0x40, s29, s19, $0xb8;
	[tilespmem:$0x1DB40] =	vst v63  }
0x2f0: {  	_ =	swait.ge [sflag:s6], $0xC800  }
0x2f1: {  	[sflag:s6] =	ssyncset.done $0x0  }
0x2f2: {  	[sflag:s6] =	ssyncadd.s32 $0xFFFF3800  }
0x2f3: {  	_ =	swait.ge [sflag:s6], $0xC800  }
0x2f4: {  	[sflag:s6] =	ssyncset.done $0x0  }
0x2f5: {  	s17 =	rddreg [dreg:$0x15];
	[sflag:s6] =	ssyncadd.s32 $0xFFFF3800  }
0x2f6: {  	[hbm4b:s17+s2] =	stream.linear.scatter [tilespmem:s4], [sflag:$0x3], $0xC800, $0x38;
	[tilespmem:$0x1DB40] =	vst v63  }
0x2f7: {  	_ =	swait.ge [sflag:s15], $0xC800  }
0x2f8: {  	[sflag:s15] =	ssyncset.done $0x0  }
0x2f9: {  	[sflag:s15] =	ssyncadd.s32 $0xFFFF3800  }
0x2fa: {  	_ =	swait.ge [sflag:s15], $0xC800  }
0x2fb: {  	[sflag:s15] =	ssyncset.done $0x0  }
0x2fc: {  	s28 =	rddreg [dreg:$0x16];
	[sflag:s15] =	ssyncadd.s32 $0xFFFF3800  }
0x2fd: {  	[hbm4b:s28+s2] =	stream.linear.scatter [tilespmem:s14], [sflag:$0x6], $0xC800, $0x38;
	[tilespmem:$0x1DB40] =	vst v63  }
0x2fe: {  	_ =	swait.ge [sflag:s7], $0xC800  }
0x2ff: {  	[sflag:s7] =	ssyncset.done $0x0  }
0x300: {  	[sflag:s7] =	ssyncadd.s32 $0xFFFF3800  }
0x301: {  	_ =	swait.ge [sflag:s18], $0xC800  }
0x302: {  	[sflag:s18] =	ssyncset.done $0x0  }
0x303: {  	[sflag:s18] =	ssyncadd.s32 $0xFFFF3800  }
0x304: {  	[tilespmem:s4], [sflag:$0x1] =	stream.indirect.gather [hbm4b:s8+s19], $0x40, s19, s19, $0xb8;
	[tilespmem:$0x1DB40] =	vst v63  }
0x305: {  	_ = 	snop  }
0x306: {  	[tilespmem:s14], [sflag:$0x4] =	stream.indirect.gather [hbm4b:s8+s19], $0x40, s24, s19, $0xb8;
	[tilespmem:$0x1DB40] =	vst v63  }
0x307: {  	_ =	swait.ge [sflag:s5], $0xC800  }
0x308: {  	[sflag:s5] =	ssyncset.done $0x0  }
0x309: {  	s0 =	simm.s32 $0xFA0;
	[sflag:s5] =	ssyncadd.s32 $0xFFFF3800  }
0x30a: {  	[tilespmem:s4], [sflag:$0x2] =	stream.indirect.gather.add.f32 [hbm:s9], $0x40, s0, s19, $0xb8;
	[tilespmem:$0x1DB40] =	vst v63  }
0x30b: {  	s1 =	simm.s32 $0x1C20  }
0x30c: {  	[tilespmem:s4], [sflag:$0x2] =	stream.indirect.gather.add.f32 [hbm:s10], $0x40, s1, s19, $0xb8;
	[tilespmem:$0x1DB40] =	vst v63  }
0x30d: {  	_ =	swait.ge [sflag:s20], $0xC800  }
0x30e: {  	s29 =	sld [smem:$0x7F8]  }
0x30f: {  	[sflag:s20] =	ssyncset.done $0x0  }
0x310: {  	s21 =	sld [smem:$0x7F9];
	[sflag:s20] =	ssyncadd.s32 $0xFFFF3800  }
0x311: {  	[tilespmem:s14], [sflag:$0x5] =	stream.indirect.gather.add.f32 [hbm:s9], $0x40, s29, s19, $0xb8;
	[tilespmem:$0x1DB40] =	vst v63  }
0x312: {  	_ = 	snop  }
0x313: {  	[tilespmem:s14], [sflag:$0x5] =	stream.indirect.gather.add.f32 [hbm:s10], $0x40, s21, s19, $0xb8;
	[tilespmem:$0x1DB40] =	vst v63  }
0x314: {  	_ =	swait.ge [sflag:s6], $0xC800  }
0x315: {  	[sflag:s6] =	ssyncset.done $0x0  }
0x316: {  	[sflag:s6] =	ssyncadd.s32 $0xFFFF3800  }
0x317: {  	_ =	swait.ge [sflag:s6], $0xC800  }
0x318: {  	[sflag:s6] =	ssyncset.done $0x0  }
0x319: {  	s12 =	rddreg [dreg:$0x17];
	[sflag:s6] =	ssyncadd.s32 $0xFFFF3800  }
0x31a: {  	[hbm4b:s12+s2] =	stream.linear.scatter [tilespmem:s4], [sflag:$0x3], $0xC800, $0x38;
	[tilespmem:$0x1DB40] =	vst v63  }
0x31b: {  	_ =	swait.ge [sflag:s15], $0xC800  }
0x31c: {  	[sflag:s15] =	ssyncset.done $0x0  }
0x31d: {  	[sflag:s15] =	ssyncadd.s32 $0xFFFF3800  }
0x31e: {  	_ =	swait.ge [sflag:s15], $0xC800  }
0x31f: {  	[sflag:s15] =	ssyncset.done $0x0  }
0x320: {  	s21 =	rddreg [dreg:$0x18];
	[sflag:s15] =	ssyncadd.s32 $0xFFFF3800  }
0x321: {  	[hbm4b:s21+s2] =	stream.linear.scatter [tilespmem:s14], [sflag:$0x6], $0xC800, $0x38;
	[tilespmem:$0x1DB40] =	vst v63  }
0x322: {  	_ =	swait.ge [sflag:s7], $0xC800  }
0x323: {  	[sflag:s7] =	ssyncset.done $0x0  }
0x324: {  	[sflag:s7] =	ssyncadd.s32 $0xFFFF3800  }
0x325: {  	_ =	swait.ge [sflag:s18], $0xC800  }
0x326: {  	[sflag:s18] =	ssyncset.done $0x0  }
0x327: {  	s29 =	simm.s32 $0x640;
	[sflag:s18] =	ssyncadd.s32 $0xFFFF3800  }
0x328: {  	[tilespmem:s4], [sflag:$0x1] =	stream.indirect.gather [hbm4b:s8+s19], $0x40, s29, s19, $0xb8;
	[tilespmem:$0x1DB40] =	vst v63  }
0x329: {  	s24 =	simm.s32 $0x2BC0  }
0x32a: {  	[tilespmem:s14], [sflag:$0x4] =	stream.indirect.gather [hbm4b:s8+s19], $0x40, s24, s19, $0xb8;
	[tilespmem:$0x1DB40] =	vst v63  }
0x32b: {  	_ =	swait.ge [sflag:s5], $0xC800  }
0x32c: {  	[sflag:s5] =	ssyncset.done $0x0  }
0x32d: {  	s26 =	simm.s32 $0x12C0;
	[sflag:s5] =	ssyncadd.s32 $0xFFFF3800  }
0x32e: {  	[tilespmem:s4], [sflag:$0x2] =	stream.indirect.gather.add.f32 [hbm:s9], $0x40, s26, s19, $0xb8;
	[tilespmem:$0x1DB40] =	vst v63  }
0x32f: {  	s28 =	simm.s32 $0x1F40  }
0x330: {  	[tilespmem:s4], [sflag:$0x2] =	stream.indirect.gather.add.f32 [hbm:s10], $0x40, s28, s19, $0xb8;
	[tilespmem:$0x1DB40] =	vst v63  }
0x331: {  	_ =	swait.ge [sflag:s20], $0xC800  }
0x332: {  	s22 =	sld [smem:$0x7FA]  }
0x333: {  	[sflag:s20] =	ssyncset.done $0x0  }
0x334: {  	s23 =	sld [smem:$0x7FB];
	[sflag:s20] =	ssyncadd.s32 $0xFFFF3800  }
0x335: {  	[tilespmem:s14], [sflag:$0x5] =	stream.indirect.gather.add.f32 [hbm:s9], $0x40, s22, s19, $0xb8;
	[tilespmem:$0x1DB40] =	vst v63  }
0x336: {  	_ = 	snop  }
0x337: {  	[tilespmem:s14], [sflag:$0x5] =	stream.indirect.gather.add.f32 [hbm:s10], $0x40, s23, s19, $0xb8;
	[tilespmem:$0x1DB40] =	vst v63  }
0x338: {  	_ =	swait.ge [sflag:s6], $0xC800  }
0x339: {  	[sflag:s6] =	ssyncset.done $0x0  }
0x33a: {  	[sflag:s6] =	ssyncadd.s32 $0xFFFF3800  }
0x33b: {  	_ =	swait.ge [sflag:s6], $0xC800  }
0x33c: {  	[sflag:s6] =	ssyncset.done $0x0  }
0x33d: {  	s25 =	rddreg [dreg:$0x19];
	[sflag:s6] =	ssyncadd.s32 $0xFFFF3800  }
0x33e: {  	[hbm4b:s25+s2] =	stream.linear.scatter [tilespmem:s4], [sflag:$0x3], $0xC800, $0x38;
	[tilespmem:$0x1DB40] =	vst v63  }
0x33f: {  	_ =	swait.ge [sflag:s15], $0xC800  }
0x340: {  	[sflag:s15] =	ssyncset.done $0x0  }
0x341: {  	[sflag:s15] =	ssyncadd.s32 $0xFFFF3800  }
0x342: {  	_ =	swait.ge [sflag:s15], $0xC800  }
0x343: {  	[sflag:s15] =	ssyncset.done $0x0  }
0x344: {  	s12 =	rddreg [dreg:$0x1a];
	[sflag:s15] =	ssyncadd.s32 $0xFFFF3800  }
0x345: {  	[hbm4b:s12+s2] =	stream.linear.scatter [tilespmem:s14], [sflag:$0x6], $0xC800, $0x38;
	[tilespmem:$0x1DB40] =	vst v63  }
0x346: {  	_ =	swait.ge [sflag:s7], $0xC800  }
0x347: {  	[sflag:s7] =	ssyncset.done $0x0  }
0x348: {  	[sflag:s7] =	ssyncadd.s32 $0xFFFF3800  }
0x349: {  	_ =	swait.ge [sflag:s18], $0xC800  }
0x34a: {  	[sflag:s18] =	ssyncset.done $0x0  }
0x34b: {  	s12 =	simm.s32 $0x960;
	[sflag:s18] =	ssyncadd.s32 $0xFFFF3800  }
0x34c: {  	[tilespmem:s4], [sflag:$0x1] =	stream.indirect.gather [hbm4b:s8+s19], $0x40, s12, s19, $0xb8;
	[tilespmem:$0x1DB40] =	vst v63  }
0x34d: {  	s25 =	simm.s32 $0x2EE0  }
0x34e: {  	[tilespmem:s14], [sflag:$0x4] =	stream.indirect.gather [hbm4b:s8+s19], $0x40, s25, s19, $0xb8;
	[tilespmem:$0x1DB40] =	vst v63  }
0x34f: {  	_ =	swait.ge [sflag:s5], $0xC800  }
0x350: {  	[sflag:s5] =	ssyncset.done $0x0  }
0x351: {  	s22 =	simm.s32 $0x15E0;
	[sflag:s5] =	ssyncadd.s32 $0xFFFF3800  }
0x352: {  	[tilespmem:s4], [sflag:$0x2] =	stream.indirect.gather.add.f32 [hbm:s9], $0x40, s22, s19, $0xb8;
	[tilespmem:$0x1DB40] =	vst v63  }
0x353: {  	s23 =	simm.s32 $0x2260  }
0x354: {  	[tilespmem:s4], [sflag:$0x2] =	stream.indirect.gather.add.f32 [hbm:s10], $0x40, s23, s19, $0xb8;
	[tilespmem:$0x1DB40] =	vst v63  }
0x355: {  	_ =	swait.ge [sflag:s20], $0xC800  }
0x356: {  	s17 =	sld [smem:$0x7FC]  }
0x357: {  	[sflag:s20] =	ssyncset.done $0x0  }
0x358: {  	s21 =	sld [smem:$0x7FD];
	[sflag:s20] =	ssyncadd.s32 $0xFFFF3800  }
0x359: {  	[tilespmem:s14], [sflag:$0x5] =	stream.indirect.gather.add.f32 [hbm:s9], $0x40, s17, s19, $0xb8;
	[tilespmem:$0x1DB40] =	vst v63  }
0x35a: {  	_ = 	snop  }
0x35b: {  	[tilespmem:s14], [sflag:$0x5] =	stream.indirect.gather.add.f32 [hbm:s10], $0x40, s21, s19, $0xb8;
	[tilespmem:$0x1DB40] =	vst v63  }
0x35c: {  	_ =	swait.ge [sflag:s6], $0xC800  }
0x35d: {  	[sflag:s6] =	ssyncset.done $0x0  }
0x35e: {  	[sflag:s6] =	ssyncadd.s32 $0xFFFF3800  }
0x35f: {  	_ =	swait.ge [sflag:s6], $0xC800  }
0x360: {  	[sflag:s6] =	ssyncset.done $0x0  }
0x361: {  	s21 =	rddreg [dreg:$0x1b];
	[sflag:s6] =	ssyncadd.s32 $0xFFFF3800  }
0x362: {  	[hbm4b:s21+s2] =	stream.linear.scatter [tilespmem:s4], [sflag:$0x3], $0xC800, $0x38;
	[tilespmem:$0x1DB40] =	vst v63  }
0x363: {  	_ =	swait.ge [sflag:s15], $0xC800  }
0x364: {  	[sflag:s15] =	ssyncset.done $0x0  }
0x365: {  	[sflag:s15] =	ssyncadd.s32 $0xFFFF3800  }
0x366: {  	_ =	swait.ge [sflag:s15], $0xC800  }
0x367: {  	[sflag:s15] =	ssyncset.done $0x0  }
0x368: {  	s21 =	rddreg [dreg:$0x1c];
	[sflag:s15] =	ssyncadd.s32 $0xFFFF3800  }
0x369: {  	[hbm4b:s21+s2] =	stream.linear.scatter [tilespmem:s14], [sflag:$0x6], $0xC800, $0x38;
	[tilespmem:$0x1DB40] =	vst v63  }
0x36a: {  	_ =	swait.ge [sflag:s7], $0xC800  }
0x36b: {  	[sflag:s7] =	ssyncset.done $0x0  }
0x36c: {  	[sflag:s7] =	ssyncadd.s32 $0xFFFF3800  }
0x36d: {  	_ =	swait.ge [sflag:s18], $0xC800  }
0x36e: {  	[sflag:s18] =	ssyncset.done $0x0  }
0x36f: {  	s17 =	rddreg [dreg:$0xc];
	[sflag:s18] =	ssyncadd.s32 $0xFFFF3800  }
0x370: {  	[tilespmem:s2], [sflag:$0x7] =	stream.linear.gather [hbm4b:s17+s2], $0xC80, $0x38;
	[tilespmem:$0x1DB40] =	vst v63  }
0x371: {  	_ =	swait.ge [sflag:s3], $0xC80  }
0x372: {  	[sflag:s3] =	ssyncset.done $0x0  }
0x373: {  	s21 =	rddreg [dreg:$0xd];
	[sflag:s3] =	ssyncadd.s32 $0xFFFFF380  }
0x374: {  	[tilespmem:s30], [sflag:$0x7] =	stream.linear.gather [hbm4b:s21+s2], $0xC80, $0x38;
	[tilespmem:$0x1DB40] =	vst v63  }
0x375: {  	_ =	swait.ge [sflag:s3], $0xC80  }
0x376: {  	[sflag:s3] =	ssyncset.done $0x0  }
0x377: {  	s17 =	rddreg [dreg:$0xe];
	[sflag:s3] =	ssyncadd.s32 $0xFFFFF380  }
0x378: {  	[tilespmem:s31], [sflag:$0x7] =	stream.linear.gather [hbm4b:s17+s2], $0xC80, $0x38;
	[tilespmem:$0x1DB40] =	vst v63  }
0x379: {  	_ =	swait.ge [sflag:s3], $0xC80  }
0x37a: {  	[sflag:s3] =	ssyncset.done $0x0  }
0x37b: {  	s21 =	rddreg [dreg:$0xf];
	[sflag:s3] =	ssyncadd.s32 $0xFFFFF380  }
0x37c: {  	[tilespmem:s13], [sflag:$0x7] =	stream.linear.gather [hbm4b:s21+s2], $0xC80, $0x38;
	[tilespmem:$0x1DB40] =	vst v63  }
0x37d: {  	_ =	swait.ge [sflag:s3], $0xC80  }
0x37e: {  	[sflag:s3] =	ssyncset.done $0x0  }
0x37f: {  	[sflag:s3] =	ssyncadd.s32 $0xFFFFF380  }
0x380: {  	[tilespmem:s4], [sflag:$0x1] =	stream.indirect.gather [hbm4b:s8+s19], $0x40, s2, s19, $0xb8;
	[tilespmem:$0x1DB40] =	vst v63  }
0x381: {  	_ = 	snop  }
0x382: {  	[tilespmem:s14], [sflag:$0x4] =	stream.indirect.gather [hbm4b:s11+s19], $0x40, s13, s19, $0xb8;
	[tilespmem:$0x1DB40] =	vst v63  }
0x383: {  	_ =	swait.ge [sflag:s5], $0xC800  }
0x384: {  	[sflag:s5] =	ssyncset.done $0x0  }
0x385: {  	[sflag:s5] =	ssyncadd.s32 $0xFFFF3800  }
0x386: {  	[tilespmem:s4], [sflag:$0x2] =	stream.indirect.gather.add.f32 [hbm:s9], $0x40, s30, s19, $0xb8;
	[tilespmem:$0x1DB40] =	vst v63  }
0x387: {  	_ = 	snop  }
0x388: {  	[tilespmem:s4], [sflag:$0x2] =	stream.indirect.gather.add.f32 [hbm:s10], $0x40, s31, s19, $0xb8;
	[tilespmem:$0x1DB40] =	vst v63  }
0x389: {  	_ =	swait.ge [sflag:s20], $0xC800  }
0x38a: {  	[sflag:s20] =	ssyncset.done $0x0  }
0x38b: {  	[sflag:s20] =	ssyncadd.s32 $0xFFFF3800  }
0x38c: {  	_ =	swait.ge [sflag:s6], $0xC800  }
0x38d: {  	[sflag:s6] =	ssyncset.done $0x0  }
0x38e: {  	[sflag:s6] =	ssyncadd.s32 $0xFFFF3800  }
0x38f: {  	_ =	swait.ge [sflag:s6], $0xC800  }
0x390: {  	[sflag:s6] =	ssyncset.done $0x0  }
0x391: {  	s30 =	rddreg [dreg:$0x1d];
	[sflag:s6] =	ssyncadd.s32 $0xFFFF3800  }
0x392: {  	[hbm4b:s30+s2] =	stream.linear.scatter [tilespmem:s4], [sflag:$0x3], $0xC800, $0x38;
	[tilespmem:$0x1DB40] =	vst v63  }
0x393: {  	s31 =	rddreg [dreg:$0x1e]  }
0x394: {  	[hbm4b:s31+s2] =	stream.linear.scatter [tilespmem:s14], [sflag:$0x6], $0xC800, $0x38;
	[tilespmem:$0x1DB40] =	vst v63  }
0x395: {  	_ =	swait.ge [sflag:s7], $0xC800  }
0x396: {  	[sflag:s7] =	ssyncset.done $0x0  }
0x397: {  	[sflag:s7] =	ssyncadd.s32 $0xFFFF3800  }
0x398: {  	_ =	swait.ge [sflag:s18], $0xC800  }
0x399: {  	[sflag:s18] =	ssyncset.done $0x0  }
0x39a: {  	[sflag:s18] =	ssyncadd.s32 $0xFFFF3800  }
0x39b: {  	[tilespmem:s4], [sflag:$0x1] =	stream.indirect.gather [hbm4b:s8+s19], $0x40, s19, s19, $0xb8;
	[tilespmem:$0x1DB40] =	vst v63  }
0x39c: {  	s15 =	simm.s32 $0x28A0  }
0x39d: {  	[tilespmem:s14], [sflag:$0x4] =	stream.indirect.gather [hbm4b:s11+s19], $0x40, s15, s19, $0xb8;
	[tilespmem:$0x1DB40] =	vst v63  }
0x39e: {  	_ =	swait.ge [sflag:s5], $0xC800  }
0x39f: {  	[sflag:s5] =	ssyncset.done $0x0  }
0x3a0: {  	[sflag:s5] =	ssyncadd.s32 $0xFFFF3800  }
0x3a1: {  	[tilespmem:s4], [sflag:$0x2] =	stream.indirect.gather.add.f32 [hbm:s9], $0x40, s0, s19, $0xb8;
	[tilespmem:$0x1DB40] =	vst v63  }
0x3a2: {  	_ = 	snop  }
0x3a3: {  	[tilespmem:s4], [sflag:$0x2] =	stream.indirect.gather.add.f32 [hbm:s10], $0x40, s1, s19, $0xb8;
	[tilespmem:$0x1DB40] =	vst v63  }
0x3a4: {  	_ =	swait.ge [sflag:s20], $0xC800  }
0x3a5: {  	[sflag:s20] =	ssyncset.done $0x0  }
0x3a6: {  	[sflag:s20] =	ssyncadd.s32 $0xFFFF3800  }
0x3a7: {  	_ =	swait.ge [sflag:s6], $0xC800  }
0x3a8: {  	[sflag:s6] =	ssyncset.done $0x0  }
0x3a9: {  	[sflag:s6] =	ssyncadd.s32 $0xFFFF3800  }
0x3aa: {  	_ =	swait.ge [sflag:s6], $0xC800  }
0x3ab: {  	s17 =	rddreg [dreg:$0x1f];
	[sflag:s6] =	ssyncset.done $0x0  }
0x3ac: {  	s21 =	sld [smem:$0x7F3];
	[sflag:s6] =	ssyncadd.s32 $0xFFFF3800  }
0x3ad: {  	[hbm4b:s17+s2] =	stream.linear.scatter [tilespmem:s4], [sflag:$0x3], $0xC800, $0x38;
	[tilespmem:$0x1DB40] =	vst v63  }
0x3ae: {  	_ = 	snop  }
0x3af: {  	[hbm4b:s21+s2] =	stream.linear.scatter [tilespmem:s14], [sflag:$0x6], $0xC800, $0x38;
	[tilespmem:$0x1DB40] =	vst v63  }
0x3b0: {  	_ =	swait.ge [sflag:s7], $0xC800  }
0x3b1: {  	[sflag:s7] =	ssyncset.done $0x0  }
0x3b2: {  	[sflag:s7] =	ssyncadd.s32 $0xFFFF3800  }
0x3b3: {  	_ =	swait.ge [sflag:s18], $0xC800  }
0x3b4: {  	[sflag:s18] =	ssyncset.done $0x0  }
0x3b5: {  	[sflag:s18] =	ssyncadd.s32 $0xFFFF3800  }
0x3b6: {  	[tilespmem:s4], [sflag:$0x1] =	stream.indirect.gather [hbm4b:s8+s19], $0x40, s29, s19, $0xb8;
	[tilespmem:$0x1DB40] =	vst v63  }
0x3b7: {  	_ = 	snop  }
0x3b8: {  	[tilespmem:s14], [sflag:$0x4] =	stream.indirect.gather [hbm4b:s11+s19], $0x40, s24, s19, $0xb8;
	[tilespmem:$0x1DB40] =	vst v63  }
0x3b9: {  	_ =	swait.ge [sflag:s5], $0xC800  }
0x3ba: {  	[sflag:s5] =	ssyncset.done $0x0  }
0x3bb: {  	[sflag:s5] =	ssyncadd.s32 $0xFFFF3800  }
0x3bc: {  	[tilespmem:s4], [sflag:$0x2] =	stream.indirect.gather.add.f32 [hbm:s9], $0x40, s26, s19, $0xb8;
	[tilespmem:$0x1DB40] =	vst v63  }
0x3bd: {  	_ = 	snop  }
0x3be: {  	[tilespmem:s4], [sflag:$0x2] =	stream.indirect.gather.add.f32 [hbm:s10], $0x40, s28, s19, $0xb8;
	[tilespmem:$0x1DB40] =	vst v63  }
0x3bf: {  	_ =	swait.ge [sflag:s20], $0xC800  }
0x3c0: {  	[sflag:s20] =	ssyncset.done $0x0  }
0x3c1: {  	[sflag:s20] =	ssyncadd.s32 $0xFFFF3800  }
0x3c2: {  	_ =	swait.ge [sflag:s6], $0xC800  }
0x3c3: {  	[sflag:s6] =	ssyncset.done $0x0  }
0x3c4: {  	[sflag:s6] =	ssyncadd.s32 $0xFFFF3800  }
0x3c5: {  	_ =	swait.ge [sflag:s6], $0xC800  }
0x3c6: {  	s30 =	sld [smem:$0x7F4]  }
0x3c7: {  	[sflag:s6] =	ssyncset.done $0x0  }
0x3c8: {  	s31 =	sld [smem:$0x7F5];
	[sflag:s6] =	ssyncadd.s32 $0xFFFF3800  }
0x3c9: {  	[hbm4b:s30+s2] =	stream.linear.scatter [tilespmem:s4], [sflag:$0x3], $0xC800, $0x38;
	[tilespmem:$0x1DB40] =	vst v63  }
0x3ca: {  	_ = 	snop  }
0x3cb: {  	[hbm4b:s31+s2] =	stream.linear.scatter [tilespmem:s14], [sflag:$0x6], $0xC800, $0x38;
	[tilespmem:$0x1DB40] =	vst v63  }
0x3cc: {  	_ =	swait.ge [sflag:s7], $0xC800  }
0x3cd: {  	[sflag:s7] =	ssyncset.done $0x0  }
0x3ce: {  	[sflag:s7] =	ssyncadd.s32 $0xFFFF3800  }
0x3cf: {  	_ =	swait.ge [sflag:s18], $0xC800  }
0x3d0: {  	[sflag:s18] =	ssyncset.done $0x0  }
0x3d1: {  	[sflag:s18] =	ssyncadd.s32 $0xFFFF3800  }
0x3d2: {  	[tilespmem:s4], [sflag:$0x1] =	stream.indirect.gather [hbm4b:s8+s19], $0x40, s12, s19, $0xb8;
	[tilespmem:$0x1DB40] =	vst v63  }
0x3d3: {  	_ = 	snop  }
0x3d4: {  	[tilespmem:s14], [sflag:$0x4] =	stream.indirect.gather [hbm4b:s11+s19], $0x40, s25, s19, $0xb8;
	[tilespmem:$0x1DB40] =	vst v63  }
0x3d5: {  	_ =	swait.ge [sflag:s5], $0xC800  }
0x3d6: {  	[sflag:s5] =	ssyncset.done $0x0  }
0x3d7: {  	[sflag:s5] =	ssyncadd.s32 $0xFFFF3800  }
0x3d8: {  	[tilespmem:s4], [sflag:$0x2] =	stream.indirect.gather.add.f32 [hbm:s9], $0x40, s22, s19, $0xb8;
	[tilespmem:$0x1DB40] =	vst v63  }
0x3d9: {  	_ = 	snop  }
0x3da: {  	[tilespmem:s4], [sflag:$0x2] =	stream.indirect.gather.add.f32 [hbm:s10], $0x40, s23, s19, $0xb8;
	[tilespmem:$0x1DB40] =	vst v63  }
0x3db: {  	_ =	swait.ge [sflag:s20], $0xC800  }
0x3dc: {  	[sflag:s20] =	ssyncset.done $0x0  }
0x3dd: {  	[sflag:s20] =	ssyncadd.s32 $0xFFFF3800  }
0x3de: {  	_ =	swait.ge [sflag:s6], $0xC800  }
0x3df: {  	[sflag:s6] =	ssyncset.done $0x0  }
0x3e0: {  	[sflag:s6] =	ssyncadd.s32 $0xFFFF3800  }
0x3e1: {  	_ =	swait.ge [sflag:s6], $0xC800  }
0x3e2: {  	s13 =	sld [smem:$0x7F6]  }
0x3e3: {  	[sflag:s6] =	ssyncset.done $0x0  }
0x3e4: {  	s15 =	sld [smem:$0x7F7];
	[sflag:s6] =	ssyncadd.s32 $0xFFFF3800  }
0x3e5: {  	[hbm4b:s13+s2] =	stream.linear.scatter [tilespmem:s4], [sflag:$0x3], $0xC800, $0x38;
	[tilespmem:$0x1DB40] =	vst v63  }
0x3e6: {  	_ = 	snop  }
0x3e7: {  	[hbm4b:s15+s2] =	stream.linear.scatter [tilespmem:s14], [sflag:$0x6], $0xC800, $0x38;
	[tilespmem:$0x1DB40] =	vst v63  }
0x3e8: {  	_ =	swait.ge [sflag:s7], $0xC800  }
0x3e9: {  	[sflag:s7] =	ssyncset.done $0x0  }
0x3ea: {  	[sflag:s7] =	ssyncadd.s32 $0xFFFF3800  }
0x3eb: {  	_ =	swait.ge [sflag:s18], $0xC800  }
0x3ec: {  	[sflag:s18] =	ssyncset.done $0x0  }
0x3ed: {  	s17 =	rddreg [dreg:$0x10];
	[sflag:s18] =	ssyncadd.s32 $0xFFFF3800;
	s18 =	simm.s32 $0x1DB00  }
0x3ee: {  	[tilespmem:s18], [sflag:$0x7] =	stream.linear.gather [hbm4b:s17+s2], $0x10, $0x38;
	[tilespmem:$0x1DB40] =	vst v63  }
0x3ef: {  	_ =	swait.ge [sflag:s3], $0x10  }
0x3f0: {  	[sflag:s3] =	ssyncset.done $0x0  }
0x3f1: {  	s20 =	simm.s32 $0x1DB10;
	s19 =	rddreg [dreg:$0x11];
	[sflag:s3] =	ssyncadd.s32 $0xFFFFFFF0  }
0x3f2: {  	[tilespmem:s20], [sflag:$0x7] =	stream.linear.gather [hbm4b:s19+s2], $0x10, $0x38;
	[tilespmem:$0x1DB40] =	vst v63  }
0x3f3: {  	_ =	swait.ge [sflag:s3], $0x10  }
0x3f4: {  	[sflag:s3] =	ssyncset.done $0x0  }
0x3f5: {  	s22 =	simm.s32 $0x1DB20;
	s21 =	rddreg [dreg:$0x12];
	[sflag:s3] =	ssyncadd.s32 $0xFFFFFFF0  }
0x3f6: {  	[tilespmem:s22], [sflag:$0x7] =	stream.linear.gather [hbm4b:s21+s2], $0x10, $0x38;
	[tilespmem:$0x1DB40] =	vst v63  }
0x3f7: {  	_ =	swait.ge [sflag:s3], $0x10  }
0x3f8: {  	[sflag:s3] =	ssyncset.done $0x0  }
0x3f9: {  	s24 =	simm.s32 $0x1DB30;
	s23 =	rddreg [dreg:$0x13];
	[sflag:s3] =	ssyncadd.s32 $0xFFFFFFF0  }
0x3fa: {  	[tilespmem:s24], [sflag:$0x7] =	stream.linear.gather [hbm4b:s23+s2], $0x10, $0x38;
	[tilespmem:$0x1DB40] =	vst v63  }
0x3fb: {  	_ =	swait.ge [sflag:s3], $0x10  }
0x3fc: {  	[sflag:s3] =	ssyncset.done $0x0  }
0x3fd: {  	s25 =	rddreg [dreg:$0x2];
	[sflag:s3] =	ssyncadd.s32 $0xFFFFFFF0  }
0x3fe: {  	[tilespmem:s4], [sflag:$0x1] =	stream.indirect.gather [hbm4b:s25+s16], $0x40, s18, s16, $0xb8;
	[tilespmem:$0x1DB40] =	vst v63  }
0x3ff: {  	_ =	swait.ge [sflag:s5], $0x400  }
0x400: {  	[sflag:s5] =	ssyncset.done $0x0  }
0x401: {  	s26 =	rddreg [dreg:$0x3];
	[sflag:s5] =	ssyncadd.s32 $0xFFFFFC00  }
0x402: {  	[tilespmem:s4], [sflag:$0x1] =	stream.indirect.gather.add.f32 [hbm:s26], $0x40, s20, s16, $0xb8;
	[tilespmem:$0x1DB40] =	vst v63  }
0x403: {  	s28 =	rddreg [dreg:$0x4]  }
0x404: {  	[tilespmem:s4], [sflag:$0x2] =	stream.indirect.gather.add.f32 [hbm:s28], $0x40, s22, s16, $0xb8;
	[tilespmem:$0x1DB40] =	vst v63  }
0x405: {  	s29 =	rddreg [dreg:$0x5]  }
0x406: {  	[tilespmem:s4], [sflag:$0x3] =	stream.indirect.gather.add.f32 [hbm:s29], $0x40, s24, s16, $0xb8;
	[tilespmem:$0x1DB40] =	vst v63  }
0x407: {  	_ =	swait.ge [sflag:s5], $0x400  }
0x408: {  	[sflag:s5] =	ssyncset.done $0x0  }
0x409: {  	[sflag:s5] =	ssyncadd.s32 $0xFFFFFC00  }
0x40a: {  	_ =	swait.ge [sflag:s6], $0x400  }
0x40b: {  	[sflag:s6] =	ssyncset.done $0x0  }
0x40c: {  	[sflag:s6] =	ssyncadd.s32 $0xFFFFFC00  }
0x40d: {  	_ =	swait.ge [sflag:s7], $0x400  }
0x40e: {  	[sflag:s7] =	ssyncset.done $0x0  }
0x40f: {  	s30 =	rddreg [dreg:$0x14];
	[sflag:s7] =	ssyncadd.s32 $0xFFFFFC00  }
0x410: {  	[hbm4b:s30+s2] =	stream.linear.scatter [tilespmem:s4], [sflag:$0x7], $0x400, $0x38;
	[tilespmem:$0x1DB40] =	vst v63  }
0x411: {  	_ =	swait.ge [sflag:s3], $0x400  }
0x412: {  	[sflag:s3] =	ssyncset.done $0x0  }
0x413: {  	[sflag:s3] =	ssyncadd.s32 $0xFFFFFC00  }
0x414: {  	_ =	sfence.sel $0x180000  }
0x415: {  	[bflag:$0x0] =	sbarrier.arrive $0xFFFF  }
0x416: {  	_ =	strace $0x9000004A  }
0x417: {  	s31 =	stileid.u32;
	[bflag:$0x2] =	sbarrier.arrive $0xFFFF  }
0x418: {  	p0 =	sne.s32 s31, $0x0;
	s0 =	rddreg [dreg:$0x1]  }
0x419: {  	s0 =	sadd.s32 @!p0 $0x100000, s0  }
0x41a: {  	[sflag:s0] =	ssyncadd.tile.s32 @!p0 $0x1;
	_ =	shalt  }
.LBB2_6:
.Ltmp3:
0x41b: {  	(pc) =	sbr.rel .LBB2_5-.Ltmp3, $2  }
0x41c: {  	_ =	sdelay $0x2  }
0x41d: {  	s24 =	simm.s32 $0x28A0;
	s25 =	simm.s32 $0x3200;
	s29 =	simm.s32 $0x3E80  }
.Lfunc_end2:
_tile_overlayer_lowered:
.L_overlay_start_2:
0x41e: {  	(tag) =	ssettag $0x2  }
0x41f: {  	s0 =	rddreg [dreg:$0x0];
	s2 =	stileid.u32  }
0x420: {  	s1 =	rddreg [dreg:$0x1];
	p0 =	sne.s32 s2, $0x0  }
0x421: {  	s3 =	rddreg [dreg:$0x2];
	[bflag:$0x3] =	sbarrier.arrive $0xFFFF;
	s2 =	simm.s32 @!p0 $0x1C07  }
0x422: {  	[timem:s3], [sflag:s2] =	dma.local @!p0 [hbm:s0], s1  }
0x423: {  	s0 =	simm.s32 @!p0 $0x7  }
0x424: {  	_ =	swait.ge @!p0 [sflag:s0], s1  }
0x425: {  	s1 =	ssub.s32 @!p0 $0x0, s1;
	[sflag:s0] =	ssyncset.done @!p0 $0x0  }
0x426: {  	[sflag:s0] =	ssyncadd.s32 @!p0 s1  }
0x427: {  	[bflag:$0x3] =	sbarrier.arrive $0xFFFF  }
0x428: {  	_ =	shalt  }

</sc_bundles>
